<compile_context>
chip_gen: v7x
topology: tpu7x:2x2x1
jax: 0.10.2.dev20260603
libtpu: 0.0.44.dev20260713+nightly
codegen_flags: <defaults>
</compile_context>

<pallas_src>
import functools
import math

import jax
import jax.numpy as jnp
from jax import lax
from jax.experimental import pallas as pl
from jax.experimental.pallas import tpu as pltpu
from jax.experimental.pallas import tpu_sc as plsc

D_MODEL = 64
VOCAB = 1000000
B, L = 16384, 50
SCALE = math.sqrt(D_MODEL)

NC, NS, LANES = 2, 16, 16
NW = NC * NS
BB = 256
NSUB = BB // 128
N_BLOCKS = B // BB
BLK_PER_W = N_BLOCKS // NW
NGRP = BB // LANES


def _emb_body(xt_hbm, lut_hbm, out_hbm, i50_v, g0_v, g1_v, t0_v, t1_v,
              sg0, sg1, so0, so1):
    wid = lax.axis_index("s") * NC + lax.axis_index("c")
    g_bufs = (g0_v, g1_v)
    t_bufs = (t0_v, t1_v)
    g_sems = (sg0, sg1)
    o_sems = (so0, so1)

    def fire(l, buf):
        for j in range(NSUB):
            pltpu.async_copy(
                lut_hbm.at[i50_v.at[l, j]],
                g_bufs[buf].at[pl.ds(j * 128, 128), :],
                g_sems[buf],
            )

    def wait_gather(buf):
        pltpu.make_async_copy(
            lut_hbm.at[i50_v.at[0, 0]],
            g_bufs[buf].at[pl.ds(0, 128), :],
            g_sems[buf],
        ).wait()
        pltpu.make_async_copy(
            lut_hbm.at[i50_v.at[0, 0]],
            g_bufs[buf].at[pl.ds(128, 128), :],
            g_sems[buf],
        ).wait()

    def blk_body(bi, carry):
        bb0 = (wid * BLK_PER_W + bi) * BB
        for j in range(NSUB):
            pltpu.sync_copy(
                xt_hbm.at[:, pl.ds(bb0 + j * 128, 128)], i50_v.at[:, j]
            )
        fire(0, 0)

        def wait_out(buf):
            pltpu.make_async_copy(
                t_bufs[buf], out_hbm.at[0, :, pl.ds(bb0, BB)], o_sems[buf]
            ).wait()

        def l_body(l2, c2):
            for p in range(2):
                l = l2 * 2 + p
                buf = p
                nxt = jnp.minimum(l + 1, L - 1)
                fire(nxt, 1 - buf)
                wait_gather(buf)
                pl.when(l2 > 0)(lambda b=buf: wait_out(b))
                gv = g_bufs[buf]
                tv = t_bufs[buf]
                ridxs = [
                    jax.lax.iota(jnp.int32, LANES) + grp * LANES
                    for grp in range(NGRP)
                ]

                @plsc.parallel_loop(0, D_MODEL, unroll=8)
                def c_body(c):
                    cidx = jnp.full((LANES,), c, jnp.int32)
                    for grp in range(NGRP):
                        tv[c, pl.ds(grp * LANES, LANES)] = (
                            plsc.load_gather(gv, [ridxs[grp], cidx]) * SCALE
                        )
                pltpu.async_copy(
                    tv, out_hbm.at[l, :, pl.ds(bb0, BB)], o_sems[buf]
                )
            return c2

        lax.fori_loop(0, L // 2, l_body, 0)
        for buf in range(2):
            wait_out(buf)
        wait_gather(0)
        return carry

    lax.fori_loop(0, BLK_PER_W, blk_body, 0)


_emb = functools.partial(
    pl.kernel,
    mesh=plsc.VectorSubcoreMesh(core_axis_name="c", subcore_axis_name="s"),
    out_type=jax.ShapeDtypeStruct((L, D_MODEL, B), jnp.float32),
    scratch_types=[
        pltpu.VMEM((L, NSUB, 128), jnp.int32),
        pltpu.VMEM((BB, 2 * D_MODEL), jnp.float32),
        pltpu.VMEM((BB, 2 * D_MODEL), jnp.float32),
        pltpu.VMEM((D_MODEL, BB), jnp.float32),
        pltpu.VMEM((D_MODEL, BB), jnp.float32),
        pltpu.SemaphoreType.DMA,
        pltpu.SemaphoreType.DMA,
        pltpu.SemaphoreType.DMA,
        pltpu.SemaphoreType.DMA,
    ],
    compiler_params=pltpu.CompilerParams(
        use_tc_tiling_on_sc=True, needs_layout_passes=False
    ),
)(_emb_body)


def kernel(x, lut):
    lutp = jnp.pad(lut, ((0, 0), (0, D_MODEL)))
    res = _emb(x.T, lutp)
    return jnp.transpose(res, (2, 0, 1))

# --- scband reference (transcript-rebuilt; emitter-appended) ---
"""Pipeline reference for scband-embeddings-9603546874142 (READ-ONLY COPY).

The authoritative reference and input builder live on the scoring server;
editing this copy changes nothing except your own understanding.
"""

import jax, jax.numpy as jnp
import numpy as np
import math

D_MODEL = 64
VOCAB = 1000000
PAD = 0
B, L = 16384, 50

def setup_inputs(seed: int = 0) -> dict:
    key = jax.random.key(seed)
    k1, k2 = jax.random.split(key)
    x = jax.random.randint(k1, (B, L), 0, VOCAB, dtype=jnp.int32)
    lut = jax.random.normal(k2, (VOCAB, D_MODEL), dtype=jnp.float32) * 0.02
    lut = lut.at[PAD].set(0.0)
    return {"x": x, "lut": lut}

def reference(x, lut):
    # Embeddings.forward: self.lut(x) * sqrt(d_model), with padding_idx row fixed at zero
    table = lut.at[PAD].set(0.0)
    emb = jnp.take(table, x, axis=0)
    return emb * math.sqrt(D_MODEL)

if __name__ == "__main__":
    import jax
    _d = setup_inputs()
    print(jax.jit(kernel)(*tuple(_d.values())))

</pallas_src>

<mosaic_0001>
#map = affine_map<(d0, d1) -> (0, 0)>
#map1 = affine_map<(d0, d1) -> (0, 0, 0)>
module attributes {stable_mosaic.version = 14 : i64} {
  func.func @_emb_body(%arg0: i32, %arg1: i32, %arg2: memref<50x16384xi32, #tpu.memory_space<hbm>>, %arg3: memref<1000000x128xf32, #tpu.memory_space<hbm>>, %arg4: memref<50x64x16384xf32, #tpu.memory_space<hbm>>, %arg5: memref<50x2x128xi32, #tpu.memory_space<vmem>>, %arg6: memref<256x128xf32, #tpu.memory_space<vmem>>, %arg7: memref<256x128xf32, #tpu.memory_space<vmem>>, %arg8: memref<64x256xf32, #tpu.memory_space<vmem>>, %arg9: memref<64x256xf32, #tpu.memory_space<vmem>>, %arg10: memref<!tpu.dma_semaphore, #tpu.memory_space<semaphore_mem>>, %arg11: memref<!tpu.dma_semaphore, #tpu.memory_space<semaphore_mem>>, %arg12: memref<!tpu.dma_semaphore, #tpu.memory_space<semaphore_mem>>, %arg13: memref<!tpu.dma_semaphore, #tpu.memory_space<semaphore_mem>>) attributes {dimension_semantics = [#tpu.dimension_semantics<core_parallel>, #tpu.dimension_semantics<subcore_parallel>], iteration_bounds = array<i64: 2, 16>, scalar_prefetch = 0 : i64, scratch_operands = 9 : i64, tpu.core_type = #tpu.core_type<sc_vector_subcore>, window_params = [{transform_indices = #map}, {transform_indices = #map}, {transform_indices = #map1}]} {
    %mul3A = arith.constant 2 : i32
    %mul3A_0 = arith.muli %arg1, %mul3A : i32
    %add3A = arith.addi %mul3A_0, %arg0 : i32
    %scan3A = arith.constant 0 : i32
    %scan3A_1 = arith.constant 0 : i32
    %scan3A_2 = arith.constant 2 : i32
    %scan3A_3 = arith.addi %scan3A_1, %scan3A_2 : i32
    %scan3A_4 = arith.constant 1 : i32
    scf.for %scan3A_6 = %scan3A_1 to %scan3A_3 step %scan3A_4  : i32 {
      %mul3A_7 = arith.constant 2 : i32
      %mul3A_8 = arith.muli %add3A, %mul3A_7 : i32
      %add3A_9 = arith.addi %mul3A_8, %scan3A_6 : i32
      %mul3A_10 = arith.constant 256 : i32
      %mul3A_11 = arith.muli %add3A_9, %mul3A_10 : i32
      %add3A_12 = arith.constant 0 : i32
      %add3A_13 = arith.addi %mul3A_11, %add3A_12 : i32
      %run_scoped3A = arith.constant 0 : i32
      "tpu.region"() ({
        %run_scoped3A_79 = tpu.sem_alloc : memref<!tpu.dma_semaphore, #tpu.memory_space<semaphore_mem>>
        %dma_start3A_80 = arith.constant 0 : i32
        %dma_start3A_81 = arith.constant 0 : i32
        %dma_start3A_82 = tpu.memref_slice %arg5[%dma_start3A_80, %run_scoped3A, %dma_start3A_81] : memref<50x2x128xi32, #tpu.memory_space<vmem>> -> memref<50x1x128xi32, #tpu.memory_space<vmem>>
        %dma_start3A_83 = tpu.memref_squeeze %dma_start3A_82 : memref<50x1x128xi32, #tpu.memory_space<vmem>> -> memref<50x128xi32, #tpu.memory_space<vmem>>
        %dma_start3A_84 = arith.constant 0 : i32
        %dma_start3A_85 = tpu.memref_slice %arg2[%dma_start3A_84, %add3A_13] : memref<50x16384xi32, #tpu.memory_space<hbm>> -> memref<50x128xi32, #tpu.memory_space<hbm>>
        %dma_start3A_86 = arith.constant 0 : i32
        %dma_start3A_87 = arith.constant 0 : i32
        %dma_start3A_88 = tpu.memref_slice %arg5[%dma_start3A_86, %run_scoped3A, %dma_start3A_87] : memref<50x2x128xi32, #tpu.memory_space<vmem>> -> memref<50x1x128xi32, #tpu.memory_space<vmem>>
        %dma_start3A_89 = tpu.memref_squeeze %dma_start3A_88 : memref<50x1x128xi32, #tpu.memory_space<vmem>> -> memref<50x128xi32, #tpu.memory_space<vmem>>
        %dma_start3A_90 = arith.constant 0 : i32
        %dma_start3A_91 = tpu.memref_slice %arg2[%dma_start3A_90, %add3A_13] : memref<50x16384xi32, #tpu.memory_space<hbm>> -> memref<50x128xi32, #tpu.memory_space<hbm>>
        tpu.enqueue_dma source(%dma_start3A_91 : memref<50x128xi32, #tpu.memory_space<hbm>>) target(%dma_start3A_89 : memref<50x128xi32, #tpu.memory_space<vmem>>) target_semaphore(%run_scoped3A_79 : memref<!tpu.dma_semaphore, #tpu.memory_space<semaphore_mem>>)
        %dma_wait3A_92 = arith.constant 0 : i32
        %dma_wait3A_93 = arith.constant 0 : i32
        %dma_wait3A_94 = tpu.memref_slice %arg5[%dma_wait3A_92, %run_scoped3A, %dma_wait3A_93] : memref<50x2x128xi32, #tpu.memory_space<vmem>> -> memref<50x1x128xi32, #tpu.memory_space<vmem>>
        %dma_wait3A_95 = tpu.memref_squeeze %dma_wait3A_94 : memref<50x1x128xi32, #tpu.memory_space<vmem>> -> memref<50x128xi32, #tpu.memory_space<vmem>>
        %dma_wait3A_96 = arith.constant 0 : i32
        %dma_wait3A_97 = tpu.memref_slice %arg2[%dma_wait3A_96, %add3A_13] : memref<50x16384xi32, #tpu.memory_space<hbm>> -> memref<50x128xi32, #tpu.memory_space<hbm>>
        %dma_wait3A_98 = arith.constant 0 : i32
        %dma_wait3A_99 = arith.constant 0 : i32
        %dma_wait3A_100 = tpu.memref_slice %arg5[%dma_wait3A_98, %run_scoped3A, %dma_wait3A_99] : memref<50x2x128xi32, #tpu.memory_space<vmem>> -> memref<50x1x128xi32, #tpu.memory_space<vmem>>
        %dma_wait3A_101 = tpu.memref_squeeze %dma_wait3A_100 : memref<50x1x128xi32, #tpu.memory_space<vmem>> -> memref<50x128xi32, #tpu.memory_space<vmem>>
        %dma_wait3A_102 = arith.constant 0 : i32
        %dma_wait3A_103 = tpu.memref_slice %arg2[%dma_wait3A_102, %add3A_13] : memref<50x16384xi32, #tpu.memory_space<hbm>> -> memref<50x128xi32, #tpu.memory_space<hbm>>
        tpu.wait_dma2 semaphore(%run_scoped3A_79 : memref<!tpu.dma_semaphore, #tpu.memory_space<semaphore_mem>>) src(%dma_wait3A_103 : memref<50x128xi32, #tpu.memory_space<hbm>>) dst(%dma_wait3A_101 : memref<50x128xi32, #tpu.memory_space<vmem>>)
        tpu.yield
      }) : () -> ()
      %add3A_14 = arith.constant 128 : i32
      %add3A_15 = arith.addi %mul3A_11, %add3A_14 : i32
      %run_scoped3A_16 = arith.constant 1 : i32
      "tpu.region"() ({
        %run_scoped3A_79 = tpu.sem_alloc : memref<!tpu.dma_semaphore, #tpu.memory_space<semaphore_mem>>
        %dma_start3A_80 = arith.constant 0 : i32
        %dma_start3A_81 = arith.constant 0 : i32
        %dma_start3A_82 = tpu.memref_slice %arg5[%dma_start3A_80, %run_scoped3A_16, %dma_start3A_81] : memref<50x2x128xi32, #tpu.memory_space<vmem>> -> memref<50x1x128xi32, #tpu.memory_space<vmem>>
        %dma_start3A_83 = tpu.memref_squeeze %dma_start3A_82 : memref<50x1x128xi32, #tpu.memory_space<vmem>> -> memref<50x128xi32, #tpu.memory_space<vmem>>
        %dma_start3A_84 = arith.constant 0 : i32
        %dma_start3A_85 = tpu.memref_slice %arg2[%dma_start3A_84, %add3A_15] : memref<50x16384xi32, #tpu.memory_space<hbm>> -> memref<50x128xi32, #tpu.memory_space<hbm>>
        %dma_start3A_86 = arith.constant 0 : i32
        %dma_start3A_87 = arith.constant 0 : i32
        %dma_start3A_88 = tpu.memref_slice %arg5[%dma_start3A_86, %run_scoped3A_16, %dma_start3A_87] : memref<50x2x128xi32, #tpu.memory_space<vmem>> -> memref<50x1x128xi32, #tpu.memory_space<vmem>>
        %dma_start3A_89 = tpu.memref_squeeze %dma_start3A_88 : memref<50x1x128xi32, #tpu.memory_space<vmem>> -> memref<50x128xi32, #tpu.memory_space<vmem>>
        %dma_start3A_90 = arith.constant 0 : i32
        %dma_start3A_91 = tpu.memref_slice %arg2[%dma_start3A_90, %add3A_15] : memref<50x16384xi32, #tpu.memory_space<hbm>> -> memref<50x128xi32, #tpu.memory_space<hbm>>
        tpu.enqueue_dma source(%dma_start3A_91 : memref<50x128xi32, #tpu.memory_space<hbm>>) target(%dma_start3A_89 : memref<50x128xi32, #tpu.memory_space<vmem>>) target_semaphore(%run_scoped3A_79 : memref<!tpu.dma_semaphore, #tpu.memory_space<semaphore_mem>>)
        %dma_wait3A_92 = arith.constant 0 : i32
        %dma_wait3A_93 = arith.constant 0 : i32
        %dma_wait3A_94 = tpu.memref_slice %arg5[%dma_wait3A_92, %run_scoped3A_16, %dma_wait3A_93] : memref<50x2x128xi32, #tpu.memory_space<vmem>> -> memref<50x1x128xi32, #tpu.memory_space<vmem>>
        %dma_wait3A_95 = tpu.memref_squeeze %dma_wait3A_94 : memref<50x1x128xi32, #tpu.memory_space<vmem>> -> memref<50x128xi32, #tpu.memory_space<vmem>>
        %dma_wait3A_96 = arith.constant 0 : i32
        %dma_wait3A_97 = tpu.memref_slice %arg2[%dma_wait3A_96, %add3A_15] : memref<50x16384xi32, #tpu.memory_space<hbm>> -> memref<50x128xi32, #tpu.memory_space<hbm>>
        %dma_wait3A_98 = arith.constant 0 : i32
        %dma_wait3A_99 = arith.constant 0 : i32
        %dma_wait3A_100 = tpu.memref_slice %arg5[%dma_wait3A_98, %run_scoped3A_16, %dma_wait3A_99] : memref<50x2x128xi32, #tpu.memory_space<vmem>> -> memref<50x1x128xi32, #tpu.memory_space<vmem>>
        %dma_wait3A_101 = tpu.memref_squeeze %dma_wait3A_100 : memref<50x1x128xi32, #tpu.memory_space<vmem>> -> memref<50x128xi32, #tpu.memory_space<vmem>>
        %dma_wait3A_102 = arith.constant 0 : i32
        %dma_wait3A_103 = tpu.memref_slice %arg2[%dma_wait3A_102, %add3A_15] : memref<50x16384xi32, #tpu.memory_space<hbm>> -> memref<50x128xi32, #tpu.memory_space<hbm>>
        tpu.wait_dma2 semaphore(%run_scoped3A_79 : memref<!tpu.dma_semaphore, #tpu.memory_space<semaphore_mem>>) src(%dma_wait3A_103 : memref<50x128xi32, #tpu.memory_space<hbm>>) dst(%dma_wait3A_101 : memref<50x128xi32, #tpu.memory_space<vmem>>)
        tpu.yield
      }) : () -> ()
      %dma_start3A = arith.constant 0 : i32
      %dma_start3A_17 = arith.constant 0 : i32
      %dma_start3A_18 = arith.constant 0 : i32
      %dma_start3A_19 = arith.constant 0 : i32
      %dma_start3A_20 = tpu.memref_slice %arg6[%dma_start3A_18, %dma_start3A_19] : memref<256x128xf32, #tpu.memory_space<vmem>> -> memref<128x128xf32, #tpu.memory_space<vmem>>
      %dma_start3A_21 = arith.constant 0 : i32
      %dma_start3A_22 = tpu.memref_slice %arg5[%dma_start3A, %dma_start3A_17, %dma_start3A_21] : memref<50x2x128xi32, #tpu.memory_space<vmem>> -> memref<1x1x128xi32, #tpu.memory_space<vmem>>
      %dma_start3A_23 = tpu.memref_squeeze %dma_start3A_22 : memref<1x1x128xi32, #tpu.memory_space<vmem>> -> memref<128xi32, #tpu.memory_space<vmem>>
      %dma_start3A_24 = arith.constant 0 : i32
      %dma_start3A_25 = arith.constant 0 : i32
      %dma_start3A_26 = tpu.memref_slice %arg3[%dma_start3A_24, %dma_start3A_25] : memref<1000000x128xf32, #tpu.memory_space<hbm>> -> memref<1000000x128xf32, #tpu.memory_space<hbm>>
      tpu.enqueue_indirect_dma source(%dma_start3A_26 : memref<1000000x128xf32, #tpu.memory_space<hbm>>) target(%dma_start3A_20 : memref<128x128xf32, #tpu.memory_space<vmem>>) offsets(%dma_start3A_23 : memref<128xi32, #tpu.memory_space<vmem>>) semaphore(%arg10 : memref<!tpu.dma_semaphore, #tpu.memory_space<semaphore_mem>>)
      %dma_start3A_27 = arith.constant 0 : i32
      %dma_start3A_28 = arith.constant 1 : i32
      %dma_start3A_29 = arith.constant 128 : i32
      %dma_start3A_30 = arith.constant 0 : i32
      %dma_start3A_31 = tpu.memref_slice %arg6[%dma_start3A_29, %dma_start3A_30] : memref<256x128xf32, #tpu.memory_space<vmem>> -> memref<128x128xf32, #tpu.memory_space<vmem>>
      %dma_start3A_32 = arith.constant 0 : i32
      %dma_start3A_33 = tpu.memref_slice %arg5[%dma_start3A_27, %dma_start3A_28, %dma_start3A_32] : memref<50x2x128xi32, #tpu.memory_space<vmem>> -> memref<1x1x128xi32, #tpu.memory_space<vmem>>
      %dma_start3A_34 = tpu.memref_squeeze %dma_start3A_33 : memref<1x1x128xi32, #tpu.memory_space<vmem>> -> memref<128xi32, #tpu.memory_space<vmem>>
      %dma_start3A_35 = arith.constant 0 : i32
      %dma_start3A_36 = arith.constant 0 : i32
      %dma_start3A_37 = tpu.memref_slice %arg3[%dma_start3A_35, %dma_start3A_36] : memref<1000000x128xf32, #tpu.memory_space<hbm>> -> memref<1000000x128xf32, #tpu.memory_space<hbm>>
      tpu.enqueue_indirect_dma source(%dma_start3A_37 : memref<1000000x128xf32, #tpu.memory_space<hbm>>) target(%dma_start3A_31 : memref<128x128xf32, #tpu.memory_space<vmem>>) offsets(%dma_start3A_34 : memref<128xi32, #tpu.memory_space<vmem>>) semaphore(%arg10 : memref<!tpu.dma_semaphore, #tpu.memory_space<semaphore_mem>>)
      %scan3A_38 = arith.constant 0 : i32
      %scan3A_39 = arith.constant 0 : i32
      %scan3A_40 = arith.constant 25 : i32
      %scan3A_41 = arith.addi %scan3A_39, %scan3A_40 : i32
      %scan3A_42 = arith.constant 1 : i32
      scf.for %scan3A_79 = %scan3A_39 to %scan3A_41 step %scan3A_42  : i32 {
        %mul3A_80 = arith.constant 2 : i32
        %mul3A_81 = arith.muli %scan3A_79, %mul3A_80 : i32
        %add3A_82 = arith.constant 0 : i32
        %add3A_83 = arith.addi %mul3A_81, %add3A_82 : i32
        %add3A_84 = arith.constant 1 : i32
        %add3A_85 = arith.addi %add3A_83, %add3A_84 : i32
        %min3A = arith.constant 49 : i32
        %min3A_86 = arith.minsi %add3A_85, %min3A : i32
        %dma_start3A_87 = arith.constant 0 : i32
        %dma_start3A_88 = arith.constant 0 : i32
        %dma_start3A_89 = arith.constant 0 : i32
        %dma_start3A_90 = tpu.memref_slice %arg7[%dma_start3A_88, %dma_start3A_89] : memref<256x128xf32, #tpu.memory_space<vmem>> -> memref<128x128xf32, #tpu.memory_space<vmem>>
        %dma_start3A_91 = arith.constant 0 : i32
        %dma_start3A_92 = tpu.memref_slice %arg5[%min3A_86, %dma_start3A_87, %dma_start3A_91] : memref<50x2x128xi32, #tpu.memory_space<vmem>> -> memref<1x1x128xi32, #tpu.memory_space<vmem>>
        %dma_start3A_93 = tpu.memref_squeeze %dma_start3A_92 : memref<1x1x128xi32, #tpu.memory_space<vmem>> -> memref<128xi32, #tpu.memory_space<vmem>>
        %dma_start3A_94 = arith.constant 0 : i32
        %dma_start3A_95 = arith.constant 0 : i32
        %dma_start3A_96 = tpu.memref_slice %arg3[%dma_start3A_94, %dma_start3A_95] : memref<1000000x128xf32, #tpu.memory_space<hbm>> -> memref<1000000x128xf32, #tpu.memory_space<hbm>>
        tpu.enqueue_indirect_dma source(%dma_start3A_96 : memref<1000000x128xf32, #tpu.memory_space<hbm>>) target(%dma_start3A_90 : memref<128x128xf32, #tpu.memory_space<vmem>>) offsets(%dma_start3A_93 : memref<128xi32, #tpu.memory_space<vmem>>) semaphore(%arg11 : memref<!tpu.dma_semaphore, #tpu.memory_space<semaphore_mem>>)
        %dma_start3A_97 = arith.constant 1 : i32
        %dma_start3A_98 = arith.constant 128 : i32
        %dma_start3A_99 = arith.constant 0 : i32
        %dma_start3A_100 = tpu.memref_slice %arg7[%dma_start3A_98, %dma_start3A_99] : memref<256x128xf32, #tpu.memory_space<vmem>> -> memref<128x128xf32, #tpu.memory_space<vmem>>
        %dma_start3A_101 = arith.constant 0 : i32
        %dma_start3A_102 = tpu.memref_slice %arg5[%min3A_86, %dma_start3A_97, %dma_start3A_101] : memref<50x2x128xi32, #tpu.memory_space<vmem>> -> memref<1x1x128xi32, #tpu.memory_space<vmem>>
        %dma_start3A_103 = tpu.memref_squeeze %dma_start3A_102 : memref<1x1x128xi32, #tpu.memory_space<vmem>> -> memref<128xi32, #tpu.memory_space<vmem>>
        %dma_start3A_104 = arith.constant 0 : i32
        %dma_start3A_105 = arith.constant 0 : i32
        %dma_start3A_106 = tpu.memref_slice %arg3[%dma_start3A_104, %dma_start3A_105] : memref<1000000x128xf32, #tpu.memory_space<hbm>> -> memref<1000000x128xf32, #tpu.memory_space<hbm>>
        tpu.enqueue_indirect_dma source(%dma_start3A_106 : memref<1000000x128xf32, #tpu.memory_space<hbm>>) target(%dma_start3A_100 : memref<128x128xf32, #tpu.memory_space<vmem>>) offsets(%dma_start3A_103 : memref<128xi32, #tpu.memory_space<vmem>>) semaphore(%arg11 : memref<!tpu.dma_semaphore, #tpu.memory_space<semaphore_mem>>)
        %dma_wait3A_107 = arith.constant 0 : i32
        %dma_wait3A_108 = arith.constant 0 : i32
        %dma_wait3A_109 = arith.constant 0 : i32
        %dma_wait3A_110 = arith.constant 0 : i32
        %dma_wait3A_111 = tpu.memref_slice %arg6[%dma_wait3A_109, %dma_wait3A_110] : memref<256x128xf32, #tpu.memory_space<vmem>> -> memref<128x128xf32, #tpu.memory_space<vmem>>
        %dma_wait3A_112 = arith.constant 0 : i32
        %dma_wait3A_113 = tpu.memref_slice %arg5[%dma_wait3A_107, %dma_wait3A_108, %dma_wait3A_112] : memref<50x2x128xi32, #tpu.memory_space<vmem>> -> memref<1x1x128xi32, #tpu.memory_space<vmem>>
        %dma_wait3A_114 = tpu.memref_squeeze %dma_wait3A_113 : memref<1x1x128xi32, #tpu.memory_space<vmem>> -> memref<128xi32, #tpu.memory_space<vmem>>
        %dma_wait3A_115 = arith.constant 0 : i32
        %dma_wait3A_116 = arith.constant 0 : i32
        %dma_wait3A_117 = tpu.memref_slice %arg3[%dma_wait3A_115, %dma_wait3A_116] : memref<1000000x128xf32, #tpu.memory_space<hbm>> -> memref<1000000x128xf32, #tpu.memory_space<hbm>>
        tpu.wait_indirect_dma semaphore(%arg10 : memref<!tpu.dma_semaphore, #tpu.memory_space<semaphore_mem>>) src(%dma_wait3A_117 : memref<1000000x128xf32, #tpu.memory_space<hbm>>) dst(%dma_wait3A_111 : memref<128x128xf32, #tpu.memory_space<vmem>>)
        %dma_wait3A_118 = arith.constant 0 : i32
        %dma_wait3A_119 = arith.constant 0 : i32
        %dma_wait3A_120 = arith.constant 128 : i32
        %dma_wait3A_121 = arith.constant 0 : i32
        %dma_wait3A_122 = tpu.memref_slice %arg6[%dma_wait3A_120, %dma_wait3A_121] : memref<256x128xf32, #tpu.memory_space<vmem>> -> memref<128x128xf32, #tpu.memory_space<vmem>>
        %dma_wait3A_123 = arith.constant 0 : i32
        %dma_wait3A_124 = tpu.memref_slice %arg5[%dma_wait3A_118, %dma_wait3A_119, %dma_wait3A_123] : memref<50x2x128xi32, #tpu.memory_space<vmem>> -> memref<1x1x128xi32, #tpu.memory_space<vmem>>
        %dma_wait3A_125 = tpu.memref_squeeze %dma_wait3A_124 : memref<1x1x128xi32, #tpu.memory_space<vmem>> -> memref<128xi32, #tpu.memory_space<vmem>>
        %dma_wait3A_126 = arith.constant 0 : i32
        %dma_wait3A_127 = arith.constant 0 : i32
        %dma_wait3A_128 = tpu.memref_slice %arg3[%dma_wait3A_126, %dma_wait3A_127] : memref<1000000x128xf32, #tpu.memory_space<hbm>> -> memref<1000000x128xf32, #tpu.memory_space<hbm>>
        tpu.wait_indirect_dma semaphore(%arg10 : memref<!tpu.dma_semaphore, #tpu.memory_space<semaphore_mem>>) src(%dma_wait3A_128 : memref<1000000x128xf32, #tpu.memory_space<hbm>>) dst(%dma_wait3A_122 : memref<128x128xf32, #tpu.memory_space<vmem>>)
        %gt3A = arith.constant 0 : i32
        %gt3A_129 = arith.cmpi sgt, %scan3A_79, %gt3A : i32
        %convert_element_type3A = arith.extui %gt3A_129 : i1 to i32
        %cond3A = arith.constant 0 : i32
        %cond3A_130 = arith.cmpi ne, %convert_element_type3A, %cond3A : i32
        scf.if %cond3A_130 {
          %dma_wait3A_330 = arith.constant 0 : i32
          %dma_wait3A_331 = arith.constant 0 : i32
          %dma_wait3A_332 = tpu.memref_slice %arg4[%dma_wait3A_330, %dma_wait3A_331, %mul3A_11] : memref<50x64x16384xf32, #tpu.memory_space<hbm>> -> memref<1x64x256xf32, #tpu.memory_space<hbm>>
          %dma_wait3A_333 = tpu.memref_squeeze %dma_wait3A_332 : memref<1x64x256xf32, #tpu.memory_space<hbm>> -> memref<64x256xf32, #tpu.memory_space<hbm>>
          %dma_wait3A_334 = arith.constant 0 : i32
          %dma_wait3A_335 = tpu.memref_slice %arg4[%dma_wait3A_330, %dma_wait3A_334, %mul3A_11] : memref<50x64x16384xf32, #tpu.memory_space<hbm>> -> memref<1x64x256xf32, #tpu.memory_space<hbm>>
          %dma_wait3A_336 = tpu.memref_squeeze %dma_wait3A_335 : memref<1x64x256xf32, #tpu.memory_space<hbm>> -> memref<64x256xf32, #tpu.memory_space<hbm>>
          tpu.wait_dma2 semaphore(%arg12 : memref<!tpu.dma_semaphore, #tpu.memory_space<semaphore_mem>>) src(%arg8 : memref<64x256xf32, #tpu.memory_space<vmem>>) dst(%dma_wait3A_336 : memref<64x256xf32, #tpu.memory_space<hbm>>)
        } else {
        }
        %iota3A = tpu.iota {dimensions = array<i32: 0>} : vector<16xi32>
        %add3A_131 = arith.constant 0 : i32
        %add3A_132 = vector.broadcast %add3A_131 : i32 to vector<16xi32>
        %add3A_133 = arith.addi %iota3A, %add3A_132 : vector<16xi32>
        %iota3A_134 = tpu.iota {dimensions = array<i32: 0>} : vector<16xi32>
        %add3A_135 = arith.constant 16 : i32
        %add3A_136 = vector.broadcast %add3A_135 : i32 to vector<16xi32>
        %add3A_137 = arith.addi %iota3A_134, %add3A_136 : vector<16xi32>
        %iota3A_138 = tpu.iota {dimensions = array<i32: 0>} : vector<16xi32>
        %add3A_139 = arith.constant 32 : i32
        %add3A_140 = vector.broadcast %add3A_139 : i32 to vector<16xi32>
        %add3A_141 = arith.addi %iota3A_138, %add3A_140 : vector<16xi32>
        %iota3A_142 = tpu.iota {dimensions = array<i32: 0>} : vector<16xi32>
        %add3A_143 = arith.constant 48 : i32
        %add3A_144 = vector.broadcast %add3A_143 : i32 to vector<16xi32>
        %add3A_145 = arith.addi %iota3A_142, %add3A_144 : vector<16xi32>
        %iota3A_146 = tpu.iota {dimensions = array<i32: 0>} : vector<16xi32>
        %add3A_147 = arith.constant 64 : i32
        %add3A_148 = vector.broadcast %add3A_147 : i32 to vector<16xi32>
        %add3A_149 = arith.addi %iota3A_146, %add3A_148 : vector<16xi32>
        %iota3A_150 = tpu.iota {dimensions = array<i32: 0>} : vector<16xi32>
        %add3A_151 = arith.constant 80 : i32
        %add3A_152 = vector.broadcast %add3A_151 : i32 to vector<16xi32>
        %add3A_153 = arith.addi %iota3A_150, %add3A_152 : vector<16xi32>
        %iota3A_154 = tpu.iota {dimensions = array<i32: 0>} : vector<16xi32>
        %add3A_155 = arith.constant 96 : i32
        %add3A_156 = vector.broadcast %add3A_155 : i32 to vector<16xi32>
        %add3A_157 = arith.addi %iota3A_154, %add3A_156 : vector<16xi32>
        %iota3A_158 = tpu.iota {dimensions = array<i32: 0>} : vector<16xi32>
        %add3A_159 = arith.constant 112 : i32
        %add3A_160 = vector.broadcast %add3A_159 : i32 to vector<16xi32>
        %add3A_161 = arith.addi %iota3A_158, %add3A_160 : vector<16xi32>
        %iota3A_162 = tpu.iota {dimensions = array<i32: 0>} : vector<16xi32>
        %add3A_163 = arith.constant 128 : i32
        %add3A_164 = vector.broadcast %add3A_163 : i32 to vector<16xi32>
        %add3A_165 = arith.addi %iota3A_162, %add3A_164 : vector<16xi32>
        %iota3A_166 = tpu.iota {dimensions = array<i32: 0>} : vector<16xi32>
        %add3A_167 = arith.constant 144 : i32
        %add3A_168 = vector.broadcast %add3A_167 : i32 to vector<16xi32>
        %add3A_169 = arith.addi %iota3A_166, %add3A_168 : vector<16xi32>
        %iota3A_170 = tpu.iota {dimensions = array<i32: 0>} : vector<16xi32>
        %add3A_171 = arith.constant 160 : i32
        %add3A_172 = vector.broadcast %add3A_171 : i32 to vector<16xi32>
        %add3A_173 = arith.addi %iota3A_170, %add3A_172 : vector<16xi32>
        %iota3A_174 = tpu.iota {dimensions = array<i32: 0>} : vector<16xi32>
        %add3A_175 = arith.constant 176 : i32
        %add3A_176 = vector.broadcast %add3A_175 : i32 to vector<16xi32>
        %add3A_177 = arith.addi %iota3A_174, %add3A_176 : vector<16xi32>
        %iota3A_178 = tpu.iota {dimensions = array<i32: 0>} : vector<16xi32>
        %add3A_179 = arith.constant 192 : i32
        %add3A_180 = vector.broadcast %add3A_179 : i32 to vector<16xi32>
        %add3A_181 = arith.addi %iota3A_178, %add3A_180 : vector<16xi32>
        %iota3A_182 = tpu.iota {dimensions = array<i32: 0>} : vector<16xi32>
        %add3A_183 = arith.constant 208 : i32
        %add3A_184 = vector.broadcast %add3A_183 : i32 to vector<16xi32>
        %add3A_185 = arith.addi %iota3A_182, %add3A_184 : vector<16xi32>
        %iota3A_186 = tpu.iota {dimensions = array<i32: 0>} : vector<16xi32>
        %add3A_187 = arith.constant 224 : i32
        %add3A_188 = vector.broadcast %add3A_187 : i32 to vector<16xi32>
        %add3A_189 = arith.addi %iota3A_186, %add3A_188 : vector<16xi32>
        %iota3A_190 = tpu.iota {dimensions = array<i32: 0>} : vector<16xi32>
        %add3A_191 = arith.constant 240 : i32
        %add3A_192 = vector.broadcast %add3A_191 : i32 to vector<16xi32>
        %add3A_193 = arith.addi %iota3A_190, %add3A_192 : vector<16xi32>
        %parallel_loop3A = arith.constant 0 : i32
        %parallel_loop3A_194 = arith.constant 64 : i32
        %parallel_loop3A_195 = arith.constant 1 : i32
        scf.for %parallel_loop3A_330 = %parallel_loop3A to %parallel_loop3A_194 step %parallel_loop3A_195  : i32 {
          %parallel_loop3A_331 = vector.broadcast %parallel_loop3A_330 : i32 to vector<16xi32>
          %parallel_loop3A_332 = tpu.vector_load_idx %arg6[%add3A_133, %parallel_loop3A_331] : memref<256x128xf32, #tpu.memory_space<vmem>>[vector<16xi32>, vector<16xi32>], vector<16xf32>,
          %parallel_loop3A_333 = arith.constant 8.000000e+00 : f32
          %parallel_loop3A_334 = vector.broadcast %parallel_loop3A_333 : f32 to vector<16xf32>
          %parallel_loop3A_335 = arith.mulf %parallel_loop3A_332, %parallel_loop3A_334 : vector<16xf32>
          %parallel_loop3A_336 = arith.index_cast %parallel_loop3A_330 : i32 to index
          %parallel_loop3A_337 = arith.constant 0 : index
          %parallel_loop3A_338 = tpu.vector_load %arg8[%parallel_loop3A_336, %parallel_loop3A_337] {strides = array<i32>} : memref<64x256xf32, #tpu.memory_space<vmem>>, vector<16xf32>,
          tpu.vector_store %arg8[%parallel_loop3A_336, %parallel_loop3A_337], %parallel_loop3A_335 {strides = array<i32>} : memref<64x256xf32, #tpu.memory_space<vmem>>, vector<16xf32>,
          %parallel_loop3A_339 = tpu.vector_load_idx %arg6[%add3A_137, %parallel_loop3A_331] : memref<256x128xf32, #tpu.memory_space<vmem>>[vector<16xi32>, vector<16xi32>], vector<16xf32>,
          %parallel_loop3A_340 = arith.constant 8.000000e+00 : f32
          %parallel_loop3A_341 = vector.broadcast %parallel_loop3A_340 : f32 to vector<16xf32>
          %parallel_loop3A_342 = arith.mulf %parallel_loop3A_339, %parallel_loop3A_341 : vector<16xf32>
          %parallel_loop3A_343 = arith.index_cast %parallel_loop3A_330 : i32 to index
          %parallel_loop3A_344 = arith.constant 16 : index
          %parallel_loop3A_345 = tpu.vector_load %arg8[%parallel_loop3A_343, %parallel_loop3A_344] {strides = array<i32>} : memref<64x256xf32, #tpu.memory_space<vmem>>, vector<16xf32>,
          tpu.vector_store %arg8[%parallel_loop3A_343, %parallel_loop3A_344], %parallel_loop3A_342 {strides = array<i32>} : memref<64x256xf32, #tpu.memory_space<vmem>>, vector<16xf32>,
          %parallel_loop3A_346 = tpu.vector_load_idx %arg6[%add3A_141, %parallel_loop3A_331] : memref<256x128xf32, #tpu.memory_space<vmem>>[vector<16xi32>, vector<16xi32>], vector<16xf32>,
          %parallel_loop3A_347 = arith.constant 8.000000e+00 : f32
          %parallel_loop3A_348 = vector.broadcast %parallel_loop3A_347 : f32 to vector<16xf32>
          %parallel_loop3A_349 = arith.mulf %parallel_loop3A_346, %parallel_loop3A_348 : vector<16xf32>
          %parallel_loop3A_350 = arith.index_cast %parallel_loop3A_330 : i32 to index
          %parallel_loop3A_351 = arith.constant 32 : index
          %parallel_loop3A_352 = tpu.vector_load %arg8[%parallel_loop3A_350, %parallel_loop3A_351] {strides = array<i32>} : memref<64x256xf32, #tpu.memory_space<vmem>>, vector<16xf32>,
          tpu.vector_store %arg8[%parallel_loop3A_350, %parallel_loop3A_351], %parallel_loop3A_349 {strides = array<i32>} : memref<64x256xf32, #tpu.memory_space<vmem>>, vector<16xf32>,
          %parallel_loop3A_353 = tpu.vector_load_idx %arg6[%add3A_145, %parallel_loop3A_331] : memref<256x128xf32, #tpu.memory_space<vmem>>[vector<16xi32>, vector<16xi32>], vector<16xf32>,
          %parallel_loop3A_354 = arith.constant 8.000000e+00 : f32
          %parallel_loop3A_355 = vector.broadcast %parallel_loop3A_354 : f32 to vector<16xf32>
          %parallel_loop3A_356 = arith.mulf %parallel_loop3A_353, %parallel_loop3A_355 : vector<16xf32>
          %parallel_loop3A_357 = arith.index_cast %parallel_loop3A_330 : i32 to index
          %parallel_loop3A_358 = arith.constant 48 : index
          %parallel_loop3A_359 = tpu.vector_load %arg8[%parallel_loop3A_357, %parallel_loop3A_358] {strides = array<i32>} : memref<64x256xf32, #tpu.memory_space<vmem>>, vector<16xf32>,
          tpu.vector_store %arg8[%parallel_loop3A_357, %parallel_loop3A_358], %parallel_loop3A_356 {strides = array<i32>} : memref<64x256xf32, #tpu.memory_space<vmem>>, vector<16xf32>,
          %parallel_loop3A_360 = tpu.vector_load_idx %arg6[%add3A_149, %parallel_loop3A_331] : memref<256x128xf32, #tpu.memory_space<vmem>>[vector<16xi32>, vector<16xi32>], vector<16xf32>,
          %parallel_loop3A_361 = arith.constant 8.000000e+00 : f32
          %parallel_loop3A_362 = vector.broadcast %parallel_loop3A_361 : f32 to vector<16xf32>
          %parallel_loop3A_363 = arith.mulf %parallel_loop3A_360, %parallel_loop3A_362 : vector<16xf32>
          %parallel_loop3A_364 = arith.index_cast %parallel_loop3A_330 : i32 to index
          %parallel_loop3A_365 = arith.constant 64 : index
          %parallel_loop3A_366 = tpu.vector_load %arg8[%parallel_loop3A_364, %parallel_loop3A_365] {strides = array<i32>} : memref<64x256xf32, #tpu.memory_space<vmem>>, vector<16xf32>,
          tpu.vector_store %arg8[%parallel_loop3A_364, %parallel_loop3A_365], %parallel_loop3A_363 {strides = array<i32>} : memref<64x256xf32, #tpu.memory_space<vmem>>, vector<16xf32>,
          %parallel_loop3A_367 = tpu.vector_load_idx %arg6[%add3A_153, %parallel_loop3A_331] : memref<256x128xf32, #tpu.memory_space<vmem>>[vector<16xi32>, vector<16xi32>], vector<16xf32>,
          %parallel_loop3A_368 = arith.constant 8.000000e+00 : f32
          %parallel_loop3A_369 = vector.broadcast %parallel_loop3A_368 : f32 to vector<16xf32>
          %parallel_loop3A_370 = arith.mulf %parallel_loop3A_367, %parallel_loop3A_369 : vector<16xf32>
          %parallel_loop3A_371 = arith.index_cast %parallel_loop3A_330 : i32 to index
          %parallel_loop3A_372 = arith.constant 80 : index
          %parallel_loop3A_373 = tpu.vector_load %arg8[%parallel_loop3A_371, %parallel_loop3A_372] {strides = array<i32>} : memref<64x256xf32, #tpu.memory_space<vmem>>, vector<16xf32>,
          tpu.vector_store %arg8[%parallel_loop3A_371, %parallel_loop3A_372], %parallel_loop3A_370 {strides = array<i32>} : memref<64x256xf32, #tpu.memory_space<vmem>>, vector<16xf32>,
          %parallel_loop3A_374 = tpu.vector_load_idx %arg6[%add3A_157, %parallel_loop3A_331] : memref<256x128xf32, #tpu.memory_space<vmem>>[vector<16xi32>, vector<16xi32>], vector<16xf32>,
          %parallel_loop3A_375 = arith.constant 8.000000e+00 : f32
          %parallel_loop3A_376 = vector.broadcast %parallel_loop3A_375 : f32 to vector<16xf32>
          %parallel_loop3A_377 = arith.mulf %parallel_loop3A_374, %parallel_loop3A_376 : vector<16xf32>
          %parallel_loop3A_378 = arith.index_cast %parallel_loop3A_330 : i32 to index
          %parallel_loop3A_379 = arith.constant 96 : index
          %parallel_loop3A_380 = tpu.vector_load %arg8[%parallel_loop3A_378, %parallel_loop3A_379] {strides = array<i32>} : memref<64x256xf32, #tpu.memory_space<vmem>>, vector<16xf32>,
          tpu.vector_store %arg8[%parallel_loop3A_378, %parallel_loop3A_379], %parallel_loop3A_377 {strides = array<i32>} : memref<64x256xf32, #tpu.memory_space<vmem>>, vector<16xf32>,
          %parallel_loop3A_381 = tpu.vector_load_idx %arg6[%add3A_161, %parallel_loop3A_331] : memref<256x128xf32, #tpu.memory_space<vmem>>[vector<16xi32>, vector<16xi32>], vector<16xf32>,
          %parallel_loop3A_382 = arith.constant 8.000000e+00 : f32
          %parallel_loop3A_383 = vector.broadcast %parallel_loop3A_382 : f32 to vector<16xf32>
          %parallel_loop3A_384 = arith.mulf %parallel_loop3A_381, %parallel_loop3A_383 : vector<16xf32>
          %parallel_loop3A_385 = arith.index_cast %parallel_loop3A_330 : i32 to index
          %parallel_loop3A_386 = arith.constant 112 : index
          %parallel_loop3A_387 = tpu.vector_load %arg8[%parallel_loop3A_385, %parallel_loop3A_386] {strides = array<i32>} : memref<64x256xf32, #tpu.memory_space<vmem>>, vector<16xf32>,
          tpu.vector_store %arg8[%parallel_loop3A_385, %parallel_loop3A_386], %parallel_loop3A_384 {strides = array<i32>} : memref<64x256xf32, #tpu.memory_space<vmem>>, vector<16xf32>,
          %parallel_loop3A_388 = tpu.vector_load_idx %arg6[%add3A_165, %parallel_loop3A_331] : memref<256x128xf32, #tpu.memory_space<vmem>>[vector<16xi32>, vector<16xi32>], vector<16xf32>,
          %parallel_loop3A_389 = arith.constant 8.000000e+00 : f32
          %parallel_loop3A_390 = vector.broadcast %parallel_loop3A_389 : f32 to vector<16xf32>
          %parallel_loop3A_391 = arith.mulf %parallel_loop3A_388, %parallel_loop3A_390 : vector<16xf32>
          %parallel_loop3A_392 = arith.index_cast %parallel_loop3A_330 : i32 to index
          %parallel_loop3A_393 = arith.constant 128 : index
          %parallel_loop3A_394 = tpu.vector_load %arg8[%parallel_loop3A_392, %parallel_loop3A_393] {strides = array<i32>} : memref<64x256xf32, #tpu.memory_space<vmem>>, vector<16xf32>,
          tpu.vector_store %arg8[%parallel_loop3A_392, %parallel_loop3A_393], %parallel_loop3A_391 {strides = array<i32>} : memref<64x256xf32, #tpu.memory_space<vmem>>, vector<16xf32>,
          %parallel_loop3A_395 = tpu.vector_load_idx %arg6[%add3A_169, %parallel_loop3A_331] : memref<256x128xf32, #tpu.memory_space<vmem>>[vector<16xi32>, vector<16xi32>], vector<16xf32>,
          %parallel_loop3A_396 = arith.constant 8.000000e+00 : f32
          %parallel_loop3A_397 = vector.broadcast %parallel_loop3A_396 : f32 to vector<16xf32>
          %parallel_loop3A_398 = arith.mulf %parallel_loop3A_395, %parallel_loop3A_397 : vector<16xf32>
          %parallel_loop3A_399 = arith.index_cast %parallel_loop3A_330 : i32 to index
          %parallel_loop3A_400 = arith.constant 144 : index
          %parallel_loop3A_401 = tpu.vector_load %arg8[%parallel_loop3A_399, %parallel_loop3A_400] {strides = array<i32>} : memref<64x256xf32, #tpu.memory_space<vmem>>, vector<16xf32>,
          tpu.vector_store %arg8[%parallel_loop3A_399, %parallel_loop3A_400], %parallel_loop3A_398 {strides = array<i32>} : memref<64x256xf32, #tpu.memory_space<vmem>>, vector<16xf32>,
          %parallel_loop3A_402 = tpu.vector_load_idx %arg6[%add3A_173, %parallel_loop3A_331] : memref<256x128xf32, #tpu.memory_space<vmem>>[vector<16xi32>, vector<16xi32>], vector<16xf32>,
          %parallel_loop3A_403 = arith.constant 8.000000e+00 : f32
          %parallel_loop3A_404 = vector.broadcast %parallel_loop3A_403 : f32 to vector<16xf32>
          %parallel_loop3A_405 = arith.mulf %parallel_loop3A_402, %parallel_loop3A_404 : vector<16xf32>
          %parallel_loop3A_406 = arith.index_cast %parallel_loop3A_330 : i32 to index
          %parallel_loop3A_407 = arith.constant 160 : index
          %parallel_loop3A_408 = tpu.vector_load %arg8[%parallel_loop3A_406, %parallel_loop3A_407] {strides = array<i32>} : memref<64x256xf32, #tpu.memory_space<vmem>>, vector<16xf32>,
          tpu.vector_store %arg8[%parallel_loop3A_406, %parallel_loop3A_407], %parallel_loop3A_405 {strides = array<i32>} : memref<64x256xf32, #tpu.memory_space<vmem>>, vector<16xf32>,
          %parallel_loop3A_409 = tpu.vector_load_idx %arg6[%add3A_177, %parallel_loop3A_331] : memref<256x128xf32, #tpu.memory_space<vmem>>[vector<16xi32>, vector<16xi32>], vector<16xf32>,
          %parallel_loop3A_410 = arith.constant 8.000000e+00 : f32
          %parallel_loop3A_411 = vector.broadcast %parallel_loop3A_410 : f32 to vector<16xf32>
          %parallel_loop3A_412 = arith.mulf %parallel_loop3A_409, %parallel_loop3A_411 : vector<16xf32>
          %parallel_loop3A_413 = arith.index_cast %parallel_loop3A_330 : i32 to index
          %parallel_loop3A_414 = arith.constant 176 : index
          %parallel_loop3A_415 = tpu.vector_load %arg8[%parallel_loop3A_413, %parallel_loop3A_414] {strides = array<i32>} : memref<64x256xf32, #tpu.memory_space<vmem>>, vector<16xf32>,
          tpu.vector_store %arg8[%parallel_loop3A_413, %parallel_loop3A_414], %parallel_loop3A_412 {strides = array<i32>} : memref<64x256xf32, #tpu.memory_space<vmem>>, vector<16xf32>,
          %parallel_loop3A_416 = tpu.vector_load_idx %arg6[%add3A_181, %parallel_loop3A_331] : memref<256x128xf32, #tpu.memory_space<vmem>>[vector<16xi32>, vector<16xi32>], vector<16xf32>,
          %parallel_loop3A_417 = arith.constant 8.000000e+00 : f32
          %parallel_loop3A_418 = vector.broadcast %parallel_loop3A_417 : f32 to vector<16xf32>
          %parallel_loop3A_419 = arith.mulf %parallel_loop3A_416, %parallel_loop3A_418 : vector<16xf32>
          %parallel_loop3A_420 = arith.index_cast %parallel_loop3A_330 : i32 to index
          %parallel_loop3A_421 = arith.constant 192 : index
          %parallel_loop3A_422 = tpu.vector_load %arg8[%parallel_loop3A_420, %parallel_loop3A_421] {strides = array<i32>} : memref<64x256xf32, #tpu.memory_space<vmem>>, vector<16xf32>,
          tpu.vector_store %arg8[%parallel_loop3A_420, %parallel_loop3A_421], %parallel_loop3A_419 {strides = array<i32>} : memref<64x256xf32, #tpu.memory_space<vmem>>, vector<16xf32>,
          %parallel_loop3A_423 = tpu.vector_load_idx %arg6[%add3A_185, %parallel_loop3A_331] : memref<256x128xf32, #tpu.memory_space<vmem>>[vector<16xi32>, vector<16xi32>], vector<16xf32>,
          %parallel_loop3A_424 = arith.constant 8.000000e+00 : f32
          %parallel_loop3A_425 = vector.broadcast %parallel_loop3A_424 : f32 to vector<16xf32>
          %parallel_loop3A_426 = arith.mulf %parallel_loop3A_423, %parallel_loop3A_425 : vector<16xf32>
          %parallel_loop3A_427 = arith.index_cast %parallel_loop3A_330 : i32 to index
          %parallel_loop3A_428 = arith.constant 208 : index
          %parallel_loop3A_429 = tpu.vector_load %arg8[%parallel_loop3A_427, %parallel_loop3A_428] {strides = array<i32>} : memref<64x256xf32, #tpu.memory_space<vmem>>, vector<16xf32>,
          tpu.vector_store %arg8[%parallel_loop3A_427, %parallel_loop3A_428], %parallel_loop3A_426 {strides = array<i32>} : memref<64x256xf32, #tpu.memory_space<vmem>>, vector<16xf32>,
          %parallel_loop3A_430 = tpu.vector_load_idx %arg6[%add3A_189, %parallel_loop3A_331] : memref<256x128xf32, #tpu.memory_space<vmem>>[vector<16xi32>, vector<16xi32>], vector<16xf32>,
          %parallel_loop3A_431 = arith.constant 8.000000e+00 : f32
          %parallel_loop3A_432 = vector.broadcast %parallel_loop3A_431 : f32 to vector<16xf32>
          %parallel_loop3A_433 = arith.mulf %parallel_loop3A_430, %parallel_loop3A_432 : vector<16xf32>
          %parallel_loop3A_434 = arith.index_cast %parallel_loop3A_330 : i32 to index
          %parallel_loop3A_435 = arith.constant 224 : index
          %parallel_loop3A_436 = tpu.vector_load %arg8[%parallel_loop3A_434, %parallel_loop3A_435] {strides = array<i32>} : memref<64x256xf32, #tpu.memory_space<vmem>>, vector<16xf32>,
          tpu.vector_store %arg8[%parallel_loop3A_434, %parallel_loop3A_435], %parallel_loop3A_433 {strides = array<i32>} : memref<64x256xf32, #tpu.memory_space<vmem>>, vector<16xf32>,
          %parallel_loop3A_437 = tpu.vector_load_idx %arg6[%add3A_193, %parallel_loop3A_331] : memref<256x128xf32, #tpu.memory_space<vmem>>[vector<16xi32>, vector<16xi32>], vector<16xf32>,
          %parallel_loop3A_438 = arith.constant 8.000000e+00 : f32
          %parallel_loop3A_439 = vector.broadcast %parallel_loop3A_438 : f32 to vector<16xf32>
          %parallel_loop3A_440 = arith.mulf %parallel_loop3A_437, %parallel_loop3A_439 : vector<16xf32>
          %parallel_loop3A_441 = arith.index_cast %parallel_loop3A_330 : i32 to index
          %parallel_loop3A_442 = arith.constant 240 : index
          %parallel_loop3A_443 = tpu.vector_load %arg8[%parallel_loop3A_441, %parallel_loop3A_442] {strides = array<i32>} : memref<64x256xf32, #tpu.memory_space<vmem>>, vector<16xf32>,
          tpu.vector_store %arg8[%parallel_loop3A_441, %parallel_loop3A_442], %parallel_loop3A_440 {strides = array<i32>} : memref<64x256xf32, #tpu.memory_space<vmem>>, vector<16xf32>,
        } {sc.loop_unroll_factor = 8 : i64, sc.parallel_access}
        %dma_start3A_196 = arith.constant 0 : i32
        %dma_start3A_197 = tpu.memref_slice %arg4[%add3A_83, %dma_start3A_196, %mul3A_11] : memref<50x64x16384xf32, #tpu.memory_space<hbm>> -> memref<1x64x256xf32, #tpu.memory_space<hbm>>
        %dma_start3A_198 = tpu.memref_squeeze %dma_start3A_197 : memref<1x64x256xf32, #tpu.memory_space<hbm>> -> memref<64x256xf32, #tpu.memory_space<hbm>>
        %dma_start3A_199 = arith.constant 0 : i32
        %dma_start3A_200 = tpu.memref_slice %arg4[%add3A_83, %dma_start3A_199, %mul3A_11] : memref<50x64x16384xf32, #tpu.memory_space<hbm>> -> memref<1x64x256xf32, #tpu.memory_space<hbm>>
        %dma_start3A_201 = tpu.memref_squeeze %dma_start3A_200 : memref<1x64x256xf32, #tpu.memory_space<hbm>> -> memref<64x256xf32, #tpu.memory_space<hbm>>
        tpu.enqueue_dma source(%arg8 : memref<64x256xf32, #tpu.memory_space<vmem>>) target(%dma_start3A_201 : memref<64x256xf32, #tpu.memory_space<hbm>>) target_semaphore(%arg12 : memref<!tpu.dma_semaphore, #tpu.memory_space<semaphore_mem>>)
        %mul3A_202 = arith.constant 2 : i32
        %mul3A_203 = arith.muli %scan3A_79, %mul3A_202 : i32
        %add3A_204 = arith.constant 1 : i32
        %add3A_205 = arith.addi %mul3A_203, %add3A_204 : i32
        %add3A_206 = arith.constant 1 : i32
        %add3A_207 = arith.addi %add3A_205, %add3A_206 : i32
        %min3A_208 = arith.constant 49 : i32
        %min3A_209 = arith.minsi %add3A_207, %min3A_208 : i32
        %dma_start3A_210 = arith.constant 0 : i32
        %dma_start3A_211 = arith.constant 0 : i32
        %dma_start3A_212 = arith.constant 0 : i32
        %dma_start3A_213 = tpu.memref_slice %arg6[%dma_start3A_211, %dma_start3A_212] : memref<256x128xf32, #tpu.memory_space<vmem>> -> memref<128x128xf32, #tpu.memory_space<vmem>>
        %dma_start3A_214 = arith.constant 0 : i32
        %dma_start3A_215 = tpu.memref_slice %arg5[%min3A_209, %dma_start3A_210, %dma_start3A_214] : memref<50x2x128xi32, #tpu.memory_space<vmem>> -> memref<1x1x128xi32, #tpu.memory_space<vmem>>
        %dma_start3A_216 = tpu.memref_squeeze %dma_start3A_215 : memref<1x1x128xi32, #tpu.memory_space<vmem>> -> memref<128xi32, #tpu.memory_space<vmem>>
        %dma_start3A_217 = arith.constant 0 : i32
        %dma_start3A_218 = arith.constant 0 : i32
        %dma_start3A_219 = tpu.memref_slice %arg3[%dma_start3A_217, %dma_start3A_218] : memref<1000000x128xf32, #tpu.memory_space<hbm>> -> memref<1000000x128xf32, #tpu.memory_space<hbm>>
        tpu.enqueue_indirect_dma source(%dma_start3A_219 : memref<1000000x128xf32, #tpu.memory_space<hbm>>) target(%dma_start3A_213 : memref<128x128xf32, #tpu.memory_space<vmem>>) offsets(%dma_start3A_216 : memref<128xi32, #tpu.memory_space<vmem>>) semaphore(%arg10 : memref<!tpu.dma_semaphore, #tpu.memory_space<semaphore_mem>>)
        %dma_start3A_220 = arith.constant 1 : i32
        %dma_start3A_221 = arith.constant 128 : i32
        %dma_start3A_222 = arith.constant 0 : i32
        %dma_start3A_223 = tpu.memref_slice %arg6[%dma_start3A_221, %dma_start3A_222] : memref<256x128xf32, #tpu.memory_space<vmem>> -> memref<128x128xf32, #tpu.memory_space<vmem>>
        %dma_start3A_224 = arith.constant 0 : i32
        %dma_start3A_225 = tpu.memref_slice %arg5[%min3A_209, %dma_start3A_220, %dma_start3A_224] : memref<50x2x128xi32, #tpu.memory_space<vmem>> -> memref<1x1x128xi32, #tpu.memory_space<vmem>>
        %dma_start3A_226 = tpu.memref_squeeze %dma_start3A_225 : memref<1x1x128xi32, #tpu.memory_space<vmem>> -> memref<128xi32, #tpu.memory_space<vmem>>
        %dma_start3A_227 = arith.constant 0 : i32
        %dma_start3A_228 = arith.constant 0 : i32
        %dma_start3A_229 = tpu.memref_slice %arg3[%dma_start3A_227, %dma_start3A_228] : memref<1000000x128xf32, #tpu.memory_space<hbm>> -> memref<1000000x128xf32, #tpu.memory_space<hbm>>
        tpu.enqueue_indirect_dma source(%dma_start3A_229 : memref<1000000x128xf32, #tpu.memory_space<hbm>>) target(%dma_start3A_223 : memref<128x128xf32, #tpu.memory_space<vmem>>) offsets(%dma_start3A_226 : memref<128xi32, #tpu.memory_space<vmem>>) semaphore(%arg10 : memref<!tpu.dma_semaphore, #tpu.memory_space<semaphore_mem>>)
        %dma_wait3A_230 = arith.constant 0 : i32
        %dma_wait3A_231 = arith.constant 0 : i32
        %dma_wait3A_232 = arith.constant 0 : i32
        %dma_wait3A_233 = arith.constant 0 : i32
        %dma_wait3A_234 = tpu.memref_slice %arg7[%dma_wait3A_232, %dma_wait3A_233] : memref<256x128xf32, #tpu.memory_space<vmem>> -> memref<128x128xf32, #tpu.memory_space<vmem>>
        %dma_wait3A_235 = arith.constant 0 : i32
        %dma_wait3A_236 = tpu.memref_slice %arg5[%dma_wait3A_230, %dma_wait3A_231, %dma_wait3A_235] : memref<50x2x128xi32, #tpu.memory_space<vmem>> -> memref<1x1x128xi32, #tpu.memory_space<vmem>>
        %dma_wait3A_237 = tpu.memref_squeeze %dma_wait3A_236 : memref<1x1x128xi32, #tpu.memory_space<vmem>> -> memref<128xi32, #tpu.memory_space<vmem>>
        %dma_wait3A_238 = arith.constant 0 : i32
        %dma_wait3A_239 = arith.constant 0 : i32
        %dma_wait3A_240 = tpu.memref_slice %arg3[%dma_wait3A_238, %dma_wait3A_239] : memref<1000000x128xf32, #tpu.memory_space<hbm>> -> memref<1000000x128xf32, #tpu.memory_space<hbm>>
        tpu.wait_indirect_dma semaphore(%arg11 : memref<!tpu.dma_semaphore, #tpu.memory_space<semaphore_mem>>) src(%dma_wait3A_240 : memref<1000000x128xf32, #tpu.memory_space<hbm>>) dst(%dma_wait3A_234 : memref<128x128xf32, #tpu.memory_space<vmem>>)
        %dma_wait3A_241 = arith.constant 0 : i32
        %dma_wait3A_242 = arith.constant 0 : i32
        %dma_wait3A_243 = arith.constant 128 : i32
        %dma_wait3A_244 = arith.constant 0 : i32
        %dma_wait3A_245 = tpu.memref_slice %arg7[%dma_wait3A_243, %dma_wait3A_244] : memref<256x128xf32, #tpu.memory_space<vmem>> -> memref<128x128xf32, #tpu.memory_space<vmem>>
        %dma_wait3A_246 = arith.constant 0 : i32
        %dma_wait3A_247 = tpu.memref_slice %arg5[%dma_wait3A_241, %dma_wait3A_242, %dma_wait3A_246] : memref<50x2x128xi32, #tpu.memory_space<vmem>> -> memref<1x1x128xi32, #tpu.memory_space<vmem>>
        %dma_wait3A_248 = tpu.memref_squeeze %dma_wait3A_247 : memref<1x1x128xi32, #tpu.memory_space<vmem>> -> memref<128xi32, #tpu.memory_space<vmem>>
        %dma_wait3A_249 = arith.constant 0 : i32
        %dma_wait3A_250 = arith.constant 0 : i32
        %dma_wait3A_251 = tpu.memref_slice %arg3[%dma_wait3A_249, %dma_wait3A_250] : memref<1000000x128xf32, #tpu.memory_space<hbm>> -> memref<1000000x128xf32, #tpu.memory_space<hbm>>
        tpu.wait_indirect_dma semaphore(%arg11 : memref<!tpu.dma_semaphore, #tpu.memory_space<semaphore_mem>>) src(%dma_wait3A_251 : memref<1000000x128xf32, #tpu.memory_space<hbm>>) dst(%dma_wait3A_245 : memref<128x128xf32, #tpu.memory_space<vmem>>)
        %gt3A_252 = arith.constant 0 : i32
        %gt3A_253 = arith.cmpi sgt, %scan3A_79, %gt3A_252 : i32
        %convert_element_type3A_254 = arith.extui %gt3A_253 : i1 to i32
        %cond3A_255 = arith.constant 0 : i32
        %cond3A_256 = arith.cmpi ne, %convert_element_type3A_254, %cond3A_255 : i32
        scf.if %cond3A_256 {
          %dma_wait3A_330 = arith.constant 0 : i32
          %dma_wait3A_331 = arith.constant 0 : i32
          %dma_wait3A_332 = tpu.memref_slice %arg4[%dma_wait3A_330, %dma_wait3A_331, %mul3A_11] : memref<50x64x16384xf32, #tpu.memory_space<hbm>> -> memref<1x64x256xf32, #tpu.memory_space<hbm>>
          %dma_wait3A_333 = tpu.memref_squeeze %dma_wait3A_332 : memref<1x64x256xf32, #tpu.memory_space<hbm>> -> memref<64x256xf32, #tpu.memory_space<hbm>>
          %dma_wait3A_334 = arith.constant 0 : i32
          %dma_wait3A_335 = tpu.memref_slice %arg4[%dma_wait3A_330, %dma_wait3A_334, %mul3A_11] : memref<50x64x16384xf32, #tpu.memory_space<hbm>> -> memref<1x64x256xf32, #tpu.memory_space<hbm>>
          %dma_wait3A_336 = tpu.memref_squeeze %dma_wait3A_335 : memref<1x64x256xf32, #tpu.memory_space<hbm>> -> memref<64x256xf32, #tpu.memory_space<hbm>>
          tpu.wait_dma2 semaphore(%arg13 : memref<!tpu.dma_semaphore, #tpu.memory_space<semaphore_mem>>) src(%arg9 : memref<64x256xf32, #tpu.memory_space<vmem>>) dst(%dma_wait3A_336 : memref<64x256xf32, #tpu.memory_space<hbm>>)
        } else {
        }
        %iota3A_257 = tpu.iota {dimensions = array<i32: 0>} : vector<16xi32>
        %add3A_258 = arith.constant 0 : i32
        %add3A_259 = vector.broadcast %add3A_258 : i32 to vector<16xi32>
        %add3A_260 = arith.addi %iota3A_257, %add3A_259 : vector<16xi32>
        %iota3A_261 = tpu.iota {dimensions = array<i32: 0>} : vector<16xi32>
        %add3A_262 = arith.constant 16 : i32
        %add3A_263 = vector.broadcast %add3A_262 : i32 to vector<16xi32>
        %add3A_264 = arith.addi %iota3A_261, %add3A_263 : vector<16xi32>
        %iota3A_265 = tpu.iota {dimensions = array<i32: 0>} : vector<16xi32>
        %add3A_266 = arith.constant 32 : i32
        %add3A_267 = vector.broadcast %add3A_266 : i32 to vector<16xi32>
        %add3A_268 = arith.addi %iota3A_265, %add3A_267 : vector<16xi32>
        %iota3A_269 = tpu.iota {dimensions = array<i32: 0>} : vector<16xi32>
        %add3A_270 = arith.constant 48 : i32
        %add3A_271 = vector.broadcast %add3A_270 : i32 to vector<16xi32>
        %add3A_272 = arith.addi %iota3A_269, %add3A_271 : vector<16xi32>
        %iota3A_273 = tpu.iota {dimensions = array<i32: 0>} : vector<16xi32>
        %add3A_274 = arith.constant 64 : i32
        %add3A_275 = vector.broadcast %add3A_274 : i32 to vector<16xi32>
        %add3A_276 = arith.addi %iota3A_273, %add3A_275 : vector<16xi32>
        %iota3A_277 = tpu.iota {dimensions = array<i32: 0>} : vector<16xi32>
        %add3A_278 = arith.constant 80 : i32
        %add3A_279 = vector.broadcast %add3A_278 : i32 to vector<16xi32>
        %add3A_280 = arith.addi %iota3A_277, %add3A_279 : vector<16xi32>
        %iota3A_281 = tpu.iota {dimensions = array<i32: 0>} : vector<16xi32>
        %add3A_282 = arith.constant 96 : i32
        %add3A_283 = vector.broadcast %add3A_282 : i32 to vector<16xi32>
        %add3A_284 = arith.addi %iota3A_281, %add3A_283 : vector<16xi32>
        %iota3A_285 = tpu.iota {dimensions = array<i32: 0>} : vector<16xi32>
        %add3A_286 = arith.constant 112 : i32
        %add3A_287 = vector.broadcast %add3A_286 : i32 to vector<16xi32>
        %add3A_288 = arith.addi %iota3A_285, %add3A_287 : vector<16xi32>
        %iota3A_289 = tpu.iota {dimensions = array<i32: 0>} : vector<16xi32>
        %add3A_290 = arith.constant 128 : i32
        %add3A_291 = vector.broadcast %add3A_290 : i32 to vector<16xi32>
        %add3A_292 = arith.addi %iota3A_289, %add3A_291 : vector<16xi32>
        %iota3A_293 = tpu.iota {dimensions = array<i32: 0>} : vector<16xi32>
        %add3A_294 = arith.constant 144 : i32
        %add3A_295 = vector.broadcast %add3A_294 : i32 to vector<16xi32>
        %add3A_296 = arith.addi %iota3A_293, %add3A_295 : vector<16xi32>
        %iota3A_297 = tpu.iota {dimensions = array<i32: 0>} : vector<16xi32>
        %add3A_298 = arith.constant 160 : i32
        %add3A_299 = vector.broadcast %add3A_298 : i32 to vector<16xi32>
        %add3A_300 = arith.addi %iota3A_297, %add3A_299 : vector<16xi32>
        %iota3A_301 = tpu.iota {dimensions = array<i32: 0>} : vector<16xi32>
        %add3A_302 = arith.constant 176 : i32
        %add3A_303 = vector.broadcast %add3A_302 : i32 to vector<16xi32>
        %add3A_304 = arith.addi %iota3A_301, %add3A_303 : vector<16xi32>
        %iota3A_305 = tpu.iota {dimensions = array<i32: 0>} : vector<16xi32>
        %add3A_306 = arith.constant 192 : i32
        %add3A_307 = vector.broadcast %add3A_306 : i32 to vector<16xi32>
        %add3A_308 = arith.addi %iota3A_305, %add3A_307 : vector<16xi32>
        %iota3A_309 = tpu.iota {dimensions = array<i32: 0>} : vector<16xi32>
        %add3A_310 = arith.constant 208 : i32
        %add3A_311 = vector.broadcast %add3A_310 : i32 to vector<16xi32>
        %add3A_312 = arith.addi %iota3A_309, %add3A_311 : vector<16xi32>
        %iota3A_313 = tpu.iota {dimensions = array<i32: 0>} : vector<16xi32>
        %add3A_314 = arith.constant 224 : i32
        %add3A_315 = vector.broadcast %add3A_314 : i32 to vector<16xi32>
        %add3A_316 = arith.addi %iota3A_313, %add3A_315 : vector<16xi32>
        %iota3A_317 = tpu.iota {dimensions = array<i32: 0>} : vector<16xi32>
        %add3A_318 = arith.constant 240 : i32
        %add3A_319 = vector.broadcast %add3A_318 : i32 to vector<16xi32>
        %add3A_320 = arith.addi %iota3A_317, %add3A_319 : vector<16xi32>
        %parallel_loop3A_321 = arith.constant 0 : i32
        %parallel_loop3A_322 = arith.constant 64 : i32
        %parallel_loop3A_323 = arith.constant 1 : i32
        scf.for %parallel_loop3A_330 = %parallel_loop3A_321 to %parallel_loop3A_322 step %parallel_loop3A_323  : i32 {
          %parallel_loop3A_331 = vector.broadcast %parallel_loop3A_330 : i32 to vector<16xi32>
          %parallel_loop3A_332 = tpu.vector_load_idx %arg7[%add3A_260, %parallel_loop3A_331] : memref<256x128xf32, #tpu.memory_space<vmem>>[vector<16xi32>, vector<16xi32>], vector<16xf32>,
          %parallel_loop3A_333 = arith.constant 8.000000e+00 : f32
          %parallel_loop3A_334 = vector.broadcast %parallel_loop3A_333 : f32 to vector<16xf32>
          %parallel_loop3A_335 = arith.mulf %parallel_loop3A_332, %parallel_loop3A_334 : vector<16xf32>
          %parallel_loop3A_336 = arith.index_cast %parallel_loop3A_330 : i32 to index
          %parallel_loop3A_337 = arith.constant 0 : index
          %parallel_loop3A_338 = tpu.vector_load %arg9[%parallel_loop3A_336, %parallel_loop3A_337] {strides = array<i32>} : memref<64x256xf32, #tpu.memory_space<vmem>>, vector<16xf32>,
          tpu.vector_store %arg9[%parallel_loop3A_336, %parallel_loop3A_337], %parallel_loop3A_335 {strides = array<i32>} : memref<64x256xf32, #tpu.memory_space<vmem>>, vector<16xf32>,
          %parallel_loop3A_339 = tpu.vector_load_idx %arg7[%add3A_264, %parallel_loop3A_331] : memref<256x128xf32, #tpu.memory_space<vmem>>[vector<16xi32>, vector<16xi32>], vector<16xf32>,
          %parallel_loop3A_340 = arith.constant 8.000000e+00 : f32
          %parallel_loop3A_341 = vector.broadcast %parallel_loop3A_340 : f32 to vector<16xf32>
          %parallel_loop3A_342 = arith.mulf %parallel_loop3A_339, %parallel_loop3A_341 : vector<16xf32>
          %parallel_loop3A_343 = arith.index_cast %parallel_loop3A_330 : i32 to index
          %parallel_loop3A_344 = arith.constant 16 : index
          %parallel_loop3A_345 = tpu.vector_load %arg9[%parallel_loop3A_343, %parallel_loop3A_344] {strides = array<i32>} : memref<64x256xf32, #tpu.memory_space<vmem>>, vector<16xf32>,
          tpu.vector_store %arg9[%parallel_loop3A_343, %parallel_loop3A_344], %parallel_loop3A_342 {strides = array<i32>} : memref<64x256xf32, #tpu.memory_space<vmem>>, vector<16xf32>,
          %parallel_loop3A_346 = tpu.vector_load_idx %arg7[%add3A_268, %parallel_loop3A_331] : memref<256x128xf32, #tpu.memory_space<vmem>>[vector<16xi32>, vector<16xi32>], vector<16xf32>,
          %parallel_loop3A_347 = arith.constant 8.000000e+00 : f32
          %parallel_loop3A_348 = vector.broadcast %parallel_loop3A_347 : f32 to vector<16xf32>
          %parallel_loop3A_349 = arith.mulf %parallel_loop3A_346, %parallel_loop3A_348 : vector<16xf32>
          %parallel_loop3A_350 = arith.index_cast %parallel_loop3A_330 : i32 to index
          %parallel_loop3A_351 = arith.constant 32 : index
          %parallel_loop3A_352 = tpu.vector_load %arg9[%parallel_loop3A_350, %parallel_loop3A_351] {strides = array<i32>} : memref<64x256xf32, #tpu.memory_space<vmem>>, vector<16xf32>,
          tpu.vector_store %arg9[%parallel_loop3A_350, %parallel_loop3A_351], %parallel_loop3A_349 {strides = array<i32>} : memref<64x256xf32, #tpu.memory_space<vmem>>, vector<16xf32>,
          %parallel_loop3A_353 = tpu.vector_load_idx %arg7[%add3A_272, %parallel_loop3A_331] : memref<256x128xf32, #tpu.memory_space<vmem>>[vector<16xi32>, vector<16xi32>], vector<16xf32>,
          %parallel_loop3A_354 = arith.constant 8.000000e+00 : f32
          %parallel_loop3A_355 = vector.broadcast %parallel_loop3A_354 : f32 to vector<16xf32>
          %parallel_loop3A_356 = arith.mulf %parallel_loop3A_353, %parallel_loop3A_355 : vector<16xf32>
          %parallel_loop3A_357 = arith.index_cast %parallel_loop3A_330 : i32 to index
          %parallel_loop3A_358 = arith.constant 48 : index
          %parallel_loop3A_359 = tpu.vector_load %arg9[%parallel_loop3A_357, %parallel_loop3A_358] {strides = array<i32>} : memref<64x256xf32, #tpu.memory_space<vmem>>, vector<16xf32>,
          tpu.vector_store %arg9[%parallel_loop3A_357, %parallel_loop3A_358], %parallel_loop3A_356 {strides = array<i32>} : memref<64x256xf32, #tpu.memory_space<vmem>>, vector<16xf32>,
          %parallel_loop3A_360 = tpu.vector_load_idx %arg7[%add3A_276, %parallel_loop3A_331] : memref<256x128xf32, #tpu.memory_space<vmem>>[vector<16xi32>, vector<16xi32>], vector<16xf32>,
          %parallel_loop3A_361 = arith.constant 8.000000e+00 : f32
          %parallel_loop3A_362 = vector.broadcast %parallel_loop3A_361 : f32 to vector<16xf32>
          %parallel_loop3A_363 = arith.mulf %parallel_loop3A_360, %parallel_loop3A_362 : vector<16xf32>
          %parallel_loop3A_364 = arith.index_cast %parallel_loop3A_330 : i32 to index
          %parallel_loop3A_365 = arith.constant 64 : index
          %parallel_loop3A_366 = tpu.vector_load %arg9[%parallel_loop3A_364, %parallel_loop3A_365] {strides = array<i32>} : memref<64x256xf32, #tpu.memory_space<vmem>>, vector<16xf32>,
          tpu.vector_store %arg9[%parallel_loop3A_364, %parallel_loop3A_365], %parallel_loop3A_363 {strides = array<i32>} : memref<64x256xf32, #tpu.memory_space<vmem>>, vector<16xf32>,
          %parallel_loop3A_367 = tpu.vector_load_idx %arg7[%add3A_280, %parallel_loop3A_331] : memref<256x128xf32, #tpu.memory_space<vmem>>[vector<16xi32>, vector<16xi32>], vector<16xf32>,
          %parallel_loop3A_368 = arith.constant 8.000000e+00 : f32
          %parallel_loop3A_369 = vector.broadcast %parallel_loop3A_368 : f32 to vector<16xf32>
          %parallel_loop3A_370 = arith.mulf %parallel_loop3A_367, %parallel_loop3A_369 : vector<16xf32>
          %parallel_loop3A_371 = arith.index_cast %parallel_loop3A_330 : i32 to index
          %parallel_loop3A_372 = arith.constant 80 : index
          %parallel_loop3A_373 = tpu.vector_load %arg9[%parallel_loop3A_371, %parallel_loop3A_372] {strides = array<i32>} : memref<64x256xf32, #tpu.memory_space<vmem>>, vector<16xf32>,
          tpu.vector_store %arg9[%parallel_loop3A_371, %parallel_loop3A_372], %parallel_loop3A_370 {strides = array<i32>} : memref<64x256xf32, #tpu.memory_space<vmem>>, vector<16xf32>,
          %parallel_loop3A_374 = tpu.vector_load_idx %arg7[%add3A_284, %parallel_loop3A_331] : memref<256x128xf32, #tpu.memory_space<vmem>>[vector<16xi32>, vector<16xi32>], vector<16xf32>,
          %parallel_loop3A_375 = arith.constant 8.000000e+00 : f32
          %parallel_loop3A_376 = vector.broadcast %parallel_loop3A_375 : f32 to vector<16xf32>
          %parallel_loop3A_377 = arith.mulf %parallel_loop3A_374, %parallel_loop3A_376 : vector<16xf32>
          %parallel_loop3A_378 = arith.index_cast %parallel_loop3A_330 : i32 to index
          %parallel_loop3A_379 = arith.constant 96 : index
          %parallel_loop3A_380 = tpu.vector_load %arg9[%parallel_loop3A_378, %parallel_loop3A_379] {strides = array<i32>} : memref<64x256xf32, #tpu.memory_space<vmem>>, vector<16xf32>,
          tpu.vector_store %arg9[%parallel_loop3A_378, %parallel_loop3A_379], %parallel_loop3A_377 {strides = array<i32>} : memref<64x256xf32, #tpu.memory_space<vmem>>, vector<16xf32>,
          %parallel_loop3A_381 = tpu.vector_load_idx %arg7[%add3A_288, %parallel_loop3A_331] : memref<256x128xf32, #tpu.memory_space<vmem>>[vector<16xi32>, vector<16xi32>], vector<16xf32>,
          %parallel_loop3A_382 = arith.constant 8.000000e+00 : f32
          %parallel_loop3A_383 = vector.broadcast %parallel_loop3A_382 : f32 to vector<16xf32>
          %parallel_loop3A_384 = arith.mulf %parallel_loop3A_381, %parallel_loop3A_383 : vector<16xf32>
          %parallel_loop3A_385 = arith.index_cast %parallel_loop3A_330 : i32 to index
          %parallel_loop3A_386 = arith.constant 112 : index
          %parallel_loop3A_387 = tpu.vector_load %arg9[%parallel_loop3A_385, %parallel_loop3A_386] {strides = array<i32>} : memref<64x256xf32, #tpu.memory_space<vmem>>, vector<16xf32>,
          tpu.vector_store %arg9[%parallel_loop3A_385, %parallel_loop3A_386], %parallel_loop3A_384 {strides = array<i32>} : memref<64x256xf32, #tpu.memory_space<vmem>>, vector<16xf32>,
          %parallel_loop3A_388 = tpu.vector_load_idx %arg7[%add3A_292, %parallel_loop3A_331] : memref<256x128xf32, #tpu.memory_space<vmem>>[vector<16xi32>, vector<16xi32>], vector<16xf32>,
          %parallel_loop3A_389 = arith.constant 8.000000e+00 : f32
          %parallel_loop3A_390 = vector.broadcast %parallel_loop3A_389 : f32 to vector<16xf32>
          %parallel_loop3A_391 = arith.mulf %parallel_loop3A_388, %parallel_loop3A_390 : vector<16xf32>
          %parallel_loop3A_392 = arith.index_cast %parallel_loop3A_330 : i32 to index
          %parallel_loop3A_393 = arith.constant 128 : index
          %parallel_loop3A_394 = tpu.vector_load %arg9[%parallel_loop3A_392, %parallel_loop3A_393] {strides = array<i32>} : memref<64x256xf32, #tpu.memory_space<vmem>>, vector<16xf32>,
          tpu.vector_store %arg9[%parallel_loop3A_392, %parallel_loop3A_393], %parallel_loop3A_391 {strides = array<i32>} : memref<64x256xf32, #tpu.memory_space<vmem>>, vector<16xf32>,
          %parallel_loop3A_395 = tpu.vector_load_idx %arg7[%add3A_296, %parallel_loop3A_331] : memref<256x128xf32, #tpu.memory_space<vmem>>[vector<16xi32>, vector<16xi32>], vector<16xf32>,
          %parallel_loop3A_396 = arith.constant 8.000000e+00 : f32
          %parallel_loop3A_397 = vector.broadcast %parallel_loop3A_396 : f32 to vector<16xf32>
          %parallel_loop3A_398 = arith.mulf %parallel_loop3A_395, %parallel_loop3A_397 : vector<16xf32>
          %parallel_loop3A_399 = arith.index_cast %parallel_loop3A_330 : i32 to index
          %parallel_loop3A_400 = arith.constant 144 : index
          %parallel_loop3A_401 = tpu.vector_load %arg9[%parallel_loop3A_399, %parallel_loop3A_400] {strides = array<i32>} : memref<64x256xf32, #tpu.memory_space<vmem>>, vector<16xf32>,
          tpu.vector_store %arg9[%parallel_loop3A_399, %parallel_loop3A_400], %parallel_loop3A_398 {strides = array<i32>} : memref<64x256xf32, #tpu.memory_space<vmem>>, vector<16xf32>,
          %parallel_loop3A_402 = tpu.vector_load_idx %arg7[%add3A_300, %parallel_loop3A_331] : memref<256x128xf32, #tpu.memory_space<vmem>>[vector<16xi32>, vector<16xi32>], vector<16xf32>,
          %parallel_loop3A_403 = arith.constant 8.000000e+00 : f32
          %parallel_loop3A_404 = vector.broadcast %parallel_loop3A_403 : f32 to vector<16xf32>
          %parallel_loop3A_405 = arith.mulf %parallel_loop3A_402, %parallel_loop3A_404 : vector<16xf32>
          %parallel_loop3A_406 = arith.index_cast %parallel_loop3A_330 : i32 to index
          %parallel_loop3A_407 = arith.constant 160 : index
          %parallel_loop3A_408 = tpu.vector_load %arg9[%parallel_loop3A_406, %parallel_loop3A_407] {strides = array<i32>} : memref<64x256xf32, #tpu.memory_space<vmem>>, vector<16xf32>,
          tpu.vector_store %arg9[%parallel_loop3A_406, %parallel_loop3A_407], %parallel_loop3A_405 {strides = array<i32>} : memref<64x256xf32, #tpu.memory_space<vmem>>, vector<16xf32>,
          %parallel_loop3A_409 = tpu.vector_load_idx %arg7[%add3A_304, %parallel_loop3A_331] : memref<256x128xf32, #tpu.memory_space<vmem>>[vector<16xi32>, vector<16xi32>], vector<16xf32>,
          %parallel_loop3A_410 = arith.constant 8.000000e+00 : f32
          %parallel_loop3A_411 = vector.broadcast %parallel_loop3A_410 : f32 to vector<16xf32>
          %parallel_loop3A_412 = arith.mulf %parallel_loop3A_409, %parallel_loop3A_411 : vector<16xf32>
          %parallel_loop3A_413 = arith.index_cast %parallel_loop3A_330 : i32 to index
          %parallel_loop3A_414 = arith.constant 176 : index
          %parallel_loop3A_415 = tpu.vector_load %arg9[%parallel_loop3A_413, %parallel_loop3A_414] {strides = array<i32>} : memref<64x256xf32, #tpu.memory_space<vmem>>, vector<16xf32>,
          tpu.vector_store %arg9[%parallel_loop3A_413, %parallel_loop3A_414], %parallel_loop3A_412 {strides = array<i32>} : memref<64x256xf32, #tpu.memory_space<vmem>>, vector<16xf32>,
          %parallel_loop3A_416 = tpu.vector_load_idx %arg7[%add3A_308, %parallel_loop3A_331] : memref<256x128xf32, #tpu.memory_space<vmem>>[vector<16xi32>, vector<16xi32>], vector<16xf32>,
          %parallel_loop3A_417 = arith.constant 8.000000e+00 : f32
          %parallel_loop3A_418 = vector.broadcast %parallel_loop3A_417 : f32 to vector<16xf32>
          %parallel_loop3A_419 = arith.mulf %parallel_loop3A_416, %parallel_loop3A_418 : vector<16xf32>
          %parallel_loop3A_420 = arith.index_cast %parallel_loop3A_330 : i32 to index
          %parallel_loop3A_421 = arith.constant 192 : index
          %parallel_loop3A_422 = tpu.vector_load %arg9[%parallel_loop3A_420, %parallel_loop3A_421] {strides = array<i32>} : memref<64x256xf32, #tpu.memory_space<vmem>>, vector<16xf32>,
          tpu.vector_store %arg9[%parallel_loop3A_420, %parallel_loop3A_421], %parallel_loop3A_419 {strides = array<i32>} : memref<64x256xf32, #tpu.memory_space<vmem>>, vector<16xf32>,
          %parallel_loop3A_423 = tpu.vector_load_idx %arg7[%add3A_312, %parallel_loop3A_331] : memref<256x128xf32, #tpu.memory_space<vmem>>[vector<16xi32>, vector<16xi32>], vector<16xf32>,
          %parallel_loop3A_424 = arith.constant 8.000000e+00 : f32
          %parallel_loop3A_425 = vector.broadcast %parallel_loop3A_424 : f32 to vector<16xf32>
          %parallel_loop3A_426 = arith.mulf %parallel_loop3A_423, %parallel_loop3A_425 : vector<16xf32>
          %parallel_loop3A_427 = arith.index_cast %parallel_loop3A_330 : i32 to index
          %parallel_loop3A_428 = arith.constant 208 : index
          %parallel_loop3A_429 = tpu.vector_load %arg9[%parallel_loop3A_427, %parallel_loop3A_428] {strides = array<i32>} : memref<64x256xf32, #tpu.memory_space<vmem>>, vector<16xf32>,
          tpu.vector_store %arg9[%parallel_loop3A_427, %parallel_loop3A_428], %parallel_loop3A_426 {strides = array<i32>} : memref<64x256xf32, #tpu.memory_space<vmem>>, vector<16xf32>,
          %parallel_loop3A_430 = tpu.vector_load_idx %arg7[%add3A_316, %parallel_loop3A_331] : memref<256x128xf32, #tpu.memory_space<vmem>>[vector<16xi32>, vector<16xi32>], vector<16xf32>,
          %parallel_loop3A_431 = arith.constant 8.000000e+00 : f32
          %parallel_loop3A_432 = vector.broadcast %parallel_loop3A_431 : f32 to vector<16xf32>
          %parallel_loop3A_433 = arith.mulf %parallel_loop3A_430, %parallel_loop3A_432 : vector<16xf32>
          %parallel_loop3A_434 = arith.index_cast %parallel_loop3A_330 : i32 to index
          %parallel_loop3A_435 = arith.constant 224 : index
          %parallel_loop3A_436 = tpu.vector_load %arg9[%parallel_loop3A_434, %parallel_loop3A_435] {strides = array<i32>} : memref<64x256xf32, #tpu.memory_space<vmem>>, vector<16xf32>,
          tpu.vector_store %arg9[%parallel_loop3A_434, %parallel_loop3A_435], %parallel_loop3A_433 {strides = array<i32>} : memref<64x256xf32, #tpu.memory_space<vmem>>, vector<16xf32>,
          %parallel_loop3A_437 = tpu.vector_load_idx %arg7[%add3A_320, %parallel_loop3A_331] : memref<256x128xf32, #tpu.memory_space<vmem>>[vector<16xi32>, vector<16xi32>], vector<16xf32>,
          %parallel_loop3A_438 = arith.constant 8.000000e+00 : f32
          %parallel_loop3A_439 = vector.broadcast %parallel_loop3A_438 : f32 to vector<16xf32>
          %parallel_loop3A_440 = arith.mulf %parallel_loop3A_437, %parallel_loop3A_439 : vector<16xf32>
          %parallel_loop3A_441 = arith.index_cast %parallel_loop3A_330 : i32 to index
          %parallel_loop3A_442 = arith.constant 240 : index
          %parallel_loop3A_443 = tpu.vector_load %arg9[%parallel_loop3A_441, %parallel_loop3A_442] {strides = array<i32>} : memref<64x256xf32, #tpu.memory_space<vmem>>, vector<16xf32>,
          tpu.vector_store %arg9[%parallel_loop3A_441, %parallel_loop3A_442], %parallel_loop3A_440 {strides = array<i32>} : memref<64x256xf32, #tpu.memory_space<vmem>>, vector<16xf32>,
        } {sc.loop_unroll_factor = 8 : i64, sc.parallel_access}
        %dma_start3A_324 = arith.constant 0 : i32
        %dma_start3A_325 = tpu.memref_slice %arg4[%add3A_205, %dma_start3A_324, %mul3A_11] : memref<50x64x16384xf32, #tpu.memory_space<hbm>> -> memref<1x64x256xf32, #tpu.memory_space<hbm>>
        %dma_start3A_326 = tpu.memref_squeeze %dma_start3A_325 : memref<1x64x256xf32, #tpu.memory_space<hbm>> -> memref<64x256xf32, #tpu.memory_space<hbm>>
        %dma_start3A_327 = arith.constant 0 : i32
        %dma_start3A_328 = tpu.memref_slice %arg4[%add3A_205, %dma_start3A_327, %mul3A_11] : memref<50x64x16384xf32, #tpu.memory_space<hbm>> -> memref<1x64x256xf32, #tpu.memory_space<hbm>>
        %dma_start3A_329 = tpu.memref_squeeze %dma_start3A_328 : memref<1x64x256xf32, #tpu.memory_space<hbm>> -> memref<64x256xf32, #tpu.memory_space<hbm>>
        tpu.enqueue_dma source(%arg9 : memref<64x256xf32, #tpu.memory_space<vmem>>) target(%dma_start3A_329 : memref<64x256xf32, #tpu.memory_space<hbm>>) target_semaphore(%arg13 : memref<!tpu.dma_semaphore, #tpu.memory_space<semaphore_mem>>)
      }
      %scan3A_43 = arith.constant 25 : i32
      %dma_wait3A = arith.constant 0 : i32
      %dma_wait3A_44 = arith.constant 0 : i32
      %dma_wait3A_45 = tpu.memref_slice %arg4[%dma_wait3A, %dma_wait3A_44, %mul3A_11] : memref<50x64x16384xf32, #tpu.memory_space<hbm>> -> memref<1x64x256xf32, #tpu.memory_space<hbm>>
      %dma_wait3A_46 = tpu.memref_squeeze %dma_wait3A_45 : memref<1x64x256xf32, #tpu.memory_space<hbm>> -> memref<64x256xf32, #tpu.memory_space<hbm>>
      %dma_wait3A_47 = arith.constant 0 : i32
      %dma_wait3A_48 = tpu.memref_slice %arg4[%dma_wait3A, %dma_wait3A_47, %mul3A_11] : memref<50x64x16384xf32, #tpu.memory_space<hbm>> -> memref<1x64x256xf32, #tpu.memory_space<hbm>>
      %dma_wait3A_49 = tpu.memref_squeeze %dma_wait3A_48 : memref<1x64x256xf32, #tpu.memory_space<hbm>> -> memref<64x256xf32, #tpu.memory_space<hbm>>
      tpu.wait_dma2 semaphore(%arg12 : memref<!tpu.dma_semaphore, #tpu.memory_space<semaphore_mem>>) src(%arg8 : memref<64x256xf32, #tpu.memory_space<vmem>>) dst(%dma_wait3A_49 : memref<64x256xf32, #tpu.memory_space<hbm>>)
      %dma_wait3A_50 = arith.constant 0 : i32
      %dma_wait3A_51 = arith.constant 0 : i32
      %dma_wait3A_52 = tpu.memref_slice %arg4[%dma_wait3A_50, %dma_wait3A_51, %mul3A_11] : memref<50x64x16384xf32, #tpu.memory_space<hbm>> -> memref<1x64x256xf32, #tpu.memory_space<hbm>>
      %dma_wait3A_53 = tpu.memref_squeeze %dma_wait3A_52 : memref<1x64x256xf32, #tpu.memory_space<hbm>> -> memref<64x256xf32, #tpu.memory_space<hbm>>
      %dma_wait3A_54 = arith.constant 0 : i32
      %dma_wait3A_55 = tpu.memref_slice %arg4[%dma_wait3A_50, %dma_wait3A_54, %mul3A_11] : memref<50x64x16384xf32, #tpu.memory_space<hbm>> -> memref<1x64x256xf32, #tpu.memory_space<hbm>>
      %dma_wait3A_56 = tpu.memref_squeeze %dma_wait3A_55 : memref<1x64x256xf32, #tpu.memory_space<hbm>> -> memref<64x256xf32, #tpu.memory_space<hbm>>
      tpu.wait_dma2 semaphore(%arg13 : memref<!tpu.dma_semaphore, #tpu.memory_space<semaphore_mem>>) src(%arg9 : memref<64x256xf32, #tpu.memory_space<vmem>>) dst(%dma_wait3A_56 : memref<64x256xf32, #tpu.memory_space<hbm>>)
      %dma_wait3A_57 = arith.constant 0 : i32
      %dma_wait3A_58 = arith.constant 0 : i32
      %dma_wait3A_59 = arith.constant 0 : i32
      %dma_wait3A_60 = arith.constant 0 : i32
      %dma_wait3A_61 = tpu.memref_slice %arg6[%dma_wait3A_59, %dma_wait3A_60] : memref<256x128xf32, #tpu.memory_space<vmem>> -> memref<128x128xf32, #tpu.memory_space<vmem>>
      %dma_wait3A_62 = arith.constant 0 : i32
      %dma_wait3A_63 = tpu.memref_slice %arg5[%dma_wait3A_57, %dma_wait3A_58, %dma_wait3A_62] : memref<50x2x128xi32, #tpu.memory_space<vmem>> -> memref<1x1x128xi32, #tpu.memory_space<vmem>>
      %dma_wait3A_64 = tpu.memref_squeeze %dma_wait3A_63 : memref<1x1x128xi32, #tpu.memory_space<vmem>> -> memref<128xi32, #tpu.memory_space<vmem>>
      %dma_wait3A_65 = arith.constant 0 : i32
      %dma_wait3A_66 = arith.constant 0 : i32
      %dma_wait3A_67 = tpu.memref_slice %arg3[%dma_wait3A_65, %dma_wait3A_66] : memref<1000000x128xf32, #tpu.memory_space<hbm>> -> memref<1000000x128xf32, #tpu.memory_space<hbm>>
      tpu.wait_indirect_dma semaphore(%arg10 : memref<!tpu.dma_semaphore, #tpu.memory_space<semaphore_mem>>) src(%dma_wait3A_67 : memref<1000000x128xf32, #tpu.memory_space<hbm>>) dst(%dma_wait3A_61 : memref<128x128xf32, #tpu.memory_space<vmem>>)
      %dma_wait3A_68 = arith.constant 0 : i32
      %dma_wait3A_69 = arith.constant 0 : i32
      %dma_wait3A_70 = arith.constant 128 : i32
      %dma_wait3A_71 = arith.constant 0 : i32
      %dma_wait3A_72 = tpu.memref_slice %arg6[%dma_wait3A_70, %dma_wait3A_71] : memref<256x128xf32, #tpu.memory_space<vmem>> -> memref<128x128xf32, #tpu.memory_space<vmem>>
      %dma_wait3A_73 = arith.constant 0 : i32
      %dma_wait3A_74 = tpu.memref_slice %arg5[%dma_wait3A_68, %dma_wait3A_69, %dma_wait3A_73] : memref<50x2x128xi32, #tpu.memory_space<vmem>> -> memref<1x1x128xi32, #tpu.memory_space<vmem>>
      %dma_wait3A_75 = tpu.memref_squeeze %dma_wait3A_74 : memref<1x1x128xi32, #tpu.memory_space<vmem>> -> memref<128xi32, #tpu.memory_space<vmem>>
      %dma_wait3A_76 = arith.constant 0 : i32
      %dma_wait3A_77 = arith.constant 0 : i32
      %dma_wait3A_78 = tpu.memref_slice %arg3[%dma_wait3A_76, %dma_wait3A_77] : memref<1000000x128xf32, #tpu.memory_space<hbm>> -> memref<1000000x128xf32, #tpu.memory_space<hbm>>
      tpu.wait_indirect_dma semaphore(%arg10 : memref<!tpu.dma_semaphore, #tpu.memory_space<semaphore_mem>>) src(%dma_wait3A_78 : memref<1000000x128xf32, #tpu.memory_space<hbm>>) dst(%dma_wait3A_72 : memref<128x128xf32, #tpu.memory_space<vmem>>)
    }
    %scan3A_5 = arith.constant 2 : i32
    return
  }
}

</mosaic_0001>

<sc_bundles>
// kernel: kernel.3.cloned.1.call-start
scs
__scs_entry_jumppad:
0x0: {  	(pc) =	sbr.rel $0x88, $3  }
0x1: {  	(tag) =	ssettag $0x0;
	lr =	simm.s32 $0x1  }
0x2: {  	[smem:$0x3F9F] =	sst lr;
	_ =	strace $0xD0000000  }
0x3: {  	_ = 	snop  }
0x4: {  	_ = 	snop  }
0x5: {  	_ = 	snop  }
0x6: {  	_ = 	snop  }
0x7: {  	_ = 	snop  }
__scs_overlays_trampoline_lowered:
0x8: {  	[smem:$0x3FAE] =	sst s0  }
0x9: {  	[smem:$0x3FAF] =	sst s1  }
0xa: {  	[smem:$0x3FB0] =	sst s2  }
0xb: {  	[smem:$0x3FB1] =	sst s3  }
0xc: {  	[smem:$0x3FB2] =	sst s4  }
0xd: {  	[smem:$0x3FB3] =	sst s5  }
0xe: {  	[smem:$0x3FB4] =	sst s6  }
0xf: {  	[smem:$0x3FB5] =	sst s7  }
0x10: {  	[smem:$0x3FB6] =	sst s8  }
0x11: {  	[smem:$0x3FB7] =	sst s9;
	s0 =	simm.s32 @!p0 $0x0  }
0x12: {  	s1 =	sld [smem:$0x3F9D];
	s0 =	simm.s32 @p0 $0x1  }
0x13: {  	[smem:$0x3FB8] =	sst s0;
	s0 =	simm.s32 @!p1 $0x0  }
0x14: {  	s2 =	sld [smem:$0x3F9C];
	s0 =	simm.s32 @p1 $0x1  }
0x15: {  	[smem:$0x3FB9] =	sst s0;
	s0 =	simm.s32 @!p2 $0x0  }
0x16: {  	s3 =	sld [smem:$0x3FDB];
	s0 =	simm.s32 @p2 $0x1  }
0x17: {  	s4 =	simm.s32 $0x1BF5;
	[smem:$0x3FBB] =	sst s0  }
0x18: {  	s0 =	sld [smem:$0x3F9E];
	_ =	swait.ge [sflag:s4], $0x0  }
0x19: {  	s7 =	sld [smem:$0x3F9F]  }
0x1a: {  	s8 =	sadd.s32 $0xFFFFE003, lr  }
0x1b: {  	s9 =	sadd.s32 $0xFFFFFEF7, lr;
	s5 =	simm.s32 $0xFFFFFFFF;
	p2 =	slt.u32 s8, $0xFFFFF086  }
0x1c: {  	p1 =	slt.u32 s9, $0xF7A;
	s5 =	simm.s32 @!p2 $0x0  }
0x1d: {  	s5 =	simm.s32 @p1 $0x1;
	p0 =	seq.s32 s7, s2  }
0x1e: {  	s7 =	smul.u32 @!p0 $0xF7A, s2;
	p2 =	seq.s32 @!p0 s5, $0x0  }
0x1f: {  	s9 =	smul.u32 $0xF7A, s1;
	s8 =	simm.s32 @!p0 $0x1BF5;
	p2 =	por !p2, p0  }
0x20: {  	[sflag:s8] =	ssyncset.s32 @!p0 $0xFFFFF086;
	s6 =	sadd.s32 @!p0 s3, s7;
	s7 =	simm.s32 @!p0 $0x108  }
0x21: {  	s3 =	sadd.s32 s3, s9;
	s6 =	sadd.s32 @!p0 $0x88, s6;
	s7 =	simm.s32 @p2 $0x1082  }
0x22: {  	[simem:s7], [sflag:s8] =	dma.local @!p0 [hbm:s6], $0xF7A  }
0x23: {  	s9 =	sor.u32 $0xD0000000, s2;
	s6 =	simm.s32 $0x108;
	_ =	swait.ge @!p0 [sflag:s8], $0x0  }
0x24: {  	s3 =	sadd.s32 $0x88, s3;
	s6 =	simm.s32 @!p1 $0x1082;
	[sflag:s4] =	ssyncset.s32 $0xFFFFF086  }
0x25: {  	[simem:s6], [sflag:s4] =	dma.local [hbm:s3], $0xF7A  }
0x26: {  	[smem:$0x3F9F] =	sst s1;
	(tag) =	ssettag s2;
	_ =	strace s9  }
0x27: {  	s1 =	sld [smem:$0x3FAF]  }
0x28: {  	s2 =	sld [smem:$0x3FB0]  }
0x29: {  	s4 =	sld [smem:$0x3FB2]  }
0x2a: {  	p0 =	seq.s32 s5, $0x0;
	s5 =	sld [smem:$0x3FB3]  }
0x2b: {  	s6 =	sld [smem:$0x3FB4]  }
0x2c: {  	s7 =	sld [smem:$0x3FB5]  }
0x2d: {  	s3 =	simm.s32 $0x108;
	s8 =	sld [smem:$0x3FB6]  }
0x2e: {  	s3 =	simm.s32 @!p0 $0x1082;
	s9 =	sld [smem:$0x3FB7]  }
0x2f: {  	lr =	sadd.s32 s0, s3;
	s0 =	sld [smem:$0x3FAE]  }
0x30: {  	s3 =	sld [smem:$0x3FB1]  }
0x31: {  	[smem:$0x3FBA] =	sst s10  }
0x32: {  	s10 =	sld [smem:$0x3FB8];
	_ =	sdelay $0x3  }
0x33: {  	p0 =	seq.s32 s10, $0x1;
	s10 =	sld [smem:$0x3FBA];
	_ =	sdelay $0x3  }
0x34: {  	[smem:$0x3FBA] =	sst s10  }
0x35: {  	s10 =	sld [smem:$0x3FB9];
	_ =	sdelay $0x3  }
0x36: {  	p1 =	seq.s32 s10, $0x1;
	s10 =	sld [smem:$0x3FBA];
	_ =	sdelay $0x3  }
0x37: {  	[smem:$0x3FBA] =	sst s10  }
0x38: {  	s10 =	sld [smem:$0x3FBB]  }
0x39: {  	_ = 	snop;
	(pc) =	sbr.ind lr, $3  }
0x3a: {  	_ = 	snop  }
0x3b: {  	_ = 	snop  }
0x3c: {  	p2 =	seq.s32 s10, $0x1;
	s10 =	sld [smem:$0x3FBA]  }
0x3d: {  	_ =	shalt  }
0x3e: {  	_ =	shalt  }
0x3f: {  	_ =	shalt  }
0x40: {  	_ =	shalt  }
0x41: {  	_ =	shalt  }
0x42: {  	_ =	shalt  }
0x43: {  	_ =	shalt  }
0x44: {  	_ =	shalt  }
0x45: {  	_ =	shalt  }
0x46: {  	_ =	shalt  }
0x47: {  	_ =	shalt  }
0x48: {  	_ =	shalt  }
0x49: {  	_ =	shalt  }
0x4a: {  	_ =	shalt  }
0x4b: {  	_ =	shalt  }
0x4c: {  	_ =	shalt  }
0x4d: {  	_ =	shalt  }
0x4e: {  	_ =	shalt  }
0x4f: {  	_ =	shalt  }
0x50: {  	_ =	shalt  }
0x51: {  	_ =	shalt  }
0x52: {  	_ =	shalt  }
0x53: {  	_ =	shalt  }
0x54: {  	_ =	shalt  }
0x55: {  	_ =	shalt  }
0x56: {  	_ =	shalt  }
0x57: {  	_ =	shalt  }
0x58: {  	_ =	shalt  }
0x59: {  	_ =	shalt  }
0x5a: {  	_ =	shalt  }
0x5b: {  	_ =	shalt  }
0x5c: {  	_ =	shalt  }
0x5d: {  	_ =	shalt  }
0x5e: {  	_ =	shalt  }
0x5f: {  	_ =	shalt  }
0x60: {  	_ =	shalt  }
0x61: {  	_ =	shalt  }
0x62: {  	_ =	shalt  }
0x63: {  	_ =	shalt  }
0x64: {  	_ =	shalt  }
0x65: {  	_ =	shalt  }
0x66: {  	_ =	shalt  }
0x67: {  	_ =	shalt  }
0x68: {  	_ =	shalt  }
0x69: {  	_ =	shalt  }
0x6a: {  	_ =	shalt  }
0x6b: {  	_ =	shalt  }
0x6c: {  	_ =	shalt  }
0x6d: {  	_ =	shalt  }
0x6e: {  	_ =	shalt  }
0x6f: {  	_ =	shalt  }
0x70: {  	_ =	shalt  }
0x71: {  	_ =	shalt  }
0x72: {  	_ =	shalt  }
0x73: {  	_ =	shalt  }
0x74: {  	_ =	shalt  }
0x75: {  	_ =	shalt  }
0x76: {  	_ =	shalt  }
0x77: {  	_ =	shalt  }
0x78: {  	_ =	shalt  }
0x79: {  	_ =	shalt  }
0x7a: {  	_ =	shalt  }
0x7b: {  	_ =	shalt  }
0x7c: {  	_ =	shalt  }
0x7d: {  	_ =	shalt  }
0x7e: {  	_ =	shalt  }
0x7f: {  	_ =	shalt  }
0x80: {  	_ =	shalt  }
0x81: {  	_ =	shalt  }
0x82: {  	_ =	shalt  }
0x83: {  	_ =	shalt  }
0x84: {  	_ =	shalt  }
0x85: {  	_ =	shalt  }
0x86: {  	_ =	shalt  }
0x87: {  	_ =	shalt  }
.Lfunc_end0:
.L_simem_size_0:
called_computation_lowered:
.L_overlay_start_0:
0x88: {  	s2 =	sld [smem:$0x3FD9]  }
0x89: {  	s3 =	sld [smem:$0x3FFE];
	_ =	sdelay $0x1  }
0x8a: {  	s1 =	srdreg.scid  }
0x8b: {  	s0 =	sand.u32 $0x1, s1  }
0x8c: {  	s17 =	sshll.u32 s0, $0xA;
	s2 =	sadd.s32 s3, s2  }
0x8d: {  	s2 =	sadd.s32 s2, s17  }
0x8e: {  	[smem:$0x3FC6] =	sst s2  }
0x8f: {  	_ = 	snop  }
0x90: {  	s2 =	sld [smem:$0x3FC9]  }
0x91: {  	s18 =	sld [smem:$0x3FD0];
	(tm) =	ssettm $0x1  }
0x92: {  	s4 =	sld [smem:$0x3FFB];
	_ =	sdelay $0x3  }
0x93: {  	_ =	strace s4  }
0x94: {  	s4 =	sld [smem:$0x3FFC];
	_ =	sdelay $0x3  }
0x95: {  	_ =	strace s4  }
0x96: {  	s4 =	sld [smem:$0x3FFD];
	_ =	sdelay $0x3  }
0x97: {  	_ =	strace s4  }
0x98: {  	_ =	strace $0x8FFFFFFF  }
0x99: {  	s19 =	sld [smem:$0x3FDB];
	_ =	sdelay $0x1  }
0x9a: {  	s5 =	simm.s32 $_scs_section_size  }
0x9b: {  	s6 =	simm.s32 $_size__tile_overlayer_lowered;
	s7 =	simm.s32 $_tile_overlayer_lowered  }
0x9c: {  	s22 =	simm.s32 $0x1BFF;
	s21 =	sshll.u32 s7, $0x1;
	s4 =	sadd.s32 s5, s19  }
0x9d: {  	s8 =	simm.s32 $0x0;
	s20 =	sshll.u32 s6, $0x1;
	s6 =	sadd.s32 s21, s4  }
0x9e: {  	[timem:s8], [sflag:s22] =	dma.local [hbm:s6], s20  }
0x9f: {  	_ =	swait.ge [sflag:s22], s20  }
0xa0: {  	s5 =	ssub.s32 $0x0, s20;
	[sflag:s22] =	ssyncset.done $0x0  }
0xa1: {  	[sflag:s22] =	ssyncadd.s32 s5;
	_ =	sdelay $0x1  }
0xa2: {  	s23 =	simm.s32 $0x1B8B  }
0xa3: {  	_ =	swait.ge [sflag:s23], $0x1  }
0xa4: {  	[sflag:s23] =	ssyncset.done $0x0  }
0xa5: {  	s25 =	simm.s32 $0x1B8E;
	s24 =	sld [smem:$0x3FFE];
	[sflag:s23] =	ssyncadd.s32 $0xFFFFFFFF  }
0xa6: {  	s26 =	simm.s32 $execute0_lowered;
	[smem:$0x3FD2] =	sst s25  }
0xa7: {  	s6 =	sshll.u32 s26, $0x1;
	_ =	strace $0x80000046;
	[dreg:$0x1] =	wrdreg $0xFFFFFFFF  }
0xa8: {  	s28 =	simm.s32 $_size_execute0_lowered;
	s4 =	sadd.s32 s4, s6;
	[dreg:$0x0] =	wrdreg $0x0  }
0xa9: {  	s6 =	sshll.u32 s28, $0x1;
	[dreg:$0x2] =	wrdreg s4  }
0xaa: {  	[dreg:$0x3] =	wrdreg s6  }
0xab: {  	[dreg:$0x4] =	wrdreg $0xC0  }
0xac: {  	_ =	task [dreg:s8], $0x5FFFF  }
0xad: {  	[dreg:$0x1] =	wrdreg $0xFFFFFFFF  }
0xae: {  	[dreg:$0x0] =	wrdreg $0x60  }
0xaf: {  	[dreg:$0x2] =	wrdreg s2  }
0xb0: {  	[dreg:$0x3] =	wrdreg s24  }
0xb1: {  	[dreg:$0x4] =	wrdreg s18  }
0xb2: {  	[dreg:$0x5] =	wrdreg $0x9  }
0xb3: {  	_ =	task.clear_ibuf [dreg:s8], $0x6FFFF;
	_ =	strace $0x90000046  }
0xb4: {  	s29 =	simm.s32 $0x9;
	_ =	strace $0x80000048  }
0xb5: {  	_ =	swait.ge [sflag:s29], $0x1  }
0xb6: {  	[sflag:s29] =	ssyncadd.s32 $0xFFFFFFFF  }
0xb7: {  	_ =	strace $0x90000048  }
0xb8: {  	_ =	sfence  }
0xb9: {  	s30 =	sld [smem:$0x0];
	_ =	sdelay $0x2  }
0xba: {  	s31 =	sshll.u32 s1, $0xD;
	s1 =	sshrl.u32 s1, $0x2  }
0xbb: {  	s3 =	sand.u32 $0x4000, s31;
	s1 =	sadd.s32 s1, s30  }
0xbc: {  	s0 =	sor.u32 s3, s0;
	s1 =	sshll.u32 s1, $0x11  }
0xbd: {  	s0 =	sor.u32 s1, s0  }
0xbe: {  	s0 =	sadd.s32 $0x8F2B, s0  }
0xbf: {  	[sflag:s0] =	ssyncadd.remote.s32 $0x1  }
0xc0: {  	_ =	sfence.sel $0xFFFF  }
0xc1: {  	[dreg:$0x0] =	wrdreg $0xFFFFFFFF;
	(pc) =	sbr.abs _section_cstart, $3  }
0xc2: {  	[dreg:$0x1] =	wrdreg $0xFFFFFFFF  }
0xc3: {  	_ =	task.clear_ibuf [dreg:s8], $0x2FFFF;
	_ =	strace $0x9FFFFFFF  }
0xc4: {  	(tm) =	ssettm $0x7FFFFFFF  }
0xc5: {  	_ =	shalt  }
tec
execute0_lowered:
.L_overlay_start_1:
0x0: {  	(tag) =	ssettag $0x1  }
0x1: {  	s8 =	rddreg [dreg:$0x0]  }
0x2: {  	s0 =	rddreg [dreg:$0x1]  }
0x3: {  	s2 =	rddreg [dreg:$0x2];
	s3 =	simm.s32 $0x0  }
0x4: {  	s1 =	srdreg.scid;
	s5 =	stileid.u32;
	s11 =	simm.s32 $0x5  }
0x5: {  	s12 =	simm.s32 $0x3080;
	s13 =	simm.s32 $0x3180;
	s14 =	simm.s32 $0x80  }
0x6: {  	s15 =	simm.s32 $0x3200;
	s16 =	simm.s32 $0x7200;
	s17 =	simm.s32 $0xB200  }
0x7: {  	v0 =	vlaneseq.u32;
	s18 =	simm.s32 $0xF200;
	s19 =	simm.s32 $0x1;
	s20 =	simm.s32 $0x800  }
0x8: {  	s21 =	simm.s32 $0x20000;
	s22 =	simm.s32 $0x13200;
	s23 =	simm.s32 $0x2;
	v0 =	vmul.u32 $0x80, v0  }
0x9: {  	s24 =	simm.s32 $0x17200;
	s25 =	simm.s32 $0x3;
	s1 =	sand.u32 $0x1, s1  }
0xa: {  	s26 =	simm.s32 $0x4;
	[smem:$0x7FF] =	sst s3;
	s4 =	ssub.s32 $0x2, s1;
	v1 =	vor.u32 $0x800, v0;
	v2 =	vor.u32 $0x1000, v0;
	v3 =	vor.u32 $0x1800, v0  }
0xb: {  	s7 =	sshll.u32 s5, $0x2;
	s5 =	sadd.s32 $0xF42800, s0;
	s6 =	sshrl.u32 s4, $0x1;
	v4 =	vor.u32 $0x2000, v0;
	v5 =	vor.u32 $0x2800, v0;
	v6 =	vor.u32 $0x3000, v0  }
0xc: {  	s10 =	smov.u32 s8;
	s1 =	sshll.u32 s1, $0x1;
	v7 =	vor.u32 $0x3800, v0;
	v8 =	vor.u32 $0x4000, v0;
	v9 =	vor.u32 $0x4800, v0;
	s31 =	ssub.s32 s4, s6  }
0xd: {  	_ =	strace $0x80000047;
	v10 =	vor.u32 $0x5000, v0;
	v11 =	vor.u32 $0x5800, v0;
	v12 =	vor.u32 $0x6000, v0;
	s6 =	sor.u32 s1, s7;
	s0 =	smax.u32 s31, $0x1  }
0xe: {  	v13 =	vor.u32 $0x6800, v0;
	v14 =	vor.u32 $0x7000, v0;
	v15 =	vor.u32 $0x7800, v0;
	s7 =	sadd.s32 $0x80, s8;
	s1 =	simm.s32 $0x0;
	[dreg:$0x4] =	wrdreg s0  }
.LBB2_1:
0xf: {  	[dreg:$0x5] =	wrdreg s1;
	p1 =	por $0x1, $0x1;
	s0 =	simm.s32 $0x0  }
.LBB2_2:
0x10: {  	s0 =	sor.u32 s6, s0  }
0x11: {  	s1 =	sshll.u32 s0, $0x8  }
0x12: {  	s8 =	simm.s32 $0x0;
	s4 =	sadd.s32 s10, s1  }
0x13: {  	[tilespmem:s8], [sflag:$0x5] =	stream.linear.gather [hbm4b:s4+s3], $0x80, $0x38;
	[tilespmem:$0x1B200] =	vst v63  }
0x14: {  	s9 =	simm.s32 $0x100;
	s31 =	sadd.s32 $0x10, s4  }
0x15: {  	[tilespmem:s9], [sflag:$0x5] =	stream.linear.gather [hbm4b:s31+s3], $0x80, $0x38;
	[tilespmem:$0x1B200] =	vst v63  }
0x16: {  	p0 =	por p1, p1;
	s30 =	sadd.s32 $0x20, s4;
	s31 =	simm.s32 $0x200  }
0x17: {  	[tilespmem:s31], [sflag:$0x5] =	stream.linear.gather [hbm4b:s30+s3], $0x80, $0x38;
	[tilespmem:$0x1B200] =	vst v63  }
0x18: {  	s29 =	simm.s32 $0x700;
	s30 =	sadd.s32 $0x30, s4;
	s31 =	simm.s32 $0x300  }
0x19: {  	[tilespmem:s31], [sflag:$0x5] =	stream.linear.gather [hbm4b:s30+s3], $0x80, $0x38;
	[tilespmem:$0x1B200] =	vst v63  }
0x1a: {  	s8 =	simm.s32 $0x2000;
	s30 =	sadd.s32 $0x40, s4;
	s31 =	simm.s32 $0x400  }
0x1b: {  	[tilespmem:s31], [sflag:$0x5] =	stream.linear.gather [hbm4b:s30+s3], $0x80, $0x38;
	[tilespmem:$0x1B200] =	vst v63  }
0x1c: {  	s28 =	sadd.s32 $0x4000, s4;
	s30 =	sadd.s32 $0x50, s4;
	s31 =	simm.s32 $0x500  }
0x1d: {  	[tilespmem:s31], [sflag:$0x5] =	stream.linear.gather [hbm4b:s30+s3], $0x80, $0x38;
	[tilespmem:$0x1B200] =	vst v63  }
0x1e: {  	s9 =	sadd.s32 $0x70, s4;
	s30 =	sadd.s32 $0x60, s4;
	s31 =	simm.s32 $0x600  }
0x1f: {  	[tilespmem:s31], [sflag:$0x5] =	stream.linear.gather [hbm4b:s30+s3], $0x80, $0x38;
	[tilespmem:$0x1B200] =	vst v63  }
.LBB2_3:
0x20: {  	[tilespmem:s29], [sflag:$0x5] =	stream.linear.gather [hbm4b:s9+s3], $0x80, $0x38;
	[tilespmem:$0x1B200] =	vst v63  }
0x21: {  	s29 =	sshra.s32 s8, $0x2;
	p1 =	seq.s32 s8, $0xA000;
	s8 =	sadd.s32 $0x2000, s8  }
0x22: {  	[tilespmem:s29], [sflag:$0x5] =	stream.linear.gather [hbm4b:s28+s3], $0x80, $0x38;
	[tilespmem:$0x1B200] =	vst v63  }
0x23: {  	s9 =	sadd.s32 $0x10, s28;
	s30 =	sadd.s32 $0x100, s29  }
0x24: {  	[tilespmem:s30], [sflag:$0x5] =	stream.linear.gather [hbm4b:s9+s3], $0x80, $0x38;
	[tilespmem:$0x1B200] =	vst v63  }
0x25: {  	s9 =	sadd.s32 $0x20, s28;
	s30 =	sadd.s32 $0x200, s29  }
0x26: {  	[tilespmem:s30], [sflag:$0x5] =	stream.linear.gather [hbm4b:s9+s3], $0x80, $0x38;
	[tilespmem:$0x1B200] =	vst v63  }
0x27: {  	s9 =	sadd.s32 $0x30, s28;
	s30 =	sadd.s32 $0x300, s29  }
0x28: {  	[tilespmem:s30], [sflag:$0x5] =	stream.linear.gather [hbm4b:s9+s3], $0x80, $0x38;
	[tilespmem:$0x1B200] =	vst v63  }
0x29: {  	s9 =	sadd.s32 $0x40, s28;
	s30 =	sadd.s32 $0x400, s29  }
0x2a: {  	[tilespmem:s30], [sflag:$0x5] =	stream.linear.gather [hbm4b:s9+s3], $0x80, $0x38;
	[tilespmem:$0x1B200] =	vst v63  }
.Ltmp0:
0x2b: {  	s9 =	sadd.s32 $0x50, s28;
	s30 =	sadd.s32 $0x500, s29;
	(pc) =	sbr.rel @!p1 .LBB2_3-.Ltmp0, $4  }
0x2c: {  	[tilespmem:s30], [sflag:$0x5] =	stream.linear.gather [hbm4b:s9+s3], $0x80, $0x38;
	[tilespmem:$0x1B200] =	vst v63  }
0x2d: {  	s9 =	sadd.s32 $0x60, s28;
	s30 =	sadd.s32 $0x600, s29  }
0x2e: {  	[tilespmem:s30], [sflag:$0x5] =	stream.linear.gather [hbm4b:s9+s3], $0x80, $0x38;
	[tilespmem:$0x1B200] =	vst v63  }
0x2f: {  	s29 =	sadd.s32 $0x700, s29;
	s9 =	sadd.s32 $0x70, s28;
	s28 =	sadd.s32 $0x4000, s28  }
0x30: {  	[tilespmem:s29], [sflag:$0x5] =	stream.linear.gather [hbm4b:s9+s3], $0x80, $0x38;
	[tilespmem:$0x1B200] =	vst v63  }
0x31: {  	s4 =	sadd.s32 $0x18000, s4;
	s8 =	simm.s32 $0x0;
	s31 =	simm.s32 $0x3000  }
0x32: {  	[tilespmem:s31], [sflag:$0x5] =	stream.linear.gather [hbm4b:s4+s8], $0x80, $0x38;
	[tilespmem:$0x1B200] =	vst v63  }
0x33: {  	s30 =	simm.s32 $0x3100;
	s4 =	sadd.s32 $0x10, s4  }
0x34: {  	[tilespmem:s30], [sflag:$0x5] =	stream.linear.gather [hbm4b:s4+s8], $0x80, $0x38;
	[tilespmem:$0x1B200] =	vst v63  }
0x35: {  	_ =	swait.ge [sflag:s11], $0x1900  }
0x36: {  	[sflag:s11] =	ssyncset.done $0x0  }
0x37: {  	s1 =	sadd.s32 s1, s7;
	s31 =	simm.s32 $0x80;
	[sflag:s11] =	ssyncadd.s32 $0xFFFFE700  }
0x38: {  	[tilespmem:s31], [sflag:$0x5] =	stream.linear.gather [hbm4b:s1+s3], $0x80, $0x38;
	[tilespmem:$0x1B200] =	vst v63  }
0x39: {  	s9 =	simm.s32 $0x180;
	s8 =	sadd.s32 $0x10, s1  }
0x3a: {  	[tilespmem:s9], [sflag:$0x5] =	stream.linear.gather [hbm4b:s8+s3], $0x80, $0x38;
	[tilespmem:$0x1B200] =	vst v63  }
0x3b: {  	s29 =	simm.s32 $0x780;
	s30 =	sadd.s32 $0x20, s1;
	s31 =	simm.s32 $0x280  }
0x3c: {  	[tilespmem:s31], [sflag:$0x5] =	stream.linear.gather [hbm4b:s30+s3], $0x80, $0x38;
	[tilespmem:$0x1B200] =	vst v63  }
0x3d: {  	s28 =	sadd.s32 $0x70, s1;
	s8 =	sadd.s32 $0x30, s1;
	s9 =	simm.s32 $0x380  }
0x3e: {  	[tilespmem:s9], [sflag:$0x5] =	stream.linear.gather [hbm4b:s8+s3], $0x80, $0x38;
	[tilespmem:$0x1B200] =	vst v63  }
0x3f: {  	s4 =	simm.s32 $0x800;
	s30 =	sadd.s32 $0x40, s1;
	s31 =	simm.s32 $0x480  }
0x40: {  	[tilespmem:s31], [sflag:$0x5] =	stream.linear.gather [hbm4b:s30+s3], $0x80, $0x38;
	[tilespmem:$0x1B200] =	vst v63  }
0x41: {  	s8 =	sadd.s32 $0x50, s1;
	s9 =	simm.s32 $0x580;
	s30 =	sadd.s32 $0x60, s1  }
0x42: {  	[tilespmem:s9], [sflag:$0x5] =	stream.linear.gather [hbm4b:s8+s3], $0x80, $0x38;
	[tilespmem:$0x1B200] =	vst v63  }
0x43: {  	s31 =	simm.s32 $0x680;
	s9 =	simm.s32 $0x4000;
	s8 =	sadd.s32 $0x4000, s1  }
0x44: {  	[tilespmem:s31], [sflag:$0x5] =	stream.linear.gather [hbm4b:s30+s3], $0x80, $0x38;
	[tilespmem:$0x1B200] =	vst v63  }
.LBB2_5:
0x45: {  	[tilespmem:s29], [sflag:$0x5] =	stream.linear.gather [hbm4b:s28+s3], $0x80, $0x38;
	[tilespmem:$0x1B200] =	vst v63  }
0x46: {  	s29 =	smov.u32 s4;
	s4 =	smov.u32 s9  }
0x47: {  	s30 =	sadd.s32 $0x2000, s9;
	s4 =	sshra.s32 s4, $0x2;
	s28 =	sadd.s32 $0x80, s29  }
0x48: {  	[tilespmem:s28], [sflag:$0x5] =	stream.linear.gather [hbm4b:s8+s3], $0x80, $0x38;
	[tilespmem:$0x1B200] =	vst v63  }
0x49: {  	p1 =	seq.s32 s9, $0xA000;
	s9 =	sadd.s32 $0x10, s8;
	s28 =	sadd.s32 $0x180, s29  }
0x4a: {  	[tilespmem:s28], [sflag:$0x5] =	stream.linear.gather [hbm4b:s9+s3], $0x80, $0x38;
	[tilespmem:$0x1B200] =	vst v63  }
0x4b: {  	s9 =	sadd.s32 $0x20, s8;
	s28 =	sadd.s32 $0x280, s29  }
0x4c: {  	[tilespmem:s28], [sflag:$0x5] =	stream.linear.gather [hbm4b:s9+s3], $0x80, $0x38;
	[tilespmem:$0x1B200] =	vst v63  }
0x4d: {  	s9 =	sadd.s32 $0x30, s8;
	s28 =	sadd.s32 $0x380, s29  }
0x4e: {  	[tilespmem:s28], [sflag:$0x5] =	stream.linear.gather [hbm4b:s9+s3], $0x80, $0x38;
	[tilespmem:$0x1B200] =	vst v63  }
0x4f: {  	s9 =	sadd.s32 $0x40, s8;
	s28 =	sadd.s32 $0x480, s29  }
0x50: {  	[tilespmem:s28], [sflag:$0x5] =	stream.linear.gather [hbm4b:s9+s3], $0x80, $0x38;
	[tilespmem:$0x1B200] =	vst v63  }
.Ltmp1:
0x51: {  	s9 =	sadd.s32 $0x50, s8;
	s28 =	sadd.s32 $0x580, s29;
	(pc) =	sbr.rel @!p1 .LBB2_5-.Ltmp1, $4  }
0x52: {  	[tilespmem:s28], [sflag:$0x5] =	stream.linear.gather [hbm4b:s9+s3], $0x80, $0x38;
	[tilespmem:$0x1B200] =	vst v63  }
0x53: {  	s9 =	sadd.s32 $0x60, s8;
	s28 =	sadd.s32 $0x680, s29;
	s29 =	sadd.s32 $0x780, s29  }
0x54: {  	[tilespmem:s28], [sflag:$0x5] =	stream.linear.gather [hbm4b:s9+s3], $0x80, $0x38;
	[tilespmem:$0x1B200] =	vst v63  }
0x55: {  	s28 =	sadd.s32 $0x70, s8;
	s8 =	sadd.s32 $0x4000, s8;
	s9 =	smov.u32 s30  }
0x56: {  	[tilespmem:s29], [sflag:$0x5] =	stream.linear.gather [hbm4b:s28+s3], $0x80, $0x38;
	[tilespmem:$0x1B200] =	vst v63  }
0x57: {  	s9 =	sadd.s32 $0x80, s4  }
0x58: {  	[tilespmem:s9], [sflag:$0x5] =	stream.linear.gather [hbm4b:s8+s3], $0x80, $0x38;
	[tilespmem:$0x1B200] =	vst v63  }
0x59: {  	s28 =	sadd.s32 $0x180, s4;
	s9 =	sadd.s32 $0x10, s8  }
0x5a: {  	[tilespmem:s28], [sflag:$0x5] =	stream.linear.gather [hbm4b:s9+s3], $0x80, $0x38;
	[tilespmem:$0x1B200] =	vst v63  }
0x5b: {  	s9 =	sadd.s32 $0x20, s8;
	s28 =	sadd.s32 $0x280, s4  }
0x5c: {  	[tilespmem:s28], [sflag:$0x5] =	stream.linear.gather [hbm4b:s9+s3], $0x80, $0x38;
	[tilespmem:$0x1B200] =	vst v63  }
0x5d: {  	s9 =	sadd.s32 $0x30, s8;
	s28 =	sadd.s32 $0x380, s4  }
0x5e: {  	[tilespmem:s28], [sflag:$0x5] =	stream.linear.gather [hbm4b:s9+s3], $0x80, $0x38;
	[tilespmem:$0x1B200] =	vst v63  }
0x5f: {  	s9 =	sadd.s32 $0x40, s8;
	s28 =	sadd.s32 $0x480, s4  }
0x60: {  	[tilespmem:s28], [sflag:$0x5] =	stream.linear.gather [hbm4b:s9+s3], $0x80, $0x38;
	[tilespmem:$0x1B200] =	vst v63  }
0x61: {  	s9 =	sadd.s32 $0x50, s8;
	s28 =	sadd.s32 $0x580, s4  }
0x62: {  	[tilespmem:s28], [sflag:$0x5] =	stream.linear.gather [hbm4b:s9+s3], $0x80, $0x38;
	[tilespmem:$0x1B200] =	vst v63  }
0x63: {  	s9 =	sadd.s32 $0x60, s8;
	s28 =	sadd.s32 $0x680, s4  }
0x64: {  	[tilespmem:s28], [sflag:$0x5] =	stream.linear.gather [hbm4b:s9+s3], $0x80, $0x38;
	[tilespmem:$0x1B200] =	vst v63  }
0x65: {  	s9 =	sadd.s32 $0x70, s8;
	s28 =	sadd.s32 $0x780, s4  }
0x66: {  	[tilespmem:s28], [sflag:$0x5] =	stream.linear.gather [hbm4b:s9+s3], $0x80, $0x38;
	[tilespmem:$0x1B200] =	vst v63  }
0x67: {  	s1 =	sadd.s32 $0x18000, s1;
	s29 =	simm.s32 $0x0  }
0x68: {  	[tilespmem:s12], [sflag:$0x5] =	stream.linear.gather [hbm4b:s1+s29], $0x80, $0x38;
	[tilespmem:$0x1B200] =	vst v63  }
0x69: {  	s1 =	sadd.s32 $0x10, s1  }
0x6a: {  	[tilespmem:s13], [sflag:$0x5] =	stream.linear.gather [hbm4b:s1+s29], $0x80, $0x38;
	[tilespmem:$0x1B200] =	vst v63  }
0x6b: {  	_ =	swait.ge [sflag:s11], $0x1900  }
0x6c: {  	[sflag:s11] =	ssyncset.done $0x0  }
0x6d: {  	[sflag:s11] =	ssyncadd.s32 $0xFFFFE700  }
0x6e: {  	[tilespmem:s15], [sflag:$0x1] =	stream.indirect.gather [hbm4b:s5+s14], $0x80, s29, s14, $0xb8;
	[tilespmem:$0x1B200] =	vst v63  }
0x6f: {  	s30 =	sshll.u32 s0, $0xB;
	s31 =	simm.s32 $0x0  }
0x70: {  	[tilespmem:s16], [sflag:$0x1] =	stream.indirect.gather [hbm4b:s5+s14], $0x80, s14, s14, $0xb8;
	[tilespmem:$0x1B200] =	vst v63  }
.LBB2_7:
0x71: {  	s0 =	sshllo.u32 s31, $0x1  }
0x72: {  	s1 =	sshll.u32 s0, $0x8  }
0x73: {  	s9 =	simm.s32 $0x1;
	s1 =	sand.u32 $0x3FFFFF00, s1  }
0x74: {  	[tilespmem:s17], [sflag:$0x2] =	stream.indirect.gather [hbm4b:s5+s14], $0x80, s1, s14, $0xb8;
	[tilespmem:$0x1B200] =	vst v63  }
0x75: {  	s4 =	simm.s32 $0x2;
	s8 =	simm.s32 $0x7;
	s1 =	sor.u32 $0x80, s1  }
0x76: {  	v16 =	vmov s9;
	[tilespmem:s18], [sflag:$0x2] =	stream.indirect.gather [hbm4b:s5+s14], $0x80, s1, s14, $0xb8;
	[tilespmem:$0x1B200] =	vst v63  }
0x77: {  	v17 =	vmov s4;
	v19 =	vmov s8;
	v16 =	vand.u32 $0x79, v16;
	_ =	swait.ge [sflag:s19], $0x4000  }
0x78: {  	s9 =	simm.s32 $0x3;
	s4 =	simm.s32 $0x4;
	v18 =	vand.u32 $0x7A, v17;
	v17 =	vbroadcast v16, $0x0;
	v16 =	vand.u32 $0x7F, v19;
	[sflag:s19] =	ssyncset.done $0x0  }
0x79: {  	v20 =	vmov s9;
	v21 =	vmov s4;
	v25 =	vbroadcast v16, $0x0;
	[sflag:s19] =	ssyncadd.s32 $0xFFFFC000  }
0x7a: {  	v31 =	vbroadcast v18, $0x0;
	v18 =	vmov s29;
	v20 =	vand.u32 $0x7B, v20;
	_ =	swait.ge [sflag:s19], $0x4000  }
0x7b: {  	p1 =	seq.s32 s31, $0x0;
	s8 =	simm.s32 $0x5;
	v30 =	vbroadcast v20, $0x0;
	v20 =	vand.u32 $0x7C, v21;
	v22 =	vor.u32 v0, v25;
	[sflag:s19] =	ssyncset.done $0x0  }
0x7c: {  	s4 =	simm.s32 @!p1 $0x3;
	s9 =	simm.s32 $0x6;
	v21 =	vmov s8;
	v16 =	vor.u32 v0, v17;
	v19 =	vor.u32 v0, v31;
	[sflag:s19] =	ssyncadd.s32 $0xFFFFC000  }
0x7d: {  	v29 =	vbroadcast v20, $0x0;
	v20 =	vand.u32 $0x7D, v21;
	v21 =	vmov s9;
	_ =	swait.ge @!p1 [sflag:s4], $0x4000  }
0x7e: {  	v23 =	vor.u32 v0, v30;
	v28 =	vbroadcast v20, $0x0;
	v20 =	vand.u32 $0x7E, v21;
	[sflag:s4] =	ssyncset.done @!p1 $0x0  }
0x7f: {  	v18 =	vand.u32 $0x78, v18;
	v21 =	vor.u32 v0, v29;
	v27 =	vbroadcast v20, $0x0;
	[sflag:s4] =	ssyncadd.s32 @!p1 $0xFFFFC000  }
0x80: {  	v26 =	vbroadcast v18, $0x0;
	v18 =	vor.u32 v0, v28;
	v20 =	vld.idx.msk [tilespmem:v22+s15+$0x0], $0xffff  }
0x81: {  	v16 =	vld.idx.msk [tilespmem:v16+s15+$0x0], $0xffff;
	v22 =	vor.u32 v0, v27  }
0x82: {  	v24 =	vor.u32 v0, v26;
	v19 =	vld.idx.msk [tilespmem:v19+s15+$0x0], $0xffff  }
0x83: {  	v32 =	vor.u32 v1, v25;
	v23 =	vld.idx.msk [tilespmem:v23+s15+$0x0], $0xffff  }
0x84: {  	v33 =	vor.u32 v1, v17;
	v21 =	vld.idx.msk [tilespmem:v21+s15+$0x0], $0xffff  }
0x85: {  	s8 =	simm.s32 $0x8;
	v34 =	vor.u32 v1, v31;
	v18 =	vld.idx.msk [tilespmem:v18+s15+$0x0], $0xffff;
	v20 =	vmul.f32 $8.000000000e+00, v20  }
0x86: {  	v35 =	vmov s8;
	v37 =	vor.u32 v1, v30;
	s4 =	simm.s32 $0x13600;
	v22 =	vld.idx.msk [tilespmem:v22+s15+$0x0], $0xffff;
	v36 =	vmul.f32 $8.000000000e+00, v16  }
0x87: {  	v42 =	vor.u32 v1, v29;
	v24 =	vld.idx.msk [tilespmem:v24+s15+$0x0], $0xffff;
	v16 =	vand.u32 $0x78, v35;
	v19 =	vmul.f32 $8.000000000e+00, v19;
	[tilespmem:s4+$0xFFFFFF80] =	vst v20  }
0x88: {  	v16 =	vbroadcast v16, $0x0;
	[tilespmem:s4+$0xFFFFFC80] =	vst v36;
	v20 =	vmul.f32 $8.000000000e+00, v23;
	v23 =	vor.u32 v1, v28;
	v32 =	vld.idx.msk [tilespmem:v32+s15+$0x0], $0xffff  }
0x89: {  	[tilespmem:s4+$0xFFFFFD00] =	vst v19;
	v19 =	vmul.f32 $8.000000000e+00, v21;
	v21 =	vor.u32 v1, v27;
	v33 =	vld.idx.msk [tilespmem:v33+s15+$0x0], $0xffff  }
0x8a: {  	v18 =	vmul.f32 $8.000000000e+00, v18;
	v43 =	vor.u32 v0, v16;
	v34 =	vld.idx.msk [tilespmem:v34+s15+$0x0], $0xffff;
	[tilespmem:s4+$0xFFFFFD80] =	vst v20  }
0x8b: {  	v20 =	vor.u32 v1, v26;
	[tilespmem:s4+$0xFFFFFE00] =	vst v19;
	v37 =	vld.idx.msk [tilespmem:v37+s15+$0x0], $0xffff;
	v19 =	vmul.f32 $8.000000000e+00, v22  }
0x8c: {  	[tilespmem:s4+$0xFFFFFE80] =	vst v18;
	v18 =	vor.u32 v2, v25;
	v22 =	vld.idx.msk [tilespmem:v42+s15+$0x0], $0xffff  }
0x8d: {  	v44 =	vor.u32 v2, v17;
	v24 =	vmul.f32 $8.000000000e+00, v24;
	v23 =	vld.idx.msk [tilespmem:v23+s15+$0x0], $0xffff;
	[tilespmem:s4+$0xFFFFFF00] =	vst v19  }
0x8e: {  	v19 =	vor.u32 v2, v31;
	v21 =	vld.idx.msk [tilespmem:v21+s15+$0x0], $0xffff;
	v38 =	vmul.f32 $8.000000000e+00, v32  }
0x8f: {  	v45 =	vor.u32 v2, v30;
	[tilespmem:s4+$0xFFFFFC00] =	vst v24;
	v32 =	vld.idx.msk [tilespmem:v43+s15+$0x0], $0xffff;
	v24 =	vmul.f32 $8.000000000e+00, v33  }
0x90: {  	v46 =	vor.u32 v2, v29;
	v34 =	vmul.f32 $8.000000000e+00, v34;
	v20 =	vld.idx.msk [tilespmem:v20+s15+$0x0], $0xffff;
	[tilespmem:s4+$0xFFFFFF90] =	vst v38  }
0x91: {  	v47 =	vor.u32 v2, v28;
	[tilespmem:s4+$0xFFFFFC90] =	vst v24;
	v24 =	vmul.f32 $8.000000000e+00, v37;
	v18 =	vld.idx.msk [tilespmem:v18+s15+$0x0], $0xffff  }
0x92: {  	v48 =	vor.u32 v2, v27;
	[tilespmem:s4+$0xFFFFFD10] =	vst v34;
	v22 =	vmul.f32 $8.000000000e+00, v22;
	v35 =	vld.idx.msk [tilespmem:v44+s15+$0x0], $0xffff  }
0x93: {  	v19 =	vld.idx.msk [tilespmem:v19+s15+$0x0], $0xffff;
	[tilespmem:s4+$0xFFFFFD90] =	vst v24;
	v23 =	vmul.f32 $8.000000000e+00, v23;
	v24 =	vor.u32 v2, v26  }
0x94: {  	[tilespmem:s4+$0xFFFFFE10] =	vst v22;
	v22 =	vor.u32 v3, v25;
	v33 =	vld.idx.msk [tilespmem:v45+s15+$0x0], $0xffff;
	v21 =	vmul.f32 $8.000000000e+00, v21  }
0x95: {  	v36 =	vld.idx.msk [tilespmem:v46+s15+$0x0], $0xffff;
	[tilespmem:s4+$0xFFFFFE90] =	vst v23;
	v20 =	vmul.f32 $8.000000000e+00, v20;
	v23 =	vor.u32 v3, v17  }
0x96: {  	v37 =	vld.idx.msk [tilespmem:v47+s15+$0x0], $0xffff;
	[tilespmem:s4+$0xFFFFFF10] =	vst v21;
	v21 =	vor.u32 v3, v31;
	v18 =	vmul.f32 $8.000000000e+00, v18  }
0x97: {  	v49 =	vor.u32 v3, v30;
	v34 =	vld.idx.msk [tilespmem:v48+s15+$0x0], $0xffff;
	[tilespmem:s4+$0xFFFFFC10] =	vst v20;
	v20 =	vmul.f32 $8.000000000e+00, v35  }
0x98: {  	v50 =	vor.u32 v3, v29;
	v24 =	vld.idx.msk [tilespmem:v24+s15+$0x0], $0xffff;
	v19 =	vmul.f32 $8.000000000e+00, v19;
	[tilespmem:s4+$0xFFFFFFA0] =	vst v18  }
0x99: {  	[tilespmem:s4+$0xFFFFFCA0] =	vst v20;
	v18 =	vmul.f32 $8.000000000e+00, v33;
	v20 =	vor.u32 v3, v28;
	v22 =	vld.idx.msk [tilespmem:v22+s15+$0x0], $0xffff  }
0x9a: {  	v51 =	vor.u32 v3, v27;
	v23 =	vld.idx.msk [tilespmem:v23+s15+$0x0], $0xffff;
	[tilespmem:s4+$0xFFFFFD20] =	vst v19;
	v19 =	vmul.f32 $8.000000000e+00, v36  }
0x9b: {  	v52 =	vor.u32 v3, v26;
	v21 =	vld.idx.msk [tilespmem:v21+s15+$0x0], $0xffff;
	[tilespmem:s4+$0xFFFFFDA0] =	vst v18;
	v18 =	vmul.f32 $8.000000000e+00, v37  }
0x9c: {  	v53 =	vor.u32 v4, v25;
	v35 =	vld.idx.msk [tilespmem:v49+s15+$0x0], $0xffff;
	[tilespmem:s4+$0xFFFFFE20] =	vst v19;
	v19 =	vmul.f32 $8.000000000e+00, v34  }
0x9d: {  	v54 =	vld.idx.msk [tilespmem:v50+s15+$0x0], $0xffff;
	[tilespmem:s4+$0xFFFFFEA0] =	vst v18;
	v18 =	vmul.f32 $8.000000000e+00, v24;
	v24 =	vor.u32 v4, v17  }
0x9e: {  	v20 =	vld.idx.msk [tilespmem:v20+s15+$0x0], $0xffff;
	[tilespmem:s4+$0xFFFFFF20] =	vst v19;
	v19 =	vor.u32 v4, v31;
	v22 =	vmul.f32 $8.000000000e+00, v22  }
0x9f: {  	v33 =	vld.idx.msk [tilespmem:v51+s15+$0x0], $0xffff;
	[tilespmem:s4+$0xFFFFFC20] =	vst v18;
	v18 =	vmul.f32 $8.000000000e+00, v23;
	v23 =	vor.u32 v4, v30  }
0xa0: {  	v55 =	vor.u32 v4, v29;
	v36 =	vld.idx.msk [tilespmem:v52+s15+$0x0], $0xffff;
	v21 =	vmul.f32 $8.000000000e+00, v21;
	[tilespmem:s4+$0xFFFFFFB0] =	vst v22  }
0xa1: {  	[tilespmem:s4+$0xFFFFFCB0] =	vst v18;
	v18 =	vmul.f32 $8.000000000e+00, v35;
	v22 =	vor.u32 v4, v28;
	v34 =	vld.idx.msk [tilespmem:v53+s15+$0x0], $0xffff  }
0xa2: {  	v56 =	vor.u32 v4, v27;
	v24 =	vld.idx.msk [tilespmem:v24+s15+$0x0], $0xffff;
	[tilespmem:s4+$0xFFFFFD30] =	vst v21;
	v21 =	vmul.f32 $8.000000000e+00, v54  }
0xa3: {  	v19 =	vld.idx.msk [tilespmem:v19+s15+$0x0], $0xffff;
	[tilespmem:s4+$0xFFFFFDB0] =	vst v18;
	v18 =	vmul.f32 $8.000000000e+00, v20;
	v20 =	vor.u32 v4, v26  }
0xa4: {  	v57 =	vor.u32 v5, v25;
	v23 =	vld.idx.msk [tilespmem:v23+s15+$0x0], $0xffff;
	[tilespmem:s4+$0xFFFFFE30] =	vst v21;
	v21 =	vmul.f32 $8.000000000e+00, v33  }
0xa5: {  	v59 =	vor.u32 v5, v17;
	v58 =	vld.idx.msk [tilespmem:v55+s15+$0x0], $0xffff;
	[tilespmem:s4+$0xFFFFFEB0] =	vst v18;
	v18 =	vmul.f32 $8.000000000e+00, v36  }
0xa6: {  	v22 =	vld.idx.msk [tilespmem:v22+s15+$0x0], $0xffff;
	[tilespmem:s4+$0xFFFFFF30] =	vst v21;
	v21 =	vor.u32 v5, v31;
	v34 =	vmul.f32 $8.000000000e+00, v34  }
0xa7: {  	v35 =	vld.idx.msk [tilespmem:v56+s15+$0x0], $0xffff;
	[tilespmem:s4+$0xFFFFFC30] =	vst v18;
	v18 =	vmul.f32 $8.000000000e+00, v24;
	v24 =	vor.u32 v5, v30  }
0xa8: {  	v60 =	vor.u32 v5, v29;
	v20 =	vld.idx.msk [tilespmem:v20+s15+$0x0], $0xffff;
	v19 =	vmul.f32 $8.000000000e+00, v19;
	[tilespmem:s4+$0xFFFFFFC0] =	vst v34  }
0xa9: {  	[tilespmem:s4+$0xFFFFFCC0] =	vst v18;
	v18 =	vmul.f32 $8.000000000e+00, v23;
	v23 =	vor.u32 v5, v28;
	v33 =	vld.idx.msk [tilespmem:v57+s15+$0x0], $0xffff  }
0xaa: {  	v62 =	vor.u32 v5, v27;
	v61 =	vld.idx.msk [tilespmem:v59+s15+$0x0], $0xffff;
	[tilespmem:s4+$0xFFFFFD40] =	vst v19;
	v19 =	vmul.f32 $8.000000000e+00, v58  }
0xab: {  	v21 =	vld.idx.msk [tilespmem:v21+s15+$0x0], $0xffff;
	[tilespmem:s4+$0xFFFFFDC0] =	vst v18;
	v18 =	vmul.f32 $8.000000000e+00, v22;
	v22 =	vor.u32 v5, v26  }
0xac: {  	v63 =	vor.u32 v6, v25;
	v24 =	vld.idx.msk [tilespmem:v24+s15+$0x0], $0xffff;
	[tilespmem:s4+$0xFFFFFE40] =	vst v19;
	v19 =	vmul.f32 $8.000000000e+00, v35  }
0xad: {  	v40 =	vld.idx.msk [tilespmem:v60+s15+$0x0], $0xffff;
	[tilespmem:s4+$0xFFFFFEC0] =	vst v18;
	v18 =	vmul.f32 $8.000000000e+00, v20;
	v20 =	vor.u32 v6, v17  }
0xae: {  	v23 =	vld.idx.msk [tilespmem:v23+s15+$0x0], $0xffff;
	[tilespmem:s4+$0xFFFFFF40] =	vst v19;
	v19 =	vor.u32 v6, v31;
	v33 =	vmul.f32 $8.000000000e+00, v33  }
0xaf: {  	v41 =	vor.u32 v6, v30;
	v36 =	vld.idx.msk [tilespmem:v62+s15+$0x0], $0xffff;
	[tilespmem:s4+$0xFFFFFC40] =	vst v18;
	v18 =	vmul.f32 $8.000000000e+00, v61  }
0xb0: {  	v42 =	vor.u32 v6, v29;
	v22 =	vld.idx.msk [tilespmem:v22+s15+$0x0], $0xffff;
	v21 =	vmul.f32 $8.000000000e+00, v21;
	[tilespmem:s4+$0xFFFFFFD0] =	vst v33  }
0xb1: {  	[tilespmem:s4+$0xFFFFFCD0] =	vst v18;
	v18 =	vmul.f32 $8.000000000e+00, v24;
	v24 =	vor.u32 v6, v28;
	v33 =	vld.idx.msk [tilespmem:v63+s15+$0x0], $0xffff  }
0xb2: {  	v43 =	vor.u32 v6, v27;
	v20 =	vld.idx.msk [tilespmem:v20+s15+$0x0], $0xffff;
	[tilespmem:s4+$0xFFFFFD50] =	vst v21;
	v21 =	vmul.f32 $8.000000000e+00, v40  }
0xb3: {  	v19 =	vld.idx.msk [tilespmem:v19+s15+$0x0], $0xffff;
	[tilespmem:s4+$0xFFFFFDD0] =	vst v18;
	v18 =	vmul.f32 $8.000000000e+00, v23;
	v23 =	vor.u32 v6, v26  }
0xb4: {  	v44 =	vor.u32 v7, v25;
	v34 =	vld.idx.msk [tilespmem:v41+s15+$0x0], $0xffff;
	[tilespmem:s4+$0xFFFFFE50] =	vst v21;
	v21 =	vmul.f32 $8.000000000e+00, v36  }
0xb5: {  	v45 =	vld.idx.msk [tilespmem:v42+s15+$0x0], $0xffff;
	[tilespmem:s4+$0xFFFFFED0] =	vst v18;
	v18 =	vmul.f32 $8.000000000e+00, v22;
	v22 =	vor.u32 v7, v17  }
0xb6: {  	v24 =	vld.idx.msk [tilespmem:v24+s15+$0x0], $0xffff;
	[tilespmem:s4+$0xFFFFFF50] =	vst v21;
	v21 =	vor.u32 v7, v31;
	v33 =	vmul.f32 $8.000000000e+00, v33  }
0xb7: {  	v35 =	vld.idx.msk [tilespmem:v43+s15+$0x0], $0xffff;
	[tilespmem:s4+$0xFFFFFC50] =	vst v18;
	v18 =	vmul.f32 $8.000000000e+00, v20;
	v20 =	vor.u32 v7, v30  }
0xb8: {  	v46 =	vor.u32 v7, v29;
	v23 =	vld.idx.msk [tilespmem:v23+s15+$0x0], $0xffff;
	v19 =	vmul.f32 $8.000000000e+00, v19;
	[tilespmem:s4+$0xFFFFFFE0] =	vst v33  }
0xb9: {  	v47 =	vor.u32 v7, v28;
	[tilespmem:s4+$0xFFFFFCE0] =	vst v18;
	v18 =	vmul.f32 $8.000000000e+00, v34;
	v48 =	vld.idx.msk [tilespmem:v44+s15+$0x0], $0xffff  }
0xba: {  	v49 =	vor.u32 v7, v27;
	v22 =	vld.idx.msk [tilespmem:v22+s15+$0x0], $0xffff;
	[tilespmem:s4+$0xFFFFFD60] =	vst v19;
	v19 =	vmul.f32 $8.000000000e+00, v45  }
0xbb: {  	v21 =	vld.idx.msk [tilespmem:v21+s15+$0x0], $0xffff;
	[tilespmem:s4+$0xFFFFFDE0] =	vst v18;
	v18 =	vmul.f32 $8.000000000e+00, v24;
	v24 =	vor.u32 v7, v26  }
0xbc: {  	v50 =	vor.u32 v8, v25;
	v20 =	vld.idx.msk [tilespmem:v20+s15+$0x0], $0xffff;
	[tilespmem:s4+$0xFFFFFE60] =	vst v19;
	v19 =	vmul.f32 $8.000000000e+00, v35  }
0xbd: {  	v51 =	vld.idx.msk [tilespmem:v46+s15+$0x0], $0xffff;
	[tilespmem:s4+$0xFFFFFEE0] =	vst v18;
	v18 =	vmul.f32 $8.000000000e+00, v23;
	v23 =	vor.u32 v8, v17  }
0xbe: {  	s9 =	simm.s32 $0x9;
	v33 =	vld.idx.msk [tilespmem:v47+s15+$0x0], $0xffff;
	[tilespmem:s4+$0xFFFFFF60] =	vst v19;
	v19 =	vor.u32 v8, v31;
	v34 =	vmul.f32 $8.000000000e+00, v48  }
0xbf: {  	v39 =	vor.u32 v8, v30;
	v52 =	vmov s9;
	v36 =	vld.idx.msk [tilespmem:v49+s15+$0x0], $0xffff;
	[tilespmem:s4+$0xFFFFFC60] =	vst v18;
	v22 =	vmul.f32 $8.000000000e+00, v22  }
0xc0: {  	v53 =	vor.u32 v8, v29;
	v18 =	vand.u32 $0x79, v52;
	v24 =	vld.idx.msk [tilespmem:v24+s15+$0x0], $0xffff;
	v21 =	vmul.f32 $8.000000000e+00, v21;
	[tilespmem:s4+$0xFFFFFFF0] =	vst v34  }
0xc1: {  	v18 =	vbroadcast v18, $0x0;
	[tilespmem:s4+$0xFFFFFCF0] =	vst v22;
	v20 =	vmul.f32 $8.000000000e+00, v20;
	v22 =	vor.u32 v8, v28;
	v34 =	vld.idx.msk [tilespmem:v50+s15+$0x0], $0xffff  }
0xc2: {  	v54 =	vor.u32 v8, v27;
	v23 =	vld.idx.msk [tilespmem:v23+s15+$0x0], $0xffff;
	[tilespmem:s4+$0xFFFFFD70] =	vst v21;
	v21 =	vmul.f32 $8.000000000e+00, v51  }
0xc3: {  	v55 =	vor.u32 v0, v18;
	v19 =	vld.idx.msk [tilespmem:v19+s15+$0x0], $0xffff;
	[tilespmem:s4+$0xFFFFFDF0] =	vst v20;
	v20 =	vmul.f32 $8.000000000e+00, v33  }
0xc4: {  	v40 =	vor.u32 v8, v26;
	v39 =	vld.idx.msk [tilespmem:v39+s15+$0x0], $0xffff;
	[tilespmem:s4+$0xFFFFFE70] =	vst v21;
	v21 =	vmul.f32 $8.000000000e+00, v36  }
0xc5: {  	v56 =	vld.idx.msk [tilespmem:v53+s15+$0x0], $0xffff;
	[tilespmem:s4+$0xFFFFFEF0] =	vst v20;
	v20 =	vor.u32 v9, v25  }
0xc6: {  	v57 =	vor.u32 v9, v17;
	v24 =	vmul.f32 $8.000000000e+00, v24;
	v22 =	vld.idx.msk [tilespmem:v22+s15+$0x0], $0xffff;
	[tilespmem:s4+$0xFFFFFF70] =	vst v21  }
0xc7: {  	s8 =	simm.s32 $0xA;
	v21 =	vor.u32 v9, v31;
	v35 =	vld.idx.msk [tilespmem:v54+s15+$0x0], $0xffff;
	v34 =	vmul.f32 $8.000000000e+00, v34  }
0xc8: {  	v58 =	vmov s8;
	v33 =	vld.idx.msk [tilespmem:v55+s15+$0x0], $0xffff;
	[tilespmem:s4+$0xFFFFFC70] =	vst v24;
	v23 =	vmul.f32 $8.000000000e+00, v23;
	v24 =	vor.u32 v9, v30  }
0xc9: {  	v37 =	vand.u32 $0x7A, v58;
	v42 =	vor.u32 v9, v29;
	v40 =	vld.idx.msk [tilespmem:v40+s15+$0x0], $0xffff;
	v41 =	vmul.f32 $8.000000000e+00, v19;
	[tilespmem:s4+$0x380] =	vst v34  }
0xca: {  	v59 =	vor.u32 v9, v28;
	v19 =	vbroadcast v37, $0x0;
	[tilespmem:s4+$0x80] =	vst v23;
	v23 =	vmul.f32 $8.000000000e+00, v39;
	v20 =	vld.idx.msk [tilespmem:v20+s15+$0x0], $0xffff  }
0xcb: {  	v61 =	vor.u32 v9, v27;
	v60 =	vld.idx.msk [tilespmem:v57+s15+$0x0], $0xffff;
	[tilespmem:s4+$0x100] =	vst v41;
	v36 =	vmul.f32 $8.000000000e+00, v56  }
0xcc: {  	v62 =	vor.u32 v0, v19;
	v21 =	vld.idx.msk [tilespmem:v21+s15+$0x0], $0xffff;
	[tilespmem:s4+$0x180] =	vst v23;
	v22 =	vmul.f32 $8.000000000e+00, v22  }
0xcd: {  	v23 =	vor.u32 v9, v26;
	v24 =	vld.idx.msk [tilespmem:v24+s15+$0x0], $0xffff;
	[tilespmem:s4+$0x200] =	vst v36;
	v35 =	vmul.f32 $8.000000000e+00, v35  }
0xce: {  	v36 =	vld.idx.msk [tilespmem:v42+s15+$0x0], $0xffff;
	[tilespmem:s4+$0x280] =	vst v22;
	v22 =	vor.u32 v10, v25  }
0xcf: {  	v63 =	vor.u32 v10, v17;
	v40 =	vmul.f32 $8.000000000e+00, v40;
	v34 =	vld.idx.msk [tilespmem:v59+s15+$0x0], $0xffff;
	[tilespmem:s4+$0x300] =	vst v35  }
0xd0: {  	s9 =	simm.s32 $0xB;
	v45 =	vor.u32 v10, v31;
	v38 =	vld.idx.msk [tilespmem:v61+s15+$0x0], $0xffff;
	v20 =	vmul.f32 $8.000000000e+00, v20  }
0xd1: {  	v46 =	vmov s9;
	v47 =	vor.u32 v10, v30;
	v35 =	vld.idx.msk [tilespmem:v62+s15+$0x0], $0xffff;
	[tilespmem:s4+$0x0] =	vst v40;
	v37 =	vmul.f32 $8.000000000e+00, v60  }
0xd2: {  	v43 =	vor.u32 v10, v29;
	v39 =	vand.u32 $0x7B, v46;
	v23 =	vld.idx.msk [tilespmem:v23+s15+$0x0], $0xffff;
	v21 =	vmul.f32 $8.000000000e+00, v21;
	[tilespmem:s4+$0x390] =	vst v20  }
0xd3: {  	v48 =	vor.u32 v10, v28;
	v20 =	vbroadcast v39, $0x0;
	[tilespmem:s4+$0x90] =	vst v37;
	v24 =	vmul.f32 $8.000000000e+00, v24;
	v22 =	vld.idx.msk [tilespmem:v22+s15+$0x0], $0xffff  }
0xd4: {  	v50 =	vor.u32 v10, v27;
	v49 =	vld.idx.msk [tilespmem:v63+s15+$0x0], $0xffff;
	[tilespmem:s4+$0x110] =	vst v21;
	v21 =	vmul.f32 $8.000000000e+00, v36  }
0xd5: {  	v51 =	vor.u32 v0, v20;
	v42 =	vld.idx.msk [tilespmem:v45+s15+$0x0], $0xffff;
	[tilespmem:s4+$0x190] =	vst v24;
	v24 =	vmul.f32 $8.000000000e+00, v34  }
0xd6: {  	v52 =	vor.u32 v10, v26;
	v40 =	vld.idx.msk [tilespmem:v47+s15+$0x0], $0xffff;
	[tilespmem:s4+$0x210] =	vst v21;
	v21 =	vmul.f32 $8.000000000e+00, v38  }
0xd7: {  	v53 =	vld.idx.msk [tilespmem:v43+s15+$0x0], $0xffff;
	[tilespmem:s4+$0x290] =	vst v24;
	v24 =	vor.u32 v11, v25  }
0xd8: {  	v54 =	vor.u32 v11, v17;
	v23 =	vmul.f32 $8.000000000e+00, v23;
	v37 =	vld.idx.msk [tilespmem:v48+s15+$0x0], $0xffff;
	[tilespmem:s4+$0x310] =	vst v21  }
0xd9: {  	s8 =	simm.s32 $0xC;
	v44 =	vor.u32 v11, v31;
	v45 =	vld.idx.msk [tilespmem:v50+s15+$0x0], $0xffff;
	v21 =	vmul.f32 $8.000000000e+00, v22  }
0xda: {  	v55 =	vor.u32 v11, v30;
	v22 =	vmov s8;
	[tilespmem:s4+$0x10] =	vst v23;
	v23 =	vmul.f32 $8.000000000e+00, v49;
	v36 =	vld.idx.msk [tilespmem:v51+s15+$0x0], $0xffff  }
0xdb: {  	v57 =	vor.u32 v11, v29;
	v22 =	vand.u32 $0x7C, v22;
	v34 =	vld.idx.msk [tilespmem:v52+s15+$0x0], $0xffff;
	v56 =	vmul.f32 $8.000000000e+00, v42;
	[tilespmem:s4+$0x3A0] =	vst v21  }
0xdc: {  	v21 =	vbroadcast v22, $0x0;
	[tilespmem:s4+$0xA0] =	vst v23;
	v22 =	vmul.f32 $8.000000000e+00, v40;
	v23 =	vor.u32 v11, v28;
	v24 =	vld.idx.msk [tilespmem:v24+s15+$0x0], $0xffff  }
0xdd: {  	v58 =	vor.u32 v11, v27;
	v43 =	vld.idx.msk [tilespmem:v54+s15+$0x0], $0xffff;
	[tilespmem:s4+$0x120] =	vst v56;
	v38 =	vmul.f32 $8.000000000e+00, v53  }
0xde: {  	v59 =	vor.u32 v0, v21;
	v44 =	vld.idx.msk [tilespmem:v44+s15+$0x0], $0xffff;
	[tilespmem:s4+$0x1A0] =	vst v22;
	v22 =	vmul.f32 $8.000000000e+00, v37  }
0xdf: {  	v60 =	vor.u32 v11, v26;
	v39 =	vld.idx.msk [tilespmem:v55+s15+$0x0], $0xffff;
	[tilespmem:s4+$0x220] =	vst v38;
	v61 =	vmul.f32 $8.000000000e+00, v45  }
0xe0: {  	v62 =	vor.u32 v12, v25;
	v42 =	vld.idx.msk [tilespmem:v57+s15+$0x0], $0xffff;
	[tilespmem:s4+$0x2A0] =	vst v22  }
0xe1: {  	v63 =	vor.u32 v12, v17;
	v22 =	vmul.f32 $8.000000000e+00, v34;
	v23 =	vld.idx.msk [tilespmem:v23+s15+$0x0], $0xffff;
	[tilespmem:s4+$0x320] =	vst v61  }
0xe2: {  	s9 =	simm.s32 $0xD;
	v48 =	vor.u32 v12, v31;
	v46 =	vld.idx.msk [tilespmem:v58+s15+$0x0], $0xffff;
	v24 =	vmul.f32 $8.000000000e+00, v24  }
0xe3: {  	v47 =	vor.u32 v12, v30;
	v49 =	vmov s9;
	[tilespmem:s4+$0x20] =	vst v22;
	v43 =	vmul.f32 $8.000000000e+00, v43;
	v40 =	vld.idx.msk [tilespmem:v59+s15+$0x0], $0xffff  }
0xe4: {  	v51 =	vor.u32 v12, v29;
	v22 =	vand.u32 $0x7D, v49;
	v37 =	vld.idx.msk [tilespmem:v60+s15+$0x0], $0xffff;
	v50 =	vmul.f32 $8.000000000e+00, v44;
	[tilespmem:s4+$0x3B0] =	vst v24  }
0xe5: {  	v52 =	vor.u32 v12, v28;
	v22 =	vbroadcast v22, $0x0;
	[tilespmem:s4+$0xB0] =	vst v43;
	v24 =	vmul.f32 $8.000000000e+00, v39;
	v53 =	vld.idx.msk [tilespmem:v62+s15+$0x0], $0xffff  }
0xe6: {  	v55 =	vor.u32 v12, v27;
	v34 =	vld.idx.msk [tilespmem:v63+s15+$0x0], $0xffff;
	[tilespmem:s4+$0x130] =	vst v50;
	v54 =	vmul.f32 $8.000000000e+00, v42  }
0xe7: {  	v56 =	vor.u32 v0, v22;
	v38 =	vld.idx.msk [tilespmem:v48+s15+$0x0], $0xffff;
	[tilespmem:s4+$0x1B0] =	vst v24;
	v23 =	vmul.f32 $8.000000000e+00, v23  }
0xe8: {  	v24 =	vor.u32 v12, v26;
	v47 =	vld.idx.msk [tilespmem:v47+s15+$0x0], $0xffff;
	[tilespmem:s4+$0x230] =	vst v54;
	v57 =	vmul.f32 $8.000000000e+00, v46  }
0xe9: {  	v58 =	vor.u32 v13, v25;
	v44 =	vld.idx.msk [tilespmem:v51+s15+$0x0], $0xffff;
	[tilespmem:s4+$0x2B0] =	vst v23  }
0xea: {  	v59 =	vor.u32 v13, v17;
	v23 =	vmul.f32 $8.000000000e+00, v37;
	v39 =	vld.idx.msk [tilespmem:v52+s15+$0x0], $0xffff;
	[tilespmem:s4+$0x330] =	vst v57  }
0xeb: {  	s8 =	simm.s32 $0xE;
	v60 =	vor.u32 v13, v31;
	v42 =	vld.idx.msk [tilespmem:v55+s15+$0x0], $0xffff;
	v43 =	vmul.f32 $8.000000000e+00, v53  }
0xec: {  	v49 =	vor.u32 v13, v30;
	v48 =	vmov s8;
	v45 =	vld.idx.msk [tilespmem:v56+s15+$0x0], $0xffff;
	[tilespmem:s4+$0x30] =	vst v23;
	v34 =	vmul.f32 $8.000000000e+00, v34  }
0xed: {  	v62 =	vor.u32 v13, v29;
	v23 =	vand.u32 $0x7E, v48;
	v61 =	vld.idx.msk [tilespmem:v24+s15+$0x0], $0xffff;
	v24 =	vmul.f32 $8.000000000e+00, v38;
	[tilespmem:s4+$0x3C0] =	vst v43  }
0xee: {  	v52 =	vor.u32 v13, v28;
	v23 =	vbroadcast v23, $0x0;
	[tilespmem:s4+$0xC0] =	vst v34;
	v63 =	vmul.f32 $8.000000000e+00, v47;
	v46 =	vld.idx.msk [tilespmem:v58+s15+$0x0], $0xffff  }
0xef: {  	s9 =	simm.s32 $0xF;
	v53 =	vor.u32 v13, v27;
	v37 =	vld.idx.msk [tilespmem:v59+s15+$0x0], $0xffff;
	[tilespmem:s4+$0x140] =	vst v24;
	v24 =	vmul.f32 $8.000000000e+00, v44  }
0xf0: {  	v50 =	vmov s9;
	v54 =	vor.u32 v0, v23;
	v41 =	vld.idx.msk [tilespmem:v60+s15+$0x0], $0xffff;
	[tilespmem:s4+$0x1C0] =	vst v63;
	v55 =	vmul.f32 $8.000000000e+00, v39  }
0xf1: {  	v57 =	vor.u32 v13, v26;
	v56 =	vand.u32 $0x7F, v50;
	v49 =	vld.idx.msk [tilespmem:v49+s15+$0x0], $0xffff;
	[tilespmem:s4+$0x240] =	vst v24;
	v42 =	vmul.f32 $8.000000000e+00, v42  }
0xf2: {  	v58 =	vor.u32 v14, v25;
	v24 =	vbroadcast v56, $0x0;
	v38 =	vld.idx.msk [tilespmem:v62+s15+$0x0], $0xffff;
	[tilespmem:s4+$0x2C0] =	vst v55  }
0xf3: {  	v60 =	vor.u32 v14, v17;
	v59 =	vmul.f32 $8.000000000e+00, v61;
	v43 =	vld.idx.msk [tilespmem:v52+s15+$0x0], $0xffff;
	[tilespmem:s4+$0x340] =	vst v42  }
0xf4: {  	v61 =	vor.u32 v0, v24;
	v44 =	vld.idx.msk [tilespmem:v53+s15+$0x0], $0xffff;
	v46 =	vmul.f32 $8.000000000e+00, v46  }
0xf5: {  	v62 =	vor.u32 v14, v31;
	v47 =	vld.idx.msk [tilespmem:v54+s15+$0x0], $0xffff;
	[tilespmem:s4+$0x40] =	vst v59;
	v37 =	vmul.f32 $8.000000000e+00, v37  }
0xf6: {  	v51 =	vor.u32 v14, v30;
	v50 =	vld.idx.msk [tilespmem:v57+s15+$0x0], $0xffff;
	v41 =	vmul.f32 $8.000000000e+00, v41;
	[tilespmem:s4+$0x3D0] =	vst v46  }
0xf7: {  	v63 =	vor.u32 v14, v29;
	[tilespmem:s4+$0xD0] =	vst v37;
	v55 =	vmul.f32 $8.000000000e+00, v49;
	v34 =	vld.idx.msk [tilespmem:v58+s15+$0x0], $0xffff  }
0xf8: {  	v56 =	vor.u32 v14, v28;
	v48 =	vld.idx.msk [tilespmem:v60+s15+$0x0], $0xffff;
	[tilespmem:s4+$0x150] =	vst v41;
	v38 =	vmul.f32 $8.000000000e+00, v38  }
0xf9: {  	v58 =	vor.u32 v14, v27;
	v57 =	vld.idx.msk [tilespmem:v61+s15+$0x0], $0xffff;
	[tilespmem:s4+$0x1D0] =	vst v55;
	v43 =	vmul.f32 $8.000000000e+00, v43  }
0xfa: {  	v59 =	vor.u32 v14, v26;
	v52 =	vld.idx.msk [tilespmem:v62+s15+$0x0], $0xffff;
	[tilespmem:s4+$0x250] =	vst v38;
	v60 =	vmul.f32 $8.000000000e+00, v44  }
0xfb: {  	v55 =	vor.u32 v1, v19;
	v44 =	vld.idx.msk [tilespmem:v51+s15+$0x0], $0xffff;
	[tilespmem:s4+$0x2D0] =	vst v43;
	v61 =	vmul.f32 $8.000000000e+00, v50  }
0xfc: {  	v35 =	vmul.f32 $8.000000000e+00, v35;
	s8 =	simm.s32 $0x10;
	v25 =	vor.u32 v15, v25;
	v39 =	vld.idx.msk [tilespmem:v63+s15+$0x0], $0xffff;
	[tilespmem:s4+$0x350] =	vst v60  }
0xfd: {  	v36 =	vmul.f32 $8.000000000e+00, v36;
	v17 =	vor.u32 v15, v17;
	v38 =	vld.idx.msk [tilespmem:v56+s15+$0x0], $0xffff;
	v56 =	vmov s8;
	s8 =	simm.s32 $0x13E00;
	[tilespmem:s4+$0x50] =	vst v61  }
0xfe: {  	v50 =	vor.u32 v1, v24;
	v62 =	vmul.f32 $8.000000000e+00, v34;
	v37 =	vld.idx.msk [tilespmem:v58+s15+$0x0], $0xffff;
	[tilespmem:s8+$0xFFFFFD00] =	vst v35  }
0xff: {  	v63 =	vor.u32 v1, v18;
	v54 =	vmul.f32 $8.000000000e+00, v48;
	[tilespmem:s8+$0xFFFFFD80] =	vst v36;
	v34 =	vld.idx.msk [tilespmem:v59+s15+$0x0], $0xffff  }
0x100: {  	v58 =	vor.u32 v1, v20;
	v41 =	vmul.f32 $8.000000000e+00, v57;
	v42 =	vld.idx.msk [tilespmem:v55+s15+$0x0], $0xffff;
	[tilespmem:s4+$0x3E0] =	vst v62  }
0x101: {  	v61 =	vor.u32 v1, v22;
	v57 =	vmul.f32 $8.000000000e+00, v33;
	[tilespmem:s4+$0xE0] =	vst v54;
	v25 =	vld.idx.msk [tilespmem:v25+s15+$0x0], $0xffff  }
0x102: {  	v32 =	vmul.f32 $8.000000000e+00, v32;
	v53 =	vor.u32 v1, v23;
	[tilespmem:s8+$0xFFFFFF80] =	vst v41;
	v33 =	vld.idx.msk [tilespmem:v17+s15+$0x0], $0xffff  }
0x103: {  	v59 =	vand.u32 $0x78, v56;
	v55 =	vmul.f32 $8.000000000e+00, v45;
	v56 =	vor.u32 v1, v16;
	[tilespmem:s8+$0xFFFFFC80] =	vst v57;
	v62 =	vld.idx.msk [tilespmem:v50+s15+$0x0], $0xffff  }
0x104: {  	v60 =	vor.u32 v1, v21;
	[tilespmem:s8+$0xFFFFFC00] =	vst v32;
	v17 =	vbroadcast v59, $0x0;
	v57 =	vmul.f32 $8.000000000e+00, v47;
	v48 =	vld.idx.msk [tilespmem:v63+s15+$0x0], $0xffff  }
0x105: {  	v27 =	vor.u32 v15, v27;
	v44 =	vmul.f32 $8.000000000e+00, v44;
	[tilespmem:s8+$0xFFFFFE80] =	vst v55;
	v49 =	vld.idx.msk [tilespmem:v58+s15+$0x0], $0xffff  }
0x106: {  	v63 =	vmul.f32 $8.000000000e+00, v40;
	v54 =	vor.u32 v0, v17;
	v41 =	vld.idx.msk [tilespmem:v61+s15+$0x0], $0xffff;
	[tilespmem:s8+$0xFFFFFF00] =	vst v57  }
0x107: {  	[tilespmem:s4+$0x1E0] =	vst v44;
	v58 =	vor.u32 v2, v24;
	v37 =	vmul.f32 $8.000000000e+00, v37;
	v40 =	vld.idx.msk [tilespmem:v53+s15+$0x0], $0xffff  }
0x108: {  	v59 =	vor.u32 v2, v18;
	[tilespmem:s8+$0xFFFFFE00] =	vst v63;
	v45 =	vld.idx.msk [tilespmem:v56+s15+$0x0], $0xffff;
	v25 =	vmul.f32 $8.000000000e+00, v25  }
0x109: {  	v46 =	vld.idx.msk [tilespmem:v60+s15+$0x0], $0xffff;
	v60 =	vor.u32 v2, v19;
	[tilespmem:s4+$0x360] =	vst v37;
	v43 =	vmul.f32 $8.000000000e+00, v62  }
0x10a: {  	v37 =	vld.idx.msk [tilespmem:v27+s15+$0x0], $0xffff;
	v61 =	vmul.f32 $8.000000000e+00, v48;
	v62 =	vor.u32 v2, v20;
	[tilespmem:s4+$0x3F0] =	vst v25  }
0x10b: {  	v42 =	vmul.f32 $8.000000000e+00, v42;
	v56 =	vor.u32 v2, v23;
	v25 =	vld.idx.msk [tilespmem:v54+s15+$0x0], $0xffff;
	[tilespmem:s8+$0xFFFFFF90] =	vst v43  }
0x10c: {  	v63 =	vor.u32 v2, v21;
	v53 =	vmul.f32 $8.000000000e+00, v49;
	[tilespmem:s8+$0xFFFFFC90] =	vst v61;
	v36 =	vld.idx.msk [tilespmem:v58+s15+$0x0], $0xffff  }
0x10d: {  	[tilespmem:s8+$0xFFFFFD10] =	vst v42;
	v54 =	vor.u32 v2, v22;
	v40 =	vmul.f32 $8.000000000e+00, v40;
	v47 =	vld.idx.msk [tilespmem:v59+s15+$0x0], $0xffff  }
0x10e: {  	v31 =	vor.u32 v15, v31;
	v55 =	vmul.f32 $8.000000000e+00, v46;
	v35 =	vld.idx.msk [tilespmem:v60+s15+$0x0], $0xffff;
	[tilespmem:s8+$0xFFFFFD90] =	vst v53  }
0x10f: {  	v57 =	vmul.f32 $8.000000000e+00, v41;
	v58 =	vor.u32 v2, v16;
	[tilespmem:s8+$0xFFFFFF10] =	vst v40;
	v48 =	vld.idx.msk [tilespmem:v62+s15+$0x0], $0xffff  }
0x110: {  	v30 =	vor.u32 v15, v30;
	v59 =	vmul.f32 $8.000000000e+00, v52;
	[tilespmem:s8+$0xFFFFFE10] =	vst v55;
	v46 =	vld.idx.msk [tilespmem:v56+s15+$0x0], $0xffff  }
0x111: {  	v45 =	vmul.f32 $8.000000000e+00, v45;
	[tilespmem:s8+$0xFFFFFE90] =	vst v57;
	v60 =	vor.u32 v3, v24;
	v49 =	vld.idx.msk [tilespmem:v63+s15+$0x0], $0xffff  }
0x112: {  	v61 =	vor.u32 v3, v18;
	[tilespmem:s4+$0x160] =	vst v59;
	v43 =	vld.idx.msk [tilespmem:v54+s15+$0x0], $0xffff;
	v63 =	vmul.f32 $8.000000000e+00, v36  }
0x113: {  	[tilespmem:s8+$0xFFFFFC10] =	vst v45;
	v62 =	vor.u32 v3, v19;
	v36 =	vld.idx.msk [tilespmem:v31+s15+$0x0], $0xffff;
	v35 =	vmul.f32 $8.000000000e+00, v35  }
0x114: {  	v55 =	vor.u32 v3, v20;
	v54 =	vmul.f32 $8.000000000e+00, v47;
	v31 =	vld.idx.msk [tilespmem:v58+s15+$0x0], $0xffff;
	[tilespmem:s8+$0xFFFFFFA0] =	vst v63  }
0x115: {  	v39 =	vmul.f32 $8.000000000e+00, v39;
	v56 =	vor.u32 v3, v21;
	[tilespmem:s8+$0xFFFFFD20] =	vst v35;
	v35 =	vld.idx.msk [tilespmem:v30+s15+$0x0], $0xffff  }
0x116: {  	v58 =	vor.u32 v3, v22;
	[tilespmem:s8+$0xFFFFFCA0] =	vst v54;
	v57 =	vmul.f32 $8.000000000e+00, v48;
	v32 =	vld.idx.msk [tilespmem:v60+s15+$0x0], $0xffff  }
0x117: {  	[tilespmem:s4+$0x260] =	vst v39;
	v59 =	vld.idx.msk [tilespmem:v61+s15+$0x0], $0xffff;
	v60 =	vmul.f32 $8.000000000e+00, v49;
	v61 =	vor.u32 v3, v23  }
0x118: {  	v63 =	vor.u32 v3, v16;
	v40 =	vld.idx.msk [tilespmem:v62+s15+$0x0], $0xffff;
	v62 =	vmul.f32 $8.000000000e+00, v43;
	[tilespmem:s8+$0xFFFFFDA0] =	vst v57  }
0x119: {  	v52 =	vor.u32 v4, v24;
	v51 =	vmul.f32 $8.000000000e+00, v46;
	v45 =	vld.idx.msk [tilespmem:v55+s15+$0x0], $0xffff;
	[tilespmem:s8+$0xFFFFFE20] =	vst v60  }
0x11a: {  	v53 =	vor.u32 v4, v18;
	[tilespmem:s8+$0xFFFFFEA0] =	vst v62;
	v31 =	vmul.f32 $8.000000000e+00, v31;
	v41 =	vld.idx.msk [tilespmem:v56+s15+$0x0], $0xffff  }
0x11b: {  	v54 =	vor.u32 v4, v19;
	[tilespmem:s8+$0xFFFFFF20] =	vst v51;
	v47 =	vld.idx.msk [tilespmem:v58+s15+$0x0], $0xffff;
	v32 =	vmul.f32 $8.000000000e+00, v32  }
0x11c: {  	v55 =	vor.u32 v4, v20;
	[tilespmem:s8+$0xFFFFFC20] =	vst v31;
	v49 =	vld.idx.msk [tilespmem:v61+s15+$0x0], $0xffff;
	v31 =	vmul.f32 $8.000000000e+00, v59  }
0x11d: {  	v56 =	vor.u32 v4, v21;
	v30 =	vld.idx.msk [tilespmem:v63+s15+$0x0], $0xffff;
	v40 =	vmul.f32 $8.000000000e+00, v40;
	[tilespmem:s8+$0xFFFFFFB0] =	vst v32  }
0x11e: {  	v57 =	vor.u32 v4, v22;
	[tilespmem:s8+$0xFFFFFCB0] =	vst v31;
	v31 =	vmul.f32 $8.000000000e+00, v45;
	v42 =	vld.idx.msk [tilespmem:v52+s15+$0x0], $0xffff  }
0x11f: {  	v29 =	vor.u32 v15, v29;
	[tilespmem:s8+$0xFFFFFD30] =	vst v40;
	v58 =	vld.idx.msk [tilespmem:v53+s15+$0x0], $0xffff;
	v59 =	vmul.f32 $8.000000000e+00, v41  }
0x120: {  	v60 =	vor.u32 v4, v23;
	v61 =	vld.idx.msk [tilespmem:v54+s15+$0x0], $0xffff;
	[tilespmem:s8+$0xFFFFFDB0] =	vst v31;
	v31 =	vmul.f32 $8.000000000e+00, v47  }
0x121: {  	v62 =	vor.u32 v4, v16;
	v44 =	vld.idx.msk [tilespmem:v55+s15+$0x0], $0xffff;
	[tilespmem:s8+$0xFFFFFE30] =	vst v59;
	v63 =	vmul.f32 $8.000000000e+00, v49  }
0x122: {  	v30 =	vmul.f32 $8.000000000e+00, v30;
	v43 =	vld.idx.msk [tilespmem:v56+s15+$0x0], $0xffff;
	[tilespmem:s8+$0xFFFFFEB0] =	vst v31;
	v31 =	vor.u32 v5, v24  }
0x123: {  	v38 =	vmul.f32 $8.000000000e+00, v38;
	v52 =	vor.u32 v5, v18;
	v32 =	vld.idx.msk [tilespmem:v57+s15+$0x0], $0xffff;
	[tilespmem:s8+$0xFFFFFF30] =	vst v63  }
0x124: {  	v53 =	vor.u32 v5, v19;
	[tilespmem:s8+$0xFFFFFC30] =	vst v30;
	v30 =	vld.idx.msk [tilespmem:v29+s15+$0x0], $0xffff;
	v42 =	vmul.f32 $8.000000000e+00, v42  }
0x125: {  	[tilespmem:s4+$0x2E0] =	vst v38;
	v55 =	vor.u32 v5, v20;
	v41 =	vld.idx.msk [tilespmem:v60+s15+$0x0], $0xffff;
	v54 =	vmul.f32 $8.000000000e+00, v58  }
0x126: {  	v56 =	vor.u32 v5, v21;
	v29 =	vld.idx.msk [tilespmem:v62+s15+$0x0], $0xffff;
	v46 =	vmul.f32 $8.000000000e+00, v61;
	[tilespmem:s8+$0xFFFFFFC0] =	vst v42  }
0x127: {  	v58 =	vor.u32 v5, v22;
	[tilespmem:s8+$0xFFFFFCC0] =	vst v54;
	v57 =	vmul.f32 $8.000000000e+00, v44;
	v31 =	vld.idx.msk [tilespmem:v31+s15+$0x0], $0xffff  }
0x128: {  	v60 =	vor.u32 v5, v23;
	[tilespmem:s8+$0xFFFFFD40] =	vst v46;
	v59 =	vld.idx.msk [tilespmem:v52+s15+$0x0], $0xffff;
	v43 =	vmul.f32 $8.000000000e+00, v43  }
0x129: {  	v28 =	vor.u32 v15, v28;
	v40 =	vld.idx.msk [tilespmem:v53+s15+$0x0], $0xffff;
	[tilespmem:s8+$0xFFFFFDC0] =	vst v57;
	v32 =	vmul.f32 $8.000000000e+00, v32  }
0x12a: {  	v61 =	vor.u32 v5, v16;
	v45 =	vld.idx.msk [tilespmem:v55+s15+$0x0], $0xffff;
	[tilespmem:s8+$0xFFFFFE40] =	vst v43;
	v41 =	vmul.f32 $8.000000000e+00, v41  }
0x12b: {  	v34 =	vmul.f32 $8.000000000e+00, v34;
	v62 =	vor.u32 v6, v24;
	v43 =	vld.idx.msk [tilespmem:v56+s15+$0x0], $0xffff;
	[tilespmem:s8+$0xFFFFFEC0] =	vst v32  }
0x12c: {  	v63 =	vor.u32 v6, v18;
	v29 =	vmul.f32 $8.000000000e+00, v29;
	v42 =	vld.idx.msk [tilespmem:v58+s15+$0x0], $0xffff;
	[tilespmem:s8+$0xFFFFFF40] =	vst v41  }
0x12d: {  	[tilespmem:s4+$0x60] =	vst v34;
	v52 =	vor.u32 v6, v19;
	v46 =	vld.idx.msk [tilespmem:v60+s15+$0x0], $0xffff;
	v53 =	vmul.f32 $8.000000000e+00, v31  }
0x12e: {  	v54 =	vor.u32 v6, v20;
	[tilespmem:s8+$0xFFFFFC40] =	vst v29;
	v29 =	vmul.f32 $8.000000000e+00, v59;
	v31 =	vld.idx.msk [tilespmem:v28+s15+$0x0], $0xffff  }
0x12f: {  	v56 =	vor.u32 v6, v21;
	v28 =	vld.idx.msk [tilespmem:v61+s15+$0x0], $0xffff;
	v55 =	vmul.f32 $8.000000000e+00, v40;
	[tilespmem:s8+$0xFFFFFFD0] =	vst v53  }
0x130: {  	v57 =	vor.u32 v6, v22;
	[tilespmem:s8+$0xFFFFFCD0] =	vst v29;
	v29 =	vmul.f32 $8.000000000e+00, v45;
	v32 =	vld.idx.msk [tilespmem:v62+s15+$0x0], $0xffff  }
0x131: {  	v26 =	vor.u32 v15, v26;
	[tilespmem:s8+$0xFFFFFD50] =	vst v55;
	v58 =	vld.idx.msk [tilespmem:v63+s15+$0x0], $0xffff;
	v59 =	vmul.f32 $8.000000000e+00, v43  }
0x132: {  	v60 =	vor.u32 v6, v23;
	v41 =	vld.idx.msk [tilespmem:v52+s15+$0x0], $0xffff;
	[tilespmem:s8+$0xFFFFFDD0] =	vst v29;
	v29 =	vmul.f32 $8.000000000e+00, v42  }
0x133: {  	v61 =	vor.u32 v6, v16;
	v38 =	vld.idx.msk [tilespmem:v54+s15+$0x0], $0xffff;
	[tilespmem:s8+$0xFFFFFE50] =	vst v59;
	v62 =	vmul.f32 $8.000000000e+00, v46  }
0x134: {  	v28 =	vmul.f32 $8.000000000e+00, v28;
	v40 =	vld.idx.msk [tilespmem:v56+s15+$0x0], $0xffff;
	[tilespmem:s8+$0xFFFFFED0] =	vst v29;
	v29 =	vor.u32 v7, v24  }
0x135: {  	v63 =	vor.u32 v7, v18;
	v44 =	vld.idx.msk [tilespmem:v57+s15+$0x0], $0xffff;
	[tilespmem:s8+$0xFFFFFF50] =	vst v62;
	v32 =	vmul.f32 $8.000000000e+00, v32  }
0x136: {  	v39 =	vld.idx.msk [tilespmem:v26+s15+$0x0], $0xffff;
	v48 =	vor.u32 v7, v19;
	[tilespmem:s8+$0xFFFFFC50] =	vst v28;
	v28 =	vmul.f32 $8.000000000e+00, v58  }
0x137: {  	v49 =	vor.u32 v7, v20;
	v43 =	vld.idx.msk [tilespmem:v60+s15+$0x0], $0xffff;
	v41 =	vmul.f32 $8.000000000e+00, v41;
	[tilespmem:s8+$0xFFFFFFE0] =	vst v32  }
0x138: {  	v50 =	vor.u32 v7, v21;
	v27 =	vld.idx.msk [tilespmem:v61+s15+$0x0], $0xffff;
	[tilespmem:s8+$0xFFFFFCE0] =	vst v28;
	v28 =	vmul.f32 $8.000000000e+00, v38  }
0x139: {  	v51 =	vor.u32 v7, v22;
	[tilespmem:s8+$0xFFFFFD60] =	vst v41;
	v29 =	vld.idx.msk [tilespmem:v29+s15+$0x0], $0xffff;
	v40 =	vmul.f32 $8.000000000e+00, v40  }
0x13a: {  	v53 =	vor.u32 v7, v23;
	v52 =	vld.idx.msk [tilespmem:v63+s15+$0x0], $0xffff;
	[tilespmem:s8+$0xFFFFFDE0] =	vst v28;
	v28 =	vmul.f32 $8.000000000e+00, v44  }
0x13b: {  	v55 =	vor.u32 v7, v16;
	v54 =	vld.idx.msk [tilespmem:v48+s15+$0x0], $0xffff;
	[tilespmem:s8+$0xFFFFFE60] =	vst v40  }
0x13c: {  	s9 =	simm.s32 $0x11;
	v45 =	vld.idx.msk [tilespmem:v49+s15+$0x0], $0xffff;
	v56 =	vmul.f32 $8.000000000e+00, v43;
	[tilespmem:s8+$0xFFFFFEE0] =	vst v28;
	v28 =	vor.u32 v8, v24  }
0x13d: {  	v59 =	vmov s9;
	v57 =	vor.u32 v8, v18;
	v27 =	vmul.f32 $8.000000000e+00, v27;
	v40 =	vld.idx.msk [tilespmem:v50+s15+$0x0], $0xffff  }
0x13e: {  	v26 =	vand.u32 $0x79, v59;
	v58 =	vor.u32 v8, v19;
	v32 =	vld.idx.msk [tilespmem:v51+s15+$0x0], $0xffff;
	[tilespmem:s8+$0xFFFFFF60] =	vst v56;
	v29 =	vmul.f32 $8.000000000e+00, v29  }
0x13f: {  	v60 =	vor.u32 v8, v20;
	[tilespmem:s8+$0xFFFFFC60] =	vst v27;
	v27 =	vbroadcast v26, $0x0;
	v41 =	vld.idx.msk [tilespmem:v53+s15+$0x0], $0xffff;
	v38 =	vmul.f32 $8.000000000e+00, v52  }
0x140: {  	v63 =	vor.u32 v8, v21;
	v61 =	vld.idx.msk [tilespmem:v55+s15+$0x0], $0xffff;
	v62 =	vmul.f32 $8.000000000e+00, v54;
	[tilespmem:s8+$0xFFFFFFF0] =	vst v29  }
0x141: {  	v49 =	vor.u32 v0, v27;
	[tilespmem:s8+$0xFFFFFCF0] =	vst v38;
	v26 =	vmul.f32 $8.000000000e+00, v45;
	v28 =	vld.idx.msk [tilespmem:v28+s15+$0x0], $0xffff  }
0x142: {  	v29 =	vor.u32 v8, v22;
	[tilespmem:s8+$0xFFFFFD70] =	vst v62;
	v38 =	vld.idx.msk [tilespmem:v57+s15+$0x0], $0xffff;
	v40 =	vmul.f32 $8.000000000e+00, v40  }
0x143: {  	v33 =	vmul.f32 $8.000000000e+00, v33;
	v48 =	vor.u32 v8, v23;
	v43 =	vld.idx.msk [tilespmem:v58+s15+$0x0], $0xffff;
	[tilespmem:s8+$0xFFFFFDF0] =	vst v26  }
0x144: {  	v50 =	vor.u32 v8, v16;
	v26 =	vmul.f32 $8.000000000e+00, v32;
	v47 =	vld.idx.msk [tilespmem:v60+s15+$0x0], $0xffff;
	[tilespmem:s8+$0xFFFFFE70] =	vst v40  }
0x145: {  	[tilespmem:s4+$0xF0] =	vst v33;
	v52 =	vor.u32 v9, v24;
	v51 =	vmul.f32 $8.000000000e+00, v41;
	v40 =	vld.idx.msk [tilespmem:v63+s15+$0x0], $0xffff  }
0x146: {  	v53 =	vor.u32 v9, v18;
	[tilespmem:s8+$0xFFFFFEF0] =	vst v26;
	v26 =	vmul.f32 $8.000000000e+00, v61;
	v32 =	vld.idx.msk [tilespmem:v49+s15+$0x0], $0xffff  }
0x147: {  	s9 =	simm.s32 $0x12;
	v54 =	vor.u32 v9, v19;
	v29 =	vld.idx.msk [tilespmem:v29+s15+$0x0], $0xffff;
	[tilespmem:s8+$0xFFFFFF70] =	vst v51;
	v28 =	vmul.f32 $8.000000000e+00, v28  }
0x148: {  	v56 =	vor.u32 v9, v20;
	v55 =	vmov s9;
	v42 =	vld.idx.msk [tilespmem:v48+s15+$0x0], $0xffff;
	[tilespmem:s8+$0xFFFFFC70] =	vst v26;
	v38 =	vmul.f32 $8.000000000e+00, v38  }
0x149: {  	v58 =	vor.u32 v9, v21;
	v26 =	vand.u32 $0x7A, v55;
	v43 =	vmul.f32 $8.000000000e+00, v43;
	v57 =	vld.idx.msk [tilespmem:v50+s15+$0x0], $0xffff;
	[tilespmem:s8+$0x380] =	vst v28  }
0x14a: {  	v59 =	vor.u32 v9, v22;
	v26 =	vbroadcast v26, $0x0;
	[tilespmem:s8+$0x80] =	vst v38;
	v28 =	vmul.f32 $8.000000000e+00, v47;
	v41 =	vld.idx.msk [tilespmem:v52+s15+$0x0], $0xffff  }
0x14b: {  	v62 =	vor.u32 v9, v23;
	[tilespmem:s8+$0x100] =	vst v43;
	v60 =	vld.idx.msk [tilespmem:v53+s15+$0x0], $0xffff;
	v61 =	vmul.f32 $8.000000000e+00, v40  }
0x14c: {  	v63 =	vor.u32 v0, v26;
	v46 =	vld.idx.msk [tilespmem:v54+s15+$0x0], $0xffff;
	[tilespmem:s8+$0x180] =	vst v28;
	v28 =	vmul.f32 $8.000000000e+00, v29  }
0x14d: {  	v29 =	vor.u32 v9, v16;
	v44 =	vld.idx.msk [tilespmem:v56+s15+$0x0], $0xffff;
	[tilespmem:s8+$0x200] =	vst v61;
	v51 =	vmul.f32 $8.000000000e+00, v42  }
0x14e: {  	v36 =	vmul.f32 $8.000000000e+00, v36;
	v53 =	vor.u32 v10, v24;
	v52 =	vld.idx.msk [tilespmem:v58+s15+$0x0], $0xffff;
	[tilespmem:s8+$0x280] =	vst v28  }
0x14f: {  	v54 =	vor.u32 v10, v18;
	v28 =	vmul.f32 $8.000000000e+00, v57;
	v38 =	vld.idx.msk [tilespmem:v59+s15+$0x0], $0xffff;
	[tilespmem:s8+$0x300] =	vst v51  }
0x150: {  	[tilespmem:s4+$0x170] =	vst v36;
	s9 =	simm.s32 $0x13;
	v55 =	vor.u32 v10, v19;
	v40 =	vld.idx.msk [tilespmem:v62+s15+$0x0], $0xffff;
	v41 =	vmul.f32 $8.000000000e+00, v41  }
0x151: {  	v56 =	vmov s9;
	v58 =	vor.u32 v10, v20;
	v34 =	vld.idx.msk [tilespmem:v63+s15+$0x0], $0xffff;
	[tilespmem:s8+$0x0] =	vst v28;
	v57 =	vmul.f32 $8.000000000e+00, v60  }
0x152: {  	v28 =	vand.u32 $0x7B, v56;
	v59 =	vmul.f32 $8.000000000e+00, v46;
	v60 =	vor.u32 v10, v21;
	v29 =	vld.idx.msk [tilespmem:v29+s15+$0x0], $0xffff;
	[tilespmem:s8+$0x390] =	vst v41  }
0x153: {  	v62 =	vor.u32 v10, v22;
	v28 =	vbroadcast v28, $0x0;
	[tilespmem:s8+$0x90] =	vst v57;
	v61 =	vmul.f32 $8.000000000e+00, v44;
	v63 =	vld.idx.msk [tilespmem:v53+s15+$0x0], $0xffff  }
0x154: {  	[tilespmem:s8+$0x110] =	vst v59;
	v33 =	vld.idx.msk [tilespmem:v54+s15+$0x0], $0xffff;
	v52 =	vmul.f32 $8.000000000e+00, v52;
	v53 =	vor.u32 v10, v23  }
0x155: {  	v54 =	vor.u32 v0, v28;
	v48 =	vld.idx.msk [tilespmem:v55+s15+$0x0], $0xffff;
	[tilespmem:s8+$0x190] =	vst v61;
	v38 =	vmul.f32 $8.000000000e+00, v38  }
0x156: {  	v55 =	vor.u32 v10, v16;
	v47 =	vld.idx.msk [tilespmem:v58+s15+$0x0], $0xffff;
	[tilespmem:s8+$0x210] =	vst v52;
	v56 =	vmul.f32 $8.000000000e+00, v40  }
0x157: {  	v35 =	vmul.f32 $8.000000000e+00, v35;
	v58 =	vor.u32 v11, v24;
	v57 =	vld.idx.msk [tilespmem:v60+s15+$0x0], $0xffff;
	[tilespmem:s8+$0x290] =	vst v38  }
0x158: {  	v59 =	vor.u32 v11, v18;
	v29 =	vmul.f32 $8.000000000e+00, v29;
	v43 =	vld.idx.msk [tilespmem:v62+s15+$0x0], $0xffff;
	[tilespmem:s8+$0x310] =	vst v56  }
0x159: {  	[tilespmem:s4+$0x1F0] =	vst v35;
	s9 =	simm.s32 $0x14;
	v60 =	vor.u32 v11, v19;
	v42 =	vld.idx.msk [tilespmem:v53+s15+$0x0], $0xffff;
	v44 =	vmul.f32 $8.000000000e+00, v63  }
0x15a: {  	v61 =	vmov s9;
	v62 =	vor.u32 v11, v20;
	v35 =	vld.idx.msk [tilespmem:v54+s15+$0x0], $0xffff;
	[tilespmem:s8+$0x10] =	vst v29;
	v33 =	vmul.f32 $8.000000000e+00, v33  }
0x15b: {  	v52 =	vor.u32 v11, v21;
	v29 =	vand.u32 $0x7C, v61;
	v63 =	vmul.f32 $8.000000000e+00, v48;
	v41 =	vld.idx.msk [tilespmem:v55+s15+$0x0], $0xffff;
	[tilespmem:s8+$0x3A0] =	vst v44  }
0x15c: {  	v54 =	vor.u32 v11, v22;
	v29 =	vbroadcast v29, $0x0;
	[tilespmem:s8+$0xA0] =	vst v33;
	v53 =	vmul.f32 $8.000000000e+00, v47;
	v38 =	vld.idx.msk [tilespmem:v58+s15+$0x0], $0xffff  }
0x15d: {  	v55 =	vor.u32 v11, v23;
	[tilespmem:s8+$0x120] =	vst v63;
	v46 =	vld.idx.msk [tilespmem:v59+s15+$0x0], $0xffff;
	v40 =	vmul.f32 $8.000000000e+00, v57  }
0x15e: {  	v56 =	vor.u32 v0, v29;
	v36 =	vld.idx.msk [tilespmem:v60+s15+$0x0], $0xffff;
	[tilespmem:s8+$0x1A0] =	vst v53;
	v57 =	vmul.f32 $8.000000000e+00, v43  }
0x15f: {  	v58 =	vor.u32 v11, v16;
	v49 =	vld.idx.msk [tilespmem:v62+s15+$0x0], $0xffff;
	[tilespmem:s8+$0x220] =	vst v40;
	v59 =	vmul.f32 $8.000000000e+00, v42  }
0x160: {  	v30 =	vmul.f32 $8.000000000e+00, v30;
	v61 =	vor.u32 v12, v24;
	v60 =	vld.idx.msk [tilespmem:v52+s15+$0x0], $0xffff;
	[tilespmem:s8+$0x2A0] =	vst v57  }
0x161: {  	v62 =	vor.u32 v12, v18;
	v41 =	vmul.f32 $8.000000000e+00, v41;
	v44 =	vld.idx.msk [tilespmem:v54+s15+$0x0], $0xffff;
	[tilespmem:s8+$0x320] =	vst v59  }
0x162: {  	[tilespmem:s4+$0x270] =	vst v30;
	s9 =	simm.s32 $0x15;
	v63 =	vor.u32 v12, v19;
	v45 =	vld.idx.msk [tilespmem:v55+s15+$0x0], $0xffff;
	v54 =	vmul.f32 $8.000000000e+00, v38  }
0x163: {  	v30 =	vmov s9;
	v38 =	vld.idx.msk [tilespmem:v56+s15+$0x0], $0xffff;
	[tilespmem:s8+$0x20] =	vst v41;
	v55 =	vmul.f32 $8.000000000e+00, v46;
	v46 =	vor.u32 v12, v20  }
0x164: {  	v30 =	vand.u32 $0x7D, v30;
	v36 =	vmul.f32 $8.000000000e+00, v36;
	v56 =	vor.u32 v12, v21;
	v43 =	vld.idx.msk [tilespmem:v58+s15+$0x0], $0xffff;
	[tilespmem:s8+$0x3B0] =	vst v54  }
0x165: {  	v30 =	vbroadcast v30, $0x0;
	[tilespmem:s8+$0xB0] =	vst v55;
	v59 =	vmul.f32 $8.000000000e+00, v49;
	v49 =	vor.u32 v12, v22;
	v50 =	vld.idx.msk [tilespmem:v61+s15+$0x0], $0xffff  }
0x166: {  	[tilespmem:s8+$0x130] =	vst v36;
	v48 =	vld.idx.msk [tilespmem:v62+s15+$0x0], $0xffff;
	v60 =	vmul.f32 $8.000000000e+00, v60;
	v61 =	vor.u32 v12, v23  }
0x167: {  	v62 =	vor.u32 v0, v30;
	v63 =	vld.idx.msk [tilespmem:v63+s15+$0x0], $0xffff;
	[tilespmem:s8+$0x1B0] =	vst v59;
	v57 =	vmul.f32 $8.000000000e+00, v44  }
0x168: {  	v58 =	vor.u32 v12, v16;
	v53 =	vld.idx.msk [tilespmem:v46+s15+$0x0], $0xffff;
	[tilespmem:s8+$0x230] =	vst v60;
	v59 =	vmul.f32 $8.000000000e+00, v45  }
0x169: {  	v31 =	vmul.f32 $8.000000000e+00, v31;
	v60 =	vor.u32 v13, v24;
	v54 =	vld.idx.msk [tilespmem:v56+s15+$0x0], $0xffff;
	[tilespmem:s8+$0x2B0] =	vst v57  }
0x16a: {  	s9 =	simm.s32 $0x16;
	v55 =	vor.u32 v13, v18;
	v43 =	vmul.f32 $8.000000000e+00, v43;
	v40 =	vld.idx.msk [tilespmem:v49+s15+$0x0], $0xffff;
	[tilespmem:s8+$0x330] =	vst v59  }
0x16b: {  	[tilespmem:s4+$0x2F0] =	vst v31;
	v31 =	vmov s9;
	v44 =	vor.u32 v13, v19;
	v33 =	vld.idx.msk [tilespmem:v61+s15+$0x0], $0xffff;
	v61 =	vmul.f32 $8.000000000e+00, v50  }
0x16c: {  	v36 =	vmul.f32 $8.000000000e+00, v39;
	v45 =	vor.u32 v13, v20;
	v39 =	vld.idx.msk [tilespmem:v62+s15+$0x0], $0xffff;
	[tilespmem:s8+$0x30] =	vst v43;
	v62 =	vmul.f32 $8.000000000e+00, v48  }
0x16d: {  	v31 =	vand.u32 $0x7E, v31;
	v46 =	vor.u32 v13, v21;
	v63 =	vmul.f32 $8.000000000e+00, v63;
	v41 =	vld.idx.msk [tilespmem:v58+s15+$0x0], $0xffff;
	[tilespmem:s8+$0x3C0] =	vst v61  }
0x16e: {  	v31 =	vbroadcast v31, $0x0;
	v47 =	vor.u32 v13, v22;
	[tilespmem:s8+$0xC0] =	vst v62;
	v49 =	vmul.f32 $8.000000000e+00, v53;
	v43 =	vld.idx.msk [tilespmem:v60+s15+$0x0], $0xffff  }
0x16f: {  	s28 =	sshll.u32 s31, $0x1;
	s1 =	simm.s32 $0x18;
	v37 =	vmul.f32 $8.000000000e+00, v37;
	s9 =	simm.s32 $0x17;
	v48 =	vor.u32 v13, v23;
	[tilespmem:s8+$0x140] =	vst v63;
	v42 =	vld.idx.msk [tilespmem:v55+s15+$0x0], $0xffff;
	v50 =	vmul.f32 $8.000000000e+00, v54  }
.LBB2_8:
0x170: {  	p2 =	slt.u32 s1, $0x38;
	v51 =	vor.u32 v0, v31;
	v52 =	vmov s9;
	v44 =	vld.idx.msk [tilespmem:v44+s15+$0x0], $0xffff;
	[tilespmem:s8+$0x1C0] =	vst v49;
	v40 =	vmul.f32 $8.000000000e+00, v40  }
0x171: {  	v33 =	vmul.f32 $8.000000000e+00, v33;
	v49 =	vand.u32 $0x7F, v52;
	v52 =	vor.u32 v13, v16;
	v45 =	vld.idx.msk [tilespmem:v45+s15+$0x0], $0xffff;
	[tilespmem:s8+$0x240] =	vst v50  }
0x172: {  	v49 =	vbroadcast v49, $0x0;
	v46 =	vld.idx.msk [tilespmem:v46+s15+$0x0], $0xffff;
	[tilespmem:s8+$0x2C0] =	vst v40;
	v40 =	vor.u32 v14, v24  }
0x173: {  	v50 =	vor.u32 v14, v18;
	v41 =	vmul.f32 $8.000000000e+00, v41;
	v47 =	vld.idx.msk [tilespmem:v47+s15+$0x0], $0xffff;
	[tilespmem:s8+$0x340] =	vst v33  }
0x174: {  	v43 =	vmul.f32 $8.000000000e+00, v43;
	v33 =	vor.u32 v0, v49;
	v48 =	vld.idx.msk [tilespmem:v48+s15+$0x0], $0xffff;
	[tilespmem:s4+$0x370] =	vst v37  }
0x175: {  	v37 =	vmul.f32 $8.000000000e+00, v42;
	v51 =	vld.idx.msk [tilespmem:v51+s15+$0x0], $0xffff;
	[tilespmem:s8+$0x40] =	vst v41;
	v41 =	vor.u32 v14, v19  }
0x176: {  	v44 =	vmul.f32 $8.000000000e+00, v44;
	v42 =	vld.idx.msk [tilespmem:v52+s15+$0x0], $0xffff;
	v52 =	vor.u32 v14, v20;
	[tilespmem:s8+$0x3D0] =	vst v43  }
0x177: {  	v43 =	vor.u32 v14, v21;
	[tilespmem:s8+$0xD0] =	vst v37;
	v37 =	vmul.f32 $8.000000000e+00, v45;
	v40 =	vld.idx.msk [tilespmem:v40+s15+$0x0], $0xffff  }
0x178: {  	v45 =	vld.idx.msk [tilespmem:v50+s15+$0x0], $0xffff;
	[tilespmem:s8+$0x150] =	vst v44;
	v44 =	vmul.f32 $8.000000000e+00, v46;
	v46 =	vor.u32 v14, v22  }
0x179: {  	v33 =	vld.idx.msk [tilespmem:v33+s15+$0x0], $0xffff;
	[tilespmem:s8+$0x1D0] =	vst v37;
	v37 =	vmul.f32 $8.000000000e+00, v47;
	v47 =	vor.u32 v14, v23  }
0x17a: {  	v50 =	vor.u32 v14, v16;
	v41 =	vld.idx.msk [tilespmem:v41+s15+$0x0], $0xffff;
	[tilespmem:s8+$0x250] =	vst v44;
	v44 =	vmul.f32 $8.000000000e+00, v48  }
0x17b: {  	v48 =	vld.idx.msk [tilespmem:v52+s15+$0x0], $0xffff;
	[tilespmem:s8+$0x2D0] =	vst v37;
	v37 =	vor.u32 v15, v24;
	v24 =	vmov v49  }
0x17c: {  	v42 =	vmul.f32 $8.000000000e+00, v42;
	v49 =	vor.u32 v15, v18;
	v18 =	vmov v27;
	v43 =	vld.idx.msk [tilespmem:v43+s15+$0x0], $0xffff;
	[tilespmem:s8+$0x350] =	vst v44  }
0x17d: {  	v27 =	vmov s1;
	v44 =	vor.u32 v1, v24;
	v40 =	vmul.f32 $8.000000000e+00, v40;
	v46 =	vld.idx.msk [tilespmem:v46+s15+$0x0], $0xffff;
	[tilespmem:s4+$0x70] =	vst v36;
	s4 =	smov.u32 s8  }
0x17e: {  	v27 =	vand.u32 $0x78, v27;
	v52 =	vor.u32 v1, v18;
	v36 =	vmul.f32 $8.000000000e+00, v45;
	[tilespmem:s8+$0x50] =	vst v42;
	v42 =	vld.idx.msk [tilespmem:v47+s15+$0x0], $0xffff  }
0x17f: {  	v27 =	vbroadcast v27, $0x0;
	v45 =	vor.u32 v1, v26;
	v33 =	vmul.f32 $8.000000000e+00, v33;
	v47 =	vld.idx.msk [tilespmem:v50+s15+$0x0], $0xffff;
	[tilespmem:s8+$0x3E0] =	vst v40  }
0x180: {  	v32 =	vmul.f32 $8.000000000e+00, v32;
	v40 =	vor.u32 v1, v28;
	v41 =	vmul.f32 $8.000000000e+00, v41;
	s8 =	sadd.s32 $0x800, s8;
	[tilespmem:s4+$0xE0] =	vst v36;
	v50 =	vld.idx.msk [tilespmem:v37+s15+$0x0], $0xffff  }
0x181: {  	v34 =	vmul.f32 $8.000000000e+00, v34;
	v53 =	vor.u32 v1, v29;
	v37 =	vmul.f32 $8.000000000e+00, v48;
	[tilespmem:s8+$0xFFFFFF80] =	vst v33;
	v49 =	vld.idx.msk [tilespmem:v49+s15+$0x0], $0xffff  }
0x182: {  	v48 =	vor.u32 v1, v30;
	v36 =	vmul.f32 $8.000000000e+00, v43;
	[tilespmem:s8+$0xFFFFFC80] =	vst v32;
	v32 =	vmul.f32 $8.000000000e+00, v35;
	v44 =	vld.idx.msk [tilespmem:v44+s15+$0x0], $0xffff  }
0x183: {  	v33 =	vmul.f32 $8.000000000e+00, v38;
	v38 =	vor.u32 v1, v31;
	v35 =	vmul.f32 $8.000000000e+00, v46;
	v43 =	vld.idx.msk [tilespmem:v52+s15+$0x0], $0xffff;
	[tilespmem:s8+$0xFFFFFD00] =	vst v34  }
0x184: {  	v46 =	vor.u32 v0, v27;
	v34 =	vmul.f32 $8.000000000e+00, v42;
	v45 =	vld.idx.msk [tilespmem:v45+s15+$0x0], $0xffff;
	[tilespmem:s8+$0xFFFFFD80] =	vst v32;
	v32 =	vmul.f32 $8.000000000e+00, v39  }
0x185: {  	v42 =	vmul.f32 $8.000000000e+00, v51;
	v39 =	vor.u32 v1, v17;
	v40 =	vld.idx.msk [tilespmem:v40+s15+$0x0], $0xffff;
	[tilespmem:s8+$0xFFFFFE00] =	vst v33;
	v33 =	vmul.f32 $8.000000000e+00, v47  }
0x186: {  	v51 =	vor.u32 v2, v24;
	v50 =	vmul.f32 $8.000000000e+00, v50;
	v47 =	vld.idx.msk [tilespmem:v53+s15+$0x0], $0xffff;
	[tilespmem:s8+$0xFFFFFE80] =	vst v32  }
0x187: {  	v52 =	vmul.f32 $8.000000000e+00, v25;
	v53 =	vor.u32 v2, v18;
	v32 =	vmul.f32 $8.000000000e+00, v49;
	v48 =	vld.idx.msk [tilespmem:v48+s15+$0x0], $0xffff;
	[tilespmem:s8+$0xFFFFFF00] =	vst v42  }
0x188: {  	v42 =	vor.u32 v2, v26;
	v44 =	vmul.f32 $8.000000000e+00, v44;
	v38 =	vld.idx.msk [tilespmem:v38+s15+$0x0], $0xffff;
	[tilespmem:s4+$0x3F0] =	vst v50  }
0x189: {  	v43 =	vmul.f32 $8.000000000e+00, v43;
	v25 =	vld.idx.msk [tilespmem:v46+s15+$0x0], $0xffff;
	[tilespmem:s8+$0xFFFFFC00] =	vst v52;
	v46 =	vor.u32 v2, v28  }
0x18a: {  	v49 =	vor.u32 v2, v29;
	v45 =	vmul.f32 $8.000000000e+00, v45;
	v39 =	vld.idx.msk [tilespmem:v39+s15+$0x0], $0xffff;
	[tilespmem:s8+$0xFFFFFF90] =	vst v44  }
0x18b: {  	v40 =	vmul.f32 $8.000000000e+00, v40;
	[tilespmem:s8+$0xFFFFFC90] =	vst v43;
	v43 =	vor.u32 v2, v30;
	v44 =	vld.idx.msk [tilespmem:v51+s15+$0x0], $0xffff  }
0x18c: {  	v50 =	vld.idx.msk [tilespmem:v53+s15+$0x0], $0xffff;
	[tilespmem:s8+$0xFFFFFD10] =	vst v45;
	v45 =	vmul.f32 $8.000000000e+00, v47;
	v47 =	vor.u32 v2, v31  }
0x18d: {  	v42 =	vld.idx.msk [tilespmem:v42+s15+$0x0], $0xffff;
	[tilespmem:s8+$0xFFFFFD90] =	vst v40;
	v40 =	vmul.f32 $8.000000000e+00, v48;
	v48 =	vor.u32 v15, v19;
	v19 =	vmov v26  }
0x18e: {  	v26 =	vor.u32 v2, v17;
	v38 =	vmul.f32 $8.000000000e+00, v38;
	v46 =	vld.idx.msk [tilespmem:v46+s15+$0x0], $0xffff;
	[tilespmem:s8+$0xFFFFFE10] =	vst v45  }
0x18f: {  	v45 =	vld.idx.msk [tilespmem:v49+s15+$0x0], $0xffff;
	[tilespmem:s8+$0xFFFFFE90] =	vst v40;
	v40 =	vor.u32 v3, v24  }
0x190: {  	v39 =	vmul.f32 $8.000000000e+00, v39;
	v49 =	vor.u32 v3, v18;
	v43 =	vld.idx.msk [tilespmem:v43+s15+$0x0], $0xffff;
	[tilespmem:s8+$0xFFFFFF10] =	vst v38  }
0x191: {  	v38 =	vor.u32 v3, v19;
	v44 =	vmul.f32 $8.000000000e+00, v44;
	v47 =	vld.idx.msk [tilespmem:v47+s15+$0x0], $0xffff;
	[tilespmem:s4+$0x160] =	vst v41  }
0x192: {  	v41 =	vor.u32 v3, v28;
	[tilespmem:s8+$0xFFFFFC10] =	vst v39;
	v39 =	vmul.f32 $8.000000000e+00, v50;
	v48 =	vld.idx.msk [tilespmem:v48+s15+$0x0], $0xffff  }
0x193: {  	v42 =	vmul.f32 $8.000000000e+00, v42;
	v50 =	vor.u32 v3, v29;
	v26 =	vld.idx.msk [tilespmem:v26+s15+$0x0], $0xffff;
	[tilespmem:s8+$0xFFFFFFA0] =	vst v44  }
0x194: {  	v44 =	vor.u32 v3, v30;
	[tilespmem:s8+$0xFFFFFCA0] =	vst v39;
	v39 =	vmul.f32 $8.000000000e+00, v46;
	v40 =	vld.idx.msk [tilespmem:v40+s15+$0x0], $0xffff  }
0x195: {  	v46 =	vld.idx.msk [tilespmem:v49+s15+$0x0], $0xffff;
	[tilespmem:s8+$0xFFFFFD20] =	vst v42;
	v42 =	vmul.f32 $8.000000000e+00, v45;
	v45 =	vor.u32 v3, v31  }
0x196: {  	v38 =	vld.idx.msk [tilespmem:v38+s15+$0x0], $0xffff;
	[tilespmem:s8+$0xFFFFFDA0] =	vst v39;
	v39 =	vmul.f32 $8.000000000e+00, v43;
	v43 =	vor.u32 v15, v20;
	v20 =	vmov v28  }
0x197: {  	v49 =	vor.u32 v3, v17;
	v41 =	vld.idx.msk [tilespmem:v41+s15+$0x0], $0xffff;
	[tilespmem:s8+$0xFFFFFE20] =	vst v42;
	v42 =	vmul.f32 $8.000000000e+00, v47  }
0x198: {  	v28 =	vmul.f32 $8.000000000e+00, v48;
	v47 =	vld.idx.msk [tilespmem:v50+s15+$0x0], $0xffff;
	[tilespmem:s8+$0xFFFFFEA0] =	vst v39;
	v39 =	vor.u32 v4, v24  }
0x199: {  	v48 =	vor.u32 v4, v18;
	v26 =	vmul.f32 $8.000000000e+00, v26;
	v44 =	vld.idx.msk [tilespmem:v44+s15+$0x0], $0xffff;
	[tilespmem:s8+$0xFFFFFF20] =	vst v42  }
0x19a: {  	v42 =	vor.u32 v4, v19;
	v40 =	vmul.f32 $8.000000000e+00, v40;
	v45 =	vld.idx.msk [tilespmem:v45+s15+$0x0], $0xffff;
	[tilespmem:s4+$0x1E0] =	vst v37  }
0x19b: {  	v37 =	vor.u32 v4, v20;
	[tilespmem:s8+$0xFFFFFC20] =	vst v26;
	v26 =	vmul.f32 $8.000000000e+00, v46;
	v43 =	vld.idx.msk [tilespmem:v43+s15+$0x0], $0xffff  }
0x19c: {  	v38 =	vmul.f32 $8.000000000e+00, v38;
	v46 =	vld.idx.msk [tilespmem:v49+s15+$0x0], $0xffff;
	v49 =	vor.u32 v4, v29;
	[tilespmem:s8+$0xFFFFFFB0] =	vst v40  }
0x19d: {  	v40 =	vor.u32 v4, v30;
	[tilespmem:s8+$0xFFFFFCB0] =	vst v26;
	v26 =	vmul.f32 $8.000000000e+00, v41;
	v39 =	vld.idx.msk [tilespmem:v39+s15+$0x0], $0xffff  }
0x19e: {  	v41 =	vld.idx.msk [tilespmem:v48+s15+$0x0], $0xffff;
	[tilespmem:s8+$0xFFFFFD30] =	vst v38;
	v38 =	vmul.f32 $8.000000000e+00, v47;
	v47 =	vor.u32 v4, v31  }
0x19f: {  	v42 =	vld.idx.msk [tilespmem:v42+s15+$0x0], $0xffff;
	[tilespmem:s8+$0xFFFFFDB0] =	vst v26;
	v26 =	vmul.f32 $8.000000000e+00, v44;
	v44 =	vor.u32 v15, v21;
	v21 =	vmov v29  }
0x1a0: {  	v48 =	vor.u32 v4, v17;
	v37 =	vld.idx.msk [tilespmem:v37+s15+$0x0], $0xffff;
	[tilespmem:s8+$0xFFFFFE30] =	vst v38;
	v38 =	vmul.f32 $8.000000000e+00, v45  }
0x1a1: {  	v29 =	vmul.f32 $8.000000000e+00, v43;
	v45 =	vld.idx.msk [tilespmem:v49+s15+$0x0], $0xffff;
	[tilespmem:s8+$0xFFFFFEB0] =	vst v26;
	v26 =	vor.u32 v5, v24  }
0x1a2: {  	v43 =	vmul.f32 $8.000000000e+00, v46;
	v46 =	vor.u32 v5, v18;
	v40 =	vld.idx.msk [tilespmem:v40+s15+$0x0], $0xffff;
	[tilespmem:s8+$0xFFFFFF30] =	vst v38  }
0x1a3: {  	v38 =	vor.u32 v5, v19;
	v39 =	vmul.f32 $8.000000000e+00, v39;
	v47 =	vld.idx.msk [tilespmem:v47+s15+$0x0], $0xffff;
	[tilespmem:s4+$0x260] =	vst v36  }
0x1a4: {  	v36 =	vmul.f32 $8.000000000e+00, v41;
	v41 =	vor.u32 v5, v20;
	[tilespmem:s8+$0xFFFFFC30] =	vst v43;
	v43 =	vld.idx.msk [tilespmem:v44+s15+$0x0], $0xffff  }
0x1a5: {  	v42 =	vmul.f32 $8.000000000e+00, v42;
	v44 =	vld.idx.msk [tilespmem:v48+s15+$0x0], $0xffff;
	v48 =	vor.u32 v5, v21;
	[tilespmem:s8+$0xFFFFFFC0] =	vst v39  }
0x1a6: {  	[tilespmem:s8+$0xFFFFFCC0] =	vst v36;
	v36 =	vmul.f32 $8.000000000e+00, v37;
	v37 =	vor.u32 v5, v30;
	v26 =	vld.idx.msk [tilespmem:v26+s15+$0x0], $0xffff  }
0x1a7: {  	v39 =	vld.idx.msk [tilespmem:v46+s15+$0x0], $0xffff;
	[tilespmem:s8+$0xFFFFFD40] =	vst v42;
	v42 =	vmul.f32 $8.000000000e+00, v45;
	v45 =	vor.u32 v5, v31  }
0x1a8: {  	v38 =	vld.idx.msk [tilespmem:v38+s15+$0x0], $0xffff;
	[tilespmem:s8+$0xFFFFFDC0] =	vst v36;
	v36 =	vmul.f32 $8.000000000e+00, v40;
	v40 =	vor.u32 v15, v22;
	v22 =	vmov v30  }
0x1a9: {  	v46 =	vor.u32 v5, v17;
	v41 =	vld.idx.msk [tilespmem:v41+s15+$0x0], $0xffff;
	[tilespmem:s8+$0xFFFFFE40] =	vst v42;
	v42 =	vmul.f32 $8.000000000e+00, v47  }
0x1aa: {  	v30 =	vmul.f32 $8.000000000e+00, v43;
	v47 =	vld.idx.msk [tilespmem:v48+s15+$0x0], $0xffff;
	[tilespmem:s8+$0xFFFFFEC0] =	vst v36;
	v36 =	vor.u32 v6, v24  }
0x1ab: {  	v43 =	vmul.f32 $8.000000000e+00, v44;
	v44 =	vor.u32 v6, v18;
	v37 =	vld.idx.msk [tilespmem:v37+s15+$0x0], $0xffff;
	[tilespmem:s8+$0xFFFFFF40] =	vst v42  }
0x1ac: {  	v42 =	vor.u32 v6, v19;
	v26 =	vmul.f32 $8.000000000e+00, v26;
	v45 =	vld.idx.msk [tilespmem:v45+s15+$0x0], $0xffff;
	[tilespmem:s4+$0x2E0] =	vst v35  }
0x1ad: {  	v35 =	vmul.f32 $8.000000000e+00, v39;
	v39 =	vor.u32 v6, v20;
	[tilespmem:s8+$0xFFFFFC40] =	vst v43;
	v40 =	vld.idx.msk [tilespmem:v40+s15+$0x0], $0xffff  }
0x1ae: {  	v38 =	vmul.f32 $8.000000000e+00, v38;
	v43 =	vld.idx.msk [tilespmem:v46+s15+$0x0], $0xffff;
	v46 =	vor.u32 v6, v21;
	[tilespmem:s8+$0xFFFFFFD0] =	vst v26  }
0x1af: {  	v26 =	vmul.f32 $8.000000000e+00, v41;
	[tilespmem:s8+$0xFFFFFCD0] =	vst v35;
	v35 =	vor.u32 v6, v22;
	v36 =	vld.idx.msk [tilespmem:v36+s15+$0x0], $0xffff  }
0x1b0: {  	v41 =	vld.idx.msk [tilespmem:v44+s15+$0x0], $0xffff;
	[tilespmem:s8+$0xFFFFFD50] =	vst v38;
	v38 =	vmul.f32 $8.000000000e+00, v47;
	v44 =	vor.u32 v6, v31  }
0x1b1: {  	v42 =	vld.idx.msk [tilespmem:v42+s15+$0x0], $0xffff;
	[tilespmem:s8+$0xFFFFFDD0] =	vst v26;
	v26 =	vmul.f32 $8.000000000e+00, v37;
	v37 =	vor.u32 v15, v23;
	v23 =	vmov v31  }
0x1b2: {  	v47 =	vor.u32 v6, v17;
	v39 =	vld.idx.msk [tilespmem:v39+s15+$0x0], $0xffff;
	[tilespmem:s8+$0xFFFFFE50] =	vst v38;
	v38 =	vmul.f32 $8.000000000e+00, v45  }
0x1b3: {  	v31 =	vmul.f32 $8.000000000e+00, v40;
	v45 =	vld.idx.msk [tilespmem:v46+s15+$0x0], $0xffff;
	[tilespmem:s8+$0xFFFFFED0] =	vst v26;
	v26 =	vor.u32 v7, v24  }
0x1b4: {  	v40 =	vmul.f32 $8.000000000e+00, v43;
	v43 =	vor.u32 v7, v18;
	v35 =	vld.idx.msk [tilespmem:v35+s15+$0x0], $0xffff;
	[tilespmem:s8+$0xFFFFFF50] =	vst v38  }
0x1b5: {  	v38 =	vor.u32 v7, v19;
	v36 =	vmul.f32 $8.000000000e+00, v36;
	v44 =	vld.idx.msk [tilespmem:v44+s15+$0x0], $0xffff;
	[tilespmem:s4+$0x360] =	vst v34  }
0x1b6: {  	v34 =	vmul.f32 $8.000000000e+00, v41;
	[tilespmem:s8+$0xFFFFFC50] =	vst v40;
	v40 =	vor.u32 v7, v20;
	v37 =	vld.idx.msk [tilespmem:v37+s15+$0x0], $0xffff  }
0x1b7: {  	v46 =	vor.u32 v7, v21;
	v42 =	vmul.f32 $8.000000000e+00, v42;
	v41 =	vld.idx.msk [tilespmem:v47+s15+$0x0], $0xffff;
	[tilespmem:s8+$0xFFFFFFE0] =	vst v36  }
0x1b8: {  	v36 =	vor.u32 v7, v22;
	[tilespmem:s8+$0xFFFFFCE0] =	vst v34;
	v34 =	vmul.f32 $8.000000000e+00, v39;
	v26 =	vld.idx.msk [tilespmem:v26+s15+$0x0], $0xffff  }
0x1b9: {  	v39 =	vld.idx.msk [tilespmem:v43+s15+$0x0], $0xffff;
	[tilespmem:s8+$0xFFFFFD60] =	vst v42;
	v42 =	vmul.f32 $8.000000000e+00, v45;
	v43 =	vor.u32 v7, v23  }
0x1ba: {  	v38 =	vld.idx.msk [tilespmem:v38+s15+$0x0], $0xffff;
	[tilespmem:s8+$0xFFFFFDE0] =	vst v34;
	v34 =	vmul.f32 $8.000000000e+00, v35;
	v35 =	vor.u32 v15, v16;
	v16 =	vmovc v17;
	v17 =	vmov v27  }
0x1bb: {  	v27 =	vor.u32 v7, v16;
	v40 =	vld.idx.msk [tilespmem:v40+s15+$0x0], $0xffff;
	[tilespmem:s8+$0xFFFFFE60] =	vst v42;
	v42 =	vmul.f32 $8.000000000e+00, v44  }
0x1bc: {  	v37 =	vmul.f32 $8.000000000e+00, v37;
	v44 =	vld.idx.msk [tilespmem:v46+s15+$0x0], $0xffff;
	[tilespmem:s8+$0xFFFFFEE0] =	vst v34;
	v34 =	vor.u32 v8, v24  }
0x1bd: {  	v45 =	vor.u32 v8, v18;
	v41 =	vmul.f32 $8.000000000e+00, v41;
	v36 =	vld.idx.msk [tilespmem:v36+s15+$0x0], $0xffff;
	[tilespmem:s8+$0xFFFFFF60] =	vst v42  }
0x1be: {  	s9 =	sadd.s32 $0x1, s1;
	v42 =	vor.u32 v8, v19;
	v26 =	vmul.f32 $8.000000000e+00, v26;
	v43 =	vld.idx.msk [tilespmem:v43+s15+$0x0], $0xffff;
	[tilespmem:s4+$0x60] =	vst v33  }
0x1bf: {  	v33 =	vmov s9;
	v39 =	vmul.f32 $8.000000000e+00, v39;
	[tilespmem:s8+$0xFFFFFC60] =	vst v41;
	v41 =	vor.u32 v8, v20;
	v35 =	vld.idx.msk [tilespmem:v35+s15+$0x0], $0xffff  }
0x1c0: {  	v47 =	vor.u32 v8, v21;
	v33 =	vand.u32 $0x79, v33;
	v38 =	vmul.f32 $8.000000000e+00, v38;
	v46 =	vld.idx.msk [tilespmem:v27+s15+$0x0], $0xffff;
	[tilespmem:s8+$0xFFFFFFF0] =	vst v26  }
0x1c1: {  	v27 =	vbroadcast v33, $0x0;
	v26 =	vmul.f32 $8.000000000e+00, v40;
	v33 =	vor.u32 v8, v22;
	[tilespmem:s8+$0xFFFFFCF0] =	vst v39;
	v34 =	vld.idx.msk [tilespmem:v34+s15+$0x0], $0xffff  }
0x1c2: {  	v40 =	vor.u32 v8, v23;
	v39 =	vld.idx.msk [tilespmem:v45+s15+$0x0], $0xffff;
	[tilespmem:s8+$0xFFFFFD70] =	vst v38;
	v38 =	vmul.f32 $8.000000000e+00, v44  }
0x1c3: {  	v44 =	vor.u32 v0, v27;
	v42 =	vld.idx.msk [tilespmem:v42+s15+$0x0], $0xffff;
	[tilespmem:s8+$0xFFFFFDF0] =	vst v26;
	v26 =	vmul.f32 $8.000000000e+00, v36  }
0x1c4: {  	v45 =	vor.u32 v8, v16;
	v41 =	vld.idx.msk [tilespmem:v41+s15+$0x0], $0xffff;
	[tilespmem:s8+$0xFFFFFE70] =	vst v38;
	v38 =	vmul.f32 $8.000000000e+00, v43  }
0x1c5: {  	v36 =	vmul.f32 $8.000000000e+00, v35;
	v43 =	vld.idx.msk [tilespmem:v47+s15+$0x0], $0xffff;
	[tilespmem:s8+$0xFFFFFEF0] =	vst v26;
	v47 =	vor.u32 v9, v24  }
0x1c6: {  	v35 =	vor.u32 v9, v18;
	v26 =	vmul.f32 $8.000000000e+00, v46;
	v33 =	vld.idx.msk [tilespmem:v33+s15+$0x0], $0xffff;
	[tilespmem:s8+$0xFFFFFF70] =	vst v38  }
0x1c7: {  	s9 =	sadd.s32 $0x2, s1;
	v38 =	vor.u32 v9, v19;
	v34 =	vmul.f32 $8.000000000e+00, v34;
	v40 =	vld.idx.msk [tilespmem:v40+s15+$0x0], $0xffff;
	[tilespmem:s4+$0xF0] =	vst v32  }
0x1c8: {  	v46 =	vor.u32 v9, v20;
	v39 =	vmul.f32 $8.000000000e+00, v39;
	v32 =	vld.idx.msk [tilespmem:v44+s15+$0x0], $0xffff;
	v44 =	vmov s9;
	[tilespmem:s8+$0xFFFFFC70] =	vst v26  }
0x1c9: {  	v42 =	vmul.f32 $8.000000000e+00, v42;
	v26 =	vand.u32 $0x7A, v44;
	v44 =	vld.idx.msk [tilespmem:v45+s15+$0x0], $0xffff;
	v45 =	vor.u32 v9, v21;
	[tilespmem:s8+$0x380] =	vst v34  }
0x1ca: {  	v34 =	vmul.f32 $8.000000000e+00, v41;
	v26 =	vbroadcast v26, $0x0;
	[tilespmem:s8+$0x80] =	vst v39;
	v39 =	vor.u32 v9, v22;
	v41 =	vld.idx.msk [tilespmem:v47+s15+$0x0], $0xffff  }
0x1cb: {  	v35 =	vld.idx.msk [tilespmem:v35+s15+$0x0], $0xffff;
	[tilespmem:s8+$0x100] =	vst v42;
	v42 =	vmul.f32 $8.000000000e+00, v43;
	v43 =	vor.u32 v9, v23  }
0x1cc: {  	v33 =	vmul.f32 $8.000000000e+00, v33;
	v47 =	vor.u32 v0, v26;
	v38 =	vld.idx.msk [tilespmem:v38+s15+$0x0], $0xffff;
	[tilespmem:s8+$0x180] =	vst v34  }
0x1cd: {  	v48 =	vor.u32 v9, v16;
	v34 =	vmul.f32 $8.000000000e+00, v40;
	v46 =	vld.idx.msk [tilespmem:v46+s15+$0x0], $0xffff;
	[tilespmem:s8+$0x200] =	vst v42  }
0x1ce: {  	v40 =	vld.idx.msk [tilespmem:v45+s15+$0x0], $0xffff;
	[tilespmem:s8+$0x280] =	vst v33;
	v33 =	vor.u32 v10, v24  }
0x1cf: {  	v42 =	vmul.f32 $8.000000000e+00, v44;
	v44 =	vor.u32 v10, v18;
	v39 =	vld.idx.msk [tilespmem:v39+s15+$0x0], $0xffff;
	[tilespmem:s8+$0x300] =	vst v34  }
0x1d0: {  	s9 =	sadd.s32 $0x3, s1;
	v45 =	vor.u32 v10, v19;
	v41 =	vmul.f32 $8.000000000e+00, v41;
	v43 =	vld.idx.msk [tilespmem:v43+s15+$0x0], $0xffff;
	[tilespmem:s4+$0x170] =	vst v28  }
0x1d1: {  	v28 =	vmov s9;
	v35 =	vmul.f32 $8.000000000e+00, v35;
	v34 =	vld.idx.msk [tilespmem:v47+s15+$0x0], $0xffff;
	[tilespmem:s8+$0x0] =	vst v42;
	v42 =	vor.u32 v10, v20  }
0x1d2: {  	v28 =	vand.u32 $0x7B, v28;
	v38 =	vmul.f32 $8.000000000e+00, v38;
	v47 =	vld.idx.msk [tilespmem:v48+s15+$0x0], $0xffff;
	v48 =	vor.u32 v10, v21;
	[tilespmem:s8+$0x390] =	vst v41  }
0x1d3: {  	v28 =	vbroadcast v28, $0x0;
	v41 =	vor.u32 v10, v22;
	[tilespmem:s8+$0x90] =	vst v35;
	v35 =	vmul.f32 $8.000000000e+00, v46;
	v33 =	vld.idx.msk [tilespmem:v33+s15+$0x0], $0xffff  }
0x1d4: {  	v44 =	vld.idx.msk [tilespmem:v44+s15+$0x0], $0xffff;
	[tilespmem:s8+$0x110] =	vst v38;
	v38 =	vmul.f32 $8.000000000e+00, v40;
	v40 =	vor.u32 v10, v23  }
0x1d5: {  	v46 =	vor.u32 v0, v28;
	v45 =	vld.idx.msk [tilespmem:v45+s15+$0x0], $0xffff;
	[tilespmem:s8+$0x190] =	vst v35;
	v35 =	vmul.f32 $8.000000000e+00, v39  }
0x1d6: {  	v39 =	vor.u32 v10, v16;
	v42 =	vld.idx.msk [tilespmem:v42+s15+$0x0], $0xffff;
	[tilespmem:s8+$0x210] =	vst v38;
	v38 =	vmul.f32 $8.000000000e+00, v43  }
0x1d7: {  	v43 =	vld.idx.msk [tilespmem:v48+s15+$0x0], $0xffff;
	[tilespmem:s8+$0x290] =	vst v35;
	v48 =	vor.u32 v11, v24  }
0x1d8: {  	v49 =	vor.u32 v11, v18;
	v47 =	vmul.f32 $8.000000000e+00, v47;
	v41 =	vld.idx.msk [tilespmem:v41+s15+$0x0], $0xffff;
	[tilespmem:s8+$0x310] =	vst v38  }
0x1d9: {  	s9 =	sadd.s32 $0x4, s1;
	v38 =	vor.u32 v11, v19;
	v33 =	vmul.f32 $8.000000000e+00, v33;
	v40 =	vld.idx.msk [tilespmem:v40+s15+$0x0], $0xffff;
	[tilespmem:s4+$0x1F0] =	vst v29  }
0x1da: {  	v29 =	vmov s9;
	v44 =	vmul.f32 $8.000000000e+00, v44;
	v35 =	vld.idx.msk [tilespmem:v46+s15+$0x0], $0xffff;
	[tilespmem:s8+$0x10] =	vst v47;
	v46 =	vor.u32 v11, v20  }
0x1db: {  	v29 =	vand.u32 $0x7C, v29;
	v45 =	vmul.f32 $8.000000000e+00, v45;
	v47 =	vor.u32 v11, v21;
	v39 =	vld.idx.msk [tilespmem:v39+s15+$0x0], $0xffff;
	[tilespmem:s8+$0x3A0] =	vst v33  }
0x1dc: {  	v29 =	vbroadcast v29, $0x0;
	v33 =	vmul.f32 $8.000000000e+00, v42;
	v42 =	vor.u32 v11, v22;
	[tilespmem:s8+$0xA0] =	vst v44;
	v44 =	vld.idx.msk [tilespmem:v48+s15+$0x0], $0xffff  }
0x1dd: {  	v43 =	vmul.f32 $8.000000000e+00, v43;
	v48 =	vld.idx.msk [tilespmem:v49+s15+$0x0], $0xffff;
	[tilespmem:s8+$0x120] =	vst v45;
	v45 =	vor.u32 v11, v23  }
0x1de: {  	v49 =	vor.u32 v0, v29;
	v50 =	vld.idx.msk [tilespmem:v38+s15+$0x0], $0xffff;
	[tilespmem:s8+$0x1A0] =	vst v33;
	v33 =	vmul.f32 $8.000000000e+00, v41  }
0x1df: {  	v41 =	vor.u32 v11, v16;
	v38 =	vmul.f32 $8.000000000e+00, v40;
	v46 =	vld.idx.msk [tilespmem:v46+s15+$0x0], $0xffff;
	[tilespmem:s8+$0x220] =	vst v43  }
0x1e0: {  	v40 =	vld.idx.msk [tilespmem:v47+s15+$0x0], $0xffff;
	[tilespmem:s8+$0x2A0] =	vst v33;
	v33 =	vor.u32 v12, v24  }
0x1e1: {  	v43 =	vor.u32 v12, v18;
	v39 =	vmul.f32 $8.000000000e+00, v39;
	v42 =	vld.idx.msk [tilespmem:v42+s15+$0x0], $0xffff;
	[tilespmem:s8+$0x320] =	vst v38  }
0x1e2: {  	s9 =	sadd.s32 $0x5, s1;
	v47 =	vor.u32 v12, v19;
	v44 =	vmul.f32 $8.000000000e+00, v44;
	v45 =	vld.idx.msk [tilespmem:v45+s15+$0x0], $0xffff;
	[tilespmem:s4+$0x270] =	vst v30  }
0x1e3: {  	v30 =	vmov s9;
	v38 =	vld.idx.msk [tilespmem:v49+s15+$0x0], $0xffff;
	[tilespmem:s8+$0x20] =	vst v39;
	v39 =	vmul.f32 $8.000000000e+00, v48;
	v48 =	vor.u32 v12, v20  }
0x1e4: {  	v30 =	vand.u32 $0x7D, v30;
	v49 =	vmul.f32 $8.000000000e+00, v50;
	v50 =	vor.u32 v12, v21;
	v41 =	vld.idx.msk [tilespmem:v41+s15+$0x0], $0xffff;
	[tilespmem:s8+$0x3B0] =	vst v44  }
0x1e5: {  	v30 =	vbroadcast v30, $0x0;
	v44 =	vor.u32 v12, v22;
	[tilespmem:s8+$0xB0] =	vst v39;
	v39 =	vmul.f32 $8.000000000e+00, v46;
	v46 =	vld.idx.msk [tilespmem:v33+s15+$0x0], $0xffff  }
0x1e6: {  	v33 =	vmul.f32 $8.000000000e+00, v40;
	v43 =	vld.idx.msk [tilespmem:v43+s15+$0x0], $0xffff;
	[tilespmem:s8+$0x130] =	vst v49;
	v49 =	vor.u32 v12, v23  }
0x1e7: {  	v51 =	vor.u32 v0, v30;
	v47 =	vld.idx.msk [tilespmem:v47+s15+$0x0], $0xffff;
	[tilespmem:s8+$0x1B0] =	vst v39;
	v39 =	vmul.f32 $8.000000000e+00, v42  }
0x1e8: {  	v42 =	vor.u32 v12, v16;
	v48 =	vld.idx.msk [tilespmem:v48+s15+$0x0], $0xffff;
	[tilespmem:s8+$0x230] =	vst v33;
	v33 =	vmul.f32 $8.000000000e+00, v45  }
0x1e9: {  	v52 =	vor.u32 v13, v24;
	v50 =	vld.idx.msk [tilespmem:v50+s15+$0x0], $0xffff;
	[tilespmem:s8+$0x2B0] =	vst v39  }
0x1ea: {  	v53 =	vor.u32 v13, v18;
	v41 =	vmul.f32 $8.000000000e+00, v41;
	v40 =	vld.idx.msk [tilespmem:v44+s15+$0x0], $0xffff;
	[tilespmem:s8+$0x330] =	vst v33  }
.Ltmp2:
0x1eb: {  	s9 =	sadd.s32 $0x6, s1;
	v44 =	vor.u32 v13, v19;
	v33 =	vld.idx.msk [tilespmem:v49+s15+$0x0], $0xffff;
	v49 =	vmul.f32 $8.000000000e+00, v46;
	[tilespmem:s4+$0x2F0] =	vst v31;
	(pc) =	sbr.rel @p2 .LBB2_8-.Ltmp2, $4  }
0x1ec: {  	v45 =	vor.u32 v13, v20;
	v31 =	vmov s9;
	v43 =	vmul.f32 $8.000000000e+00, v43;
	v39 =	vld.idx.msk [tilespmem:v51+s15+$0x0], $0xffff;
	[tilespmem:s8+$0x30] =	vst v41  }
0x1ed: {  	v46 =	vor.u32 v13, v21;
	v31 =	vand.u32 $0x7E, v31;
	v51 =	vmul.f32 $8.000000000e+00, v47;
	v41 =	vld.idx.msk [tilespmem:v42+s15+$0x0], $0xffff;
	[tilespmem:s8+$0x3C0] =	vst v49  }
0x1ee: {  	v47 =	vor.u32 v13, v22;
	v31 =	vbroadcast v31, $0x0;
	v49 =	vmul.f32 $8.000000000e+00, v48;
	[tilespmem:s8+$0xC0] =	vst v43;
	v43 =	vld.idx.msk [tilespmem:v52+s15+$0x0], $0xffff  }
0x1ef: {  	s9 =	sadd.s32 $0x7, s1;
	s1 =	sadd.s32 $0x8, s1;
	v48 =	vor.u32 v13, v23;
	v50 =	vmul.f32 $8.000000000e+00, v50;
	v42 =	vld.idx.msk [tilespmem:v53+s15+$0x0], $0xffff;
	[tilespmem:s8+$0x140] =	vst v51  }
0x1f0: {  	[tilespmem:s8+$0x1C0] =	vst v49  }
0x1f1: {  	[tilespmem:s4+$0x370] =	vst v37  }
0x1f2: {  	v40 =	vmul.f32 $8.000000000e+00, v40;
	[tilespmem:s4+$0x70] =	vst v36  }
0x1f3: {  	v60 =	vmul.f32 $8.000000000e+00, v33;
	[tilespmem:s8+$0x240] =	vst v50  }
0x1f4: {  	v44 =	vld.idx.msk [tilespmem:v44+s15+$0x0], $0xffff;
	v32 =	vmul.f32 $8.000000000e+00, v32;
	[tilespmem:s8+$0x2C0] =	vst v40  }
0x1f5: {  	v62 =	vor.u32 v13, v16;
	s1 =	sadd.s32 $0x800, s8;
	v34 =	vmul.f32 $8.000000000e+00, v34;
	v45 =	vld.idx.msk [tilespmem:v45+s15+$0x0], $0xffff;
	[tilespmem:s8+$0x340] =	vst v60  }
0x1f6: {  	v59 =	vmov s9;
	v52 =	vor.u32 v14, v24;
	v25 =	vmul.f32 $8.000000000e+00, v25;
	v63 =	vld.idx.msk [tilespmem:v46+s15+$0x0], $0xffff;
	[tilespmem:s1+$0xFFFFFC80] =	vst v32  }
0x1f7: {  	v53 =	vor.u32 v14, v18;
	v61 =	vand.u32 $0x7F, v59;
	v41 =	vmul.f32 $8.000000000e+00, v41;
	[tilespmem:s1+$0xFFFFFD00] =	vst v34  }
0x1f8: {  	v33 =	vbroadcast v61, $0x0;
	[tilespmem:s1+$0xFFFFFC00] =	vst v25;
	v47 =	vld.idx.msk [tilespmem:v47+s15+$0x0], $0xffff;
	v43 =	vmul.f32 $8.000000000e+00, v43  }
0x1f9: {  	v48 =	vld.idx.msk [tilespmem:v48+s15+$0x0], $0xffff;
	[tilespmem:s8+$0x40] =	vst v41;
	v55 =	vmul.f32 $8.000000000e+00, v42  }
0x1fa: {  	v54 =	vor.u32 v0, v33;
	v56 =	vmul.f32 $8.000000000e+00, v44;
	[tilespmem:s8+$0x3D0] =	vst v43;
	v57 =	vld.idx.msk [tilespmem:v62+s15+$0x0], $0xffff  }
0x1fb: {  	[tilespmem:s8+$0xD0] =	vst v55;
	v58 =	vmul.f32 $8.000000000e+00, v45;
	v59 =	vld.idx.msk [tilespmem:v52+s15+$0x0], $0xffff;
	v40 =	vmul.f32 $8.000000000e+00, v63;
	v63 =	vor.u32 v0, v31  }
0x1fc: {  	v52 =	vor.u32 v1, v27;
	[tilespmem:s8+$0x150] =	vst v56;
	v60 =	vld.idx.msk [tilespmem:v53+s15+$0x0], $0xffff  }
0x1fd: {  	v46 =	vor.u32 v1, v17;
	[tilespmem:s8+$0x1D0] =	vst v58;
	v61 =	vmul.f32 $8.000000000e+00, v47  }
0x1fe: {  	v24 =	vor.u32 v15, v24;
	v62 =	vmul.f32 $8.000000000e+00, v48;
	[tilespmem:s8+$0x250] =	vst v40  }
0x1ff: {  	v37 =	vld.idx.msk [tilespmem:v54+s15+$0x0], $0xffff;
	v54 =	vor.u32 v1, v26;
	[tilespmem:s8+$0x2D0] =	vst v61;
	v48 =	vmul.f32 $8.000000000e+00, v57  }
0x200: {  	v55 =	vor.u32 v1, v28;
	[tilespmem:s8+$0x350] =	vst v62;
	v49 =	vmul.f32 $8.000000000e+00, v59;
	v53 =	vld.idx.msk [tilespmem:v63+s15+$0x0], $0xffff  }
0x201: {  	v56 =	vor.u32 v1, v29;
	v57 =	vmul.f32 $8.000000000e+00, v35;
	[tilespmem:s8+$0x50] =	vst v48;
	v51 =	vmul.f32 $8.000000000e+00, v60;
	v60 =	vld.idx.msk [tilespmem:v52+s15+$0x0], $0xffff  }
0x202: {  	v18 =	vor.u32 v15, v18;
	v62 =	vmul.f32 $8.000000000e+00, v39;
	v52 =	vld.idx.msk [tilespmem:v46+s15+$0x0], $0xffff;
	[tilespmem:s8+$0x3E0] =	vst v49  }
0x203: {  	v58 =	vor.u32 v1, v30;
	v59 =	vmul.f32 $8.000000000e+00, v38;
	[tilespmem:s1+$0xFFFFFD80] =	vst v57;
	v24 =	vld.idx.msk [tilespmem:v24+s15+$0x0], $0xffff  }
0x204: {  	v50 =	vor.u32 v1, v33;
	[tilespmem:s1+$0xFFFFFE80] =	vst v62;
	v43 =	vld.idx.msk [tilespmem:v54+s15+$0x0], $0xffff  }
0x205: {  	v63 =	vor.u32 v14, v19;
	[tilespmem:s1+$0xFFFFFE00] =	vst v59;
	v41 =	vld.idx.msk [tilespmem:v55+s15+$0x0], $0xffff;
	v37 =	vmul.f32 $8.000000000e+00, v37  }
0x206: {  	v61 =	vor.u32 v1, v31;
	[tilespmem:s8+$0xE0] =	vst v51;
	v47 =	vld.idx.msk [tilespmem:v56+s15+$0x0], $0xffff;
	v45 =	vmul.f32 $8.000000000e+00, v53  }
0x207: {  	v49 =	vor.u32 v2, v27;
	v18 =	vld.idx.msk [tilespmem:v18+s15+$0x0], $0xffff;
	[tilespmem:s1+$0xFFFFFF80] =	vst v37;
	v25 =	vmul.f32 $8.000000000e+00, v60  }
0x208: {  	v35 =	vld.idx.msk [tilespmem:v58+s15+$0x0], $0xffff;
	v56 =	vor.u32 v14, v20;
	v24 =	vmul.f32 $8.000000000e+00, v24;
	[tilespmem:s1+$0xFFFFFF00] =	vst v45  }
0x209: {  	v51 =	vor.u32 v2, v28;
	v36 =	vld.idx.msk [tilespmem:v50+s15+$0x0], $0xffff;
	v43 =	vmul.f32 $8.000000000e+00, v43;
	[tilespmem:s1+$0xFFFFFC90] =	vst v25  }
0x20a: {  	v50 =	vld.idx.msk [tilespmem:v63+s15+$0x0], $0xffff;
	v53 =	vor.u32 v2, v29;
	v25 =	vmul.f32 $8.000000000e+00, v41;
	[tilespmem:s8+$0x3F0] =	vst v24  }
0x20b: {  	v54 =	vor.u32 v2, v30;
	v32 =	vmul.f32 $8.000000000e+00, v47;
	v42 =	vld.idx.msk [tilespmem:v61+s15+$0x0], $0xffff;
	[tilespmem:s1+$0xFFFFFD10] =	vst v43  }
0x20c: {  	v48 =	vor.u32 v2, v33;
	v34 =	vld.idx.msk [tilespmem:v49+s15+$0x0], $0xffff;
	v18 =	vmul.f32 $8.000000000e+00, v18;
	[tilespmem:s1+$0xFFFFFD90] =	vst v25  }
0x20d: {  	v24 =	vor.u32 v2, v26;
	v25 =	vmul.f32 $8.000000000e+00, v35;
	[tilespmem:s1+$0xFFFFFE10] =	vst v32;
	v35 =	vld.idx.msk [tilespmem:v56+s15+$0x0], $0xffff  }
0x20e: {  	v19 =	vor.u32 v15, v19;
	v36 =	vmul.f32 $8.000000000e+00, v36;
	v39 =	vld.idx.msk [tilespmem:v51+s15+$0x0], $0xffff;
	[tilespmem:s8+$0xF0] =	vst v18  }
0x20f: {  	v58 =	vor.u32 v2, v17;
	v38 =	vmul.f32 $8.000000000e+00, v50;
	[tilespmem:s1+$0xFFFFFE90] =	vst v25;
	v25 =	vld.idx.msk [tilespmem:v53+s15+$0x0], $0xffff  }
0x210: {  	v55 =	vor.u32 v2, v31;
	[tilespmem:s1+$0xFFFFFF90] =	vst v36;
	v36 =	vmul.f32 $8.000000000e+00, v52;
	v41 =	vld.idx.msk [tilespmem:v54+s15+$0x0], $0xffff  }
0x211: {  	v50 =	vor.u32 v14, v21;
	[tilespmem:s8+$0x160] =	vst v38;
	v37 =	vld.idx.msk [tilespmem:v48+s15+$0x0], $0xffff;
	v57 =	vmul.f32 $8.000000000e+00, v42  }
0x212: {  	v20 =	vor.u32 v15, v20;
	v34 =	vmul.f32 $8.000000000e+00, v34;
	v24 =	vld.idx.msk [tilespmem:v24+s15+$0x0], $0xffff;
	[tilespmem:s1+$0xFFFFFC10] =	vst v36  }
0x213: {  	v62 =	vor.u32 v3, v28;
	v19 =	vld.idx.msk [tilespmem:v19+s15+$0x0], $0xffff;
	v35 =	vmul.f32 $8.000000000e+00, v35;
	[tilespmem:s1+$0xFFFFFF10] =	vst v57  }
0x214: {  	v59 =	vor.u32 v3, v33;
	v63 =	vld.idx.msk [tilespmem:v58+s15+$0x0], $0xffff;
	[tilespmem:s1+$0xFFFFFCA0] =	vst v34;
	v46 =	vmul.f32 $8.000000000e+00, v39  }
0x215: {  	v60 =	vor.u32 v3, v27;
	v43 =	vld.idx.msk [tilespmem:v55+s15+$0x0], $0xffff;
	[tilespmem:s8+$0x1E0] =	vst v35;
	v49 =	vmul.f32 $8.000000000e+00, v41  }
0x216: {  	v61 =	vor.u32 v3, v26;
	v55 =	vld.idx.msk [tilespmem:v50+s15+$0x0], $0xffff;
	[tilespmem:s1+$0xFFFFFDA0] =	vst v46;
	v37 =	vmul.f32 $8.000000000e+00, v37  }
0x217: {  	v47 =	vor.u32 v3, v30;
	v20 =	vld.idx.msk [tilespmem:v20+s15+$0x0], $0xffff;
	v24 =	vmul.f32 $8.000000000e+00, v24;
	[tilespmem:s1+$0xFFFFFEA0] =	vst v49  }
0x218: {  	v51 =	vor.u32 v3, v17;
	v36 =	vld.idx.msk [tilespmem:v62+s15+$0x0], $0xffff;
	v19 =	vmul.f32 $8.000000000e+00, v19;
	[tilespmem:s1+$0xFFFFFFA0] =	vst v37  }
0x219: {  	v45 =	vor.u32 v3, v29;
	v40 =	vld.idx.msk [tilespmem:v59+s15+$0x0], $0xffff;
	[tilespmem:s1+$0xFFFFFD20] =	vst v24;
	v24 =	vmul.f32 $8.000000000e+00, v25  }
0x21a: {  	v21 =	vor.u32 v15, v21;
	v37 =	vmul.f32 $8.000000000e+00, v63;
	[tilespmem:s8+$0x170] =	vst v19;
	v25 =	vld.idx.msk [tilespmem:v60+s15+$0x0], $0xffff  }
0x21b: {  	v48 =	vor.u32 v3, v31;
	v38 =	vld.idx.msk [tilespmem:v61+s15+$0x0], $0xffff;
	[tilespmem:s1+$0xFFFFFE20] =	vst v24;
	v24 =	vmul.f32 $8.000000000e+00, v43  }
0x21c: {  	v53 =	vor.u32 v4, v33;
	v39 =	vld.idx.msk [tilespmem:v47+s15+$0x0], $0xffff;
	v62 =	vmul.f32 $8.000000000e+00, v55;
	[tilespmem:s1+$0xFFFFFC20] =	vst v37  }
0x21d: {  	v20 =	vmul.f32 $8.000000000e+00, v20;
	v57 =	vld.idx.msk [tilespmem:v51+s15+$0x0], $0xffff;
	[tilespmem:s1+$0xFFFFFF20] =	vst v24;
	v24 =	vor.u32 v4, v27  }
0x21e: {  	v54 =	vor.u32 v4, v26;
	[tilespmem:s8+$0x260] =	vst v62;
	v52 =	vld.idx.msk [tilespmem:v45+s15+$0x0], $0xffff;
	v40 =	vmul.f32 $8.000000000e+00, v40  }
0x21f: {  	v61 =	vor.u32 v14, v22;
	[tilespmem:s8+$0x1F0] =	vst v20;
	v21 =	vld.idx.msk [tilespmem:v21+s15+$0x0], $0xffff;
	v25 =	vmul.f32 $8.000000000e+00, v25  }
0x220: {  	v63 =	vor.u32 v4, v17;
	v32 =	vld.idx.msk [tilespmem:v48+s15+$0x0], $0xffff;
	v38 =	vmul.f32 $8.000000000e+00, v38;
	[tilespmem:s1+$0xFFFFFFB0] =	vst v40  }
0x221: {  	v56 =	vor.u32 v4, v28;
	[tilespmem:s1+$0xFFFFFCB0] =	vst v25;
	v25 =	vmul.f32 $8.000000000e+00, v36;
	v42 =	vld.idx.msk [tilespmem:v53+s15+$0x0], $0xffff  }
0x222: {  	v58 =	vor.u32 v4, v29;
	v40 =	vmul.f32 $8.000000000e+00, v57;
	[tilespmem:s1+$0xFFFFFD30] =	vst v38;
	v24 =	vld.idx.msk [tilespmem:v24+s15+$0x0], $0xffff  }
0x223: {  	v59 =	vor.u32 v4, v30;
	v34 =	vmul.f32 $8.000000000e+00, v52;
	[tilespmem:s1+$0xFFFFFDB0] =	vst v25;
	v35 =	vld.idx.msk [tilespmem:v54+s15+$0x0], $0xffff  }
0x224: {  	v60 =	vor.u32 v4, v31;
	v21 =	vmul.f32 $8.000000000e+00, v21;
	v25 =	vmul.f32 $8.000000000e+00, v39;
	[tilespmem:s1+$0xFFFFFC30] =	vst v40;
	v39 =	vld.idx.msk [tilespmem:v61+s15+$0x0], $0xffff  }
0x225: {  	v45 =	vor.u32 v5, v33;
	[tilespmem:s1+$0xFFFFFE30] =	vst v34;
	v37 =	vld.idx.msk [tilespmem:v63+s15+$0x0], $0xffff  }
0x226: {  	v46 =	vor.u32 v5, v27;
	v32 =	vmul.f32 $8.000000000e+00, v32;
	v41 =	vld.idx.msk [tilespmem:v56+s15+$0x0], $0xffff;
	[tilespmem:s8+$0x270] =	vst v21  }
0x227: {  	v47 =	vor.u32 v5, v26;
	[tilespmem:s1+$0xFFFFFEB0] =	vst v25;
	v25 =	vld.idx.msk [tilespmem:v58+s15+$0x0], $0xffff;
	v42 =	vmul.f32 $8.000000000e+00, v42  }
0x228: {  	v52 =	vor.u32 v14, v23;
	[tilespmem:s1+$0xFFFFFF30] =	vst v32;
	v36 =	vld.idx.msk [tilespmem:v59+s15+$0x0], $0xffff;
	v24 =	vmul.f32 $8.000000000e+00, v24  }
0x229: {  	v54 =	vor.u32 v5, v17;
	v38 =	vld.idx.msk [tilespmem:v60+s15+$0x0], $0xffff;
	v35 =	vmul.f32 $8.000000000e+00, v35;
	[tilespmem:s1+$0xFFFFFFC0] =	vst v42  }
0x22a: {  	v48 =	vor.u32 v5, v28;
	v37 =	vmul.f32 $8.000000000e+00, v37;
	[tilespmem:s1+$0xFFFFFCC0] =	vst v24;
	v43 =	vld.idx.msk [tilespmem:v45+s15+$0x0], $0xffff  }
0x22b: {  	v49 =	vor.u32 v5, v29;
	v24 =	vmul.f32 $8.000000000e+00, v41;
	[tilespmem:s1+$0xFFFFFD40] =	vst v35;
	v32 =	vld.idx.msk [tilespmem:v46+s15+$0x0], $0xffff  }
0x22c: {  	v50 =	vor.u32 v5, v30;
	v53 =	vmul.f32 $8.000000000e+00, v39;
	v34 =	vld.idx.msk [tilespmem:v47+s15+$0x0], $0xffff;
	[tilespmem:s1+$0xFFFFFC40] =	vst v37  }
0x22d: {  	v51 =	vor.u32 v5, v31;
	v25 =	vmul.f32 $8.000000000e+00, v25;
	[tilespmem:s1+$0xFFFFFDC0] =	vst v24;
	v24 =	vmul.f32 $8.000000000e+00, v36;
	v36 =	vld.idx.msk [tilespmem:v52+s15+$0x0], $0xffff  }
0x22e: {  	[tilespmem:s8+$0x2E0] =	vst v53;
	v39 =	vld.idx.msk [tilespmem:v54+s15+$0x0], $0xffff  }
0x22f: {  	v55 =	vor.u32 v6, v33;
	[tilespmem:s1+$0xFFFFFE40] =	vst v25;
	v25 =	vmul.f32 $8.000000000e+00, v38;
	v40 =	vld.idx.msk [tilespmem:v48+s15+$0x0], $0xffff  }
0x230: {  	v56 =	vor.u32 v6, v26;
	[tilespmem:s1+$0xFFFFFEC0] =	vst v24;
	v24 =	vld.idx.msk [tilespmem:v49+s15+$0x0], $0xffff;
	v43 =	vmul.f32 $8.000000000e+00, v43  }
0x231: {  	[tilespmem:s1+$0xFFFFFF40] =	vst v25;
	v25 =	vor.u32 v6, v27;
	v41 =	vld.idx.msk [tilespmem:v50+s15+$0x0], $0xffff;
	v32 =	vmul.f32 $8.000000000e+00, v32  }
0x232: {  	v46 =	vor.u32 v6, v17;
	v35 =	vld.idx.msk [tilespmem:v51+s15+$0x0], $0xffff;
	v34 =	vmul.f32 $8.000000000e+00, v34;
	[tilespmem:s1+$0xFFFFFFD0] =	vst v43  }
0x233: {  	v57 =	vor.u32 v6, v28;
	v39 =	vmul.f32 $8.000000000e+00, v39;
	[tilespmem:s1+$0xFFFFFCD0] =	vst v32  }
0x234: {  	v58 =	vor.u32 v6, v29;
	v59 =	vmul.f32 $8.000000000e+00, v40;
	v42 =	vld.idx.msk [tilespmem:v55+s15+$0x0], $0xffff;
	[tilespmem:s1+$0xFFFFFD50] =	vst v34  }
0x235: {  	v60 =	vor.u32 v6, v30;
	v24 =	vmul.f32 $8.000000000e+00, v24;
	v38 =	vld.idx.msk [tilespmem:v56+s15+$0x0], $0xffff;
	[tilespmem:s1+$0xFFFFFC50] =	vst v39  }
0x236: {  	v61 =	vor.u32 v6, v31;
	v25 =	vld.idx.msk [tilespmem:v25+s15+$0x0], $0xffff;
	[tilespmem:s1+$0xFFFFFDD0] =	vst v59;
	v62 =	vmul.f32 $8.000000000e+00, v41  }
0x237: {  	v48 =	vor.u32 v7, v33;
	v45 =	vmul.f32 $8.000000000e+00, v36;
	v36 =	vld.idx.msk [tilespmem:v46+s15+$0x0], $0xffff;
	[tilespmem:s1+$0xFFFFFE50] =	vst v24;
	v24 =	vmul.f32 $8.000000000e+00, v35  }
0x238: {  	v49 =	vor.u32 v7, v26;
	v37 =	vld.idx.msk [tilespmem:v57+s15+$0x0], $0xffff;
	[tilespmem:s1+$0xFFFFFED0] =	vst v62  }
0x239: {  	v47 =	vld.idx.msk [tilespmem:v58+s15+$0x0], $0xffff;
	[tilespmem:s1+$0xFFFFFF50] =	vst v24;
	v24 =	vor.u32 v7, v27;
	v42 =	vmul.f32 $8.000000000e+00, v42  }
0x23a: {  	v63 =	vor.u32 v14, v16;
	[tilespmem:s8+$0x360] =	vst v45;
	v40 =	vld.idx.msk [tilespmem:v60+s15+$0x0], $0xffff;
	v38 =	vmul.f32 $8.000000000e+00, v38  }
0x23b: {  	v51 =	vor.u32 v7, v28;
	v34 =	vld.idx.msk [tilespmem:v61+s15+$0x0], $0xffff;
	v25 =	vmul.f32 $8.000000000e+00, v25;
	[tilespmem:s1+$0xFFFFFFE0] =	vst v42  }
0x23c: {  	v52 =	vor.u32 v7, v29;
	v36 =	vmul.f32 $8.000000000e+00, v36;
	v43 =	vld.idx.msk [tilespmem:v48+s15+$0x0], $0xffff;
	[tilespmem:s1+$0xFFFFFD60] =	vst v38  }
0x23d: {  	v53 =	vor.u32 v7, v30;
	[tilespmem:s1+$0xFFFFFCE0] =	vst v25;
	v25 =	vmul.f32 $8.000000000e+00, v37;
	v35 =	vld.idx.msk [tilespmem:v49+s15+$0x0], $0xffff  }
0x23e: {  	v54 =	vor.u32 v7, v31;
	v32 =	vmul.f32 $8.000000000e+00, v47;
	[tilespmem:s1+$0xFFFFFC60] =	vst v36;
	v24 =	vld.idx.msk [tilespmem:v24+s15+$0x0], $0xffff  }
0x23f: {  	v50 =	vld.idx.msk [tilespmem:v63+s15+$0x0], $0xffff;
	v57 =	vor.u32 v7, v17;
	[tilespmem:s1+$0xFFFFFDE0] =	vst v25;
	v25 =	vmul.f32 $8.000000000e+00, v40  }
0x240: {  	v59 =	vor.u32 v8, v33;
	[tilespmem:s1+$0xFFFFFE60] =	vst v32;
	v55 =	vmul.f32 $8.000000000e+00, v34;
	v58 =	vld.idx.msk [tilespmem:v51+s15+$0x0], $0xffff  }
0x241: {  	v62 =	vor.u32 v8, v26;
	[tilespmem:s1+$0xFFFFFEE0] =	vst v25;
	v25 =	vld.idx.msk [tilespmem:v52+s15+$0x0], $0xffff;
	v61 =	vmul.f32 $8.000000000e+00, v43  }
0x242: {  	v60 =	vor.u32 v8, v27;
	[tilespmem:s1+$0xFFFFFF60] =	vst v55;
	v37 =	vld.idx.msk [tilespmem:v53+s15+$0x0], $0xffff;
	v35 =	vmul.f32 $8.000000000e+00, v35  }
0x243: {  	v63 =	vor.u32 v8, v28;
	v38 =	vld.idx.msk [tilespmem:v54+s15+$0x0], $0xffff;
	v24 =	vmul.f32 $8.000000000e+00, v24;
	[tilespmem:s1+$0xFFFFFFF0] =	vst v61  }
0x244: {  	v45 =	vor.u32 v8, v29;
	v56 =	vmul.f32 $8.000000000e+00, v50;
	v39 =	vld.idx.msk [tilespmem:v57+s15+$0x0], $0xffff;
	[tilespmem:s1+$0xFFFFFD70] =	vst v35  }
0x245: {  	v46 =	vor.u32 v8, v30;
	v41 =	vld.idx.msk [tilespmem:v59+s15+$0x0], $0xffff;
	[tilespmem:s1+$0xFFFFFCF0] =	vst v24;
	v24 =	vmul.f32 $8.000000000e+00, v58  }
0x246: {  	[tilespmem:s8+$0x60] =	vst v56;
	v47 =	vor.u32 v8, v31;
	v25 =	vmul.f32 $8.000000000e+00, v25;
	v34 =	vld.idx.msk [tilespmem:v62+s15+$0x0], $0xffff  }
0x247: {  	v22 =	vor.u32 v15, v22;
	v32 =	vld.idx.msk [tilespmem:v60+s15+$0x0], $0xffff;
	[tilespmem:s1+$0xFFFFFDF0] =	vst v24;
	v24 =	vmul.f32 $8.000000000e+00, v37  }
0x248: {  	v48 =	vor.u32 v8, v17;
	[tilespmem:s1+$0xFFFFFE70] =	vst v25;
	v25 =	vmul.f32 $8.000000000e+00, v38;
	v36 =	vld.idx.msk [tilespmem:v63+s15+$0x0], $0xffff  }
0x249: {  	v49 =	vor.u32 v9, v33;
	v39 =	vmul.f32 $8.000000000e+00, v39;
	[tilespmem:s1+$0xFFFFFEF0] =	vst v24;
	v24 =	vld.idx.msk [tilespmem:v45+s15+$0x0], $0xffff  }
0x24a: {  	[tilespmem:s1+$0xFFFFFF70] =	vst v25;
	v25 =	vor.u32 v9, v27;
	v41 =	vmul.f32 $8.000000000e+00, v41;
	v40 =	vld.idx.msk [tilespmem:v46+s15+$0x0], $0xffff  }
0x24b: {  	v18 =	vor.u32 v9, v26;
	[tilespmem:s1+$0xFFFFFC70] =	vst v39;
	v35 =	vld.idx.msk [tilespmem:v47+s15+$0x0], $0xffff;
	v34 =	vmul.f32 $8.000000000e+00, v34  }
0x24c: {  	v22 =	vld.idx.msk [tilespmem:v22+s15+$0x0], $0xffff;
	v50 =	vor.u32 v9, v28;
	v32 =	vmul.f32 $8.000000000e+00, v32;
	[tilespmem:s1+$0x380] =	vst v41  }
0x24d: {  	v51 =	vor.u32 v9, v29;
	v37 =	vld.idx.msk [tilespmem:v48+s15+$0x0], $0xffff;
	[tilespmem:s1+$0x100] =	vst v34;
	v52 =	vmul.f32 $8.000000000e+00, v36  }
0x24e: {  	v53 =	vor.u32 v9, v30;
	v38 =	vld.idx.msk [tilespmem:v49+s15+$0x0], $0xffff;
	[tilespmem:s1+$0x80] =	vst v32;
	v24 =	vmul.f32 $8.000000000e+00, v24  }
0x24f: {  	v54 =	vor.u32 v9, v31;
	v25 =	vld.idx.msk [tilespmem:v25+s15+$0x0], $0xffff;
	[tilespmem:s1+$0x180] =	vst v52;
	v55 =	vmul.f32 $8.000000000e+00, v40  }
0x250: {  	v56 =	vor.u32 v9, v17;
	v18 =	vld.idx.msk [tilespmem:v18+s15+$0x0], $0xffff;
	[tilespmem:s1+$0x200] =	vst v24;
	v24 =	vmul.f32 $8.000000000e+00, v35  }
0x251: {  	v22 =	vmul.f32 $8.000000000e+00, v22;
	v58 =	vor.u32 v10, v33;
	v39 =	vld.idx.msk [tilespmem:v50+s15+$0x0], $0xffff;
	[tilespmem:s1+$0x280] =	vst v55  }
0x252: {  	v37 =	vmul.f32 $8.000000000e+00, v37;
	v57 =	vld.idx.msk [tilespmem:v51+s15+$0x0], $0xffff;
	[tilespmem:s1+$0x300] =	vst v24;
	v24 =	vor.u32 v10, v27  }
0x253: {  	v19 =	vor.u32 v10, v26;
	[tilespmem:s8+$0x2F0] =	vst v22;
	v38 =	vmul.f32 $8.000000000e+00, v38;
	v36 =	vld.idx.msk [tilespmem:v53+s15+$0x0], $0xffff  }
0x254: {  	v59 =	vor.u32 v10, v28;
	[tilespmem:s1+$0x0] =	vst v37;
	v34 =	vld.idx.msk [tilespmem:v54+s15+$0x0], $0xffff;
	v25 =	vmul.f32 $8.000000000e+00, v25  }
0x255: {  	v60 =	vor.u32 v10, v29;
	v35 =	vld.idx.msk [tilespmem:v56+s15+$0x0], $0xffff;
	v18 =	vmul.f32 $8.000000000e+00, v18;
	[tilespmem:s1+$0x390] =	vst v38  }
0x256: {  	v61 =	vor.u32 v10, v30;
	v40 =	vld.idx.msk [tilespmem:v58+s15+$0x0], $0xffff;
	[tilespmem:s1+$0x90] =	vst v25;
	v25 =	vmul.f32 $8.000000000e+00, v39  }
0x257: {  	v62 =	vor.u32 v10, v31;
	[tilespmem:s1+$0x110] =	vst v18;
	v18 =	vmul.f32 $8.000000000e+00, v57;
	v24 =	vld.idx.msk [tilespmem:v24+s15+$0x0], $0xffff  }
0x258: {  	v23 =	vor.u32 v15, v23;
	v19 =	vld.idx.msk [tilespmem:v19+s15+$0x0], $0xffff;
	[tilespmem:s1+$0x190] =	vst v25;
	v25 =	vmul.f32 $8.000000000e+00, v36  }
0x259: {  	v63 =	vor.u32 v10, v17;
	[tilespmem:s1+$0x210] =	vst v18;
	v18 =	vmul.f32 $8.000000000e+00, v34;
	v42 =	vld.idx.msk [tilespmem:v59+s15+$0x0], $0xffff  }
0x25a: {  	v43 =	vor.u32 v11, v33;
	v35 =	vmul.f32 $8.000000000e+00, v35;
	[tilespmem:s1+$0x290] =	vst v25;
	v25 =	vld.idx.msk [tilespmem:v60+s15+$0x0], $0xffff  }
0x25b: {  	v45 =	vmul.f32 $8.000000000e+00, v40;
	[tilespmem:s1+$0x310] =	vst v18;
	v18 =	vor.u32 v11, v27;
	v44 =	vld.idx.msk [tilespmem:v61+s15+$0x0], $0xffff  }
0x25c: {  	v20 =	vor.u32 v11, v26;
	[tilespmem:s1+$0x10] =	vst v35;
	v32 =	vld.idx.msk [tilespmem:v62+s15+$0x0], $0xffff;
	v24 =	vmul.f32 $8.000000000e+00, v24  }
0x25d: {  	v23 =	vld.idx.msk [tilespmem:v23+s15+$0x0], $0xffff;
	v46 =	vor.u32 v11, v28;
	v19 =	vmul.f32 $8.000000000e+00, v19;
	[tilespmem:s1+$0x3A0] =	vst v45  }
0x25e: {  	v47 =	vor.u32 v11, v29;
	v34 =	vld.idx.msk [tilespmem:v63+s15+$0x0], $0xffff;
	[tilespmem:s1+$0xA0] =	vst v24;
	v24 =	vmul.f32 $8.000000000e+00, v42  }
0x25f: {  	v48 =	vor.u32 v11, v30;
	v37 =	vld.idx.msk [tilespmem:v43+s15+$0x0], $0xffff;
	[tilespmem:s1+$0x120] =	vst v19;
	v19 =	vmul.f32 $8.000000000e+00, v25  }
0x260: {  	v25 =	vor.u32 v11, v31;
	v18 =	vld.idx.msk [tilespmem:v18+s15+$0x0], $0xffff;
	[tilespmem:s1+$0x1A0] =	vst v24;
	v24 =	vmul.f32 $8.000000000e+00, v44  }
0x261: {  	v49 =	vor.u32 v11, v17;
	v20 =	vld.idx.msk [tilespmem:v20+s15+$0x0], $0xffff;
	[tilespmem:s1+$0x220] =	vst v19;
	v19 =	vmul.f32 $8.000000000e+00, v32  }
0x262: {  	v23 =	vmul.f32 $8.000000000e+00, v23;
	v50 =	vor.u32 v12, v33;
	v35 =	vld.idx.msk [tilespmem:v46+s15+$0x0], $0xffff;
	[tilespmem:s1+$0x2A0] =	vst v24  }
0x263: {  	v34 =	vmul.f32 $8.000000000e+00, v34;
	v24 =	vld.idx.msk [tilespmem:v47+s15+$0x0], $0xffff;
	[tilespmem:s1+$0x320] =	vst v19;
	v19 =	vor.u32 v12, v27  }
0x264: {  	v21 =	vor.u32 v12, v26;
	[tilespmem:s8+$0x370] =	vst v23;
	v37 =	vmul.f32 $8.000000000e+00, v37;
	v36 =	vld.idx.msk [tilespmem:v48+s15+$0x0], $0xffff  }
0x265: {  	v51 =	vor.u32 v12, v28;
	[tilespmem:s1+$0x20] =	vst v34;
	v25 =	vld.idx.msk [tilespmem:v25+s15+$0x0], $0xffff;
	v18 =	vmul.f32 $8.000000000e+00, v18  }
0x266: {  	v52 =	vor.u32 v12, v29;
	v32 =	vld.idx.msk [tilespmem:v49+s15+$0x0], $0xffff;
	v20 =	vmul.f32 $8.000000000e+00, v20;
	[tilespmem:s1+$0x3B0] =	vst v37  }
0x267: {  	v53 =	vor.u32 v12, v30;
	v38 =	vld.idx.msk [tilespmem:v50+s15+$0x0], $0xffff;
	[tilespmem:s1+$0xB0] =	vst v18;
	v18 =	vmul.f32 $8.000000000e+00, v35  }
0x268: {  	[tilespmem:s1+$0x130] =	vst v20;
	v20 =	vmul.f32 $8.000000000e+00, v24;
	v19 =	vld.idx.msk [tilespmem:v19+s15+$0x0], $0xffff;
	v24 =	vor.u32 v12, v31  }
0x269: {  	v16 =	vor.u32 v15, v16;
	v21 =	vld.idx.msk [tilespmem:v21+s15+$0x0], $0xffff;
	[tilespmem:s1+$0x1B0] =	vst v18;
	v18 =	vmul.f32 $8.000000000e+00, v36  }
0x26a: {  	[tilespmem:s1+$0x230] =	vst v20;
	v20 =	vmul.f32 $8.000000000e+00, v25;
	v25 =	vor.u32 v12, v17;
	v34 =	vld.idx.msk [tilespmem:v51+s15+$0x0], $0xffff  }
0x26b: {  	v54 =	vor.u32 v13, v33;
	v32 =	vmul.f32 $8.000000000e+00, v32;
	[tilespmem:s1+$0x2B0] =	vst v18;
	v18 =	vld.idx.msk [tilespmem:v52+s15+$0x0], $0xffff  }
0x26c: {  	v55 =	vmul.f32 $8.000000000e+00, v38;
	[tilespmem:s1+$0x330] =	vst v20;
	v20 =	vor.u32 v13, v27;
	v35 =	vld.idx.msk [tilespmem:v53+s15+$0x0], $0xffff  }
0x26d: {  	v22 =	vor.u32 v13, v26;
	[tilespmem:s1+$0x30] =	vst v32;
	v24 =	vld.idx.msk [tilespmem:v24+s15+$0x0], $0xffff;
	v19 =	vmul.f32 $8.000000000e+00, v19  }
0x26e: {  	v16 =	vld.idx.msk [tilespmem:v16+s15+$0x0], $0xffff;
	v56 =	vor.u32 v13, v28;
	v21 =	vmul.f32 $8.000000000e+00, v21;
	[tilespmem:s1+$0x3C0] =	vst v55  }
0x26f: {  	v57 =	vor.u32 v13, v29;
	v25 =	vld.idx.msk [tilespmem:v25+s15+$0x0], $0xffff;
	[tilespmem:s1+$0xC0] =	vst v19;
	v19 =	vmul.f32 $8.000000000e+00, v34  }
0x270: {  	v58 =	vor.u32 v13, v30;
	v36 =	vld.idx.msk [tilespmem:v54+s15+$0x0], $0xffff;
	[tilespmem:s1+$0x140] =	vst v21;
	v18 =	vmul.f32 $8.000000000e+00, v18  }
0x271: {  	v21 =	vor.u32 v13, v31;
	v20 =	vld.idx.msk [tilespmem:v20+s15+$0x0], $0xffff;
	[tilespmem:s1+$0x1C0] =	vst v19;
	v19 =	vmul.f32 $8.000000000e+00, v35  }
0x272: {  	v22 =	vld.idx.msk [tilespmem:v22+s15+$0x0], $0xffff;
	[tilespmem:s1+$0x240] =	vst v18;
	v18 =	vmul.f32 $8.000000000e+00, v24;
	v24 =	vor.u32 v13, v17  }
0x273: {  	v16 =	vmul.f32 $8.000000000e+00, v16;
	v32 =	vld.idx.msk [tilespmem:v56+s15+$0x0], $0xffff;
	[tilespmem:s1+$0x2C0] =	vst v19  }
0x274: {  	v19 =	vld.idx.msk [tilespmem:v57+s15+$0x0], $0xffff;
	v25 =	vmul.f32 $8.000000000e+00, v25;
	[tilespmem:s1+$0x340] =	vst v18;
	v18 =	vor.u32 v14, v33  }
0x275: {  	v23 =	vor.u32 v14, v27;
	[tilespmem:s8+$0x70] =	vst v16;
	v59 =	vmul.f32 $8.000000000e+00, v36;
	v34 =	vld.idx.msk [tilespmem:v58+s15+$0x0], $0xffff  }
0x276: {  	v21 =	vld.idx.msk [tilespmem:v21+s15+$0x0], $0xffff;
	[tilespmem:s1+$0x40] =	vst v25;
	v20 =	vmul.f32 $8.000000000e+00, v20;
	v25 =	vor.u32 v14, v26  }
0x277: {  	v60 =	vor.u32 v14, v28;
	v22 =	vmul.f32 $8.000000000e+00, v22;
	[tilespmem:s1+$0x3D0] =	vst v59;
	v24 =	vld.idx.msk [tilespmem:v24+s15+$0x0], $0xffff  }
0x278: {  	v61 =	vor.u32 v14, v29;
	[tilespmem:s1+$0xD0] =	vst v20;
	v20 =	vmul.f32 $8.000000000e+00, v32  }
0x279: {  	[tilespmem:s1+$0x150] =	vst v22;
	v22 =	vor.u32 v14, v30;
	v19 =	vmul.f32 $8.000000000e+00, v19;
	v18 =	vld.idx.msk [tilespmem:v18+s15+$0x0], $0xffff  }
0x27a: {  	v62 =	vor.u32 v14, v31;
	v23 =	vld.idx.msk [tilespmem:v23+s15+$0x0], $0xffff;
	[tilespmem:s1+$0x1D0] =	vst v20;
	v20 =	vmul.f32 $8.000000000e+00, v34  }
0x27b: {  	[tilespmem:s1+$0x250] =	vst v19;
	v19 =	vmul.f32 $8.000000000e+00, v21;
	v21 =	vor.u32 v14, v17;
	v25 =	vld.idx.msk [tilespmem:v25+s15+$0x0], $0xffff  }
0x27c: {  	v33 =	vor.u32 v15, v33;
	[tilespmem:s1+$0x2D0] =	vst v20;
	v20 =	vld.idx.msk [tilespmem:v60+s15+$0x0], $0xffff;
	v24 =	vmul.f32 $8.000000000e+00, v24  }
0x27d: {  	[tilespmem:s1+$0x350] =	vst v19;
	v19 =	vor.u32 v15, v27;
	v27 =	vld.idx.msk [tilespmem:v61+s15+$0x0], $0xffff  }
0x27e: {  	v16 =	vld.idx.msk [tilespmem:v22+s15+$0x0], $0xffff;
	v22 =	vor.u32 v15, v26;
	v18 =	vmul.f32 $8.000000000e+00, v18;
	[tilespmem:s1+$0x50] =	vst v24  }
0x27f: {  	v26 =	vor.u32 v15, v28;
	v23 =	vmul.f32 $8.000000000e+00, v23;
	v24 =	vld.idx.msk [tilespmem:v62+s15+$0x0], $0xffff  }
0x280: {  	v21 =	vld.idx.msk [tilespmem:v21+s15+$0x0], $0xffff;
	[tilespmem:s1+$0x3E0] =	vst v18;
	v18 =	vmul.f32 $8.000000000e+00, v25;
	v25 =	vor.u32 v15, v29  }
0x281: {  	v28 =	vor.u32 v15, v30;
	[tilespmem:s1+$0xE0] =	vst v23;
	v23 =	vld.idx.msk [tilespmem:v33+s15+$0x0], $0xffff;
	v20 =	vmul.f32 $8.000000000e+00, v20  }
0x282: {  	v19 =	vld.idx.msk [tilespmem:v19+s15+$0x0], $0xffff;
	v27 =	vmul.f32 $8.000000000e+00, v27;
	[tilespmem:s1+$0x160] =	vst v18;
	v18 =	vor.u32 v15, v31  }
0x283: {  	v17 =	vor.u32 v15, v17;
	v16 =	vmul.f32 $8.000000000e+00, v16;
	v22 =	vld.idx.msk [tilespmem:v22+s15+$0x0], $0xffff;
	[tilespmem:s1+$0x1E0] =	vst v20  }
0x284: {  	[tilespmem:s1+$0x260] =	vst v27;
	v20 =	vmul.f32 $8.000000000e+00, v24;
	v24 =	vld.idx.msk [tilespmem:v26+s15+$0x0], $0xffff  }
0x285: {  	v21 =	vmul.f32 $8.000000000e+00, v21;
	[tilespmem:s1+$0x2E0] =	vst v16;
	v25 =	vld.idx.msk [tilespmem:v25+s15+$0x0], $0xffff  }
0x286: {  	v16 =	vmul.f32 $8.000000000e+00, v23;
	v23 =	vld.idx.msk [tilespmem:v28+s15+$0x0], $0xffff;
	[tilespmem:s1+$0x360] =	vst v20  }
0x287: {  	v19 =	vmul.f32 $8.000000000e+00, v19;
	[tilespmem:s1+$0x60] =	vst v21;
	v18 =	vld.idx.msk [tilespmem:v18+s15+$0x0], $0xffff  }
0x288: {  	v17 =	vld.idx.msk [tilespmem:v17+s15+$0x0], $0xffff;
	[tilespmem:s1+$0x3F0] =	vst v16;
	v16 =	vmul.f32 $8.000000000e+00, v22  }
0x289: {  	[tilespmem:s1+$0xF0] =	vst v19;
	v20 =	vmul.f32 $8.000000000e+00, v24  }
0x28a: {  	v19 =	vmul.f32 $8.000000000e+00, v25;
	[tilespmem:s1+$0x170] =	vst v16  }
0x28b: {  	v16 =	vmul.f32 $8.000000000e+00, v23;
	[tilespmem:s1+$0x1F0] =	vst v20  }
0x28c: {  	s9 =	sshll.u32 s31, $0x15;
	v18 =	vmul.f32 $8.000000000e+00, v18;
	[tilespmem:s1+$0x270] =	vst v19  }
0x28d: {  	s4 =	sor.u32 s30, s9;
	v17 =	vmul.f32 $8.000000000e+00, v17;
	[tilespmem:s1+$0x2F0] =	vst v16  }
0x28e: {  	s9 =	smin.u32 s28, $0x2F;
	s4 =	sshrl.u32 s4, $0x3;
	[tilespmem:s1+$0x370] =	vst v18  }
0x28f: {  	s8 =	sadd.s32 s2, s4;
	[tilespmem:s1+$0x70] =	vst v17;
	s1 =	sshll.u32 s9, $0x8  }
0x290: {  	[hbm4b:s8+s20] =	stream.strided.scatter [tilespmem:s22], [sflag:$0x3], $0x4000, s21, s20, $0x38;
	[tilespmem:$0x1B200] =	vst v63  }
0x291: {  	s9 =	simm.s32 $0x2;
	s28 =	sadd.s32 $0x200, s1  }
0x292: {  	[tilespmem:s15], [sflag:$0x1] =	stream.indirect.gather [hbm4b:s5+s14], $0x80, s28, s14, $0xb8;
	[tilespmem:$0x1B200] =	vst v63  }
0x293: {  	s1 =	sadd.s32 $0x280, s1;
	s8 =	simm.s32 $0x1;
	s28 =	simm.s32 $0x7  }
0x294: {  	v16 =	vmov s8;
	[tilespmem:s16], [sflag:$0x1] =	stream.indirect.gather [hbm4b:s5+s14], $0x80, s1, s14, $0xb8;
	[tilespmem:$0x1B200] =	vst v63  }
0x295: {  	v17 =	vmov s9;
	v16 =	vand.u32 $0x79, v16;
	v19 =	vmov s28;
	_ =	swait.ge [sflag:s23], $0x4000  }
0x296: {  	v18 =	vand.u32 $0x7A, v17;
	s8 =	simm.s32 $0x3;
	v17 =	vbroadcast v16, $0x0;
	v16 =	vand.u32 $0x7F, v19;
	[sflag:s23] =	ssyncset.done $0x0  }
0x297: {  	s4 =	simm.s32 $0x0;
	s9 =	simm.s32 $0x4;
	v31 =	vbroadcast v18, $0x0;
	v20 =	vmov s8;
	v25 =	vbroadcast v16, $0x0;
	[sflag:s23] =	ssyncadd.s32 $0xFFFFC000  }
0x298: {  	v21 =	vmov s9;
	v18 =	vmov s4;
	v20 =	vand.u32 $0x7B, v20;
	_ =	swait.ge [sflag:s23], $0x4000  }
0x299: {  	s28 =	simm.s32 $0x5;
	v19 =	vor.u32 v0, v31;
	v30 =	vbroadcast v20, $0x0;
	v22 =	vor.u32 v0, v25;
	[sflag:s23] =	ssyncset.done $0x0  }
0x29a: {  	s4 =	simm.s32 @!p1 $0x4;
	s8 =	simm.s32 $0x6;
	v20 =	vand.u32 $0x7C, v21;
	v21 =	vmov s28;
	v16 =	vor.u32 v0, v17;
	[sflag:s23] =	ssyncadd.s32 $0xFFFFC000  }
0x29b: {  	v29 =	vbroadcast v20, $0x0;
	v20 =	vand.u32 $0x7D, v21;
	v21 =	vmov s8;
	_ =	swait.ge @!p1 [sflag:s4], $0x4000  }
0x29c: {  	v23 =	vor.u32 v0, v30;
	v28 =	vbroadcast v20, $0x0;
	v20 =	vand.u32 $0x7E, v21;
	[sflag:s4] =	ssyncset.done @!p1 $0x0  }
0x29d: {  	v18 =	vand.u32 $0x78, v18;
	v21 =	vor.u32 v0, v29;
	v27 =	vbroadcast v20, $0x0;
	[sflag:s4] =	ssyncadd.s32 @!p1 $0xFFFFC000  }
0x29e: {  	v26 =	vbroadcast v18, $0x0;
	v18 =	vor.u32 v0, v28;
	v20 =	vld.idx.msk [tilespmem:v22+s17+$0x0], $0xffff  }
0x29f: {  	v16 =	vld.idx.msk [tilespmem:v16+s17+$0x0], $0xffff;
	v22 =	vor.u32 v0, v27  }
0x2a0: {  	v24 =	vor.u32 v0, v26;
	v19 =	vld.idx.msk [tilespmem:v19+s17+$0x0], $0xffff  }
0x2a1: {  	v63 =	vor.u32 v1, v25;
	v23 =	vld.idx.msk [tilespmem:v23+s17+$0x0], $0xffff  }
0x2a2: {  	v40 =	vor.u32 v1, v17;
	v21 =	vld.idx.msk [tilespmem:v21+s17+$0x0], $0xffff  }
0x2a3: {  	s9 =	simm.s32 $0x8;
	v41 =	vor.u32 v1, v31;
	v18 =	vld.idx.msk [tilespmem:v18+s17+$0x0], $0xffff;
	v20 =	vmul.f32 $8.000000000e+00, v20  }
0x2a4: {  	v42 =	vmov s9;
	s8 =	simm.s32 $0x17600;
	v44 =	vor.u32 v1, v30;
	v22 =	vld.idx.msk [tilespmem:v22+s17+$0x0], $0xffff;
	v43 =	vmul.f32 $8.000000000e+00, v16  }
0x2a5: {  	v45 =	vor.u32 v1, v29;
	v24 =	vld.idx.msk [tilespmem:v24+s17+$0x0], $0xffff;
	v16 =	vand.u32 $0x78, v42;
	v19 =	vmul.f32 $8.000000000e+00, v19;
	[tilespmem:s8+$0xFFFFFF80] =	vst v20  }
0x2a6: {  	v16 =	vbroadcast v16, $0x0;
	[tilespmem:s8+$0xFFFFFC80] =	vst v43;
	v20 =	vmul.f32 $8.000000000e+00, v23;
	v23 =	vor.u32 v1, v28;
	v32 =	vld.idx.msk [tilespmem:v63+s17+$0x0], $0xffff  }
0x2a7: {  	[tilespmem:s8+$0xFFFFFD00] =	vst v19;
	v19 =	vmul.f32 $8.000000000e+00, v21;
	v21 =	vor.u32 v1, v27;
	v33 =	vld.idx.msk [tilespmem:v40+s17+$0x0], $0xffff  }
0x2a8: {  	v18 =	vmul.f32 $8.000000000e+00, v18;
	v46 =	vor.u32 v0, v16;
	v34 =	vld.idx.msk [tilespmem:v41+s17+$0x0], $0xffff;
	[tilespmem:s8+$0xFFFFFD80] =	vst v20  }
0x2a9: {  	v20 =	vor.u32 v1, v26;
	[tilespmem:s8+$0xFFFFFE00] =	vst v19;
	v37 =	vld.idx.msk [tilespmem:v44+s17+$0x0], $0xffff;
	v19 =	vmul.f32 $8.000000000e+00, v22  }
0x2aa: {  	[tilespmem:s8+$0xFFFFFE80] =	vst v18;
	v18 =	vor.u32 v2, v25;
	v22 =	vld.idx.msk [tilespmem:v45+s17+$0x0], $0xffff  }
0x2ab: {  	v47 =	vor.u32 v2, v17;
	v24 =	vmul.f32 $8.000000000e+00, v24;
	v23 =	vld.idx.msk [tilespmem:v23+s17+$0x0], $0xffff;
	[tilespmem:s8+$0xFFFFFF00] =	vst v19  }
0x2ac: {  	v19 =	vor.u32 v2, v31;
	v21 =	vld.idx.msk [tilespmem:v21+s17+$0x0], $0xffff;
	v48 =	vmul.f32 $8.000000000e+00, v32  }
0x2ad: {  	v49 =	vor.u32 v2, v30;
	[tilespmem:s8+$0xFFFFFC00] =	vst v24;
	v32 =	vld.idx.msk [tilespmem:v46+s17+$0x0], $0xffff;
	v24 =	vmul.f32 $8.000000000e+00, v33  }
0x2ae: {  	v50 =	vor.u32 v2, v29;
	v34 =	vmul.f32 $8.000000000e+00, v34;
	v20 =	vld.idx.msk [tilespmem:v20+s17+$0x0], $0xffff;
	[tilespmem:s8+$0xFFFFFF90] =	vst v48  }
0x2af: {  	v51 =	vor.u32 v2, v28;
	[tilespmem:s8+$0xFFFFFC90] =	vst v24;
	v24 =	vmul.f32 $8.000000000e+00, v37;
	v18 =	vld.idx.msk [tilespmem:v18+s17+$0x0], $0xffff  }
0x2b0: {  	v52 =	vor.u32 v2, v27;
	[tilespmem:s8+$0xFFFFFD10] =	vst v34;
	v22 =	vmul.f32 $8.000000000e+00, v22;
	v35 =	vld.idx.msk [tilespmem:v47+s17+$0x0], $0xffff  }
0x2b1: {  	v19 =	vld.idx.msk [tilespmem:v19+s17+$0x0], $0xffff;
	[tilespmem:s8+$0xFFFFFD90] =	vst v24;
	v23 =	vmul.f32 $8.000000000e+00, v23;
	v24 =	vor.u32 v2, v26  }
0x2b2: {  	[tilespmem:s8+$0xFFFFFE10] =	vst v22;
	v22 =	vor.u32 v3, v25;
	v33 =	vld.idx.msk [tilespmem:v49+s17+$0x0], $0xffff;
	v21 =	vmul.f32 $8.000000000e+00, v21  }
0x2b3: {  	v36 =	vld.idx.msk [tilespmem:v50+s17+$0x0], $0xffff;
	[tilespmem:s8+$0xFFFFFE90] =	vst v23;
	v20 =	vmul.f32 $8.000000000e+00, v20;
	v23 =	vor.u32 v3, v17  }
0x2b4: {  	v37 =	vld.idx.msk [tilespmem:v51+s17+$0x0], $0xffff;
	[tilespmem:s8+$0xFFFFFF10] =	vst v21;
	v21 =	vor.u32 v3, v31;
	v18 =	vmul.f32 $8.000000000e+00, v18  }
0x2b5: {  	v53 =	vor.u32 v3, v30;
	v34 =	vld.idx.msk [tilespmem:v52+s17+$0x0], $0xffff;
	[tilespmem:s8+$0xFFFFFC10] =	vst v20;
	v20 =	vmul.f32 $8.000000000e+00, v35  }
0x2b6: {  	v54 =	vor.u32 v3, v29;
	v24 =	vld.idx.msk [tilespmem:v24+s17+$0x0], $0xffff;
	v19 =	vmul.f32 $8.000000000e+00, v19;
	[tilespmem:s8+$0xFFFFFFA0] =	vst v18  }
0x2b7: {  	[tilespmem:s8+$0xFFFFFCA0] =	vst v20;
	v18 =	vmul.f32 $8.000000000e+00, v33;
	v20 =	vor.u32 v3, v28;
	v22 =	vld.idx.msk [tilespmem:v22+s17+$0x0], $0xffff  }
0x2b8: {  	v55 =	vor.u32 v3, v27;
	v23 =	vld.idx.msk [tilespmem:v23+s17+$0x0], $0xffff;
	[tilespmem:s8+$0xFFFFFD20] =	vst v19;
	v19 =	vmul.f32 $8.000000000e+00, v36  }
0x2b9: {  	v56 =	vor.u32 v3, v26;
	v21 =	vld.idx.msk [tilespmem:v21+s17+$0x0], $0xffff;
	[tilespmem:s8+$0xFFFFFDA0] =	vst v18;
	v18 =	vmul.f32 $8.000000000e+00, v37  }
0x2ba: {  	v57 =	vor.u32 v4, v25;
	v35 =	vld.idx.msk [tilespmem:v53+s17+$0x0], $0xffff;
	[tilespmem:s8+$0xFFFFFE20] =	vst v19;
	v19 =	vmul.f32 $8.000000000e+00, v34  }
0x2bb: {  	v58 =	vld.idx.msk [tilespmem:v54+s17+$0x0], $0xffff;
	[tilespmem:s8+$0xFFFFFEA0] =	vst v18;
	v18 =	vmul.f32 $8.000000000e+00, v24;
	v24 =	vor.u32 v4, v17  }
0x2bc: {  	v20 =	vld.idx.msk [tilespmem:v20+s17+$0x0], $0xffff;
	[tilespmem:s8+$0xFFFFFF20] =	vst v19;
	v19 =	vor.u32 v4, v31;
	v22 =	vmul.f32 $8.000000000e+00, v22  }
0x2bd: {  	v33 =	vld.idx.msk [tilespmem:v55+s17+$0x0], $0xffff;
	[tilespmem:s8+$0xFFFFFC20] =	vst v18;
	v18 =	vmul.f32 $8.000000000e+00, v23;
	v23 =	vor.u32 v4, v30  }
0x2be: {  	v59 =	vor.u32 v4, v29;
	v36 =	vld.idx.msk [tilespmem:v56+s17+$0x0], $0xffff;
	v21 =	vmul.f32 $8.000000000e+00, v21;
	[tilespmem:s8+$0xFFFFFFB0] =	vst v22  }
0x2bf: {  	[tilespmem:s8+$0xFFFFFCB0] =	vst v18;
	v18 =	vmul.f32 $8.000000000e+00, v35;
	v22 =	vor.u32 v4, v28;
	v34 =	vld.idx.msk [tilespmem:v57+s17+$0x0], $0xffff  }
0x2c0: {  	v60 =	vor.u32 v4, v27;
	v24 =	vld.idx.msk [tilespmem:v24+s17+$0x0], $0xffff;
	[tilespmem:s8+$0xFFFFFD30] =	vst v21;
	v21 =	vmul.f32 $8.000000000e+00, v58  }
0x2c1: {  	v19 =	vld.idx.msk [tilespmem:v19+s17+$0x0], $0xffff;
	[tilespmem:s8+$0xFFFFFDB0] =	vst v18;
	v18 =	vmul.f32 $8.000000000e+00, v20;
	v20 =	vor.u32 v4, v26  }
0x2c2: {  	v61 =	vor.u32 v5, v25;
	v23 =	vld.idx.msk [tilespmem:v23+s17+$0x0], $0xffff;
	[tilespmem:s8+$0xFFFFFE30] =	vst v21;
	v21 =	vmul.f32 $8.000000000e+00, v33  }
0x2c3: {  	v63 =	vor.u32 v5, v17;
	v62 =	vld.idx.msk [tilespmem:v59+s17+$0x0], $0xffff;
	[tilespmem:s8+$0xFFFFFEB0] =	vst v18;
	v18 =	vmul.f32 $8.000000000e+00, v36  }
0x2c4: {  	v22 =	vld.idx.msk [tilespmem:v22+s17+$0x0], $0xffff;
	[tilespmem:s8+$0xFFFFFF30] =	vst v21;
	v21 =	vor.u32 v5, v31;
	v34 =	vmul.f32 $8.000000000e+00, v34  }
0x2c5: {  	v35 =	vld.idx.msk [tilespmem:v60+s17+$0x0], $0xffff;
	[tilespmem:s8+$0xFFFFFC30] =	vst v18;
	v18 =	vmul.f32 $8.000000000e+00, v24;
	v24 =	vor.u32 v5, v30  }
0x2c6: {  	v40 =	vor.u32 v5, v29;
	v20 =	vld.idx.msk [tilespmem:v20+s17+$0x0], $0xffff;
	v19 =	vmul.f32 $8.000000000e+00, v19;
	[tilespmem:s8+$0xFFFFFFC0] =	vst v34  }
0x2c7: {  	[tilespmem:s8+$0xFFFFFCC0] =	vst v18;
	v18 =	vmul.f32 $8.000000000e+00, v23;
	v23 =	vor.u32 v5, v28;
	v33 =	vld.idx.msk [tilespmem:v61+s17+$0x0], $0xffff  }
0x2c8: {  	v42 =	vor.u32 v5, v27;
	v41 =	vld.idx.msk [tilespmem:v63+s17+$0x0], $0xffff;
	[tilespmem:s8+$0xFFFFFD40] =	vst v19;
	v19 =	vmul.f32 $8.000000000e+00, v62  }
0x2c9: {  	v21 =	vld.idx.msk [tilespmem:v21+s17+$0x0], $0xffff;
	[tilespmem:s8+$0xFFFFFDC0] =	vst v18;
	v18 =	vmul.f32 $8.000000000e+00, v22;
	v22 =	vor.u32 v5, v26  }
0x2ca: {  	v43 =	vor.u32 v6, v25;
	v24 =	vld.idx.msk [tilespmem:v24+s17+$0x0], $0xffff;
	[tilespmem:s8+$0xFFFFFE40] =	vst v19;
	v19 =	vmul.f32 $8.000000000e+00, v35  }
0x2cb: {  	v44 =	vld.idx.msk [tilespmem:v40+s17+$0x0], $0xffff;
	[tilespmem:s8+$0xFFFFFEC0] =	vst v18;
	v18 =	vmul.f32 $8.000000000e+00, v20;
	v20 =	vor.u32 v6, v17  }
0x2cc: {  	v23 =	vld.idx.msk [tilespmem:v23+s17+$0x0], $0xffff;
	[tilespmem:s8+$0xFFFFFF40] =	vst v19;
	v19 =	vor.u32 v6, v31;
	v33 =	vmul.f32 $8.000000000e+00, v33  }
0x2cd: {  	v45 =	vor.u32 v6, v30;
	v36 =	vld.idx.msk [tilespmem:v42+s17+$0x0], $0xffff;
	[tilespmem:s8+$0xFFFFFC40] =	vst v18;
	v18 =	vmul.f32 $8.000000000e+00, v41  }
0x2ce: {  	v46 =	vor.u32 v6, v29;
	v22 =	vld.idx.msk [tilespmem:v22+s17+$0x0], $0xffff;
	v21 =	vmul.f32 $8.000000000e+00, v21;
	[tilespmem:s8+$0xFFFFFFD0] =	vst v33  }
0x2cf: {  	[tilespmem:s8+$0xFFFFFCD0] =	vst v18;
	v18 =	vmul.f32 $8.000000000e+00, v24;
	v24 =	vor.u32 v6, v28;
	v33 =	vld.idx.msk [tilespmem:v43+s17+$0x0], $0xffff  }
0x2d0: {  	v47 =	vor.u32 v6, v27;
	v20 =	vld.idx.msk [tilespmem:v20+s17+$0x0], $0xffff;
	[tilespmem:s8+$0xFFFFFD50] =	vst v21;
	v21 =	vmul.f32 $8.000000000e+00, v44  }
0x2d1: {  	v19 =	vld.idx.msk [tilespmem:v19+s17+$0x0], $0xffff;
	[tilespmem:s8+$0xFFFFFDD0] =	vst v18;
	v18 =	vmul.f32 $8.000000000e+00, v23;
	v23 =	vor.u32 v6, v26  }
0x2d2: {  	v48 =	vor.u32 v7, v25;
	v34 =	vld.idx.msk [tilespmem:v45+s17+$0x0], $0xffff;
	[tilespmem:s8+$0xFFFFFE50] =	vst v21;
	v21 =	vmul.f32 $8.000000000e+00, v36  }
0x2d3: {  	v49 =	vld.idx.msk [tilespmem:v46+s17+$0x0], $0xffff;
	[tilespmem:s8+$0xFFFFFED0] =	vst v18;
	v18 =	vmul.f32 $8.000000000e+00, v22;
	v22 =	vor.u32 v7, v17  }
0x2d4: {  	v24 =	vld.idx.msk [tilespmem:v24+s17+$0x0], $0xffff;
	[tilespmem:s8+$0xFFFFFF50] =	vst v21;
	v21 =	vor.u32 v7, v31;
	v33 =	vmul.f32 $8.000000000e+00, v33  }
0x2d5: {  	v35 =	vld.idx.msk [tilespmem:v47+s17+$0x0], $0xffff;
	[tilespmem:s8+$0xFFFFFC50] =	vst v18;
	v18 =	vmul.f32 $8.000000000e+00, v20;
	v20 =	vor.u32 v7, v30  }
0x2d6: {  	v50 =	vor.u32 v7, v29;
	v23 =	vld.idx.msk [tilespmem:v23+s17+$0x0], $0xffff;
	v19 =	vmul.f32 $8.000000000e+00, v19;
	[tilespmem:s8+$0xFFFFFFE0] =	vst v33  }
0x2d7: {  	v51 =	vor.u32 v7, v28;
	[tilespmem:s8+$0xFFFFFCE0] =	vst v18;
	v18 =	vmul.f32 $8.000000000e+00, v34;
	v52 =	vld.idx.msk [tilespmem:v48+s17+$0x0], $0xffff  }
0x2d8: {  	v53 =	vor.u32 v7, v27;
	v22 =	vld.idx.msk [tilespmem:v22+s17+$0x0], $0xffff;
	[tilespmem:s8+$0xFFFFFD60] =	vst v19;
	v19 =	vmul.f32 $8.000000000e+00, v49  }
0x2d9: {  	v21 =	vld.idx.msk [tilespmem:v21+s17+$0x0], $0xffff;
	[tilespmem:s8+$0xFFFFFDE0] =	vst v18;
	v18 =	vmul.f32 $8.000000000e+00, v24;
	v24 =	vor.u32 v7, v26  }
0x2da: {  	v54 =	vor.u32 v8, v25;
	v20 =	vld.idx.msk [tilespmem:v20+s17+$0x0], $0xffff;
	[tilespmem:s8+$0xFFFFFE60] =	vst v19;
	v19 =	vmul.f32 $8.000000000e+00, v35  }
0x2db: {  	v55 =	vld.idx.msk [tilespmem:v50+s17+$0x0], $0xffff;
	[tilespmem:s8+$0xFFFFFEE0] =	vst v18;
	v18 =	vmul.f32 $8.000000000e+00, v23;
	v23 =	vor.u32 v8, v17  }
0x2dc: {  	s28 =	simm.s32 $0x9;
	v33 =	vld.idx.msk [tilespmem:v51+s17+$0x0], $0xffff;
	[tilespmem:s8+$0xFFFFFF60] =	vst v19;
	v19 =	vor.u32 v8, v31;
	v34 =	vmul.f32 $8.000000000e+00, v52  }
0x2dd: {  	v56 =	vmov s28;
	v57 =	vor.u32 v8, v30;
	v36 =	vld.idx.msk [tilespmem:v53+s17+$0x0], $0xffff;
	[tilespmem:s8+$0xFFFFFC60] =	vst v18;
	v22 =	vmul.f32 $8.000000000e+00, v22  }
0x2de: {  	v58 =	vor.u32 v8, v29;
	v18 =	vand.u32 $0x79, v56;
	v24 =	vld.idx.msk [tilespmem:v24+s17+$0x0], $0xffff;
	v21 =	vmul.f32 $8.000000000e+00, v21;
	[tilespmem:s8+$0xFFFFFFF0] =	vst v34  }
0x2df: {  	v18 =	vbroadcast v18, $0x0;
	[tilespmem:s8+$0xFFFFFCF0] =	vst v22;
	v20 =	vmul.f32 $8.000000000e+00, v20;
	v22 =	vor.u32 v8, v28;
	v34 =	vld.idx.msk [tilespmem:v54+s17+$0x0], $0xffff  }
0x2e0: {  	v59 =	vor.u32 v8, v27;
	v23 =	vld.idx.msk [tilespmem:v23+s17+$0x0], $0xffff;
	[tilespmem:s8+$0xFFFFFD70] =	vst v21;
	v21 =	vmul.f32 $8.000000000e+00, v55  }
0x2e1: {  	v60 =	vor.u32 v0, v18;
	v19 =	vld.idx.msk [tilespmem:v19+s17+$0x0], $0xffff;
	[tilespmem:s8+$0xFFFFFDF0] =	vst v20;
	v20 =	vmul.f32 $8.000000000e+00, v33  }
0x2e2: {  	v61 =	vor.u32 v8, v26;
	v39 =	vld.idx.msk [tilespmem:v57+s17+$0x0], $0xffff;
	[tilespmem:s8+$0xFFFFFE70] =	vst v21;
	v21 =	vmul.f32 $8.000000000e+00, v36  }
0x2e3: {  	v62 =	vld.idx.msk [tilespmem:v58+s17+$0x0], $0xffff;
	[tilespmem:s8+$0xFFFFFEF0] =	vst v20;
	v20 =	vor.u32 v9, v25  }
0x2e4: {  	v63 =	vor.u32 v9, v17;
	v24 =	vmul.f32 $8.000000000e+00, v24;
	v22 =	vld.idx.msk [tilespmem:v22+s17+$0x0], $0xffff;
	[tilespmem:s8+$0xFFFFFF70] =	vst v21  }
0x2e5: {  	s4 =	simm.s32 $0xA;
	v21 =	vor.u32 v9, v31;
	v35 =	vld.idx.msk [tilespmem:v59+s17+$0x0], $0xffff;
	v34 =	vmul.f32 $8.000000000e+00, v34  }
0x2e6: {  	v45 =	vmov s4;
	v33 =	vld.idx.msk [tilespmem:v60+s17+$0x0], $0xffff;
	[tilespmem:s8+$0xFFFFFC70] =	vst v24;
	v23 =	vmul.f32 $8.000000000e+00, v23;
	v24 =	vor.u32 v9, v30  }
0x2e7: {  	v37 =	vand.u32 $0x7A, v45;
	v47 =	vor.u32 v9, v29;
	v40 =	vld.idx.msk [tilespmem:v61+s17+$0x0], $0xffff;
	v46 =	vmul.f32 $8.000000000e+00, v19;
	[tilespmem:s8+$0x380] =	vst v34  }
0x2e8: {  	v48 =	vor.u32 v9, v28;
	v19 =	vbroadcast v37, $0x0;
	[tilespmem:s8+$0x80] =	vst v23;
	v23 =	vmul.f32 $8.000000000e+00, v39;
	v20 =	vld.idx.msk [tilespmem:v20+s17+$0x0], $0xffff  }
0x2e9: {  	v50 =	vor.u32 v9, v27;
	v49 =	vld.idx.msk [tilespmem:v63+s17+$0x0], $0xffff;
	[tilespmem:s8+$0x100] =	vst v46;
	v36 =	vmul.f32 $8.000000000e+00, v62  }
0x2ea: {  	v51 =	vor.u32 v0, v19;
	v21 =	vld.idx.msk [tilespmem:v21+s17+$0x0], $0xffff;
	[tilespmem:s8+$0x180] =	vst v23;
	v22 =	vmul.f32 $8.000000000e+00, v22  }
0x2eb: {  	v23 =	vor.u32 v9, v26;
	v24 =	vld.idx.msk [tilespmem:v24+s17+$0x0], $0xffff;
	[tilespmem:s8+$0x200] =	vst v36;
	v35 =	vmul.f32 $8.000000000e+00, v35  }
0x2ec: {  	v36 =	vld.idx.msk [tilespmem:v47+s17+$0x0], $0xffff;
	[tilespmem:s8+$0x280] =	vst v22;
	v22 =	vor.u32 v10, v25  }
0x2ed: {  	v52 =	vor.u32 v10, v17;
	v40 =	vmul.f32 $8.000000000e+00, v40;
	v34 =	vld.idx.msk [tilespmem:v48+s17+$0x0], $0xffff;
	[tilespmem:s8+$0x300] =	vst v35  }
0x2ee: {  	s9 =	simm.s32 $0xB;
	v53 =	vor.u32 v10, v31;
	v38 =	vld.idx.msk [tilespmem:v50+s17+$0x0], $0xffff;
	v20 =	vmul.f32 $8.000000000e+00, v20  }
0x2ef: {  	v54 =	vmov s9;
	v55 =	vor.u32 v10, v30;
	v35 =	vld.idx.msk [tilespmem:v51+s17+$0x0], $0xffff;
	[tilespmem:s8+$0x0] =	vst v40;
	v37 =	vmul.f32 $8.000000000e+00, v49  }
0x2f0: {  	v56 =	vor.u32 v10, v29;
	v39 =	vand.u32 $0x7B, v54;
	v23 =	vld.idx.msk [tilespmem:v23+s17+$0x0], $0xffff;
	v21 =	vmul.f32 $8.000000000e+00, v21;
	[tilespmem:s8+$0x390] =	vst v20  }
0x2f1: {  	v57 =	vor.u32 v10, v28;
	v20 =	vbroadcast v39, $0x0;
	[tilespmem:s8+$0x90] =	vst v37;
	v24 =	vmul.f32 $8.000000000e+00, v24;
	v22 =	vld.idx.msk [tilespmem:v22+s17+$0x0], $0xffff  }
0x2f2: {  	v59 =	vor.u32 v10, v27;
	v58 =	vld.idx.msk [tilespmem:v52+s17+$0x0], $0xffff;
	[tilespmem:s8+$0x110] =	vst v21;
	v21 =	vmul.f32 $8.000000000e+00, v36  }
0x2f3: {  	v60 =	vor.u32 v0, v20;
	v42 =	vld.idx.msk [tilespmem:v53+s17+$0x0], $0xffff;
	[tilespmem:s8+$0x190] =	vst v24;
	v24 =	vmul.f32 $8.000000000e+00, v34  }
0x2f4: {  	v61 =	vor.u32 v10, v26;
	v40 =	vld.idx.msk [tilespmem:v55+s17+$0x0], $0xffff;
	[tilespmem:s8+$0x210] =	vst v21;
	v21 =	vmul.f32 $8.000000000e+00, v38  }
0x2f5: {  	v62 =	vld.idx.msk [tilespmem:v56+s17+$0x0], $0xffff;
	[tilespmem:s8+$0x290] =	vst v24;
	v24 =	vor.u32 v11, v25  }
0x2f6: {  	v63 =	vor.u32 v11, v17;
	v23 =	vmul.f32 $8.000000000e+00, v23;
	v37 =	vld.idx.msk [tilespmem:v57+s17+$0x0], $0xffff;
	[tilespmem:s8+$0x310] =	vst v21  }
0x2f7: {  	s28 =	simm.s32 $0xC;
	v48 =	vor.u32 v11, v31;
	v49 =	vld.idx.msk [tilespmem:v59+s17+$0x0], $0xffff;
	v21 =	vmul.f32 $8.000000000e+00, v22  }
0x2f8: {  	v50 =	vor.u32 v11, v30;
	v22 =	vmov s28;
	[tilespmem:s8+$0x10] =	vst v23;
	v23 =	vmul.f32 $8.000000000e+00, v58;
	v36 =	vld.idx.msk [tilespmem:v60+s17+$0x0], $0xffff  }
0x2f9: {  	v52 =	vor.u32 v11, v29;
	v22 =	vand.u32 $0x7C, v22;
	v34 =	vld.idx.msk [tilespmem:v61+s17+$0x0], $0xffff;
	v51 =	vmul.f32 $8.000000000e+00, v42;
	[tilespmem:s8+$0x3A0] =	vst v21  }
0x2fa: {  	v21 =	vbroadcast v22, $0x0;
	[tilespmem:s8+$0xA0] =	vst v23;
	v22 =	vmul.f32 $8.000000000e+00, v40;
	v23 =	vor.u32 v11, v28;
	v24 =	vld.idx.msk [tilespmem:v24+s17+$0x0], $0xffff  }
0x2fb: {  	v53 =	vor.u32 v11, v27;
	v43 =	vld.idx.msk [tilespmem:v63+s17+$0x0], $0xffff;
	[tilespmem:s8+$0x120] =	vst v51;
	v38 =	vmul.f32 $8.000000000e+00, v62  }
0x2fc: {  	v54 =	vor.u32 v0, v21;
	v44 =	vld.idx.msk [tilespmem:v48+s17+$0x0], $0xffff;
	[tilespmem:s8+$0x1A0] =	vst v22;
	v22 =	vmul.f32 $8.000000000e+00, v37  }
0x2fd: {  	v55 =	vor.u32 v11, v26;
	v39 =	vld.idx.msk [tilespmem:v50+s17+$0x0], $0xffff;
	[tilespmem:s8+$0x220] =	vst v38;
	v56 =	vmul.f32 $8.000000000e+00, v49  }
0x2fe: {  	v57 =	vor.u32 v12, v25;
	v42 =	vld.idx.msk [tilespmem:v52+s17+$0x0], $0xffff;
	[tilespmem:s8+$0x2A0] =	vst v22  }
0x2ff: {  	v58 =	vor.u32 v12, v17;
	v22 =	vmul.f32 $8.000000000e+00, v34;
	v23 =	vld.idx.msk [tilespmem:v23+s17+$0x0], $0xffff;
	[tilespmem:s8+$0x320] =	vst v56  }
0x300: {  	s4 =	simm.s32 $0xD;
	v59 =	vor.u32 v12, v31;
	v60 =	vld.idx.msk [tilespmem:v53+s17+$0x0], $0xffff;
	v24 =	vmul.f32 $8.000000000e+00, v24  }
0x301: {  	v61 =	vmov s4;
	v62 =	vor.u32 v12, v30;
	[tilespmem:s8+$0x20] =	vst v22;
	v43 =	vmul.f32 $8.000000000e+00, v43;
	v40 =	vld.idx.msk [tilespmem:v54+s17+$0x0], $0xffff  }
0x302: {  	v48 =	vor.u32 v12, v29;
	v22 =	vand.u32 $0x7D, v61;
	v37 =	vld.idx.msk [tilespmem:v55+s17+$0x0], $0xffff;
	v63 =	vmul.f32 $8.000000000e+00, v44;
	[tilespmem:s8+$0x3B0] =	vst v24  }
0x303: {  	v49 =	vor.u32 v12, v28;
	v22 =	vbroadcast v22, $0x0;
	[tilespmem:s8+$0xB0] =	vst v43;
	v24 =	vmul.f32 $8.000000000e+00, v39;
	v50 =	vld.idx.msk [tilespmem:v57+s17+$0x0], $0xffff  }
0x304: {  	v52 =	vor.u32 v12, v27;
	v34 =	vld.idx.msk [tilespmem:v58+s17+$0x0], $0xffff;
	[tilespmem:s8+$0x130] =	vst v63;
	v51 =	vmul.f32 $8.000000000e+00, v42  }
0x305: {  	v53 =	vor.u32 v0, v22;
	v38 =	vld.idx.msk [tilespmem:v59+s17+$0x0], $0xffff;
	[tilespmem:s8+$0x1B0] =	vst v24;
	v23 =	vmul.f32 $8.000000000e+00, v23  }
0x306: {  	v24 =	vor.u32 v12, v26;
	v47 =	vld.idx.msk [tilespmem:v62+s17+$0x0], $0xffff;
	[tilespmem:s8+$0x230] =	vst v51;
	v54 =	vmul.f32 $8.000000000e+00, v60  }
0x307: {  	v55 =	vor.u32 v13, v25;
	v44 =	vld.idx.msk [tilespmem:v48+s17+$0x0], $0xffff;
	[tilespmem:s8+$0x2B0] =	vst v23  }
0x308: {  	v56 =	vor.u32 v13, v17;
	v23 =	vmul.f32 $8.000000000e+00, v37;
	v39 =	vld.idx.msk [tilespmem:v49+s17+$0x0], $0xffff;
	[tilespmem:s8+$0x330] =	vst v54  }
0x309: {  	s9 =	simm.s32 $0xE;
	v57 =	vor.u32 v13, v31;
	v42 =	vld.idx.msk [tilespmem:v52+s17+$0x0], $0xffff;
	v43 =	vmul.f32 $8.000000000e+00, v50  }
0x30a: {  	v58 =	vmov s9;
	v59 =	vor.u32 v13, v30;
	v45 =	vld.idx.msk [tilespmem:v53+s17+$0x0], $0xffff;
	[tilespmem:s8+$0x30] =	vst v23;
	v34 =	vmul.f32 $8.000000000e+00, v34  }
0x30b: {  	v61 =	vor.u32 v13, v29;
	v23 =	vand.u32 $0x7E, v58;
	v60 =	vld.idx.msk [tilespmem:v24+s17+$0x0], $0xffff;
	v24 =	vmul.f32 $8.000000000e+00, v38;
	[tilespmem:s8+$0x3C0] =	vst v43  }
0x30c: {  	v63 =	vor.u32 v13, v28;
	v23 =	vbroadcast v23, $0x0;
	[tilespmem:s8+$0xC0] =	vst v34;
	v62 =	vmul.f32 $8.000000000e+00, v47;
	v46 =	vld.idx.msk [tilespmem:v55+s17+$0x0], $0xffff  }
0x30d: {  	s28 =	simm.s32 $0xF;
	v52 =	vor.u32 v13, v27;
	v37 =	vld.idx.msk [tilespmem:v56+s17+$0x0], $0xffff;
	[tilespmem:s8+$0x140] =	vst v24;
	v24 =	vmul.f32 $8.000000000e+00, v44  }
0x30e: {  	v54 =	vmov s28;
	v53 =	vor.u32 v0, v23;
	v41 =	vld.idx.msk [tilespmem:v57+s17+$0x0], $0xffff;
	[tilespmem:s8+$0x1C0] =	vst v62;
	v55 =	vmul.f32 $8.000000000e+00, v39  }
0x30f: {  	v56 =	vand.u32 $0x7F, v54;
	v57 =	vor.u32 v13, v26;
	v49 =	vld.idx.msk [tilespmem:v59+s17+$0x0], $0xffff;
	[tilespmem:s8+$0x240] =	vst v24;
	v42 =	vmul.f32 $8.000000000e+00, v42  }
0x310: {  	v58 =	vor.u32 v14, v25;
	v24 =	vbroadcast v56, $0x0;
	v38 =	vld.idx.msk [tilespmem:v61+s17+$0x0], $0xffff;
	[tilespmem:s8+$0x2C0] =	vst v55  }
0x311: {  	v59 =	vmul.f32 $8.000000000e+00, v60;
	v60 =	vor.u32 v14, v17;
	v43 =	vld.idx.msk [tilespmem:v63+s17+$0x0], $0xffff;
	[tilespmem:s8+$0x340] =	vst v42  }
0x312: {  	v61 =	vor.u32 v0, v24;
	v44 =	vld.idx.msk [tilespmem:v52+s17+$0x0], $0xffff;
	v46 =	vmul.f32 $8.000000000e+00, v46  }
0x313: {  	v62 =	vor.u32 v14, v31;
	v47 =	vld.idx.msk [tilespmem:v53+s17+$0x0], $0xffff;
	[tilespmem:s8+$0x40] =	vst v59;
	v37 =	vmul.f32 $8.000000000e+00, v37  }
0x314: {  	v51 =	vor.u32 v14, v30;
	v50 =	vld.idx.msk [tilespmem:v57+s17+$0x0], $0xffff;
	v41 =	vmul.f32 $8.000000000e+00, v41;
	[tilespmem:s8+$0x3D0] =	vst v46  }
0x315: {  	v63 =	vor.u32 v14, v29;
	[tilespmem:s8+$0xD0] =	vst v37;
	v55 =	vmul.f32 $8.000000000e+00, v49;
	v34 =	vld.idx.msk [tilespmem:v58+s17+$0x0], $0xffff  }
0x316: {  	v56 =	vor.u32 v14, v28;
	v48 =	vld.idx.msk [tilespmem:v60+s17+$0x0], $0xffff;
	[tilespmem:s8+$0x150] =	vst v41;
	v38 =	vmul.f32 $8.000000000e+00, v38  }
0x317: {  	v58 =	vor.u32 v14, v27;
	v57 =	vld.idx.msk [tilespmem:v61+s17+$0x0], $0xffff;
	[tilespmem:s8+$0x1D0] =	vst v55;
	v43 =	vmul.f32 $8.000000000e+00, v43  }
0x318: {  	v59 =	vor.u32 v14, v26;
	v52 =	vld.idx.msk [tilespmem:v62+s17+$0x0], $0xffff;
	[tilespmem:s8+$0x250] =	vst v38;
	v60 =	vmul.f32 $8.000000000e+00, v44  }
0x319: {  	v55 =	vor.u32 v1, v19;
	v44 =	vld.idx.msk [tilespmem:v51+s17+$0x0], $0xffff;
	[tilespmem:s8+$0x2D0] =	vst v43;
	v61 =	vmul.f32 $8.000000000e+00, v50  }
0x31a: {  	v35 =	vmul.f32 $8.000000000e+00, v35;
	s4 =	simm.s32 $0x10;
	v25 =	vor.u32 v15, v25;
	v39 =	vld.idx.msk [tilespmem:v63+s17+$0x0], $0xffff;
	[tilespmem:s8+$0x350] =	vst v60  }
0x31b: {  	v36 =	vmul.f32 $8.000000000e+00, v36;
	v17 =	vor.u32 v15, v17;
	v38 =	vld.idx.msk [tilespmem:v56+s17+$0x0], $0xffff;
	v56 =	vmov s4;
	s4 =	simm.s32 $0x17E00;
	[tilespmem:s8+$0x50] =	vst v61  }
0x31c: {  	v50 =	vor.u32 v1, v24;
	v62 =	vmul.f32 $8.000000000e+00, v34;
	v37 =	vld.idx.msk [tilespmem:v58+s17+$0x0], $0xffff;
	[tilespmem:s4+$0xFFFFFD00] =	vst v35  }
0x31d: {  	v63 =	vor.u32 v1, v18;
	v54 =	vmul.f32 $8.000000000e+00, v48;
	[tilespmem:s4+$0xFFFFFD80] =	vst v36;
	v34 =	vld.idx.msk [tilespmem:v59+s17+$0x0], $0xffff  }
0x31e: {  	v58 =	vor.u32 v1, v20;
	v41 =	vmul.f32 $8.000000000e+00, v57;
	v42 =	vld.idx.msk [tilespmem:v55+s17+$0x0], $0xffff;
	[tilespmem:s8+$0x3E0] =	vst v62  }
0x31f: {  	v61 =	vor.u32 v1, v22;
	v57 =	vmul.f32 $8.000000000e+00, v33;
	[tilespmem:s8+$0xE0] =	vst v54;
	v25 =	vld.idx.msk [tilespmem:v25+s17+$0x0], $0xffff  }
0x320: {  	v32 =	vmul.f32 $8.000000000e+00, v32;
	v53 =	vor.u32 v1, v23;
	[tilespmem:s4+$0xFFFFFF80] =	vst v41;
	v33 =	vld.idx.msk [tilespmem:v17+s17+$0x0], $0xffff  }
0x321: {  	v59 =	vand.u32 $0x78, v56;
	v55 =	vmul.f32 $8.000000000e+00, v45;
	v56 =	vor.u32 v1, v16;
	[tilespmem:s4+$0xFFFFFC80] =	vst v57;
	v62 =	vld.idx.msk [tilespmem:v50+s17+$0x0], $0xffff  }
0x322: {  	v60 =	vor.u32 v1, v21;
	[tilespmem:s4+$0xFFFFFC00] =	vst v32;
	v17 =	vbroadcast v59, $0x0;
	v57 =	vmul.f32 $8.000000000e+00, v47;
	v48 =	vld.idx.msk [tilespmem:v63+s17+$0x0], $0xffff  }
0x323: {  	v27 =	vor.u32 v15, v27;
	v44 =	vmul.f32 $8.000000000e+00, v44;
	[tilespmem:s4+$0xFFFFFE80] =	vst v55;
	v49 =	vld.idx.msk [tilespmem:v58+s17+$0x0], $0xffff  }
0x324: {  	v63 =	vmul.f32 $8.000000000e+00, v40;
	v54 =	vor.u32 v0, v17;
	v41 =	vld.idx.msk [tilespmem:v61+s17+$0x0], $0xffff;
	[tilespmem:s4+$0xFFFFFF00] =	vst v57  }
0x325: {  	[tilespmem:s8+$0x1E0] =	vst v44;
	v58 =	vor.u32 v2, v24;
	v37 =	vmul.f32 $8.000000000e+00, v37;
	v40 =	vld.idx.msk [tilespmem:v53+s17+$0x0], $0xffff  }
0x326: {  	v59 =	vor.u32 v2, v18;
	[tilespmem:s4+$0xFFFFFE00] =	vst v63;
	v45 =	vld.idx.msk [tilespmem:v56+s17+$0x0], $0xffff;
	v25 =	vmul.f32 $8.000000000e+00, v25  }
0x327: {  	v46 =	vld.idx.msk [tilespmem:v60+s17+$0x0], $0xffff;
	v60 =	vor.u32 v2, v19;
	[tilespmem:s8+$0x360] =	vst v37;
	v43 =	vmul.f32 $8.000000000e+00, v62  }
0x328: {  	v37 =	vld.idx.msk [tilespmem:v27+s17+$0x0], $0xffff;
	v61 =	vmul.f32 $8.000000000e+00, v48;
	v62 =	vor.u32 v2, v20;
	[tilespmem:s8+$0x3F0] =	vst v25  }
0x329: {  	v42 =	vmul.f32 $8.000000000e+00, v42;
	v56 =	vor.u32 v2, v23;
	v25 =	vld.idx.msk [tilespmem:v54+s17+$0x0], $0xffff;
	[tilespmem:s4+$0xFFFFFF90] =	vst v43  }
0x32a: {  	v63 =	vor.u32 v2, v21;
	v53 =	vmul.f32 $8.000000000e+00, v49;
	[tilespmem:s4+$0xFFFFFC90] =	vst v61;
	v36 =	vld.idx.msk [tilespmem:v58+s17+$0x0], $0xffff  }
0x32b: {  	[tilespmem:s4+$0xFFFFFD10] =	vst v42;
	v54 =	vor.u32 v2, v22;
	v40 =	vmul.f32 $8.000000000e+00, v40;
	v47 =	vld.idx.msk [tilespmem:v59+s17+$0x0], $0xffff  }
0x32c: {  	v31 =	vor.u32 v15, v31;
	v55 =	vmul.f32 $8.000000000e+00, v46;
	v35 =	vld.idx.msk [tilespmem:v60+s17+$0x0], $0xffff;
	[tilespmem:s4+$0xFFFFFD90] =	vst v53  }
0x32d: {  	v57 =	vmul.f32 $8.000000000e+00, v41;
	v58 =	vor.u32 v2, v16;
	[tilespmem:s4+$0xFFFFFF10] =	vst v40;
	v48 =	vld.idx.msk [tilespmem:v62+s17+$0x0], $0xffff  }
0x32e: {  	v30 =	vor.u32 v15, v30;
	v59 =	vmul.f32 $8.000000000e+00, v52;
	[tilespmem:s4+$0xFFFFFE10] =	vst v55;
	v46 =	vld.idx.msk [tilespmem:v56+s17+$0x0], $0xffff  }
0x32f: {  	v45 =	vmul.f32 $8.000000000e+00, v45;
	[tilespmem:s4+$0xFFFFFE90] =	vst v57;
	v60 =	vor.u32 v3, v24;
	v49 =	vld.idx.msk [tilespmem:v63+s17+$0x0], $0xffff  }
0x330: {  	v61 =	vor.u32 v3, v18;
	[tilespmem:s8+$0x160] =	vst v59;
	v43 =	vld.idx.msk [tilespmem:v54+s17+$0x0], $0xffff;
	v63 =	vmul.f32 $8.000000000e+00, v36  }
0x331: {  	[tilespmem:s4+$0xFFFFFC10] =	vst v45;
	v62 =	vor.u32 v3, v19;
	v36 =	vld.idx.msk [tilespmem:v31+s17+$0x0], $0xffff;
	v35 =	vmul.f32 $8.000000000e+00, v35  }
0x332: {  	v55 =	vor.u32 v3, v20;
	v54 =	vmul.f32 $8.000000000e+00, v47;
	v31 =	vld.idx.msk [tilespmem:v58+s17+$0x0], $0xffff;
	[tilespmem:s4+$0xFFFFFFA0] =	vst v63  }
0x333: {  	v39 =	vmul.f32 $8.000000000e+00, v39;
	v56 =	vor.u32 v3, v21;
	[tilespmem:s4+$0xFFFFFD20] =	vst v35;
	v35 =	vld.idx.msk [tilespmem:v30+s17+$0x0], $0xffff  }
0x334: {  	v58 =	vor.u32 v3, v22;
	[tilespmem:s4+$0xFFFFFCA0] =	vst v54;
	v57 =	vmul.f32 $8.000000000e+00, v48;
	v32 =	vld.idx.msk [tilespmem:v60+s17+$0x0], $0xffff  }
0x335: {  	[tilespmem:s8+$0x260] =	vst v39;
	v59 =	vld.idx.msk [tilespmem:v61+s17+$0x0], $0xffff;
	v60 =	vmul.f32 $8.000000000e+00, v49;
	v61 =	vor.u32 v3, v23  }
0x336: {  	v63 =	vor.u32 v3, v16;
	v40 =	vld.idx.msk [tilespmem:v62+s17+$0x0], $0xffff;
	v62 =	vmul.f32 $8.000000000e+00, v43;
	[tilespmem:s4+$0xFFFFFDA0] =	vst v57  }
0x337: {  	v52 =	vor.u32 v4, v24;
	v51 =	vmul.f32 $8.000000000e+00, v46;
	v45 =	vld.idx.msk [tilespmem:v55+s17+$0x0], $0xffff;
	[tilespmem:s4+$0xFFFFFE20] =	vst v60  }
0x338: {  	v53 =	vor.u32 v4, v18;
	[tilespmem:s4+$0xFFFFFEA0] =	vst v62;
	v31 =	vmul.f32 $8.000000000e+00, v31;
	v41 =	vld.idx.msk [tilespmem:v56+s17+$0x0], $0xffff  }
0x339: {  	v54 =	vor.u32 v4, v19;
	[tilespmem:s4+$0xFFFFFF20] =	vst v51;
	v47 =	vld.idx.msk [tilespmem:v58+s17+$0x0], $0xffff;
	v32 =	vmul.f32 $8.000000000e+00, v32  }
0x33a: {  	v55 =	vor.u32 v4, v20;
	[tilespmem:s4+$0xFFFFFC20] =	vst v31;
	v49 =	vld.idx.msk [tilespmem:v61+s17+$0x0], $0xffff;
	v31 =	vmul.f32 $8.000000000e+00, v59  }
0x33b: {  	v56 =	vor.u32 v4, v21;
	v30 =	vld.idx.msk [tilespmem:v63+s17+$0x0], $0xffff;
	v40 =	vmul.f32 $8.000000000e+00, v40;
	[tilespmem:s4+$0xFFFFFFB0] =	vst v32  }
0x33c: {  	v57 =	vor.u32 v4, v22;
	[tilespmem:s4+$0xFFFFFCB0] =	vst v31;
	v31 =	vmul.f32 $8.000000000e+00, v45;
	v42 =	vld.idx.msk [tilespmem:v52+s17+$0x0], $0xffff  }
0x33d: {  	v29 =	vor.u32 v15, v29;
	[tilespmem:s4+$0xFFFFFD30] =	vst v40;
	v58 =	vld.idx.msk [tilespmem:v53+s17+$0x0], $0xffff;
	v59 =	vmul.f32 $8.000000000e+00, v41  }
0x33e: {  	v60 =	vor.u32 v4, v23;
	v61 =	vld.idx.msk [tilespmem:v54+s17+$0x0], $0xffff;
	[tilespmem:s4+$0xFFFFFDB0] =	vst v31;
	v31 =	vmul.f32 $8.000000000e+00, v47  }
0x33f: {  	v62 =	vor.u32 v4, v16;
	v44 =	vld.idx.msk [tilespmem:v55+s17+$0x0], $0xffff;
	[tilespmem:s4+$0xFFFFFE30] =	vst v59;
	v63 =	vmul.f32 $8.000000000e+00, v49  }
0x340: {  	v30 =	vmul.f32 $8.000000000e+00, v30;
	v43 =	vld.idx.msk [tilespmem:v56+s17+$0x0], $0xffff;
	[tilespmem:s4+$0xFFFFFEB0] =	vst v31;
	v31 =	vor.u32 v5, v24  }
0x341: {  	v38 =	vmul.f32 $8.000000000e+00, v38;
	v52 =	vor.u32 v5, v18;
	v32 =	vld.idx.msk [tilespmem:v57+s17+$0x0], $0xffff;
	[tilespmem:s4+$0xFFFFFF30] =	vst v63  }
0x342: {  	v53 =	vor.u32 v5, v19;
	[tilespmem:s4+$0xFFFFFC30] =	vst v30;
	v30 =	vld.idx.msk [tilespmem:v29+s17+$0x0], $0xffff;
	v42 =	vmul.f32 $8.000000000e+00, v42  }
0x343: {  	[tilespmem:s8+$0x2E0] =	vst v38;
	v55 =	vor.u32 v5, v20;
	v41 =	vld.idx.msk [tilespmem:v60+s17+$0x0], $0xffff;
	v54 =	vmul.f32 $8.000000000e+00, v58  }
0x344: {  	v56 =	vor.u32 v5, v21;
	v29 =	vld.idx.msk [tilespmem:v62+s17+$0x0], $0xffff;
	v46 =	vmul.f32 $8.000000000e+00, v61;
	[tilespmem:s4+$0xFFFFFFC0] =	vst v42  }
0x345: {  	v58 =	vor.u32 v5, v22;
	[tilespmem:s4+$0xFFFFFCC0] =	vst v54;
	v57 =	vmul.f32 $8.000000000e+00, v44;
	v31 =	vld.idx.msk [tilespmem:v31+s17+$0x0], $0xffff  }
0x346: {  	v60 =	vor.u32 v5, v23;
	[tilespmem:s4+$0xFFFFFD40] =	vst v46;
	v59 =	vld.idx.msk [tilespmem:v52+s17+$0x0], $0xffff;
	v43 =	vmul.f32 $8.000000000e+00, v43  }
0x347: {  	v28 =	vor.u32 v15, v28;
	v40 =	vld.idx.msk [tilespmem:v53+s17+$0x0], $0xffff;
	[tilespmem:s4+$0xFFFFFDC0] =	vst v57;
	v32 =	vmul.f32 $8.000000000e+00, v32  }
0x348: {  	v61 =	vor.u32 v5, v16;
	v45 =	vld.idx.msk [tilespmem:v55+s17+$0x0], $0xffff;
	[tilespmem:s4+$0xFFFFFE40] =	vst v43;
	v41 =	vmul.f32 $8.000000000e+00, v41  }
0x349: {  	v34 =	vmul.f32 $8.000000000e+00, v34;
	v62 =	vor.u32 v6, v24;
	v43 =	vld.idx.msk [tilespmem:v56+s17+$0x0], $0xffff;
	[tilespmem:s4+$0xFFFFFEC0] =	vst v32  }
0x34a: {  	v63 =	vor.u32 v6, v18;
	v29 =	vmul.f32 $8.000000000e+00, v29;
	v42 =	vld.idx.msk [tilespmem:v58+s17+$0x0], $0xffff;
	[tilespmem:s4+$0xFFFFFF40] =	vst v41  }
0x34b: {  	[tilespmem:s8+$0x60] =	vst v34;
	v52 =	vor.u32 v6, v19;
	v46 =	vld.idx.msk [tilespmem:v60+s17+$0x0], $0xffff;
	v53 =	vmul.f32 $8.000000000e+00, v31  }
0x34c: {  	v54 =	vor.u32 v6, v20;
	[tilespmem:s4+$0xFFFFFC40] =	vst v29;
	v29 =	vmul.f32 $8.000000000e+00, v59;
	v31 =	vld.idx.msk [tilespmem:v28+s17+$0x0], $0xffff  }
0x34d: {  	v56 =	vor.u32 v6, v21;
	v28 =	vld.idx.msk [tilespmem:v61+s17+$0x0], $0xffff;
	v55 =	vmul.f32 $8.000000000e+00, v40;
	[tilespmem:s4+$0xFFFFFFD0] =	vst v53  }
0x34e: {  	v57 =	vor.u32 v6, v22;
	[tilespmem:s4+$0xFFFFFCD0] =	vst v29;
	v29 =	vmul.f32 $8.000000000e+00, v45;
	v32 =	vld.idx.msk [tilespmem:v62+s17+$0x0], $0xffff  }
0x34f: {  	v26 =	vor.u32 v15, v26;
	[tilespmem:s4+$0xFFFFFD50] =	vst v55;
	v58 =	vld.idx.msk [tilespmem:v63+s17+$0x0], $0xffff;
	v59 =	vmul.f32 $8.000000000e+00, v43  }
0x350: {  	v60 =	vor.u32 v6, v23;
	v41 =	vld.idx.msk [tilespmem:v52+s17+$0x0], $0xffff;
	[tilespmem:s4+$0xFFFFFDD0] =	vst v29;
	v29 =	vmul.f32 $8.000000000e+00, v42  }
0x351: {  	v61 =	vor.u32 v6, v16;
	v38 =	vld.idx.msk [tilespmem:v54+s17+$0x0], $0xffff;
	[tilespmem:s4+$0xFFFFFE50] =	vst v59;
	v62 =	vmul.f32 $8.000000000e+00, v46  }
0x352: {  	v28 =	vmul.f32 $8.000000000e+00, v28;
	v40 =	vld.idx.msk [tilespmem:v56+s17+$0x0], $0xffff;
	[tilespmem:s4+$0xFFFFFED0] =	vst v29;
	v29 =	vor.u32 v7, v24  }
0x353: {  	v63 =	vor.u32 v7, v18;
	v44 =	vld.idx.msk [tilespmem:v57+s17+$0x0], $0xffff;
	[tilespmem:s4+$0xFFFFFF50] =	vst v62;
	v32 =	vmul.f32 $8.000000000e+00, v32  }
0x354: {  	v39 =	vld.idx.msk [tilespmem:v26+s17+$0x0], $0xffff;
	v48 =	vor.u32 v7, v19;
	[tilespmem:s4+$0xFFFFFC50] =	vst v28;
	v28 =	vmul.f32 $8.000000000e+00, v58  }
0x355: {  	v49 =	vor.u32 v7, v20;
	v43 =	vld.idx.msk [tilespmem:v60+s17+$0x0], $0xffff;
	v41 =	vmul.f32 $8.000000000e+00, v41;
	[tilespmem:s4+$0xFFFFFFE0] =	vst v32  }
0x356: {  	v50 =	vor.u32 v7, v21;
	v27 =	vld.idx.msk [tilespmem:v61+s17+$0x0], $0xffff;
	[tilespmem:s4+$0xFFFFFCE0] =	vst v28;
	v28 =	vmul.f32 $8.000000000e+00, v38  }
0x357: {  	v51 =	vor.u32 v7, v22;
	[tilespmem:s4+$0xFFFFFD60] =	vst v41;
	v29 =	vld.idx.msk [tilespmem:v29+s17+$0x0], $0xffff;
	v40 =	vmul.f32 $8.000000000e+00, v40  }
0x358: {  	v53 =	vor.u32 v7, v23;
	v52 =	vld.idx.msk [tilespmem:v63+s17+$0x0], $0xffff;
	[tilespmem:s4+$0xFFFFFDE0] =	vst v28;
	v28 =	vmul.f32 $8.000000000e+00, v44  }
0x359: {  	v55 =	vor.u32 v7, v16;
	v54 =	vld.idx.msk [tilespmem:v48+s17+$0x0], $0xffff;
	[tilespmem:s4+$0xFFFFFE60] =	vst v40  }
0x35a: {  	s9 =	simm.s32 $0x11;
	v45 =	vld.idx.msk [tilespmem:v49+s17+$0x0], $0xffff;
	v56 =	vmul.f32 $8.000000000e+00, v43;
	[tilespmem:s4+$0xFFFFFEE0] =	vst v28;
	v28 =	vor.u32 v8, v24  }
0x35b: {  	v59 =	vmov s9;
	v57 =	vor.u32 v8, v18;
	v27 =	vmul.f32 $8.000000000e+00, v27;
	v40 =	vld.idx.msk [tilespmem:v50+s17+$0x0], $0xffff  }
0x35c: {  	v26 =	vand.u32 $0x79, v59;
	v58 =	vor.u32 v8, v19;
	v32 =	vld.idx.msk [tilespmem:v51+s17+$0x0], $0xffff;
	[tilespmem:s4+$0xFFFFFF60] =	vst v56;
	v29 =	vmul.f32 $8.000000000e+00, v29  }
0x35d: {  	v60 =	vor.u32 v8, v20;
	[tilespmem:s4+$0xFFFFFC60] =	vst v27;
	v27 =	vbroadcast v26, $0x0;
	v41 =	vld.idx.msk [tilespmem:v53+s17+$0x0], $0xffff;
	v38 =	vmul.f32 $8.000000000e+00, v52  }
0x35e: {  	v63 =	vor.u32 v8, v21;
	v61 =	vld.idx.msk [tilespmem:v55+s17+$0x0], $0xffff;
	v62 =	vmul.f32 $8.000000000e+00, v54;
	[tilespmem:s4+$0xFFFFFFF0] =	vst v29  }
0x35f: {  	v49 =	vor.u32 v0, v27;
	[tilespmem:s4+$0xFFFFFCF0] =	vst v38;
	v26 =	vmul.f32 $8.000000000e+00, v45;
	v28 =	vld.idx.msk [tilespmem:v28+s17+$0x0], $0xffff  }
0x360: {  	v29 =	vor.u32 v8, v22;
	[tilespmem:s4+$0xFFFFFD70] =	vst v62;
	v38 =	vld.idx.msk [tilespmem:v57+s17+$0x0], $0xffff;
	v40 =	vmul.f32 $8.000000000e+00, v40  }
0x361: {  	v33 =	vmul.f32 $8.000000000e+00, v33;
	v48 =	vor.u32 v8, v23;
	v43 =	vld.idx.msk [tilespmem:v58+s17+$0x0], $0xffff;
	[tilespmem:s4+$0xFFFFFDF0] =	vst v26  }
0x362: {  	v50 =	vor.u32 v8, v16;
	v26 =	vmul.f32 $8.000000000e+00, v32;
	v47 =	vld.idx.msk [tilespmem:v60+s17+$0x0], $0xffff;
	[tilespmem:s4+$0xFFFFFE70] =	vst v40  }
0x363: {  	[tilespmem:s8+$0xF0] =	vst v33;
	v52 =	vor.u32 v9, v24;
	v51 =	vmul.f32 $8.000000000e+00, v41;
	v40 =	vld.idx.msk [tilespmem:v63+s17+$0x0], $0xffff  }
0x364: {  	v53 =	vor.u32 v9, v18;
	[tilespmem:s4+$0xFFFFFEF0] =	vst v26;
	v26 =	vmul.f32 $8.000000000e+00, v61;
	v32 =	vld.idx.msk [tilespmem:v49+s17+$0x0], $0xffff  }
0x365: {  	s28 =	simm.s32 $0x12;
	v54 =	vor.u32 v9, v19;
	v29 =	vld.idx.msk [tilespmem:v29+s17+$0x0], $0xffff;
	[tilespmem:s4+$0xFFFFFF70] =	vst v51;
	v28 =	vmul.f32 $8.000000000e+00, v28  }
0x366: {  	v56 =	vor.u32 v9, v20;
	v55 =	vmov s28;
	v42 =	vld.idx.msk [tilespmem:v48+s17+$0x0], $0xffff;
	[tilespmem:s4+$0xFFFFFC70] =	vst v26;
	v38 =	vmul.f32 $8.000000000e+00, v38  }
0x367: {  	v58 =	vor.u32 v9, v21;
	v26 =	vand.u32 $0x7A, v55;
	v43 =	vmul.f32 $8.000000000e+00, v43;
	v57 =	vld.idx.msk [tilespmem:v50+s17+$0x0], $0xffff;
	[tilespmem:s4+$0x380] =	vst v28  }
0x368: {  	v59 =	vor.u32 v9, v22;
	v26 =	vbroadcast v26, $0x0;
	[tilespmem:s4+$0x80] =	vst v38;
	v28 =	vmul.f32 $8.000000000e+00, v47;
	v41 =	vld.idx.msk [tilespmem:v52+s17+$0x0], $0xffff  }
0x369: {  	v62 =	vor.u32 v9, v23;
	[tilespmem:s4+$0x100] =	vst v43;
	v60 =	vld.idx.msk [tilespmem:v53+s17+$0x0], $0xffff;
	v61 =	vmul.f32 $8.000000000e+00, v40  }
0x36a: {  	v63 =	vor.u32 v0, v26;
	v46 =	vld.idx.msk [tilespmem:v54+s17+$0x0], $0xffff;
	[tilespmem:s4+$0x180] =	vst v28;
	v28 =	vmul.f32 $8.000000000e+00, v29  }
0x36b: {  	v29 =	vor.u32 v9, v16;
	v44 =	vld.idx.msk [tilespmem:v56+s17+$0x0], $0xffff;
	[tilespmem:s4+$0x200] =	vst v61;
	v51 =	vmul.f32 $8.000000000e+00, v42  }
0x36c: {  	v36 =	vmul.f32 $8.000000000e+00, v36;
	v53 =	vor.u32 v10, v24;
	v52 =	vld.idx.msk [tilespmem:v58+s17+$0x0], $0xffff;
	[tilespmem:s4+$0x280] =	vst v28  }
0x36d: {  	v54 =	vor.u32 v10, v18;
	v28 =	vmul.f32 $8.000000000e+00, v57;
	v38 =	vld.idx.msk [tilespmem:v59+s17+$0x0], $0xffff;
	[tilespmem:s4+$0x300] =	vst v51  }
0x36e: {  	[tilespmem:s8+$0x170] =	vst v36;
	s9 =	simm.s32 $0x13;
	v55 =	vor.u32 v10, v19;
	v40 =	vld.idx.msk [tilespmem:v62+s17+$0x0], $0xffff;
	v41 =	vmul.f32 $8.000000000e+00, v41  }
0x36f: {  	v56 =	vmov s9;
	v58 =	vor.u32 v10, v20;
	v34 =	vld.idx.msk [tilespmem:v63+s17+$0x0], $0xffff;
	[tilespmem:s4+$0x0] =	vst v28;
	v57 =	vmul.f32 $8.000000000e+00, v60  }
0x370: {  	v28 =	vand.u32 $0x7B, v56;
	v59 =	vmul.f32 $8.000000000e+00, v46;
	v60 =	vor.u32 v10, v21;
	v29 =	vld.idx.msk [tilespmem:v29+s17+$0x0], $0xffff;
	[tilespmem:s4+$0x390] =	vst v41  }
0x371: {  	v62 =	vor.u32 v10, v22;
	v28 =	vbroadcast v28, $0x0;
	[tilespmem:s4+$0x90] =	vst v57;
	v61 =	vmul.f32 $8.000000000e+00, v44;
	v63 =	vld.idx.msk [tilespmem:v53+s17+$0x0], $0xffff  }
0x372: {  	[tilespmem:s4+$0x110] =	vst v59;
	v33 =	vld.idx.msk [tilespmem:v54+s17+$0x0], $0xffff;
	v52 =	vmul.f32 $8.000000000e+00, v52;
	v53 =	vor.u32 v10, v23  }
0x373: {  	v54 =	vor.u32 v0, v28;
	v48 =	vld.idx.msk [tilespmem:v55+s17+$0x0], $0xffff;
	[tilespmem:s4+$0x190] =	vst v61;
	v38 =	vmul.f32 $8.000000000e+00, v38  }
0x374: {  	v55 =	vor.u32 v10, v16;
	v47 =	vld.idx.msk [tilespmem:v58+s17+$0x0], $0xffff;
	[tilespmem:s4+$0x210] =	vst v52;
	v56 =	vmul.f32 $8.000000000e+00, v40  }
0x375: {  	v35 =	vmul.f32 $8.000000000e+00, v35;
	v58 =	vor.u32 v11, v24;
	v57 =	vld.idx.msk [tilespmem:v60+s17+$0x0], $0xffff;
	[tilespmem:s4+$0x290] =	vst v38  }
0x376: {  	v59 =	vor.u32 v11, v18;
	v29 =	vmul.f32 $8.000000000e+00, v29;
	v43 =	vld.idx.msk [tilespmem:v62+s17+$0x0], $0xffff;
	[tilespmem:s4+$0x310] =	vst v56  }
0x377: {  	[tilespmem:s8+$0x1F0] =	vst v35;
	s28 =	simm.s32 $0x14;
	v60 =	vor.u32 v11, v19;
	v42 =	vld.idx.msk [tilespmem:v53+s17+$0x0], $0xffff;
	v44 =	vmul.f32 $8.000000000e+00, v63  }
0x378: {  	v61 =	vmov s28;
	v62 =	vor.u32 v11, v20;
	v35 =	vld.idx.msk [tilespmem:v54+s17+$0x0], $0xffff;
	[tilespmem:s4+$0x10] =	vst v29;
	v33 =	vmul.f32 $8.000000000e+00, v33  }
0x379: {  	v52 =	vor.u32 v11, v21;
	v29 =	vand.u32 $0x7C, v61;
	v63 =	vmul.f32 $8.000000000e+00, v48;
	v41 =	vld.idx.msk [tilespmem:v55+s17+$0x0], $0xffff;
	[tilespmem:s4+$0x3A0] =	vst v44  }
0x37a: {  	v54 =	vor.u32 v11, v22;
	v29 =	vbroadcast v29, $0x0;
	[tilespmem:s4+$0xA0] =	vst v33;
	v53 =	vmul.f32 $8.000000000e+00, v47;
	v38 =	vld.idx.msk [tilespmem:v58+s17+$0x0], $0xffff  }
0x37b: {  	v55 =	vor.u32 v11, v23;
	[tilespmem:s4+$0x120] =	vst v63;
	v46 =	vld.idx.msk [tilespmem:v59+s17+$0x0], $0xffff;
	v40 =	vmul.f32 $8.000000000e+00, v57  }
0x37c: {  	v56 =	vor.u32 v0, v29;
	v36 =	vld.idx.msk [tilespmem:v60+s17+$0x0], $0xffff;
	[tilespmem:s4+$0x1A0] =	vst v53;
	v57 =	vmul.f32 $8.000000000e+00, v43  }
0x37d: {  	v58 =	vor.u32 v11, v16;
	v49 =	vld.idx.msk [tilespmem:v62+s17+$0x0], $0xffff;
	[tilespmem:s4+$0x220] =	vst v40;
	v59 =	vmul.f32 $8.000000000e+00, v42  }
0x37e: {  	v30 =	vmul.f32 $8.000000000e+00, v30;
	v61 =	vor.u32 v12, v24;
	v60 =	vld.idx.msk [tilespmem:v52+s17+$0x0], $0xffff;
	[tilespmem:s4+$0x2A0] =	vst v57  }
0x37f: {  	v62 =	vor.u32 v12, v18;
	v41 =	vmul.f32 $8.000000000e+00, v41;
	v44 =	vld.idx.msk [tilespmem:v54+s17+$0x0], $0xffff;
	[tilespmem:s4+$0x320] =	vst v59  }
0x380: {  	[tilespmem:s8+$0x270] =	vst v30;
	s9 =	simm.s32 $0x15;
	v63 =	vor.u32 v12, v19;
	v45 =	vld.idx.msk [tilespmem:v55+s17+$0x0], $0xffff;
	v54 =	vmul.f32 $8.000000000e+00, v38  }
0x381: {  	v30 =	vmov s9;
	v38 =	vld.idx.msk [tilespmem:v56+s17+$0x0], $0xffff;
	[tilespmem:s4+$0x20] =	vst v41;
	v55 =	vmul.f32 $8.000000000e+00, v46;
	v46 =	vor.u32 v12, v20  }
0x382: {  	v30 =	vand.u32 $0x7D, v30;
	v36 =	vmul.f32 $8.000000000e+00, v36;
	v56 =	vor.u32 v12, v21;
	v43 =	vld.idx.msk [tilespmem:v58+s17+$0x0], $0xffff;
	[tilespmem:s4+$0x3B0] =	vst v54  }
0x383: {  	v30 =	vbroadcast v30, $0x0;
	[tilespmem:s4+$0xB0] =	vst v55;
	v59 =	vmul.f32 $8.000000000e+00, v49;
	v49 =	vor.u32 v12, v22;
	v50 =	vld.idx.msk [tilespmem:v61+s17+$0x0], $0xffff  }
0x384: {  	[tilespmem:s4+$0x130] =	vst v36;
	v48 =	vld.idx.msk [tilespmem:v62+s17+$0x0], $0xffff;
	v60 =	vmul.f32 $8.000000000e+00, v60;
	v61 =	vor.u32 v12, v23  }
0x385: {  	v62 =	vor.u32 v0, v30;
	v63 =	vld.idx.msk [tilespmem:v63+s17+$0x0], $0xffff;
	[tilespmem:s4+$0x1B0] =	vst v59;
	v57 =	vmul.f32 $8.000000000e+00, v44  }
0x386: {  	v58 =	vor.u32 v12, v16;
	v53 =	vld.idx.msk [tilespmem:v46+s17+$0x0], $0xffff;
	[tilespmem:s4+$0x230] =	vst v60;
	v59 =	vmul.f32 $8.000000000e+00, v45  }
0x387: {  	v31 =	vmul.f32 $8.000000000e+00, v31;
	v60 =	vor.u32 v13, v24;
	v54 =	vld.idx.msk [tilespmem:v56+s17+$0x0], $0xffff;
	[tilespmem:s4+$0x2B0] =	vst v57  }
0x388: {  	s28 =	simm.s32 $0x16;
	v55 =	vor.u32 v13, v18;
	v43 =	vmul.f32 $8.000000000e+00, v43;
	v40 =	vld.idx.msk [tilespmem:v49+s17+$0x0], $0xffff;
	[tilespmem:s4+$0x330] =	vst v59  }
0x389: {  	[tilespmem:s8+$0x2F0] =	vst v31;
	v31 =	vmov s28;
	v44 =	vor.u32 v13, v19;
	v33 =	vld.idx.msk [tilespmem:v61+s17+$0x0], $0xffff;
	v61 =	vmul.f32 $8.000000000e+00, v50  }
0x38a: {  	v36 =	vmul.f32 $8.000000000e+00, v39;
	v45 =	vor.u32 v13, v20;
	v39 =	vld.idx.msk [tilespmem:v62+s17+$0x0], $0xffff;
	[tilespmem:s4+$0x30] =	vst v43;
	v62 =	vmul.f32 $8.000000000e+00, v48  }
0x38b: {  	v31 =	vand.u32 $0x7E, v31;
	v46 =	vor.u32 v13, v21;
	v63 =	vmul.f32 $8.000000000e+00, v63;
	v41 =	vld.idx.msk [tilespmem:v58+s17+$0x0], $0xffff;
	[tilespmem:s4+$0x3C0] =	vst v61  }
0x38c: {  	v31 =	vbroadcast v31, $0x0;
	v47 =	vor.u32 v13, v22;
	[tilespmem:s4+$0xC0] =	vst v62;
	v49 =	vmul.f32 $8.000000000e+00, v53;
	v43 =	vld.idx.msk [tilespmem:v60+s17+$0x0], $0xffff  }
0x38d: {  	s1 =	simm.s32 $0x18;
	v37 =	vmul.f32 $8.000000000e+00, v37;
	s9 =	simm.s32 $0x17;
	v48 =	vor.u32 v13, v23;
	[tilespmem:s4+$0x140] =	vst v63;
	v42 =	vld.idx.msk [tilespmem:v55+s17+$0x0], $0xffff;
	v50 =	vmul.f32 $8.000000000e+00, v54  }
.LBB2_10:
0x38e: {  	p1 =	slt.u32 s1, $0x38;
	v51 =	vor.u32 v0, v31;
	v52 =	vmov s9;
	v44 =	vld.idx.msk [tilespmem:v44+s17+$0x0], $0xffff;
	[tilespmem:s4+$0x1C0] =	vst v49;
	v40 =	vmul.f32 $8.000000000e+00, v40  }
0x38f: {  	v33 =	vmul.f32 $8.000000000e+00, v33;
	v49 =	vand.u32 $0x7F, v52;
	v52 =	vor.u32 v13, v16;
	v45 =	vld.idx.msk [tilespmem:v45+s17+$0x0], $0xffff;
	[tilespmem:s4+$0x240] =	vst v50  }
0x390: {  	v49 =	vbroadcast v49, $0x0;
	v46 =	vld.idx.msk [tilespmem:v46+s17+$0x0], $0xffff;
	[tilespmem:s4+$0x2C0] =	vst v40;
	v40 =	vor.u32 v14, v24  }
0x391: {  	v50 =	vor.u32 v14, v18;
	v41 =	vmul.f32 $8.000000000e+00, v41;
	v47 =	vld.idx.msk [tilespmem:v47+s17+$0x0], $0xffff;
	[tilespmem:s4+$0x340] =	vst v33  }
0x392: {  	v43 =	vmul.f32 $8.000000000e+00, v43;
	v33 =	vor.u32 v0, v49;
	v48 =	vld.idx.msk [tilespmem:v48+s17+$0x0], $0xffff;
	[tilespmem:s8+$0x370] =	vst v37  }
0x393: {  	v37 =	vmul.f32 $8.000000000e+00, v42;
	v51 =	vld.idx.msk [tilespmem:v51+s17+$0x0], $0xffff;
	[tilespmem:s4+$0x40] =	vst v41;
	v41 =	vor.u32 v14, v19  }
0x394: {  	v44 =	vmul.f32 $8.000000000e+00, v44;
	v42 =	vld.idx.msk [tilespmem:v52+s17+$0x0], $0xffff;
	v52 =	vor.u32 v14, v20;
	[tilespmem:s4+$0x3D0] =	vst v43  }
0x395: {  	v43 =	vor.u32 v14, v21;
	[tilespmem:s4+$0xD0] =	vst v37;
	v37 =	vmul.f32 $8.000000000e+00, v45;
	v40 =	vld.idx.msk [tilespmem:v40+s17+$0x0], $0xffff  }
0x396: {  	v45 =	vld.idx.msk [tilespmem:v50+s17+$0x0], $0xffff;
	[tilespmem:s4+$0x150] =	vst v44;
	v44 =	vmul.f32 $8.000000000e+00, v46;
	v46 =	vor.u32 v14, v22  }
0x397: {  	v33 =	vld.idx.msk [tilespmem:v33+s17+$0x0], $0xffff;
	[tilespmem:s4+$0x1D0] =	vst v37;
	v37 =	vmul.f32 $8.000000000e+00, v47;
	v47 =	vor.u32 v14, v23  }
0x398: {  	v50 =	vor.u32 v14, v16;
	v41 =	vld.idx.msk [tilespmem:v41+s17+$0x0], $0xffff;
	[tilespmem:s4+$0x250] =	vst v44;
	v44 =	vmul.f32 $8.000000000e+00, v48  }
0x399: {  	v48 =	vld.idx.msk [tilespmem:v52+s17+$0x0], $0xffff;
	[tilespmem:s4+$0x2D0] =	vst v37;
	v37 =	vor.u32 v15, v24;
	v24 =	vmov v49  }
0x39a: {  	v42 =	vmul.f32 $8.000000000e+00, v42;
	v49 =	vor.u32 v15, v18;
	v18 =	vmov v27;
	v43 =	vld.idx.msk [tilespmem:v43+s17+$0x0], $0xffff;
	[tilespmem:s4+$0x350] =	vst v44  }
0x39b: {  	v27 =	vmov s1;
	v44 =	vor.u32 v1, v24;
	v40 =	vmul.f32 $8.000000000e+00, v40;
	v46 =	vld.idx.msk [tilespmem:v46+s17+$0x0], $0xffff;
	[tilespmem:s8+$0x70] =	vst v36;
	s8 =	smov.u32 s4  }
0x39c: {  	v27 =	vand.u32 $0x78, v27;
	v52 =	vor.u32 v1, v18;
	v36 =	vmul.f32 $8.000000000e+00, v45;
	[tilespmem:s4+$0x50] =	vst v42;
	v42 =	vld.idx.msk [tilespmem:v47+s17+$0x0], $0xffff  }
0x39d: {  	v27 =	vbroadcast v27, $0x0;
	v45 =	vor.u32 v1, v26;
	v33 =	vmul.f32 $8.000000000e+00, v33;
	v47 =	vld.idx.msk [tilespmem:v50+s17+$0x0], $0xffff;
	[tilespmem:s4+$0x3E0] =	vst v40  }
0x39e: {  	v32 =	vmul.f32 $8.000000000e+00, v32;
	v40 =	vor.u32 v1, v28;
	v41 =	vmul.f32 $8.000000000e+00, v41;
	s4 =	sadd.s32 $0x800, s4;
	[tilespmem:s8+$0xE0] =	vst v36;
	v50 =	vld.idx.msk [tilespmem:v37+s17+$0x0], $0xffff  }
0x39f: {  	v34 =	vmul.f32 $8.000000000e+00, v34;
	v53 =	vor.u32 v1, v29;
	v37 =	vmul.f32 $8.000000000e+00, v48;
	[tilespmem:s4+$0xFFFFFF80] =	vst v33;
	v49 =	vld.idx.msk [tilespmem:v49+s17+$0x0], $0xffff  }
0x3a0: {  	v48 =	vor.u32 v1, v30;
	v36 =	vmul.f32 $8.000000000e+00, v43;
	[tilespmem:s4+$0xFFFFFC80] =	vst v32;
	v32 =	vmul.f32 $8.000000000e+00, v35;
	v44 =	vld.idx.msk [tilespmem:v44+s17+$0x0], $0xffff  }
0x3a1: {  	v33 =	vmul.f32 $8.000000000e+00, v38;
	v38 =	vor.u32 v1, v31;
	v35 =	vmul.f32 $8.000000000e+00, v46;
	v43 =	vld.idx.msk [tilespmem:v52+s17+$0x0], $0xffff;
	[tilespmem:s4+$0xFFFFFD00] =	vst v34  }
0x3a2: {  	v46 =	vor.u32 v0, v27;
	v34 =	vmul.f32 $8.000000000e+00, v42;
	v45 =	vld.idx.msk [tilespmem:v45+s17+$0x0], $0xffff;
	[tilespmem:s4+$0xFFFFFD80] =	vst v32;
	v32 =	vmul.f32 $8.000000000e+00, v39  }
0x3a3: {  	v42 =	vmul.f32 $8.000000000e+00, v51;
	v39 =	vor.u32 v1, v17;
	v40 =	vld.idx.msk [tilespmem:v40+s17+$0x0], $0xffff;
	[tilespmem:s4+$0xFFFFFE00] =	vst v33;
	v33 =	vmul.f32 $8.000000000e+00, v47  }
0x3a4: {  	v51 =	vor.u32 v2, v24;
	v50 =	vmul.f32 $8.000000000e+00, v50;
	v47 =	vld.idx.msk [tilespmem:v53+s17+$0x0], $0xffff;
	[tilespmem:s4+$0xFFFFFE80] =	vst v32  }
0x3a5: {  	v52 =	vmul.f32 $8.000000000e+00, v25;
	v53 =	vor.u32 v2, v18;
	v32 =	vmul.f32 $8.000000000e+00, v49;
	v48 =	vld.idx.msk [tilespmem:v48+s17+$0x0], $0xffff;
	[tilespmem:s4+$0xFFFFFF00] =	vst v42  }
0x3a6: {  	v42 =	vor.u32 v2, v26;
	v44 =	vmul.f32 $8.000000000e+00, v44;
	v38 =	vld.idx.msk [tilespmem:v38+s17+$0x0], $0xffff;
	[tilespmem:s8+$0x3F0] =	vst v50  }
0x3a7: {  	v43 =	vmul.f32 $8.000000000e+00, v43;
	v25 =	vld.idx.msk [tilespmem:v46+s17+$0x0], $0xffff;
	[tilespmem:s4+$0xFFFFFC00] =	vst v52;
	v46 =	vor.u32 v2, v28  }
0x3a8: {  	v49 =	vor.u32 v2, v29;
	v45 =	vmul.f32 $8.000000000e+00, v45;
	v39 =	vld.idx.msk [tilespmem:v39+s17+$0x0], $0xffff;
	[tilespmem:s4+$0xFFFFFF90] =	vst v44  }
0x3a9: {  	v40 =	vmul.f32 $8.000000000e+00, v40;
	[tilespmem:s4+$0xFFFFFC90] =	vst v43;
	v43 =	vor.u32 v2, v30;
	v44 =	vld.idx.msk [tilespmem:v51+s17+$0x0], $0xffff  }
0x3aa: {  	v50 =	vld.idx.msk [tilespmem:v53+s17+$0x0], $0xffff;
	[tilespmem:s4+$0xFFFFFD10] =	vst v45;
	v45 =	vmul.f32 $8.000000000e+00, v47;
	v47 =	vor.u32 v2, v31  }
0x3ab: {  	v42 =	vld.idx.msk [tilespmem:v42+s17+$0x0], $0xffff;
	[tilespmem:s4+$0xFFFFFD90] =	vst v40;
	v40 =	vmul.f32 $8.000000000e+00, v48;
	v48 =	vor.u32 v15, v19;
	v19 =	vmov v26  }
0x3ac: {  	v26 =	vor.u32 v2, v17;
	v38 =	vmul.f32 $8.000000000e+00, v38;
	v46 =	vld.idx.msk [tilespmem:v46+s17+$0x0], $0xffff;
	[tilespmem:s4+$0xFFFFFE10] =	vst v45  }
0x3ad: {  	v45 =	vld.idx.msk [tilespmem:v49+s17+$0x0], $0xffff;
	[tilespmem:s4+$0xFFFFFE90] =	vst v40;
	v40 =	vor.u32 v3, v24  }
0x3ae: {  	v39 =	vmul.f32 $8.000000000e+00, v39;
	v49 =	vor.u32 v3, v18;
	v43 =	vld.idx.msk [tilespmem:v43+s17+$0x0], $0xffff;
	[tilespmem:s4+$0xFFFFFF10] =	vst v38  }
0x3af: {  	v38 =	vor.u32 v3, v19;
	v44 =	vmul.f32 $8.000000000e+00, v44;
	v47 =	vld.idx.msk [tilespmem:v47+s17+$0x0], $0xffff;
	[tilespmem:s8+$0x160] =	vst v41  }
0x3b0: {  	v41 =	vor.u32 v3, v28;
	[tilespmem:s4+$0xFFFFFC10] =	vst v39;
	v39 =	vmul.f32 $8.000000000e+00, v50;
	v48 =	vld.idx.msk [tilespmem:v48+s17+$0x0], $0xffff  }
0x3b1: {  	v42 =	vmul.f32 $8.000000000e+00, v42;
	v50 =	vor.u32 v3, v29;
	v26 =	vld.idx.msk [tilespmem:v26+s17+$0x0], $0xffff;
	[tilespmem:s4+$0xFFFFFFA0] =	vst v44  }
0x3b2: {  	v44 =	vor.u32 v3, v30;
	[tilespmem:s4+$0xFFFFFCA0] =	vst v39;
	v39 =	vmul.f32 $8.000000000e+00, v46;
	v40 =	vld.idx.msk [tilespmem:v40+s17+$0x0], $0xffff  }
0x3b3: {  	v46 =	vld.idx.msk [tilespmem:v49+s17+$0x0], $0xffff;
	[tilespmem:s4+$0xFFFFFD20] =	vst v42;
	v42 =	vmul.f32 $8.000000000e+00, v45;
	v45 =	vor.u32 v3, v31  }
0x3b4: {  	v38 =	vld.idx.msk [tilespmem:v38+s17+$0x0], $0xffff;
	[tilespmem:s4+$0xFFFFFDA0] =	vst v39;
	v39 =	vmul.f32 $8.000000000e+00, v43;
	v43 =	vor.u32 v15, v20;
	v20 =	vmov v28  }
0x3b5: {  	v49 =	vor.u32 v3, v17;
	v41 =	vld.idx.msk [tilespmem:v41+s17+$0x0], $0xffff;
	[tilespmem:s4+$0xFFFFFE20] =	vst v42;
	v42 =	vmul.f32 $8.000000000e+00, v47  }
0x3b6: {  	v28 =	vmul.f32 $8.000000000e+00, v48;
	v47 =	vld.idx.msk [tilespmem:v50+s17+$0x0], $0xffff;
	[tilespmem:s4+$0xFFFFFEA0] =	vst v39;
	v39 =	vor.u32 v4, v24  }
0x3b7: {  	v48 =	vor.u32 v4, v18;
	v26 =	vmul.f32 $8.000000000e+00, v26;
	v44 =	vld.idx.msk [tilespmem:v44+s17+$0x0], $0xffff;
	[tilespmem:s4+$0xFFFFFF20] =	vst v42  }
0x3b8: {  	v42 =	vor.u32 v4, v19;
	v40 =	vmul.f32 $8.000000000e+00, v40;
	v45 =	vld.idx.msk [tilespmem:v45+s17+$0x0], $0xffff;
	[tilespmem:s8+$0x1E0] =	vst v37  }
0x3b9: {  	v37 =	vor.u32 v4, v20;
	[tilespmem:s4+$0xFFFFFC20] =	vst v26;
	v26 =	vmul.f32 $8.000000000e+00, v46;
	v43 =	vld.idx.msk [tilespmem:v43+s17+$0x0], $0xffff  }
0x3ba: {  	v38 =	vmul.f32 $8.000000000e+00, v38;
	v46 =	vld.idx.msk [tilespmem:v49+s17+$0x0], $0xffff;
	v49 =	vor.u32 v4, v29;
	[tilespmem:s4+$0xFFFFFFB0] =	vst v40  }
0x3bb: {  	v40 =	vor.u32 v4, v30;
	[tilespmem:s4+$0xFFFFFCB0] =	vst v26;
	v26 =	vmul.f32 $8.000000000e+00, v41;
	v39 =	vld.idx.msk [tilespmem:v39+s17+$0x0], $0xffff  }
0x3bc: {  	v41 =	vld.idx.msk [tilespmem:v48+s17+$0x0], $0xffff;
	[tilespmem:s4+$0xFFFFFD30] =	vst v38;
	v38 =	vmul.f32 $8.000000000e+00, v47;
	v47 =	vor.u32 v4, v31  }
0x3bd: {  	v42 =	vld.idx.msk [tilespmem:v42+s17+$0x0], $0xffff;
	[tilespmem:s4+$0xFFFFFDB0] =	vst v26;
	v26 =	vmul.f32 $8.000000000e+00, v44;
	v44 =	vor.u32 v15, v21;
	v21 =	vmov v29  }
0x3be: {  	v48 =	vor.u32 v4, v17;
	v37 =	vld.idx.msk [tilespmem:v37+s17+$0x0], $0xffff;
	[tilespmem:s4+$0xFFFFFE30] =	vst v38;
	v38 =	vmul.f32 $8.000000000e+00, v45  }
0x3bf: {  	v29 =	vmul.f32 $8.000000000e+00, v43;
	v45 =	vld.idx.msk [tilespmem:v49+s17+$0x0], $0xffff;
	[tilespmem:s4+$0xFFFFFEB0] =	vst v26;
	v26 =	vor.u32 v5, v24  }
0x3c0: {  	v43 =	vmul.f32 $8.000000000e+00, v46;
	v46 =	vor.u32 v5, v18;
	v40 =	vld.idx.msk [tilespmem:v40+s17+$0x0], $0xffff;
	[tilespmem:s4+$0xFFFFFF30] =	vst v38  }
0x3c1: {  	v38 =	vor.u32 v5, v19;
	v39 =	vmul.f32 $8.000000000e+00, v39;
	v47 =	vld.idx.msk [tilespmem:v47+s17+$0x0], $0xffff;
	[tilespmem:s8+$0x260] =	vst v36  }
0x3c2: {  	v36 =	vmul.f32 $8.000000000e+00, v41;
	v41 =	vor.u32 v5, v20;
	[tilespmem:s4+$0xFFFFFC30] =	vst v43;
	v43 =	vld.idx.msk [tilespmem:v44+s17+$0x0], $0xffff  }
0x3c3: {  	v42 =	vmul.f32 $8.000000000e+00, v42;
	v44 =	vld.idx.msk [tilespmem:v48+s17+$0x0], $0xffff;
	v48 =	vor.u32 v5, v21;
	[tilespmem:s4+$0xFFFFFFC0] =	vst v39  }
0x3c4: {  	[tilespmem:s4+$0xFFFFFCC0] =	vst v36;
	v36 =	vmul.f32 $8.000000000e+00, v37;
	v37 =	vor.u32 v5, v30;
	v26 =	vld.idx.msk [tilespmem:v26+s17+$0x0], $0xffff  }
0x3c5: {  	v39 =	vld.idx.msk [tilespmem:v46+s17+$0x0], $0xffff;
	[tilespmem:s4+$0xFFFFFD40] =	vst v42;
	v42 =	vmul.f32 $8.000000000e+00, v45;
	v45 =	vor.u32 v5, v31  }
0x3c6: {  	v38 =	vld.idx.msk [tilespmem:v38+s17+$0x0], $0xffff;
	[tilespmem:s4+$0xFFFFFDC0] =	vst v36;
	v36 =	vmul.f32 $8.000000000e+00, v40;
	v40 =	vor.u32 v15, v22;
	v22 =	vmov v30  }
0x3c7: {  	v46 =	vor.u32 v5, v17;
	v41 =	vld.idx.msk [tilespmem:v41+s17+$0x0], $0xffff;
	[tilespmem:s4+$0xFFFFFE40] =	vst v42;
	v42 =	vmul.f32 $8.000000000e+00, v47  }
0x3c8: {  	v30 =	vmul.f32 $8.000000000e+00, v43;
	v47 =	vld.idx.msk [tilespmem:v48+s17+$0x0], $0xffff;
	[tilespmem:s4+$0xFFFFFEC0] =	vst v36;
	v36 =	vor.u32 v6, v24  }
0x3c9: {  	v43 =	vmul.f32 $8.000000000e+00, v44;
	v44 =	vor.u32 v6, v18;
	v37 =	vld.idx.msk [tilespmem:v37+s17+$0x0], $0xffff;
	[tilespmem:s4+$0xFFFFFF40] =	vst v42  }
0x3ca: {  	v42 =	vor.u32 v6, v19;
	v26 =	vmul.f32 $8.000000000e+00, v26;
	v45 =	vld.idx.msk [tilespmem:v45+s17+$0x0], $0xffff;
	[tilespmem:s8+$0x2E0] =	vst v35  }
0x3cb: {  	v35 =	vmul.f32 $8.000000000e+00, v39;
	v39 =	vor.u32 v6, v20;
	[tilespmem:s4+$0xFFFFFC40] =	vst v43;
	v40 =	vld.idx.msk [tilespmem:v40+s17+$0x0], $0xffff  }
0x3cc: {  	v38 =	vmul.f32 $8.000000000e+00, v38;
	v43 =	vld.idx.msk [tilespmem:v46+s17+$0x0], $0xffff;
	v46 =	vor.u32 v6, v21;
	[tilespmem:s4+$0xFFFFFFD0] =	vst v26  }
0x3cd: {  	v26 =	vmul.f32 $8.000000000e+00, v41;
	[tilespmem:s4+$0xFFFFFCD0] =	vst v35;
	v35 =	vor.u32 v6, v22;
	v36 =	vld.idx.msk [tilespmem:v36+s17+$0x0], $0xffff  }
0x3ce: {  	v41 =	vld.idx.msk [tilespmem:v44+s17+$0x0], $0xffff;
	[tilespmem:s4+$0xFFFFFD50] =	vst v38;
	v38 =	vmul.f32 $8.000000000e+00, v47;
	v44 =	vor.u32 v6, v31  }
0x3cf: {  	v42 =	vld.idx.msk [tilespmem:v42+s17+$0x0], $0xffff;
	[tilespmem:s4+$0xFFFFFDD0] =	vst v26;
	v26 =	vmul.f32 $8.000000000e+00, v37;
	v37 =	vor.u32 v15, v23;
	v23 =	vmov v31  }
0x3d0: {  	v47 =	vor.u32 v6, v17;
	v39 =	vld.idx.msk [tilespmem:v39+s17+$0x0], $0xffff;
	[tilespmem:s4+$0xFFFFFE50] =	vst v38;
	v38 =	vmul.f32 $8.000000000e+00, v45  }
0x3d1: {  	v31 =	vmul.f32 $8.000000000e+00, v40;
	v45 =	vld.idx.msk [tilespmem:v46+s17+$0x0], $0xffff;
	[tilespmem:s4+$0xFFFFFED0] =	vst v26;
	v26 =	vor.u32 v7, v24  }
0x3d2: {  	v40 =	vmul.f32 $8.000000000e+00, v43;
	v43 =	vor.u32 v7, v18;
	v35 =	vld.idx.msk [tilespmem:v35+s17+$0x0], $0xffff;
	[tilespmem:s4+$0xFFFFFF50] =	vst v38  }
0x3d3: {  	v38 =	vor.u32 v7, v19;
	v36 =	vmul.f32 $8.000000000e+00, v36;
	v44 =	vld.idx.msk [tilespmem:v44+s17+$0x0], $0xffff;
	[tilespmem:s8+$0x360] =	vst v34  }
0x3d4: {  	v34 =	vmul.f32 $8.000000000e+00, v41;
	[tilespmem:s4+$0xFFFFFC50] =	vst v40;
	v40 =	vor.u32 v7, v20;
	v37 =	vld.idx.msk [tilespmem:v37+s17+$0x0], $0xffff  }
0x3d5: {  	v46 =	vor.u32 v7, v21;
	v42 =	vmul.f32 $8.000000000e+00, v42;
	v41 =	vld.idx.msk [tilespmem:v47+s17+$0x0], $0xffff;
	[tilespmem:s4+$0xFFFFFFE0] =	vst v36  }
0x3d6: {  	v36 =	vor.u32 v7, v22;
	[tilespmem:s4+$0xFFFFFCE0] =	vst v34;
	v34 =	vmul.f32 $8.000000000e+00, v39;
	v26 =	vld.idx.msk [tilespmem:v26+s17+$0x0], $0xffff  }
0x3d7: {  	v39 =	vld.idx.msk [tilespmem:v43+s17+$0x0], $0xffff;
	[tilespmem:s4+$0xFFFFFD60] =	vst v42;
	v42 =	vmul.f32 $8.000000000e+00, v45;
	v43 =	vor.u32 v7, v23  }
0x3d8: {  	v38 =	vld.idx.msk [tilespmem:v38+s17+$0x0], $0xffff;
	[tilespmem:s4+$0xFFFFFDE0] =	vst v34;
	v34 =	vmul.f32 $8.000000000e+00, v35;
	v35 =	vor.u32 v15, v16;
	v16 =	vmovc v17;
	v17 =	vmov v27  }
0x3d9: {  	v27 =	vor.u32 v7, v16;
	v40 =	vld.idx.msk [tilespmem:v40+s17+$0x0], $0xffff;
	[tilespmem:s4+$0xFFFFFE60] =	vst v42;
	v42 =	vmul.f32 $8.000000000e+00, v44  }
0x3da: {  	v37 =	vmul.f32 $8.000000000e+00, v37;
	v44 =	vld.idx.msk [tilespmem:v46+s17+$0x0], $0xffff;
	[tilespmem:s4+$0xFFFFFEE0] =	vst v34;
	v34 =	vor.u32 v8, v24  }
0x3db: {  	v45 =	vor.u32 v8, v18;
	v41 =	vmul.f32 $8.000000000e+00, v41;
	v36 =	vld.idx.msk [tilespmem:v36+s17+$0x0], $0xffff;
	[tilespmem:s4+$0xFFFFFF60] =	vst v42  }
0x3dc: {  	s9 =	sadd.s32 $0x1, s1;
	v42 =	vor.u32 v8, v19;
	v26 =	vmul.f32 $8.000000000e+00, v26;
	v43 =	vld.idx.msk [tilespmem:v43+s17+$0x0], $0xffff;
	[tilespmem:s8+$0x60] =	vst v33  }
0x3dd: {  	v33 =	vmov s9;
	v39 =	vmul.f32 $8.000000000e+00, v39;
	[tilespmem:s4+$0xFFFFFC60] =	vst v41;
	v41 =	vor.u32 v8, v20;
	v35 =	vld.idx.msk [tilespmem:v35+s17+$0x0], $0xffff  }
0x3de: {  	v47 =	vor.u32 v8, v21;
	v33 =	vand.u32 $0x79, v33;
	v38 =	vmul.f32 $8.000000000e+00, v38;
	v46 =	vld.idx.msk [tilespmem:v27+s17+$0x0], $0xffff;
	[tilespmem:s4+$0xFFFFFFF0] =	vst v26  }
0x3df: {  	v27 =	vbroadcast v33, $0x0;
	v26 =	vmul.f32 $8.000000000e+00, v40;
	v33 =	vor.u32 v8, v22;
	[tilespmem:s4+$0xFFFFFCF0] =	vst v39;
	v34 =	vld.idx.msk [tilespmem:v34+s17+$0x0], $0xffff  }
0x3e0: {  	v40 =	vor.u32 v8, v23;
	v39 =	vld.idx.msk [tilespmem:v45+s17+$0x0], $0xffff;
	[tilespmem:s4+$0xFFFFFD70] =	vst v38;
	v38 =	vmul.f32 $8.000000000e+00, v44  }
0x3e1: {  	v44 =	vor.u32 v0, v27;
	v42 =	vld.idx.msk [tilespmem:v42+s17+$0x0], $0xffff;
	[tilespmem:s4+$0xFFFFFDF0] =	vst v26;
	v26 =	vmul.f32 $8.000000000e+00, v36  }
0x3e2: {  	v45 =	vor.u32 v8, v16;
	v41 =	vld.idx.msk [tilespmem:v41+s17+$0x0], $0xffff;
	[tilespmem:s4+$0xFFFFFE70] =	vst v38;
	v38 =	vmul.f32 $8.000000000e+00, v43  }
0x3e3: {  	v36 =	vmul.f32 $8.000000000e+00, v35;
	v43 =	vld.idx.msk [tilespmem:v47+s17+$0x0], $0xffff;
	[tilespmem:s4+$0xFFFFFEF0] =	vst v26;
	v47 =	vor.u32 v9, v24  }
0x3e4: {  	v35 =	vor.u32 v9, v18;
	v26 =	vmul.f32 $8.000000000e+00, v46;
	v33 =	vld.idx.msk [tilespmem:v33+s17+$0x0], $0xffff;
	[tilespmem:s4+$0xFFFFFF70] =	vst v38  }
0x3e5: {  	s9 =	sadd.s32 $0x2, s1;
	v38 =	vor.u32 v9, v19;
	v34 =	vmul.f32 $8.000000000e+00, v34;
	v40 =	vld.idx.msk [tilespmem:v40+s17+$0x0], $0xffff;
	[tilespmem:s8+$0xF0] =	vst v32  }
0x3e6: {  	v46 =	vor.u32 v9, v20;
	v39 =	vmul.f32 $8.000000000e+00, v39;
	v32 =	vld.idx.msk [tilespmem:v44+s17+$0x0], $0xffff;
	v44 =	vmov s9;
	[tilespmem:s4+$0xFFFFFC70] =	vst v26  }
0x3e7: {  	v42 =	vmul.f32 $8.000000000e+00, v42;
	v26 =	vand.u32 $0x7A, v44;
	v44 =	vld.idx.msk [tilespmem:v45+s17+$0x0], $0xffff;
	v45 =	vor.u32 v9, v21;
	[tilespmem:s4+$0x380] =	vst v34  }
0x3e8: {  	v34 =	vmul.f32 $8.000000000e+00, v41;
	v26 =	vbroadcast v26, $0x0;
	[tilespmem:s4+$0x80] =	vst v39;
	v39 =	vor.u32 v9, v22;
	v41 =	vld.idx.msk [tilespmem:v47+s17+$0x0], $0xffff  }
0x3e9: {  	v35 =	vld.idx.msk [tilespmem:v35+s17+$0x0], $0xffff;
	[tilespmem:s4+$0x100] =	vst v42;
	v42 =	vmul.f32 $8.000000000e+00, v43;
	v43 =	vor.u32 v9, v23  }
0x3ea: {  	v33 =	vmul.f32 $8.000000000e+00, v33;
	v47 =	vor.u32 v0, v26;
	v38 =	vld.idx.msk [tilespmem:v38+s17+$0x0], $0xffff;
	[tilespmem:s4+$0x180] =	vst v34  }
0x3eb: {  	v48 =	vor.u32 v9, v16;
	v34 =	vmul.f32 $8.000000000e+00, v40;
	v46 =	vld.idx.msk [tilespmem:v46+s17+$0x0], $0xffff;
	[tilespmem:s4+$0x200] =	vst v42  }
0x3ec: {  	v40 =	vld.idx.msk [tilespmem:v45+s17+$0x0], $0xffff;
	[tilespmem:s4+$0x280] =	vst v33;
	v33 =	vor.u32 v10, v24  }
0x3ed: {  	v42 =	vmul.f32 $8.000000000e+00, v44;
	v44 =	vor.u32 v10, v18;
	v39 =	vld.idx.msk [tilespmem:v39+s17+$0x0], $0xffff;
	[tilespmem:s4+$0x300] =	vst v34  }
0x3ee: {  	s9 =	sadd.s32 $0x3, s1;
	v45 =	vor.u32 v10, v19;
	v41 =	vmul.f32 $8.000000000e+00, v41;
	v43 =	vld.idx.msk [tilespmem:v43+s17+$0x0], $0xffff;
	[tilespmem:s8+$0x170] =	vst v28  }
0x3ef: {  	v28 =	vmov s9;
	v35 =	vmul.f32 $8.000000000e+00, v35;
	v34 =	vld.idx.msk [tilespmem:v47+s17+$0x0], $0xffff;
	[tilespmem:s4+$0x0] =	vst v42;
	v42 =	vor.u32 v10, v20  }
0x3f0: {  	v28 =	vand.u32 $0x7B, v28;
	v38 =	vmul.f32 $8.000000000e+00, v38;
	v47 =	vld.idx.msk [tilespmem:v48+s17+$0x0], $0xffff;
	v48 =	vor.u32 v10, v21;
	[tilespmem:s4+$0x390] =	vst v41  }
0x3f1: {  	v28 =	vbroadcast v28, $0x0;
	v41 =	vor.u32 v10, v22;
	[tilespmem:s4+$0x90] =	vst v35;
	v35 =	vmul.f32 $8.000000000e+00, v46;
	v33 =	vld.idx.msk [tilespmem:v33+s17+$0x0], $0xffff  }
0x3f2: {  	v44 =	vld.idx.msk [tilespmem:v44+s17+$0x0], $0xffff;
	[tilespmem:s4+$0x110] =	vst v38;
	v38 =	vmul.f32 $8.000000000e+00, v40;
	v40 =	vor.u32 v10, v23  }
0x3f3: {  	v46 =	vor.u32 v0, v28;
	v45 =	vld.idx.msk [tilespmem:v45+s17+$0x0], $0xffff;
	[tilespmem:s4+$0x190] =	vst v35;
	v35 =	vmul.f32 $8.000000000e+00, v39  }
0x3f4: {  	v39 =	vor.u32 v10, v16;
	v42 =	vld.idx.msk [tilespmem:v42+s17+$0x0], $0xffff;
	[tilespmem:s4+$0x210] =	vst v38;
	v38 =	vmul.f32 $8.000000000e+00, v43  }
0x3f5: {  	v43 =	vld.idx.msk [tilespmem:v48+s17+$0x0], $0xffff;
	[tilespmem:s4+$0x290] =	vst v35;
	v48 =	vor.u32 v11, v24  }
0x3f6: {  	v49 =	vor.u32 v11, v18;
	v47 =	vmul.f32 $8.000000000e+00, v47;
	v41 =	vld.idx.msk [tilespmem:v41+s17+$0x0], $0xffff;
	[tilespmem:s4+$0x310] =	vst v38  }
0x3f7: {  	s9 =	sadd.s32 $0x4, s1;
	v38 =	vor.u32 v11, v19;
	v33 =	vmul.f32 $8.000000000e+00, v33;
	v40 =	vld.idx.msk [tilespmem:v40+s17+$0x0], $0xffff;
	[tilespmem:s8+$0x1F0] =	vst v29  }
0x3f8: {  	v29 =	vmov s9;
	v44 =	vmul.f32 $8.000000000e+00, v44;
	v35 =	vld.idx.msk [tilespmem:v46+s17+$0x0], $0xffff;
	[tilespmem:s4+$0x10] =	vst v47;
	v46 =	vor.u32 v11, v20  }
0x3f9: {  	v29 =	vand.u32 $0x7C, v29;
	v45 =	vmul.f32 $8.000000000e+00, v45;
	v47 =	vor.u32 v11, v21;
	v39 =	vld.idx.msk [tilespmem:v39+s17+$0x0], $0xffff;
	[tilespmem:s4+$0x3A0] =	vst v33  }
0x3fa: {  	v29 =	vbroadcast v29, $0x0;
	v33 =	vmul.f32 $8.000000000e+00, v42;
	v42 =	vor.u32 v11, v22;
	[tilespmem:s4+$0xA0] =	vst v44;
	v44 =	vld.idx.msk [tilespmem:v48+s17+$0x0], $0xffff  }
0x3fb: {  	v43 =	vmul.f32 $8.000000000e+00, v43;
	v48 =	vld.idx.msk [tilespmem:v49+s17+$0x0], $0xffff;
	[tilespmem:s4+$0x120] =	vst v45;
	v45 =	vor.u32 v11, v23  }
0x3fc: {  	v49 =	vor.u32 v0, v29;
	v50 =	vld.idx.msk [tilespmem:v38+s17+$0x0], $0xffff;
	[tilespmem:s4+$0x1A0] =	vst v33;
	v33 =	vmul.f32 $8.000000000e+00, v41  }
0x3fd: {  	v41 =	vor.u32 v11, v16;
	v38 =	vmul.f32 $8.000000000e+00, v40;
	v46 =	vld.idx.msk [tilespmem:v46+s17+$0x0], $0xffff;
	[tilespmem:s4+$0x220] =	vst v43  }
0x3fe: {  	v40 =	vld.idx.msk [tilespmem:v47+s17+$0x0], $0xffff;
	[tilespmem:s4+$0x2A0] =	vst v33;
	v33 =	vor.u32 v12, v24  }
0x3ff: {  	v43 =	vor.u32 v12, v18;
	v39 =	vmul.f32 $8.000000000e+00, v39;
	v42 =	vld.idx.msk [tilespmem:v42+s17+$0x0], $0xffff;
	[tilespmem:s4+$0x320] =	vst v38  }
0x400: {  	s9 =	sadd.s32 $0x5, s1;
	v47 =	vor.u32 v12, v19;
	v44 =	vmul.f32 $8.000000000e+00, v44;
	v45 =	vld.idx.msk [tilespmem:v45+s17+$0x0], $0xffff;
	[tilespmem:s8+$0x270] =	vst v30  }
0x401: {  	v30 =	vmov s9;
	v38 =	vld.idx.msk [tilespmem:v49+s17+$0x0], $0xffff;
	[tilespmem:s4+$0x20] =	vst v39;
	v39 =	vmul.f32 $8.000000000e+00, v48;
	v48 =	vor.u32 v12, v20  }
0x402: {  	v30 =	vand.u32 $0x7D, v30;
	v49 =	vmul.f32 $8.000000000e+00, v50;
	v50 =	vor.u32 v12, v21;
	v41 =	vld.idx.msk [tilespmem:v41+s17+$0x0], $0xffff;
	[tilespmem:s4+$0x3B0] =	vst v44  }
0x403: {  	v30 =	vbroadcast v30, $0x0;
	v44 =	vor.u32 v12, v22;
	[tilespmem:s4+$0xB0] =	vst v39;
	v39 =	vmul.f32 $8.000000000e+00, v46;
	v46 =	vld.idx.msk [tilespmem:v33+s17+$0x0], $0xffff  }
0x404: {  	v33 =	vmul.f32 $8.000000000e+00, v40;
	v43 =	vld.idx.msk [tilespmem:v43+s17+$0x0], $0xffff;
	[tilespmem:s4+$0x130] =	vst v49;
	v49 =	vor.u32 v12, v23  }
0x405: {  	v51 =	vor.u32 v0, v30;
	v47 =	vld.idx.msk [tilespmem:v47+s17+$0x0], $0xffff;
	[tilespmem:s4+$0x1B0] =	vst v39;
	v39 =	vmul.f32 $8.000000000e+00, v42  }
0x406: {  	v42 =	vor.u32 v12, v16;
	v48 =	vld.idx.msk [tilespmem:v48+s17+$0x0], $0xffff;
	[tilespmem:s4+$0x230] =	vst v33;
	v33 =	vmul.f32 $8.000000000e+00, v45  }
0x407: {  	v52 =	vor.u32 v13, v24;
	v50 =	vld.idx.msk [tilespmem:v50+s17+$0x0], $0xffff;
	[tilespmem:s4+$0x2B0] =	vst v39  }
0x408: {  	v53 =	vor.u32 v13, v18;
	v41 =	vmul.f32 $8.000000000e+00, v41;
	v40 =	vld.idx.msk [tilespmem:v44+s17+$0x0], $0xffff;
	[tilespmem:s4+$0x330] =	vst v33  }
.Ltmp3:
0x409: {  	s9 =	sadd.s32 $0x6, s1;
	v44 =	vor.u32 v13, v19;
	v33 =	vld.idx.msk [tilespmem:v49+s17+$0x0], $0xffff;
	v49 =	vmul.f32 $8.000000000e+00, v46;
	[tilespmem:s8+$0x2F0] =	vst v31;
	(pc) =	sbr.rel @p1 .LBB2_10-.Ltmp3, $4  }
0x40a: {  	v45 =	vor.u32 v13, v20;
	v31 =	vmov s9;
	v43 =	vmul.f32 $8.000000000e+00, v43;
	v39 =	vld.idx.msk [tilespmem:v51+s17+$0x0], $0xffff;
	[tilespmem:s4+$0x30] =	vst v41  }
0x40b: {  	v46 =	vor.u32 v13, v21;
	v31 =	vand.u32 $0x7E, v31;
	v51 =	vmul.f32 $8.000000000e+00, v47;
	v41 =	vld.idx.msk [tilespmem:v42+s17+$0x0], $0xffff;
	[tilespmem:s4+$0x3C0] =	vst v49  }
0x40c: {  	v47 =	vor.u32 v13, v22;
	v31 =	vbroadcast v31, $0x0;
	v49 =	vmul.f32 $8.000000000e+00, v48;
	[tilespmem:s4+$0xC0] =	vst v43;
	v43 =	vld.idx.msk [tilespmem:v52+s17+$0x0], $0xffff  }
0x40d: {  	s9 =	sadd.s32 $0x7, s1;
	s1 =	sadd.s32 $0x8, s1;
	v48 =	vor.u32 v13, v23;
	v50 =	vmul.f32 $8.000000000e+00, v50;
	v42 =	vld.idx.msk [tilespmem:v53+s17+$0x0], $0xffff;
	[tilespmem:s4+$0x140] =	vst v51  }
0x40e: {  	[tilespmem:s4+$0x1C0] =	vst v49  }
0x40f: {  	[tilespmem:s8+$0x370] =	vst v37  }
0x410: {  	v40 =	vmul.f32 $8.000000000e+00, v40;
	[tilespmem:s8+$0x70] =	vst v36  }
0x411: {  	v56 =	vmul.f32 $8.000000000e+00, v33;
	[tilespmem:s4+$0x240] =	vst v50  }
0x412: {  	v32 =	vmul.f32 $8.000000000e+00, v32;
	[tilespmem:s4+$0x2C0] =	vst v40  }
0x413: {  	v44 =	vld.idx.msk [tilespmem:v44+s17+$0x0], $0xffff;
	s1 =	sadd.s32 $0x800, s4;
	v34 =	vmul.f32 $8.000000000e+00, v34;
	[tilespmem:s4+$0x340] =	vst v56  }
0x414: {  	v25 =	vmul.f32 $8.000000000e+00, v25;
	v45 =	vld.idx.msk [tilespmem:v45+s17+$0x0], $0xffff;
	[tilespmem:s1+$0xFFFFFC80] =	vst v32  }
0x415: {  	v55 =	vmov s9;
	v58 =	vor.u32 v13, v16;
	v59 =	vld.idx.msk [tilespmem:v46+s17+$0x0], $0xffff;
	v41 =	vmul.f32 $8.000000000e+00, v41;
	[tilespmem:s1+$0xFFFFFD00] =	vst v34  }
0x416: {  	v57 =	vand.u32 $0x7F, v55;
	[tilespmem:s1+$0xFFFFFC00] =	vst v25;
	v43 =	vmul.f32 $8.000000000e+00, v43  }
0x417: {  	v60 =	vor.u32 v14, v24;
	v33 =	vbroadcast v57, $0x0;
	v47 =	vld.idx.msk [tilespmem:v47+s17+$0x0], $0xffff;
	[tilespmem:s4+$0x40] =	vst v41;
	v63 =	vmul.f32 $8.000000000e+00, v42  }
0x418: {  	v61 =	vor.u32 v14, v18;
	v48 =	vld.idx.msk [tilespmem:v48+s17+$0x0], $0xffff;
	v51 =	vmul.f32 $8.000000000e+00, v44;
	[tilespmem:s4+$0x3D0] =	vst v43  }
0x419: {  	v62 =	vor.u32 v0, v33;
	[tilespmem:s4+$0xD0] =	vst v63;
	v53 =	vmul.f32 $8.000000000e+00, v45  }
0x41a: {  	v52 =	vld.idx.msk [tilespmem:v58+s17+$0x0], $0xffff;
	v58 =	vor.u32 v0, v31;
	[tilespmem:s4+$0x150] =	vst v51;
	v40 =	vmul.f32 $8.000000000e+00, v59  }
0x41b: {  	v49 =	vor.u32 v1, v28;
	v51 =	vmul.f32 $8.000000000e+00, v35;
	[tilespmem:s4+$0x1D0] =	vst v53  }
0x41c: {  	v46 =	vor.u32 v1, v27;
	v54 =	vld.idx.msk [tilespmem:v60+s17+$0x0], $0xffff;
	v56 =	vmul.f32 $8.000000000e+00, v47;
	[tilespmem:s4+$0x250] =	vst v40  }
0x41d: {  	v50 =	vor.u32 v1, v29;
	v55 =	vld.idx.msk [tilespmem:v61+s17+$0x0], $0xffff;
	v57 =	vmul.f32 $8.000000000e+00, v48;
	[tilespmem:s1+$0xFFFFFD80] =	vst v51  }
0x41e: {  	v48 =	vor.u32 v1, v26;
	v53 =	vmul.f32 $8.000000000e+00, v38;
	v37 =	vld.idx.msk [tilespmem:v62+s17+$0x0], $0xffff;
	[tilespmem:s4+$0x2D0] =	vst v56  }
0x41f: {  	v59 =	vor.u32 v15, v24;
	v60 =	vmul.f32 $8.000000000e+00, v52;
	[tilespmem:s4+$0x350] =	vst v57;
	v47 =	vld.idx.msk [tilespmem:v58+s17+$0x0], $0xffff  }
0x420: {  	v52 =	vor.u32 v1, v30;
	v56 =	vmul.f32 $8.000000000e+00, v39;
	[tilespmem:s1+$0xFFFFFE00] =	vst v53;
	v41 =	vld.idx.msk [tilespmem:v49+s17+$0x0], $0xffff  }
0x421: {  	v57 =	vor.u32 v14, v19;
	v61 =	vmul.f32 $8.000000000e+00, v54;
	v54 =	vld.idx.msk [tilespmem:v46+s17+$0x0], $0xffff;
	[tilespmem:s4+$0x50] =	vst v60  }
0x422: {  	v62 =	vor.u32 v1, v33;
	v63 =	vmul.f32 $8.000000000e+00, v55;
	[tilespmem:s1+$0xFFFFFE80] =	vst v56;
	v60 =	vld.idx.msk [tilespmem:v50+s17+$0x0], $0xffff  }
0x423: {  	v55 =	vor.u32 v1, v31;
	[tilespmem:s4+$0x3E0] =	vst v61;
	v43 =	vld.idx.msk [tilespmem:v48+s17+$0x0], $0xffff;
	v37 =	vmul.f32 $8.000000000e+00, v37  }
0x424: {  	[tilespmem:s4+$0xE0] =	vst v63;
	v24 =	vld.idx.msk [tilespmem:v59+s17+$0x0], $0xffff;
	v59 =	vor.u32 v1, v17;
	v58 =	vmul.f32 $8.000000000e+00, v47  }
0x425: {  	v35 =	vld.idx.msk [tilespmem:v52+s17+$0x0], $0xffff;
	v47 =	vor.u32 v2, v28;
	v50 =	vmul.f32 $8.000000000e+00, v41;
	[tilespmem:s1+$0xFFFFFF80] =	vst v37  }
0x426: {  	v49 =	vor.u32 v2, v29;
	v46 =	vld.idx.msk [tilespmem:v57+s17+$0x0], $0xffff;
	v45 =	vmul.f32 $8.000000000e+00, v54;
	[tilespmem:s1+$0xFFFFFF00] =	vst v58  }
0x427: {  	v63 =	vor.u32 v2, v26;
	v36 =	vld.idx.msk [tilespmem:v62+s17+$0x0], $0xffff;
	v32 =	vmul.f32 $8.000000000e+00, v60;
	[tilespmem:s1+$0xFFFFFD90] =	vst v50  }
0x428: {  	v54 =	vor.u32 v14, v20;
	v42 =	vld.idx.msk [tilespmem:v55+s17+$0x0], $0xffff;
	v43 =	vmul.f32 $8.000000000e+00, v43;
	[tilespmem:s1+$0xFFFFFC90] =	vst v45  }
0x429: {  	v62 =	vor.u32 v2, v27;
	v24 =	vmul.f32 $8.000000000e+00, v24;
	v48 =	vld.idx.msk [tilespmem:v59+s17+$0x0], $0xffff;
	[tilespmem:s1+$0xFFFFFE10] =	vst v32  }
0x42a: {  	v51 =	vor.u32 v2, v30;
	[tilespmem:s1+$0xFFFFFD10] =	vst v43;
	v53 =	vmul.f32 $8.000000000e+00, v35;
	v39 =	vld.idx.msk [tilespmem:v47+s17+$0x0], $0xffff  }
0x42b: {  	v61 =	vor.u32 v2, v33;
	v38 =	vmul.f32 $8.000000000e+00, v46;
	v57 =	vld.idx.msk [tilespmem:v49+s17+$0x0], $0xffff;
	[tilespmem:s4+$0x3F0] =	vst v24  }
0x42c: {  	v50 =	vor.u32 v14, v21;
	v24 =	vld.idx.msk [tilespmem:v63+s17+$0x0], $0xffff;
	v36 =	vmul.f32 $8.000000000e+00, v36;
	[tilespmem:s1+$0xFFFFFE90] =	vst v53  }
0x42d: {  	v52 =	vor.u32 v2, v31;
	v35 =	vld.idx.msk [tilespmem:v54+s17+$0x0], $0xffff;
	[tilespmem:s4+$0x160] =	vst v38;
	v55 =	vmul.f32 $8.000000000e+00, v42  }
0x42e: {  	v56 =	vor.u32 v2, v17;
	v34 =	vld.idx.msk [tilespmem:v62+s17+$0x0], $0xffff;
	[tilespmem:s1+$0xFFFFFF90] =	vst v36;
	v36 =	vmul.f32 $8.000000000e+00, v48  }
0x42f: {  	v63 =	vor.u32 v3, v29;
	v41 =	vld.idx.msk [tilespmem:v51+s17+$0x0], $0xffff;
	[tilespmem:s1+$0xFFFFFF10] =	vst v55;
	v44 =	vmul.f32 $8.000000000e+00, v39  }
0x430: {  	v60 =	vor.u32 v3, v26;
	v37 =	vld.idx.msk [tilespmem:v61+s17+$0x0], $0xffff;
	v46 =	vmul.f32 $8.000000000e+00, v57;
	[tilespmem:s1+$0xFFFFFC10] =	vst v36  }
0x431: {  	v59 =	vor.u32 v3, v27;
	v57 =	vld.idx.msk [tilespmem:v50+s17+$0x0], $0xffff;
	v24 =	vmul.f32 $8.000000000e+00, v24;
	[tilespmem:s1+$0xFFFFFDA0] =	vst v44  }
0x432: {  	v61 =	vor.u32 v3, v28;
	v43 =	vld.idx.msk [tilespmem:v52+s17+$0x0], $0xffff;
	v35 =	vmul.f32 $8.000000000e+00, v35;
	[tilespmem:s1+$0xFFFFFE20] =	vst v46  }
0x433: {  	v45 =	vor.u32 v3, v30;
	v34 =	vmul.f32 $8.000000000e+00, v34;
	v62 =	vld.idx.msk [tilespmem:v56+s17+$0x0], $0xffff;
	[tilespmem:s1+$0xFFFFFD20] =	vst v24  }
0x434: {  	v58 =	vor.u32 v3, v33;
	v49 =	vmul.f32 $8.000000000e+00, v41;
	v53 =	vld.idx.msk [tilespmem:v63+s17+$0x0], $0xffff;
	[tilespmem:s4+$0x1E0] =	vst v35  }
0x435: {  	v48 =	vor.u32 v3, v31;
	[tilespmem:s1+$0xFFFFFCA0] =	vst v34;
	v38 =	vld.idx.msk [tilespmem:v60+s17+$0x0], $0xffff;
	v37 =	vmul.f32 $8.000000000e+00, v37  }
0x436: {  	v52 =	vor.u32 v3, v17;
	v47 =	vld.idx.msk [tilespmem:v59+s17+$0x0], $0xffff;
	[tilespmem:s1+$0xFFFFFEA0] =	vst v49;
	v46 =	vmul.f32 $8.000000000e+00, v57  }
0x437: {  	v60 =	vor.u32 v4, v29;
	v36 =	vld.idx.msk [tilespmem:v61+s17+$0x0], $0xffff;
	v51 =	vmul.f32 $8.000000000e+00, v43;
	[tilespmem:s1+$0xFFFFFFA0] =	vst v37  }
0x438: {  	v39 =	vld.idx.msk [tilespmem:v45+s17+$0x0], $0xffff;
	v45 =	vor.u32 v14, v22;
	v37 =	vmul.f32 $8.000000000e+00, v62;
	[tilespmem:s4+$0x260] =	vst v46  }
0x439: {  	v56 =	vor.u32 v4, v26;
	v40 =	vld.idx.msk [tilespmem:v58+s17+$0x0], $0xffff;
	[tilespmem:s1+$0xFFFFFF20] =	vst v51;
	v34 =	vmul.f32 $8.000000000e+00, v53  }
0x43a: {  	v55 =	vor.u32 v4, v27;
	v32 =	vld.idx.msk [tilespmem:v48+s17+$0x0], $0xffff;
	[tilespmem:s1+$0xFFFFFC20] =	vst v37;
	v38 =	vmul.f32 $8.000000000e+00, v38  }
0x43b: {  	v58 =	vor.u32 v4, v28;
	v25 =	vmul.f32 $8.000000000e+00, v47;
	v59 =	vld.idx.msk [tilespmem:v52+s17+$0x0], $0xffff;
	[tilespmem:s1+$0xFFFFFE30] =	vst v34  }
0x43c: {  	v62 =	vor.u32 v4, v30;
	v61 =	vmul.f32 $8.000000000e+00, v36;
	[tilespmem:s1+$0xFFFFFD30] =	vst v38;
	v48 =	vld.idx.msk [tilespmem:v60+s17+$0x0], $0xffff  }
0x43d: {  	v54 =	vor.u32 v4, v33;
	v44 =	vmul.f32 $8.000000000e+00, v39;
	v39 =	vld.idx.msk [tilespmem:v45+s17+$0x0], $0xffff;
	[tilespmem:s1+$0xFFFFFCB0] =	vst v25  }
0x43e: {  	v63 =	vor.u32 v4, v31;
	[tilespmem:s1+$0xFFFFFDB0] =	vst v61;
	v35 =	vld.idx.msk [tilespmem:v56+s17+$0x0], $0xffff;
	v40 =	vmul.f32 $8.000000000e+00, v40  }
0x43f: {  	v47 =	vor.u32 v4, v17;
	v24 =	vld.idx.msk [tilespmem:v55+s17+$0x0], $0xffff;
	[tilespmem:s1+$0xFFFFFEB0] =	vst v44;
	v32 =	vmul.f32 $8.000000000e+00, v32  }
0x440: {  	v53 =	vor.u32 v5, v29;
	v41 =	vld.idx.msk [tilespmem:v58+s17+$0x0], $0xffff;
	[tilespmem:s1+$0xFFFFFFB0] =	vst v40;
	v40 =	vmul.f32 $8.000000000e+00, v59  }
0x441: {  	v58 =	vor.u32 v14, v23;
	v36 =	vld.idx.msk [tilespmem:v62+s17+$0x0], $0xffff;
	[tilespmem:s1+$0xFFFFFF30] =	vst v32;
	v25 =	vmul.f32 $8.000000000e+00, v48  }
0x442: {  	v51 =	vor.u32 v5, v26;
	v42 =	vld.idx.msk [tilespmem:v54+s17+$0x0], $0xffff;
	v60 =	vmul.f32 $8.000000000e+00, v39;
	[tilespmem:s1+$0xFFFFFC30] =	vst v40  }
0x443: {  	v50 =	vor.u32 v5, v27;
	v38 =	vld.idx.msk [tilespmem:v63+s17+$0x0], $0xffff;
	v35 =	vmul.f32 $8.000000000e+00, v35;
	[tilespmem:s1+$0xFFFFFE40] =	vst v25  }
0x444: {  	v52 =	vor.u32 v5, v28;
	v24 =	vmul.f32 $8.000000000e+00, v24;
	v37 =	vld.idx.msk [tilespmem:v47+s17+$0x0], $0xffff;
	[tilespmem:s4+$0x2E0] =	vst v60  }
0x445: {  	v55 =	vor.u32 v5, v30;
	v54 =	vmul.f32 $8.000000000e+00, v41;
	[tilespmem:s1+$0xFFFFFD40] =	vst v35;
	v62 =	vld.idx.msk [tilespmem:v53+s17+$0x0], $0xffff  }
0x446: {  	v49 =	vor.u32 v5, v33;
	v57 =	vmul.f32 $8.000000000e+00, v36;
	v36 =	vld.idx.msk [tilespmem:v58+s17+$0x0], $0xffff;
	[tilespmem:s1+$0xFFFFFCC0] =	vst v24  }
0x447: {  	v56 =	vor.u32 v5, v31;
	[tilespmem:s1+$0xFFFFFDC0] =	vst v54;
	v34 =	vld.idx.msk [tilespmem:v51+s17+$0x0], $0xffff;
	v42 =	vmul.f32 $8.000000000e+00, v42  }
0x448: {  	v61 =	vor.u32 v5, v17;
	v32 =	vld.idx.msk [tilespmem:v50+s17+$0x0], $0xffff;
	[tilespmem:s1+$0xFFFFFEC0] =	vst v57;
	v59 =	vmul.f32 $8.000000000e+00, v38  }
0x449: {  	v48 =	vor.u32 v6, v29;
	v40 =	vld.idx.msk [tilespmem:v52+s17+$0x0], $0xffff;
	[tilespmem:s1+$0xFFFFFFC0] =	vst v42;
	v37 =	vmul.f32 $8.000000000e+00, v37  }
0x44a: {  	v46 =	vor.u32 v6, v26;
	v41 =	vld.idx.msk [tilespmem:v55+s17+$0x0], $0xffff;
	[tilespmem:s1+$0xFFFFFF40] =	vst v59;
	v24 =	vmul.f32 $8.000000000e+00, v62  }
0x44b: {  	v53 =	vor.u32 v14, v16;
	v43 =	vld.idx.msk [tilespmem:v49+s17+$0x0], $0xffff;
	v55 =	vmul.f32 $8.000000000e+00, v36;
	[tilespmem:s1+$0xFFFFFC40] =	vst v37  }
0x44c: {  	v45 =	vor.u32 v6, v27;
	v35 =	vld.idx.msk [tilespmem:v56+s17+$0x0], $0xffff;
	v34 =	vmul.f32 $8.000000000e+00, v34;
	[tilespmem:s1+$0xFFFFFE50] =	vst v24  }
0x44d: {  	v47 =	vor.u32 v6, v28;
	v32 =	vmul.f32 $8.000000000e+00, v32;
	v39 =	vld.idx.msk [tilespmem:v61+s17+$0x0], $0xffff;
	[tilespmem:s4+$0x360] =	vst v55  }
0x44e: {  	v50 =	vor.u32 v6, v30;
	v49 =	vmul.f32 $8.000000000e+00, v40;
	[tilespmem:s1+$0xFFFFFD50] =	vst v34;
	v57 =	vld.idx.msk [tilespmem:v48+s17+$0x0], $0xffff  }
0x44f: {  	v63 =	vor.u32 v6, v33;
	v52 =	vmul.f32 $8.000000000e+00, v41;
	[tilespmem:s1+$0xFFFFFCD0] =	vst v32;
	v38 =	vld.idx.msk [tilespmem:v46+s17+$0x0], $0xffff  }
0x450: {  	v51 =	vor.u32 v6, v31;
	v61 =	vld.idx.msk [tilespmem:v53+s17+$0x0], $0xffff;
	[tilespmem:s1+$0xFFFFFDD0] =	vst v49;
	v43 =	vmul.f32 $8.000000000e+00, v43  }
0x451: {  	v49 =	vor.u32 v15, v18;
	v25 =	vld.idx.msk [tilespmem:v45+s17+$0x0], $0xffff;
	[tilespmem:s1+$0xFFFFFED0] =	vst v52;
	v54 =	vmul.f32 $8.000000000e+00, v35  }
0x452: {  	v56 =	vor.u32 v6, v17;
	v37 =	vld.idx.msk [tilespmem:v47+s17+$0x0], $0xffff;
	[tilespmem:s1+$0xFFFFFFD0] =	vst v43;
	v39 =	vmul.f32 $8.000000000e+00, v39  }
0x453: {  	v60 =	vor.u32 v7, v26;
	v40 =	vld.idx.msk [tilespmem:v50+s17+$0x0], $0xffff;
	[tilespmem:s1+$0xFFFFFF50] =	vst v54;
	v32 =	vmul.f32 $8.000000000e+00, v57  }
0x454: {  	v16 =	vor.u32 v15, v16;
	v42 =	vld.idx.msk [tilespmem:v63+s17+$0x0], $0xffff;
	[tilespmem:s1+$0xFFFFFC50] =	vst v39;
	v38 =	vmul.f32 $8.000000000e+00, v38  }
0x455: {  	v59 =	vor.u32 v7, v27;
	v34 =	vld.idx.msk [tilespmem:v51+s17+$0x0], $0xffff;
	v51 =	vmul.f32 $8.000000000e+00, v61;
	[tilespmem:s1+$0xFFFFFE60] =	vst v32  }
0x456: {  	v62 =	vor.u32 v7, v28;
	v18 =	vld.idx.msk [tilespmem:v49+s17+$0x0], $0xffff;
	v25 =	vmul.f32 $8.000000000e+00, v25;
	[tilespmem:s1+$0xFFFFFD60] =	vst v38  }
0x457: {  	v63 =	vor.u32 v7, v29;
	v36 =	vld.idx.msk [tilespmem:v56+s17+$0x0], $0xffff;
	v45 =	vmul.f32 $8.000000000e+00, v37;
	[tilespmem:s4+$0x60] =	vst v51  }
0x458: {  	v46 =	vor.u32 v7, v30;
	v48 =	vmul.f32 $8.000000000e+00, v40;
	[tilespmem:s1+$0xFFFFFCE0] =	vst v25;
	v35 =	vld.idx.msk [tilespmem:v60+s17+$0x0], $0xffff  }
0x459: {  	v58 =	vor.u32 v7, v33;
	[tilespmem:s1+$0xFFFFFDE0] =	vst v45;
	v16 =	vld.idx.msk [tilespmem:v16+s17+$0x0], $0xffff;
	v42 =	vmul.f32 $8.000000000e+00, v42  }
0x45a: {  	v47 =	vor.u32 v7, v31;
	v24 =	vld.idx.msk [tilespmem:v59+s17+$0x0], $0xffff;
	[tilespmem:s1+$0xFFFFFEE0] =	vst v48;
	v50 =	vmul.f32 $8.000000000e+00, v34  }
0x45b: {  	v45 =	vor.u32 v15, v19;
	v53 =	vld.idx.msk [tilespmem:v62+s17+$0x0], $0xffff;
	v18 =	vmul.f32 $8.000000000e+00, v18;
	[tilespmem:s1+$0xFFFFFFE0] =	vst v42  }
0x45c: {  	v52 =	vor.u32 v7, v17;
	v54 =	vld.idx.msk [tilespmem:v63+s17+$0x0], $0xffff;
	v36 =	vmul.f32 $8.000000000e+00, v36;
	[tilespmem:s1+$0xFFFFFF60] =	vst v50  }
0x45d: {  	v56 =	vor.u32 v8, v27;
	v37 =	vld.idx.msk [tilespmem:v46+s17+$0x0], $0xffff;
	[tilespmem:s4+$0xF0] =	vst v18;
	v35 =	vmul.f32 $8.000000000e+00, v35  }
0x45e: {  	v43 =	vld.idx.msk [tilespmem:v58+s17+$0x0], $0xffff;
	v58 =	vor.u32 v8, v26;
	[tilespmem:s1+$0xFFFFFC60] =	vst v36;
	v16 =	vmul.f32 $8.000000000e+00, v16  }
0x45f: {  	v59 =	vor.u32 v8, v28;
	v38 =	vld.idx.msk [tilespmem:v47+s17+$0x0], $0xffff;
	v24 =	vmul.f32 $8.000000000e+00, v24;
	[tilespmem:s1+$0xFFFFFD70] =	vst v35  }
0x460: {  	v60 =	vor.u32 v8, v29;
	v19 =	vld.idx.msk [tilespmem:v45+s17+$0x0], $0xffff;
	v61 =	vmul.f32 $8.000000000e+00, v53;
	[tilespmem:s4+$0x70] =	vst v16  }
0x461: {  	v62 =	vor.u32 v8, v30;
	v39 =	vld.idx.msk [tilespmem:v52+s17+$0x0], $0xffff;
	v25 =	vmul.f32 $8.000000000e+00, v54;
	[tilespmem:s1+$0xFFFFFCF0] =	vst v24  }
0x462: {  	v55 =	vor.u32 v8, v33;
	v44 =	vmul.f32 $8.000000000e+00, v37;
	[tilespmem:s1+$0xFFFFFDF0] =	vst v61;
	v32 =	vld.idx.msk [tilespmem:v56+s17+$0x0], $0xffff  }
0x463: {  	v63 =	vor.u32 v8, v31;
	[tilespmem:s1+$0xFFFFFE70] =	vst v25;
	v57 =	vmul.f32 $8.000000000e+00, v43;
	v34 =	vld.idx.msk [tilespmem:v58+s17+$0x0], $0xffff  }
0x464: {  	v47 =	vor.u32 v8, v17;
	v36 =	vld.idx.msk [tilespmem:v59+s17+$0x0], $0xffff;
	[tilespmem:s1+$0xFFFFFEF0] =	vst v44;
	v46 =	vmul.f32 $8.000000000e+00, v38  }
0x465: {  	v48 =	vld.idx.msk [tilespmem:v60+s17+$0x0], $0xffff;
	v58 =	vor.u32 v15, v20;
	v19 =	vmul.f32 $8.000000000e+00, v19;
	[tilespmem:s1+$0xFFFFFFF0] =	vst v57  }
0x466: {  	v50 =	vor.u32 v9, v27;
	v40 =	vld.idx.msk [tilespmem:v62+s17+$0x0], $0xffff;
	v39 =	vmul.f32 $8.000000000e+00, v39;
	[tilespmem:s1+$0xFFFFFF70] =	vst v46  }
0x467: {  	v51 =	vor.u32 v9, v26;
	v41 =	vld.idx.msk [tilespmem:v55+s17+$0x0], $0xffff;
	[tilespmem:s4+$0x170] =	vst v19;
	v32 =	vmul.f32 $8.000000000e+00, v32  }
0x468: {  	v52 =	vor.u32 v9, v28;
	v35 =	vld.idx.msk [tilespmem:v63+s17+$0x0], $0xffff;
	[tilespmem:s1+$0xFFFFFC70] =	vst v39;
	v34 =	vmul.f32 $8.000000000e+00, v34  }
0x469: {  	v53 =	vor.u32 v9, v29;
	v37 =	vld.idx.msk [tilespmem:v47+s17+$0x0], $0xffff;
	v54 =	vmul.f32 $8.000000000e+00, v36;
	[tilespmem:s1+$0x80] =	vst v32  }
0x46a: {  	v55 =	vor.u32 v9, v30;
	v24 =	vmul.f32 $8.000000000e+00, v48;
	v20 =	vld.idx.msk [tilespmem:v58+s17+$0x0], $0xffff;
	[tilespmem:s1+$0x100] =	vst v34  }
0x46b: {  	v49 =	vor.u32 v9, v33;
	v57 =	vmul.f32 $8.000000000e+00, v40;
	[tilespmem:s1+$0x180] =	vst v54;
	v25 =	vld.idx.msk [tilespmem:v50+s17+$0x0], $0xffff  }
0x46c: {  	v56 =	vor.u32 v9, v31;
	[tilespmem:s1+$0x200] =	vst v24;
	v41 =	vmul.f32 $8.000000000e+00, v41;
	v18 =	vld.idx.msk [tilespmem:v51+s17+$0x0], $0xffff  }
0x46d: {  	v60 =	vor.u32 v9, v17;
	v39 =	vld.idx.msk [tilespmem:v52+s17+$0x0], $0xffff;
	[tilespmem:s1+$0x280] =	vst v57;
	v59 =	vmul.f32 $8.000000000e+00, v35  }
0x46e: {  	v61 =	vld.idx.msk [tilespmem:v53+s17+$0x0], $0xffff;
	v52 =	vor.u32 v15, v21;
	[tilespmem:s1+$0x380] =	vst v41;
	v37 =	vmul.f32 $8.000000000e+00, v37  }
0x46f: {  	v63 =	vor.u32 v10, v27;
	v36 =	vld.idx.msk [tilespmem:v55+s17+$0x0], $0xffff;
	v20 =	vmul.f32 $8.000000000e+00, v20;
	[tilespmem:s1+$0x300] =	vst v59  }
0x470: {  	v44 =	vor.u32 v10, v26;
	v38 =	vld.idx.msk [tilespmem:v49+s17+$0x0], $0xffff;
	[tilespmem:s1+$0x0] =	vst v37;
	v25 =	vmul.f32 $8.000000000e+00, v25  }
0x471: {  	v45 =	vor.u32 v10, v28;
	v34 =	vld.idx.msk [tilespmem:v56+s17+$0x0], $0xffff;
	[tilespmem:s4+$0x1F0] =	vst v20;
	v18 =	vmul.f32 $8.000000000e+00, v18  }
0x472: {  	v46 =	vor.u32 v10, v29;
	v35 =	vld.idx.msk [tilespmem:v60+s17+$0x0], $0xffff;
	v47 =	vmul.f32 $8.000000000e+00, v39;
	[tilespmem:s1+$0x90] =	vst v25  }
0x473: {  	v48 =	vor.u32 v10, v30;
	v49 =	vmul.f32 $8.000000000e+00, v61;
	v21 =	vld.idx.msk [tilespmem:v52+s17+$0x0], $0xffff;
	[tilespmem:s1+$0x110] =	vst v18  }
0x474: {  	v62 =	vor.u32 v10, v33;
	v51 =	vmul.f32 $8.000000000e+00, v36;
	[tilespmem:s1+$0x190] =	vst v47;
	v24 =	vld.idx.msk [tilespmem:v63+s17+$0x0], $0xffff  }
0x475: {  	v50 =	vor.u32 v10, v31;
	[tilespmem:s1+$0x210] =	vst v49;
	v38 =	vmul.f32 $8.000000000e+00, v38;
	v19 =	vld.idx.msk [tilespmem:v44+s17+$0x0], $0xffff  }
0x476: {  	v47 =	vor.u32 v15, v22;
	v55 =	vld.idx.msk [tilespmem:v45+s17+$0x0], $0xffff;
	[tilespmem:s1+$0x290] =	vst v51;
	v53 =	vmul.f32 $8.000000000e+00, v34  }
0x477: {  	v54 =	vor.u32 v10, v17;
	v56 =	vld.idx.msk [tilespmem:v46+s17+$0x0], $0xffff;
	[tilespmem:s1+$0x390] =	vst v38;
	v35 =	vmul.f32 $8.000000000e+00, v35  }
0x478: {  	v58 =	vor.u32 v11, v27;
	v59 =	vld.idx.msk [tilespmem:v48+s17+$0x0], $0xffff;
	v21 =	vmul.f32 $8.000000000e+00, v21;
	[tilespmem:s1+$0x310] =	vst v53  }
0x479: {  	v61 =	vor.u32 v11, v26;
	v40 =	vld.idx.msk [tilespmem:v62+s17+$0x0], $0xffff;
	[tilespmem:s1+$0x10] =	vst v35;
	v24 =	vmul.f32 $8.000000000e+00, v24  }
0x47a: {  	v62 =	vor.u32 v11, v28;
	v32 =	vld.idx.msk [tilespmem:v50+s17+$0x0], $0xffff;
	[tilespmem:s4+$0x270] =	vst v21;
	v19 =	vmul.f32 $8.000000000e+00, v19  }
0x47b: {  	v63 =	vor.u32 v11, v29;
	v22 =	vld.idx.msk [tilespmem:v47+s17+$0x0], $0xffff;
	v42 =	vmul.f32 $8.000000000e+00, v55;
	[tilespmem:s1+$0xA0] =	vst v24  }
0x47c: {  	v43 =	vor.u32 v11, v30;
	v34 =	vld.idx.msk [tilespmem:v54+s17+$0x0], $0xffff;
	v44 =	vmul.f32 $8.000000000e+00, v56;
	[tilespmem:s1+$0x120] =	vst v19  }
0x47d: {  	v57 =	vor.u32 v11, v33;
	v46 =	vmul.f32 $8.000000000e+00, v59;
	[tilespmem:s1+$0x1A0] =	vst v42;
	v18 =	vld.idx.msk [tilespmem:v58+s17+$0x0], $0xffff  }
0x47e: {  	v45 =	vor.u32 v11, v31;
	[tilespmem:s1+$0x220] =	vst v44;
	v60 =	vmul.f32 $8.000000000e+00, v40;
	v20 =	vld.idx.msk [tilespmem:v61+s17+$0x0], $0xffff  }
0x47f: {  	v49 =	vor.u32 v11, v17;
	v35 =	vld.idx.msk [tilespmem:v62+s17+$0x0], $0xffff;
	[tilespmem:s1+$0x2A0] =	vst v46;
	v48 =	vmul.f32 $8.000000000e+00, v32  }
0x480: {  	v50 =	vld.idx.msk [tilespmem:v63+s17+$0x0], $0xffff;
	v61 =	vor.u32 v15, v23;
	v22 =	vmul.f32 $8.000000000e+00, v22;
	[tilespmem:s1+$0x3A0] =	vst v60  }
0x481: {  	v52 =	vor.u32 v12, v27;
	v36 =	vld.idx.msk [tilespmem:v43+s17+$0x0], $0xffff;
	v34 =	vmul.f32 $8.000000000e+00, v34;
	[tilespmem:s1+$0x320] =	vst v48  }
0x482: {  	v53 =	vor.u32 v12, v26;
	v37 =	vld.idx.msk [tilespmem:v57+s17+$0x0], $0xffff;
	[tilespmem:s4+$0x2F0] =	vst v22;
	v18 =	vmul.f32 $8.000000000e+00, v18  }
0x483: {  	v54 =	vor.u32 v12, v28;
	v25 =	vld.idx.msk [tilespmem:v45+s17+$0x0], $0xffff;
	[tilespmem:s1+$0x20] =	vst v34;
	v20 =	vmul.f32 $8.000000000e+00, v20  }
0x484: {  	v55 =	vor.u32 v12, v29;
	v32 =	vld.idx.msk [tilespmem:v49+s17+$0x0], $0xffff;
	v56 =	vmul.f32 $8.000000000e+00, v35;
	[tilespmem:s1+$0xB0] =	vst v18  }
0x485: {  	v57 =	vor.u32 v12, v30;
	v58 =	vmul.f32 $8.000000000e+00, v50;
	v23 =	vld.idx.msk [tilespmem:v61+s17+$0x0], $0xffff;
	[tilespmem:s1+$0x130] =	vst v20  }
0x486: {  	v51 =	vor.u32 v12, v33;
	v60 =	vmul.f32 $8.000000000e+00, v36;
	[tilespmem:s1+$0x1B0] =	vst v56;
	v19 =	vld.idx.msk [tilespmem:v52+s17+$0x0], $0xffff  }
0x487: {  	v59 =	vor.u32 v12, v31;
	[tilespmem:s1+$0x230] =	vst v58;
	v37 =	vmul.f32 $8.000000000e+00, v37;
	v21 =	vld.idx.msk [tilespmem:v53+s17+$0x0], $0xffff  }
0x488: {  	v63 =	vor.u32 v12, v17;
	v34 =	vld.idx.msk [tilespmem:v54+s17+$0x0], $0xffff;
	[tilespmem:s1+$0x2B0] =	vst v60;
	v62 =	vmul.f32 $8.000000000e+00, v25  }
0x489: {  	v42 =	vor.u32 v13, v27;
	v40 =	vld.idx.msk [tilespmem:v55+s17+$0x0], $0xffff;
	[tilespmem:s1+$0x3B0] =	vst v37;
	v32 =	vmul.f32 $8.000000000e+00, v32  }
0x48a: {  	v44 =	vor.u32 v13, v26;
	v35 =	vld.idx.msk [tilespmem:v57+s17+$0x0], $0xffff;
	v23 =	vmul.f32 $8.000000000e+00, v23;
	[tilespmem:s1+$0x330] =	vst v62  }
0x48b: {  	v45 =	vor.u32 v13, v28;
	v38 =	vld.idx.msk [tilespmem:v51+s17+$0x0], $0xffff;
	[tilespmem:s1+$0x30] =	vst v32;
	v19 =	vmul.f32 $8.000000000e+00, v19  }
0x48c: {  	v46 =	vor.u32 v13, v29;
	v24 =	vld.idx.msk [tilespmem:v59+s17+$0x0], $0xffff;
	[tilespmem:s4+$0x370] =	vst v23;
	v21 =	vmul.f32 $8.000000000e+00, v21  }
0x48d: {  	v48 =	vor.u32 v13, v30;
	v25 =	vld.idx.msk [tilespmem:v63+s17+$0x0], $0xffff;
	v47 =	vmul.f32 $8.000000000e+00, v34;
	[tilespmem:s1+$0xC0] =	vst v19  }
0x48e: {  	v41 =	vor.u32 v13, v33;
	v18 =	vmul.f32 $8.000000000e+00, v40;
	[tilespmem:s1+$0x140] =	vst v21;
	v20 =	vld.idx.msk [tilespmem:v42+s17+$0x0], $0xffff  }
0x48f: {  	v49 =	vor.u32 v13, v31;
	v50 =	vmul.f32 $8.000000000e+00, v35;
	[tilespmem:s1+$0x1C0] =	vst v47;
	v22 =	vld.idx.msk [tilespmem:v44+s17+$0x0], $0xffff  }
0x490: {  	v52 =	vor.u32 v13, v17;
	[tilespmem:s1+$0x240] =	vst v18;
	v43 =	vmul.f32 $8.000000000e+00, v38;
	v32 =	vld.idx.msk [tilespmem:v45+s17+$0x0], $0xffff  }
0x491: {  	v55 =	vor.u32 v14, v27;
	[tilespmem:s1+$0x2C0] =	vst v50;
	v53 =	vld.idx.msk [tilespmem:v46+s17+$0x0], $0xffff;
	v51 =	vmul.f32 $8.000000000e+00, v24  }
0x492: {  	v56 =	vor.u32 v14, v26;
	v34 =	vld.idx.msk [tilespmem:v48+s17+$0x0], $0xffff;
	[tilespmem:s1+$0x3C0] =	vst v43;
	v25 =	vmul.f32 $8.000000000e+00, v25  }
0x493: {  	v57 =	vor.u32 v14, v28;
	v36 =	vld.idx.msk [tilespmem:v41+s17+$0x0], $0xffff;
	[tilespmem:s1+$0x340] =	vst v51;
	v20 =	vmul.f32 $8.000000000e+00, v20  }
0x494: {  	v59 =	vor.u32 v14, v29;
	v21 =	vld.idx.msk [tilespmem:v49+s17+$0x0], $0xffff;
	[tilespmem:s1+$0x40] =	vst v25;
	v22 =	vmul.f32 $8.000000000e+00, v22  }
0x495: {  	v60 =	vor.u32 v14, v30;
	v24 =	vld.idx.msk [tilespmem:v52+s17+$0x0], $0xffff;
	v58 =	vmul.f32 $8.000000000e+00, v32;
	[tilespmem:s1+$0xD0] =	vst v20  }
0x496: {  	v54 =	vor.u32 v14, v33;
	v19 =	vmul.f32 $8.000000000e+00, v53;
	[tilespmem:s1+$0x150] =	vst v22;
	v18 =	vld.idx.msk [tilespmem:v55+s17+$0x0], $0xffff  }
0x497: {  	v62 =	vor.u32 v14, v31;
	v61 =	vmul.f32 $8.000000000e+00, v34;
	[tilespmem:s1+$0x1D0] =	vst v58;
	v23 =	vld.idx.msk [tilespmem:v56+s17+$0x0], $0xffff  }
0x498: {  	v63 =	vor.u32 v14, v17;
	[tilespmem:s1+$0x250] =	vst v19;
	v36 =	vmul.f32 $8.000000000e+00, v36;
	v41 =	vld.idx.msk [tilespmem:v57+s17+$0x0], $0xffff  }
0x499: {  	v43 =	vor.u32 v15, v27;
	[tilespmem:s1+$0x2D0] =	vst v61;
	v44 =	vld.idx.msk [tilespmem:v59+s17+$0x0], $0xffff;
	v40 =	vmul.f32 $8.000000000e+00, v21  }
0x49a: {  	v16 =	vor.u32 v15, v26;
	v45 =	vld.idx.msk [tilespmem:v60+s17+$0x0], $0xffff;
	[tilespmem:s1+$0x3D0] =	vst v36;
	v24 =	vmul.f32 $8.000000000e+00, v24  }
0x49b: {  	v48 =	vor.u32 v15, v28;
	v35 =	vld.idx.msk [tilespmem:v54+s17+$0x0], $0xffff;
	[tilespmem:s1+$0x350] =	vst v40;
	v18 =	vmul.f32 $8.000000000e+00, v18  }
0x49c: {  	v51 =	vor.u32 v15, v29;
	[tilespmem:s1+$0x50] =	vst v24;
	v47 =	vld.idx.msk [tilespmem:v62+s17+$0x0], $0xffff;
	v50 =	vmul.f32 $8.000000000e+00, v23  }
0x49d: {  	v54 =	vor.u32 v15, v30;
	v49 =	vld.idx.msk [tilespmem:v63+s17+$0x0], $0xffff;
	v53 =	vmul.f32 $8.000000000e+00, v41;
	[tilespmem:s1+$0xE0] =	vst v18  }
0x49e: {  	v42 =	vor.u32 v15, v33;
	v27 =	vmul.f32 $8.000000000e+00, v44;
	[tilespmem:s1+$0x160] =	vst v50;
	v25 =	vld.idx.msk [tilespmem:v43+s17+$0x0], $0xffff  }
0x49f: {  	v55 =	vor.u32 v15, v31;
	v19 =	vmul.f32 $8.000000000e+00, v45;
	[tilespmem:s1+$0x1E0] =	vst v53;
	v16 =	vld.idx.msk [tilespmem:v16+s17+$0x0], $0xffff  }
0x4a0: {  	v17 =	vor.u32 v15, v17;
	[tilespmem:s1+$0x260] =	vst v27;
	v46 =	vmul.f32 $8.000000000e+00, v35;
	v57 =	vld.idx.msk [tilespmem:v48+s17+$0x0], $0xffff  }
0x4a1: {  	v23 =	vld.idx.msk [tilespmem:v51+s17+$0x0], $0xffff;
	[tilespmem:s1+$0x2E0] =	vst v19;
	v56 =	vmul.f32 $8.000000000e+00, v47  }
0x4a2: {  	v19 =	vld.idx.msk [tilespmem:v54+s17+$0x0], $0xffff;
	[tilespmem:s1+$0x3E0] =	vst v46;
	v58 =	vmul.f32 $8.000000000e+00, v49  }
0x4a3: {  	v52 =	vld.idx.msk [tilespmem:v42+s17+$0x0], $0xffff;
	[tilespmem:s1+$0x360] =	vst v56;
	v59 =	vmul.f32 $8.000000000e+00, v25  }
0x4a4: {  	v60 =	vld.idx.msk [tilespmem:v55+s17+$0x0], $0xffff;
	[tilespmem:s1+$0x60] =	vst v58;
	v16 =	vmul.f32 $8.000000000e+00, v16  }
0x4a5: {  	v17 =	vld.idx.msk [tilespmem:v17+s17+$0x0], $0xffff;
	v61 =	vmul.f32 $8.000000000e+00, v57;
	[tilespmem:s1+$0xF0] =	vst v59  }
0x4a6: {  	v62 =	vmul.f32 $8.000000000e+00, v23;
	[tilespmem:s1+$0x170] =	vst v16  }
0x4a7: {  	s31 =	sadd.s32 $0x1, s31;
	v16 =	vmul.f32 $8.000000000e+00, v19;
	[tilespmem:s1+$0x1F0] =	vst v61  }
0x4a8: {  	p1 =	sne.s32 s31, $0x19;
	[tilespmem:s1+$0x270] =	vst v62;
	v18 =	vmul.f32 $8.000000000e+00, v52  }
.Ltmp4:
0x4a9: {  	s0 =	sshll.u32 s0, $0x14;
	v63 =	vmul.f32 $8.000000000e+00, v60;
	[tilespmem:s1+$0x2F0] =	vst v16;
	(pc) =	sbr.rel @p1 .LBB2_7-.Ltmp4, $4  }
0x4aa: {  	s0 =	sor.u32 s30, s0;
	[tilespmem:s1+$0x3F0] =	vst v18;
	v17 =	vmul.f32 $8.000000000e+00, v17  }
0x4ab: {  	s0 =	sshrl.u32 s0, $0x3;
	[tilespmem:s1+$0x370] =	vst v63  }
0x4ac: {  	s0 =	sadd.s32 s2, s0;
	[tilespmem:s1+$0x70] =	vst v17  }
0x4ad: {  	[hbm4b:s0+s20] =	stream.strided.scatter [tilespmem:s24], [sflag:$0x4], $0x4000, s21, s20, $0x38;
	[tilespmem:$0x1B200] =	vst v63  }
0x4ae: {  	_ =	swait.ge [sflag:s25], $0x4000  }
0x4af: {  	[sflag:s25] =	ssyncset.done $0x0  }
0x4b0: {  	[sflag:s25] =	ssyncadd.s32 $0xFFFFC000  }
0x4b1: {  	_ =	swait.ge [sflag:s26], $0x4000  }
0x4b2: {  	[sflag:s26] =	ssyncset.done $0x0  }
0x4b3: {  	s0 =	simm.s32 $0x1;
	[sflag:s26] =	ssyncadd.s32 $0xFFFFC000  }
0x4b4: {  	_ =	swait.ge [sflag:s0], $0x4000  }
.Ltmp5:
0x4b5: {  	[sflag:s0] =	ssyncset.done $0x0;
	(pc) =	sbr.rel @p0 .LBB2_2-.Ltmp5, $4  }
0x4b6: {  	[sflag:s0] =	ssyncadd.s32 $0xFFFFC000  }
0x4b7: {  	_ =	swait.ge [sflag:s0], $0x4000  }
0x4b8: {  	[sflag:s0] =	ssyncset.done $0x0  }
0x4b9: {  	p1 =	por $0x0, $0x0;
	[sflag:s0] =	ssyncadd.s32 $0xFFFFC000  }
0x4ba: {  	s1 =	rddreg [dreg:$0x5]  }
0x4bb: {  	s0 =	rddreg [dreg:$0x4];
	s1 =	sadd.s32 $0x1, s1  }
0x4bc: {  	p0 =	sne.s32 s1, s0  }
.Ltmp6:
0x4bd: {  	_ = 	snop;
	(pc) =	sbr.rel @p0 .LBB2_1-.Ltmp6, $1  }
0x4be: {  	_ =	sdelay $0x3  }
0x4bf: {  	_ =	sfence.sel $0x180000  }
0x4c0: {  	[bflag:$0x0] =	sbarrier.arrive $0xFFFF  }
0x4c1: {  	_ =	strace $0x90000047  }
0x4c2: {  	s0 =	stileid.u32;
	[bflag:$0x2] =	sbarrier.arrive $0xFFFF  }
0x4c3: {  	p0 =	sne.s32 s0, $0x0;
	s0 =	rddreg [dreg:$0x3]  }
0x4c4: {  	s0 =	sadd.s32 @!p0 $0x100000, s0  }
0x4c5: {  	[sflag:s0] =	ssyncadd.tile.s32 @!p0 $0x1;
	_ =	shalt  }
.Lfunc_end2:
_tile_overlayer_lowered:
.L_overlay_start_2:
0x4c6: {  	(tag) =	ssettag $0x2  }
0x4c7: {  	s0 =	rddreg [dreg:$0x0];
	s2 =	stileid.u32  }
0x4c8: {  	s1 =	rddreg [dreg:$0x1];
	p0 =	sne.s32 s2, $0x0  }
0x4c9: {  	s3 =	rddreg [dreg:$0x2];
	[bflag:$0x3] =	sbarrier.arrive $0xFFFF;
	s2 =	simm.s32 @!p0 $0x1C05  }
0x4ca: {  	[timem:s3], [sflag:s2] =	dma.local @!p0 [hbm:s0], s1  }
0x4cb: {  	s0 =	simm.s32 @!p0 $0x5  }
0x4cc: {  	_ =	swait.ge @!p0 [sflag:s0], s1  }
0x4cd: {  	s1 =	ssub.s32 @!p0 $0x0, s1;
	[sflag:s0] =	ssyncset.done @!p0 $0x0  }
0x4ce: {  	[sflag:s0] =	ssyncadd.s32 @!p0 s1  }
0x4cf: {  	[bflag:$0x3] =	sbarrier.arrive $0xFFFF  }
0x4d0: {  	_ =	shalt  }

</sc_bundles>
